<compile_context>
chip_gen: v7x
topology: tpu7x:2x2x1
jax: 0.10.2.dev20260603
libtpu: 0.0.44.dev20260713+nightly
codegen_flags: <defaults>
</compile_context>

<pallas_src>
import functools

import jax
import jax.numpy as jnp
from jax import lax
from jax.experimental import pallas as pl
from jax.experimental.pallas import tpu as pltpu
from jax.experimental.pallas import tpu_sc as plsc

_INFO = plsc.get_sparse_core_info()
_NC = _INFO.num_cores
_NS = _INFO.num_subcores
_NW = _NC * _NS
_L = 16


def _make_gather(batch: int, hist: int, dim: int):
    bblk = batch // _NW
    assert batch == _NW * bblk and bblk == 128 and dim == 64
    assert hist % 2 == 0
    mesh = plsc.VectorSubcoreMesh(core_axis_name="c", subcore_axis_name="s")

    @functools.partial(
        pl.kernel,
        mesh=mesh,
        out_type=jax.ShapeDtypeStruct(
            (hist, dim // 8, _NW, 8, bblk), jnp.float32),
        scratch_types=[
            pltpu.VMEM((bblk, hist), jnp.int32),
            pltpu.VMEM((hist, bblk), jnp.int32),
            [pltpu.VMEM((bblk, dim), jnp.float32) for _ in range(2)],
            [pltpu.VMEM((dim // 8, 8, bblk), jnp.float32) for _ in range(2)],
            [pltpu.SemaphoreType.DMA for _ in range(2)],
            [pltpu.SemaphoreType.DMA for _ in range(2)],
        ],
        compiler_params=pltpu.CompilerParams(
            use_tc_tiling_on_sc=False, needs_layout_passes=False),
    )
    def gather_kernel(tok_hbm, table_hbm, out_hbm, idx_raw, idx_t,
                      rows, dmaj, sg, ss):
        w = lax.axis_index("s") * _NC + lax.axis_index("c")
        base16 = lax.iota(jnp.int32, _L)
        row_ids = [base16 + k * _L for k in range(bblk // _L)]

        pltpu.sync_copy(tok_hbm.at[pl.ds(w * bblk, bblk)], idx_raw)

        @pl.loop(0, hist)
        def _(hh):
            col = jnp.full((_L,), 0, jnp.int32) + hh
            for k in range(bblk // _L):
                v = plsc.load_gather(idx_raw, [row_ids[k], col])
                idx_t[hh, pl.ds(k * _L, _L)] = v

        def start_gather(h, b):
            pltpu.async_copy(table_hbm.at[idx_t.at[h]], rows[b], sg[b])

        skew = [(base16 + s) & (_L - 1) for s in range(_L)]

        def transpose(b):
            @plsc.parallel_loop(0, bblk // _L)
            def _(cb):
                rowv = base16 + cb * _L
                for d0 in range(0, dim, _L):
                    for s in range(_L):
                        dv = skew[s] + d0
                        v = plsc.load_gather(rows[b], [rowv, dv])
                        plsc.store_scatter(
                            dmaj[b], [dv >> 3, dv & 7, rowv], v)

        start_gather(0, 0)

        @pl.loop(0, hist // 2)
        def _(g):
            for b in range(2):
                h = g * 2 + b
                nb = 1 - b

                @pl.when(h + 1 < hist)
                def _():
                    start_gather(h + 1, nb)

                pltpu.make_async_copy(
                    table_hbm.at[idx_t.at[h]], rows[b], sg[b]).wait()

                @pl.when(g > 0)
                def _():
                    pltpu.make_async_copy(
                        dmaj[b], out_hbm.at[0, :, w], ss[b]).wait()

                transpose(b)
                pltpu.async_copy(dmaj[b], out_hbm.at[h, :, w], ss[b])

        for b in range(2):
            pltpu.make_async_copy(dmaj[b], out_hbm.at[0, :, w], ss[b]).wait()

    return gather_kernel


def kernel(token_ids, weight):
    batch, hist = token_ids.shape
    _, dim = weight.shape
    out5 = _make_gather(batch, hist, dim)(token_ids, weight)
    return out5.transpose(2, 4, 0, 1, 3).reshape(batch, hist, dim)

# --- scband reference (transcript-rebuilt; emitter-appended) ---
"""Pipeline reference for scband-embedding-3169685864945 (READ-ONLY COPY).

The authoritative reference and input builder live on the scoring server;
editing this copy changes nothing except your own understanding.
"""

import jax, jax.numpy as jnp
import numpy as np

NUM_EMBEDDINGS = 1000000
EMBEDDING_DIM = 64
BATCH = 4096
HIST_LEN = 200

def setup_inputs(seed: int = 0) -> dict:
    key = jax.random.key(seed)
    k_idx, k_w = jax.random.split(key)
    token_ids = jax.random.randint(k_idx, (BATCH, HIST_LEN), 0, NUM_EMBEDDINGS, dtype=jnp.int64 if jax.config.read('jax_enable_x64') else jnp.int32)
    # truncated-normal initialized embedding table, matching nn.init.trunc_normal_(a=-3, b=3)
    weight = jax.random.truncated_normal(k_w, -3.0, 3.0, (NUM_EMBEDDINGS, EMBEDDING_DIM), dtype=jnp.float32)
    return {"token_ids": token_ids, "weight": weight}

def reference(token_ids, weight):
    # Faithful translation of Embedding.forward: self.weight[token_ids]
    return jnp.take(weight, token_ids, axis=0)

if __name__ == "__main__":
    import jax
    _d = setup_inputs()
    print(jax.jit(kernel)(*tuple(_d.values())))

</pallas_src>

<mosaic_0001>
#map = affine_map<(d0, d1) -> (0, 0)>
#map1 = affine_map<(d0, d1) -> (0, 0, 0, 0, 0)>
module attributes {stable_mosaic.version = 14 : i64} {
  func.func @gather_kernel(%arg0: i32, %arg1: i32, %arg2: memref<4096x200xi32, #tpu.memory_space<hbm>>, %arg3: memref<1000000x64xf32, #tpu.memory_space<hbm>>, %arg4: memref<200x8x32x8x128xf32, #tpu.memory_space<hbm>>, %arg5: memref<128x200xi32, #tpu.memory_space<vmem>>, %arg6: memref<200x128xi32, #tpu.memory_space<vmem>>, %arg7: memref<128x64xf32, #tpu.memory_space<vmem>>, %arg8: memref<128x64xf32, #tpu.memory_space<vmem>>, %arg9: memref<8x8x128xf32, #tpu.memory_space<vmem>>, %arg10: memref<8x8x128xf32, #tpu.memory_space<vmem>>, %arg11: memref<!tpu.dma_semaphore, #tpu.memory_space<semaphore_mem>>, %arg12: memref<!tpu.dma_semaphore, #tpu.memory_space<semaphore_mem>>, %arg13: memref<!tpu.dma_semaphore, #tpu.memory_space<semaphore_mem>>, %arg14: memref<!tpu.dma_semaphore, #tpu.memory_space<semaphore_mem>>) attributes {dimension_semantics = [#tpu.dimension_semantics<core_parallel>, #tpu.dimension_semantics<subcore_parallel>], iteration_bounds = array<i64: 2, 16>, scalar_prefetch = 0 : i64, scratch_operands = 10 : i64, tpu.core_type = #tpu.core_type<sc_vector_subcore>, window_params = [{transform_indices = #map}, {transform_indices = #map}, {transform_indices = #map1}]} {
    %mul3A = arith.constant 2 : i32
    %mul3A_0 = arith.muli %arg1, %mul3A : i32
    %add3A = arith.addi %mul3A_0, %arg0 : i32
    %iota3A = tpu.iota {dimensions = array<i32: 0>} : vector<16xi32>
    %add3A_1 = arith.constant 0 : i32
    %add3A_2 = vector.broadcast %add3A_1 : i32 to vector<16xi32>
    %add3A_3 = arith.addi %iota3A, %add3A_2 : vector<16xi32>
    %add3A_4 = arith.constant 16 : i32
    %add3A_5 = vector.broadcast %add3A_4 : i32 to vector<16xi32>
    %add3A_6 = arith.addi %iota3A, %add3A_5 : vector<16xi32>
    %add3A_7 = arith.constant 32 : i32
    %add3A_8 = vector.broadcast %add3A_7 : i32 to vector<16xi32>
    %add3A_9 = arith.addi %iota3A, %add3A_8 : vector<16xi32>
    %add3A_10 = arith.constant 48 : i32
    %add3A_11 = vector.broadcast %add3A_10 : i32 to vector<16xi32>
    %add3A_12 = arith.addi %iota3A, %add3A_11 : vector<16xi32>
    %add3A_13 = arith.constant 64 : i32
    %add3A_14 = vector.broadcast %add3A_13 : i32 to vector<16xi32>
    %add3A_15 = arith.addi %iota3A, %add3A_14 : vector<16xi32>
    %add3A_16 = arith.constant 80 : i32
    %add3A_17 = vector.broadcast %add3A_16 : i32 to vector<16xi32>
    %add3A_18 = arith.addi %iota3A, %add3A_17 : vector<16xi32>
    %add3A_19 = arith.constant 96 : i32
    %add3A_20 = vector.broadcast %add3A_19 : i32 to vector<16xi32>
    %add3A_21 = arith.addi %iota3A, %add3A_20 : vector<16xi32>
    %add3A_22 = arith.constant 112 : i32
    %add3A_23 = vector.broadcast %add3A_22 : i32 to vector<16xi32>
    %add3A_24 = arith.addi %iota3A, %add3A_23 : vector<16xi32>
    %mul3A_25 = arith.constant 128 : i32
    %mul3A_26 = arith.muli %add3A, %mul3A_25 : i32
    "tpu.region"() ({
      %run_scoped3A = tpu.sem_alloc : memref<!tpu.dma_semaphore, #tpu.memory_space<semaphore_mem>>
      %dma_start3A_158 = arith.constant 0 : i32
      %dma_start3A_159 = tpu.memref_slice %arg2[%mul3A_26, %dma_start3A_158] : memref<4096x200xi32, #tpu.memory_space<hbm>> -> memref<128x200xi32, #tpu.memory_space<hbm>>
      %dma_start3A_160 = arith.constant 0 : i32
      %dma_start3A_161 = tpu.memref_slice %arg2[%mul3A_26, %dma_start3A_160] : memref<4096x200xi32, #tpu.memory_space<hbm>> -> memref<128x200xi32, #tpu.memory_space<hbm>>
      tpu.enqueue_dma source(%dma_start3A_161 : memref<128x200xi32, #tpu.memory_space<hbm>>) target(%arg5 : memref<128x200xi32, #tpu.memory_space<vmem>>) target_semaphore(%run_scoped3A : memref<!tpu.dma_semaphore, #tpu.memory_space<semaphore_mem>>)
      %dma_wait3A_162 = arith.constant 0 : i32
      %dma_wait3A_163 = tpu.memref_slice %arg2[%mul3A_26, %dma_wait3A_162] : memref<4096x200xi32, #tpu.memory_space<hbm>> -> memref<128x200xi32, #tpu.memory_space<hbm>>
      %dma_wait3A_164 = arith.constant 0 : i32
      %dma_wait3A_165 = tpu.memref_slice %arg2[%mul3A_26, %dma_wait3A_164] : memref<4096x200xi32, #tpu.memory_space<hbm>> -> memref<128x200xi32, #tpu.memory_space<hbm>>
      tpu.wait_dma2 semaphore(%run_scoped3A : memref<!tpu.dma_semaphore, #tpu.memory_space<semaphore_mem>>) src(%dma_wait3A_165 : memref<128x200xi32, #tpu.memory_space<hbm>>) dst(%arg5 : memref<128x200xi32, #tpu.memory_space<vmem>>)
      tpu.yield
    }) : () -> ()
    %scan3A = arith.constant 0 : i32
    %scan3A_27 = arith.constant 200 : i32
    %scan3A_28 = arith.addi %scan3A, %scan3A_27 : i32
    %scan3A_29 = arith.constant 1 : i32
    scf.for %scan3A_158 = %scan3A to %scan3A_28 step %scan3A_29  : i32 {
      %mul3A_159 = arith.constant 1 : i32
      %mul3A_160 = arith.muli %scan3A_158, %mul3A_159 : i32
      %add3A_161 = arith.constant 0 : i32
      %add3A_162 = arith.addi %add3A_161, %mul3A_160 : i32
      %broadcast_in_dim3A = arith.constant 0 : i32
      %broadcast_in_dim3A_163 = vector.broadcast %broadcast_in_dim3A : i32 to vector<16xi32>
      %add3A_164 = vector.broadcast %add3A_162 : i32 to vector<16xi32>
      %add3A_165 = arith.addi %broadcast_in_dim3A_163, %add3A_164 : vector<16xi32>
      %gather3A = tpu.vector_load_idx %arg5[%add3A_3, %add3A_165] : memref<128x200xi32, #tpu.memory_space<vmem>>[vector<16xi32>, vector<16xi32>], vector<16xi32>,
      %swap3A = arith.index_cast %add3A_162 : i32 to index
      %swap3A_166 = arith.constant 0 : index
      %swap3A_167 = tpu.vector_load %arg6[%swap3A, %swap3A_166] {strides = array<i32>} : memref<200x128xi32, #tpu.memory_space<vmem>>, vector<16xi32>,
      tpu.vector_store %arg6[%swap3A, %swap3A_166], %gather3A {strides = array<i32>} : memref<200x128xi32, #tpu.memory_space<vmem>>, vector<16xi32>,
      %gather3A_168 = tpu.vector_load_idx %arg5[%add3A_6, %add3A_165] : memref<128x200xi32, #tpu.memory_space<vmem>>[vector<16xi32>, vector<16xi32>], vector<16xi32>,
      %swap3A_169 = arith.index_cast %add3A_162 : i32 to index
      %swap3A_170 = arith.constant 16 : index
      %swap3A_171 = tpu.vector_load %arg6[%swap3A_169, %swap3A_170] {strides = array<i32>} : memref<200x128xi32, #tpu.memory_space<vmem>>, vector<16xi32>,
      tpu.vector_store %arg6[%swap3A_169, %swap3A_170], %gather3A_168 {strides = array<i32>} : memref<200x128xi32, #tpu.memory_space<vmem>>, vector<16xi32>,
      %gather3A_172 = tpu.vector_load_idx %arg5[%add3A_9, %add3A_165] : memref<128x200xi32, #tpu.memory_space<vmem>>[vector<16xi32>, vector<16xi32>], vector<16xi32>,
      %swap3A_173 = arith.index_cast %add3A_162 : i32 to index
      %swap3A_174 = arith.constant 32 : index
      %swap3A_175 = tpu.vector_load %arg6[%swap3A_173, %swap3A_174] {strides = array<i32>} : memref<200x128xi32, #tpu.memory_space<vmem>>, vector<16xi32>,
      tpu.vector_store %arg6[%swap3A_173, %swap3A_174], %gather3A_172 {strides = array<i32>} : memref<200x128xi32, #tpu.memory_space<vmem>>, vector<16xi32>,
      %gather3A_176 = tpu.vector_load_idx %arg5[%add3A_12, %add3A_165] : memref<128x200xi32, #tpu.memory_space<vmem>>[vector<16xi32>, vector<16xi32>], vector<16xi32>,
      %swap3A_177 = arith.index_cast %add3A_162 : i32 to index
      %swap3A_178 = arith.constant 48 : index
      %swap3A_179 = tpu.vector_load %arg6[%swap3A_177, %swap3A_178] {strides = array<i32>} : memref<200x128xi32, #tpu.memory_space<vmem>>, vector<16xi32>,
      tpu.vector_store %arg6[%swap3A_177, %swap3A_178], %gather3A_176 {strides = array<i32>} : memref<200x128xi32, #tpu.memory_space<vmem>>, vector<16xi32>,
      %gather3A_180 = tpu.vector_load_idx %arg5[%add3A_15, %add3A_165] : memref<128x200xi32, #tpu.memory_space<vmem>>[vector<16xi32>, vector<16xi32>], vector<16xi32>,
      %swap3A_181 = arith.index_cast %add3A_162 : i32 to index
      %swap3A_182 = arith.constant 64 : index
      %swap3A_183 = tpu.vector_load %arg6[%swap3A_181, %swap3A_182] {strides = array<i32>} : memref<200x128xi32, #tpu.memory_space<vmem>>, vector<16xi32>,
      tpu.vector_store %arg6[%swap3A_181, %swap3A_182], %gather3A_180 {strides = array<i32>} : memref<200x128xi32, #tpu.memory_space<vmem>>, vector<16xi32>,
      %gather3A_184 = tpu.vector_load_idx %arg5[%add3A_18, %add3A_165] : memref<128x200xi32, #tpu.memory_space<vmem>>[vector<16xi32>, vector<16xi32>], vector<16xi32>,
      %swap3A_185 = arith.index_cast %add3A_162 : i32 to index
      %swap3A_186 = arith.constant 80 : index
      %swap3A_187 = tpu.vector_load %arg6[%swap3A_185, %swap3A_186] {strides = array<i32>} : memref<200x128xi32, #tpu.memory_space<vmem>>, vector<16xi32>,
      tpu.vector_store %arg6[%swap3A_185, %swap3A_186], %gather3A_184 {strides = array<i32>} : memref<200x128xi32, #tpu.memory_space<vmem>>, vector<16xi32>,
      %gather3A_188 = tpu.vector_load_idx %arg5[%add3A_21, %add3A_165] : memref<128x200xi32, #tpu.memory_space<vmem>>[vector<16xi32>, vector<16xi32>], vector<16xi32>,
      %swap3A_189 = arith.index_cast %add3A_162 : i32 to index
      %swap3A_190 = arith.constant 96 : index
      %swap3A_191 = tpu.vector_load %arg6[%swap3A_189, %swap3A_190] {strides = array<i32>} : memref<200x128xi32, #tpu.memory_space<vmem>>, vector<16xi32>,
      tpu.vector_store %arg6[%swap3A_189, %swap3A_190], %gather3A_188 {strides = array<i32>} : memref<200x128xi32, #tpu.memory_space<vmem>>, vector<16xi32>,
      %gather3A_192 = tpu.vector_load_idx %arg5[%add3A_24, %add3A_165] : memref<128x200xi32, #tpu.memory_space<vmem>>[vector<16xi32>, vector<16xi32>], vector<16xi32>,
      %swap3A_193 = arith.index_cast %add3A_162 : i32 to index
      %swap3A_194 = arith.constant 112 : index
      %swap3A_195 = tpu.vector_load %arg6[%swap3A_193, %swap3A_194] {strides = array<i32>} : memref<200x128xi32, #tpu.memory_space<vmem>>, vector<16xi32>,
      tpu.vector_store %arg6[%swap3A_193, %swap3A_194], %gather3A_192 {strides = array<i32>} : memref<200x128xi32, #tpu.memory_space<vmem>>, vector<16xi32>,
    }
    %scan3A_30 = arith.constant 200 : i32
    %add3A_31 = arith.constant 0 : i32
    %add3A_32 = vector.broadcast %add3A_31 : i32 to vector<16xi32>
    %add3A_33 = arith.addi %iota3A, %add3A_32 : vector<16xi32>
    %and3A = arith.constant 15 : i32
    %and3A_34 = vector.broadcast %and3A : i32 to vector<16xi32>
    %and3A_35 = arith.andi %add3A_33, %and3A_34 : vector<16xi32>
    %add3A_36 = arith.constant 1 : i32
    %add3A_37 = vector.broadcast %add3A_36 : i32 to vector<16xi32>
    %add3A_38 = arith.addi %iota3A, %add3A_37 : vector<16xi32>
    %and3A_39 = arith.constant 15 : i32
    %and3A_40 = vector.broadcast %and3A_39 : i32 to vector<16xi32>
    %and3A_41 = arith.andi %add3A_38, %and3A_40 : vector<16xi32>
    %add3A_42 = arith.constant 2 : i32
    %add3A_43 = vector.broadcast %add3A_42 : i32 to vector<16xi32>
    %add3A_44 = arith.addi %iota3A, %add3A_43 : vector<16xi32>
    %and3A_45 = arith.constant 15 : i32
    %and3A_46 = vector.broadcast %and3A_45 : i32 to vector<16xi32>
    %and3A_47 = arith.andi %add3A_44, %and3A_46 : vector<16xi32>
    %add3A_48 = arith.constant 3 : i32
    %add3A_49 = vector.broadcast %add3A_48 : i32 to vector<16xi32>
    %add3A_50 = arith.addi %iota3A, %add3A_49 : vector<16xi32>
    %and3A_51 = arith.constant 15 : i32
    %and3A_52 = vector.broadcast %and3A_51 : i32 to vector<16xi32>
    %and3A_53 = arith.andi %add3A_50, %and3A_52 : vector<16xi32>
    %add3A_54 = arith.constant 4 : i32
    %add3A_55 = vector.broadcast %add3A_54 : i32 to vector<16xi32>
    %add3A_56 = arith.addi %iota3A, %add3A_55 : vector<16xi32>
    %and3A_57 = arith.constant 15 : i32
    %and3A_58 = vector.broadcast %and3A_57 : i32 to vector<16xi32>
    %and3A_59 = arith.andi %add3A_56, %and3A_58 : vector<16xi32>
    %add3A_60 = arith.constant 5 : i32
    %add3A_61 = vector.broadcast %add3A_60 : i32 to vector<16xi32>
    %add3A_62 = arith.addi %iota3A, %add3A_61 : vector<16xi32>
    %and3A_63 = arith.constant 15 : i32
    %and3A_64 = vector.broadcast %and3A_63 : i32 to vector<16xi32>
    %and3A_65 = arith.andi %add3A_62, %and3A_64 : vector<16xi32>
    %add3A_66 = arith.constant 6 : i32
    %add3A_67 = vector.broadcast %add3A_66 : i32 to vector<16xi32>
    %add3A_68 = arith.addi %iota3A, %add3A_67 : vector<16xi32>
    %and3A_69 = arith.constant 15 : i32
    %and3A_70 = vector.broadcast %and3A_69 : i32 to vector<16xi32>
    %and3A_71 = arith.andi %add3A_68, %and3A_70 : vector<16xi32>
    %add3A_72 = arith.constant 7 : i32
    %add3A_73 = vector.broadcast %add3A_72 : i32 to vector<16xi32>
    %add3A_74 = arith.addi %iota3A, %add3A_73 : vector<16xi32>
    %and3A_75 = arith.constant 15 : i32
    %and3A_76 = vector.broadcast %and3A_75 : i32 to vector<16xi32>
    %and3A_77 = arith.andi %add3A_74, %and3A_76 : vector<16xi32>
    %add3A_78 = arith.constant 8 : i32
    %add3A_79 = vector.broadcast %add3A_78 : i32 to vector<16xi32>
    %add3A_80 = arith.addi %iota3A, %add3A_79 : vector<16xi32>
    %and3A_81 = arith.constant 15 : i32
    %and3A_82 = vector.broadcast %and3A_81 : i32 to vector<16xi32>
    %and3A_83 = arith.andi %add3A_80, %and3A_82 : vector<16xi32>
    %add3A_84 = arith.constant 9 : i32
    %add3A_85 = vector.broadcast %add3A_84 : i32 to vector<16xi32>
    %add3A_86 = arith.addi %iota3A, %add3A_85 : vector<16xi32>
    %and3A_87 = arith.constant 15 : i32
    %and3A_88 = vector.broadcast %and3A_87 : i32 to vector<16xi32>
    %and3A_89 = arith.andi %add3A_86, %and3A_88 : vector<16xi32>
    %add3A_90 = arith.constant 10 : i32
    %add3A_91 = vector.broadcast %add3A_90 : i32 to vector<16xi32>
    %add3A_92 = arith.addi %iota3A, %add3A_91 : vector<16xi32>
    %and3A_93 = arith.constant 15 : i32
    %and3A_94 = vector.broadcast %and3A_93 : i32 to vector<16xi32>
    %and3A_95 = arith.andi %add3A_92, %and3A_94 : vector<16xi32>
    %add3A_96 = arith.constant 11 : i32
    %add3A_97 = vector.broadcast %add3A_96 : i32 to vector<16xi32>
    %add3A_98 = arith.addi %iota3A, %add3A_97 : vector<16xi32>
    %and3A_99 = arith.constant 15 : i32
    %and3A_100 = vector.broadcast %and3A_99 : i32 to vector<16xi32>
    %and3A_101 = arith.andi %add3A_98, %and3A_100 : vector<16xi32>
    %add3A_102 = arith.constant 12 : i32
    %add3A_103 = vector.broadcast %add3A_102 : i32 to vector<16xi32>
    %add3A_104 = arith.addi %iota3A, %add3A_103 : vector<16xi32>
    %and3A_105 = arith.constant 15 : i32
    %and3A_106 = vector.broadcast %and3A_105 : i32 to vector<16xi32>
    %and3A_107 = arith.andi %add3A_104, %and3A_106 : vector<16xi32>
    %add3A_108 = arith.constant 13 : i32
    %add3A_109 = vector.broadcast %add3A_108 : i32 to vector<16xi32>
    %add3A_110 = arith.addi %iota3A, %add3A_109 : vector<16xi32>
    %and3A_111 = arith.constant 15 : i32
    %and3A_112 = vector.broadcast %and3A_111 : i32 to vector<16xi32>
    %and3A_113 = arith.andi %add3A_110, %and3A_112 : vector<16xi32>
    %add3A_114 = arith.constant 14 : i32
    %add3A_115 = vector.broadcast %add3A_114 : i32 to vector<16xi32>
    %add3A_116 = arith.addi %iota3A, %add3A_115 : vector<16xi32>
    %and3A_117 = arith.constant 15 : i32
    %and3A_118 = vector.broadcast %and3A_117 : i32 to vector<16xi32>
    %and3A_119 = arith.andi %add3A_116, %and3A_118 : vector<16xi32>
    %add3A_120 = arith.constant 15 : i32
    %add3A_121 = vector.broadcast %add3A_120 : i32 to vector<16xi32>
    %add3A_122 = arith.addi %iota3A, %add3A_121 : vector<16xi32>
    %and3A_123 = arith.constant 15 : i32
    %and3A_124 = vector.broadcast %and3A_123 : i32 to vector<16xi32>
    %and3A_125 = arith.andi %add3A_122, %and3A_124 : vector<16xi32>
    %dma_start3A = arith.constant 0 : i32
    %dma_start3A_126 = arith.constant 0 : i32
    %dma_start3A_127 = tpu.memref_slice %arg6[%dma_start3A, %dma_start3A_126] : memref<200x128xi32, #tpu.memory_space<vmem>> -> memref<1x128xi32, #tpu.memory_space<vmem>>
    %dma_start3A_128 = tpu.memref_squeeze %dma_start3A_127 : memref<1x128xi32, #tpu.memory_space<vmem>> -> memref<128xi32, #tpu.memory_space<vmem>>
    %dma_start3A_129 = arith.constant 0 : i32
    %dma_start3A_130 = arith.constant 0 : i32
    %dma_start3A_131 = tpu.memref_slice %arg3[%dma_start3A_129, %dma_start3A_130] : memref<1000000x64xf32, #tpu.memory_space<hbm>> -> memref<1000000x64xf32, #tpu.memory_space<hbm>>
    tpu.enqueue_indirect_dma source(%dma_start3A_131 : memref<1000000x64xf32, #tpu.memory_space<hbm>>) target(%arg7 : memref<128x64xf32, #tpu.memory_space<vmem>>) offsets(%dma_start3A_128 : memref<128xi32, #tpu.memory_space<vmem>>) semaphore(%arg11 : memref<!tpu.dma_semaphore, #tpu.memory_space<semaphore_mem>>)
    %scan3A_132 = arith.constant 0 : i32
    %scan3A_133 = arith.constant 100 : i32
    %scan3A_134 = arith.addi %scan3A_132, %scan3A_133 : i32
    %scan3A_135 = arith.constant 1 : i32
    scf.for %scan3A_158 = %scan3A_132 to %scan3A_134 step %scan3A_135  : i32 {
      %mul3A_159 = arith.constant 1 : i32
      %mul3A_160 = arith.muli %scan3A_158, %mul3A_159 : i32
      %add3A_161 = arith.constant 0 : i32
      %add3A_162 = arith.addi %add3A_161, %mul3A_160 : i32
      %mul3A_163 = arith.constant 2 : i32
      %mul3A_164 = arith.muli %add3A_162, %mul3A_163 : i32
      %add3A_165 = arith.constant 0 : i32
      %add3A_166 = arith.addi %mul3A_164, %add3A_165 : i32
      %add3A_167 = arith.constant 1 : i32
      %add3A_168 = arith.addi %add3A_166, %add3A_167 : i32
      %lt3A = arith.constant 200 : i32
      %lt3A_169 = arith.cmpi slt, %add3A_168, %lt3A : i32
      %convert_element_type3A = arith.extui %lt3A_169 : i1 to i32
      %cond3A = arith.constant 0 : i32
      %cond3A_170 = arith.cmpi ne, %convert_element_type3A, %cond3A : i32
      scf.if %cond3A_170 {
        %add3A_228 = arith.constant 1 : i32
        %add3A_229 = arith.addi %add3A_166, %add3A_228 : i32
        %dma_start3A_230 = arith.constant 0 : i32
        %dma_start3A_231 = tpu.memref_slice %arg6[%add3A_229, %dma_start3A_230] : memref<200x128xi32, #tpu.memory_space<vmem>> -> memref<1x128xi32, #tpu.memory_space<vmem>>
        %dma_start3A_232 = tpu.memref_squeeze %dma_start3A_231 : memref<1x128xi32, #tpu.memory_space<vmem>> -> memref<128xi32, #tpu.memory_space<vmem>>
        %dma_start3A_233 = arith.constant 0 : i32
        %dma_start3A_234 = arith.constant 0 : i32
        %dma_start3A_235 = tpu.memref_slice %arg3[%dma_start3A_233, %dma_start3A_234] : memref<1000000x64xf32, #tpu.memory_space<hbm>> -> memref<1000000x64xf32, #tpu.memory_space<hbm>>
        tpu.enqueue_indirect_dma source(%dma_start3A_235 : memref<1000000x64xf32, #tpu.memory_space<hbm>>) target(%arg8 : memref<128x64xf32, #tpu.memory_space<vmem>>) offsets(%dma_start3A_232 : memref<128xi32, #tpu.memory_space<vmem>>) semaphore(%arg12 : memref<!tpu.dma_semaphore, #tpu.memory_space<semaphore_mem>>)
      } else {
      }
      %dma_wait3A_171 = arith.constant 0 : i32
      %dma_wait3A_172 = tpu.memref_slice %arg6[%add3A_166, %dma_wait3A_171] : memref<200x128xi32, #tpu.memory_space<vmem>> -> memref<1x128xi32, #tpu.memory_space<vmem>>
      %dma_wait3A_173 = tpu.memref_squeeze %dma_wait3A_172 : memref<1x128xi32, #tpu.memory_space<vmem>> -> memref<128xi32, #tpu.memory_space<vmem>>
      %dma_wait3A_174 = arith.constant 0 : i32
      %dma_wait3A_175 = arith.constant 0 : i32
      %dma_wait3A_176 = tpu.memref_slice %arg3[%dma_wait3A_174, %dma_wait3A_175] : memref<1000000x64xf32, #tpu.memory_space<hbm>> -> memref<1000000x64xf32, #tpu.memory_space<hbm>>
      tpu.wait_indirect_dma semaphore(%arg11 : memref<!tpu.dma_semaphore, #tpu.memory_space<semaphore_mem>>) src(%dma_wait3A_176 : memref<1000000x64xf32, #tpu.memory_space<hbm>>) dst(%arg7 : memref<128x64xf32, #tpu.memory_space<vmem>>)
      %gt3A = arith.constant 0 : i32
      %gt3A_177 = arith.cmpi sgt, %add3A_162, %gt3A : i32
      %convert_element_type3A_178 = arith.extui %gt3A_177 : i1 to i32
      %cond3A_179 = arith.constant 0 : i32
      %cond3A_180 = arith.cmpi ne, %convert_element_type3A_178, %cond3A_179 : i32
      scf.if %cond3A_180 {
        %dma_wait3A_228 = arith.constant 0 : i32
        %dma_wait3A_229 = arith.constant 0 : i32
        %dma_wait3A_230 = arith.constant 0 : i32
        %dma_wait3A_231 = arith.constant 0 : i32
        %dma_wait3A_232 = tpu.memref_slice %arg4[%dma_wait3A_228, %dma_wait3A_229, %add3A, %dma_wait3A_230, %dma_wait3A_231] : memref<200x8x32x8x128xf32, #tpu.memory_space<hbm>> -> memref<1x8x1x8x128xf32, #tpu.memory_space<hbm>>
        %dma_wait3A_233 = tpu.memref_squeeze %dma_wait3A_232 : memref<1x8x1x8x128xf32, #tpu.memory_space<hbm>> -> memref<8x8x128xf32, #tpu.memory_space<hbm>>
        %dma_wait3A_234 = arith.constant 0 : i32
        %dma_wait3A_235 = arith.constant 0 : i32
        %dma_wait3A_236 = arith.constant 0 : i32
        %dma_wait3A_237 = tpu.memref_slice %arg4[%dma_wait3A_228, %dma_wait3A_234, %add3A, %dma_wait3A_235, %dma_wait3A_236] : memref<200x8x32x8x128xf32, #tpu.memory_space<hbm>> -> memref<1x8x1x8x128xf32, #tpu.memory_space<hbm>>
        %dma_wait3A_238 = tpu.memref_squeeze %dma_wait3A_237 : memref<1x8x1x8x128xf32, #tpu.memory_space<hbm>> -> memref<8x8x128xf32, #tpu.memory_space<hbm>>
        tpu.wait_dma2 semaphore(%arg13 : memref<!tpu.dma_semaphore, #tpu.memory_space<semaphore_mem>>) src(%arg9 : memref<8x8x128xf32, #tpu.memory_space<vmem>>) dst(%dma_wait3A_238 : memref<8x8x128xf32, #tpu.memory_space<hbm>>)
      } else {
      }
      %parallel_loop3A = arith.constant 0 : i32
      %parallel_loop3A_181 = arith.constant 8 : i32
      %parallel_loop3A_182 = arith.constant 1 : i32
      scf.for %parallel_loop3A_228 = %parallel_loop3A to %parallel_loop3A_181 step %parallel_loop3A_182  : i32 {
        %parallel_loop3A_229 = arith.constant 16 : i32
        %parallel_loop3A_230 = arith.muli %parallel_loop3A_228, %parallel_loop3A_229 : i32
        %parallel_loop3A_231 = vector.broadcast %parallel_loop3A_230 : i32 to vector<16xi32>
        %parallel_loop3A_232 = arith.addi %iota3A, %parallel_loop3A_231 : vector<16xi32>
        %parallel_loop3A_233 = arith.constant 0 : i32
        %parallel_loop3A_234 = vector.broadcast %parallel_loop3A_233 : i32 to vector<16xi32>
        %parallel_loop3A_235 = arith.addi %and3A_35, %parallel_loop3A_234 : vector<16xi32>
        %parallel_loop3A_236 = tpu.vector_load_idx %arg7[%parallel_loop3A_232, %parallel_loop3A_235] : memref<128x64xf32, #tpu.memory_space<vmem>>[vector<16xi32>, vector<16xi32>], vector<16xf32>,
        %parallel_loop3A_237 = arith.constant 3 : i32
        %parallel_loop3A_238 = vector.broadcast %parallel_loop3A_237 : i32 to vector<16xi32>
        %parallel_loop3A_239 = arith.shrsi %parallel_loop3A_235, %parallel_loop3A_238 : vector<16xi32>
        %parallel_loop3A_240 = arith.constant 7 : i32
        %parallel_loop3A_241 = vector.broadcast %parallel_loop3A_240 : i32 to vector<16xi32>
        %parallel_loop3A_242 = arith.andi %parallel_loop3A_235, %parallel_loop3A_241 : vector<16xi32>
        tpu.vector_store_idx %arg9[%parallel_loop3A_239, %parallel_loop3A_242, %parallel_loop3A_232], %parallel_loop3A_236 : memref<8x8x128xf32, #tpu.memory_space<vmem>>[vector<16xi32>, vector<16xi32>, vector<16xi32>], vector<16xf32>,
        %parallel_loop3A_243 = arith.constant 0 : i32
        %parallel_loop3A_244 = vector.broadcast %parallel_loop3A_243 : i32 to vector<16xi32>
        %parallel_loop3A_245 = arith.addi %and3A_41, %parallel_loop3A_244 : vector<16xi32>
        %parallel_loop3A_246 = tpu.vector_load_idx %arg7[%parallel_loop3A_232, %parallel_loop3A_245] : memref<128x64xf32, #tpu.memory_space<vmem>>[vector<16xi32>, vector<16xi32>], vector<16xf32>,
        %parallel_loop3A_247 = arith.constant 3 : i32
        %parallel_loop3A_248 = vector.broadcast %parallel_loop3A_247 : i32 to vector<16xi32>
        %parallel_loop3A_249 = arith.shrsi %parallel_loop3A_245, %parallel_loop3A_248 : vector<16xi32>
        %parallel_loop3A_250 = arith.constant 7 : i32
        %parallel_loop3A_251 = vector.broadcast %parallel_loop3A_250 : i32 to vector<16xi32>
        %parallel_loop3A_252 = arith.andi %parallel_loop3A_245, %parallel_loop3A_251 : vector<16xi32>
        tpu.vector_store_idx %arg9[%parallel_loop3A_249, %parallel_loop3A_252, %parallel_loop3A_232], %parallel_loop3A_246 : memref<8x8x128xf32, #tpu.memory_space<vmem>>[vector<16xi32>, vector<16xi32>, vector<16xi32>], vector<16xf32>,
        %parallel_loop3A_253 = arith.constant 0 : i32
        %parallel_loop3A_254 = vector.broadcast %parallel_loop3A_253 : i32 to vector<16xi32>
        %parallel_loop3A_255 = arith.addi %and3A_47, %parallel_loop3A_254 : vector<16xi32>
        %parallel_loop3A_256 = tpu.vector_load_idx %arg7[%parallel_loop3A_232, %parallel_loop3A_255] : memref<128x64xf32, #tpu.memory_space<vmem>>[vector<16xi32>, vector<16xi32>], vector<16xf32>,
        %parallel_loop3A_257 = arith.constant 3 : i32
        %parallel_loop3A_258 = vector.broadcast %parallel_loop3A_257 : i32 to vector<16xi32>
        %parallel_loop3A_259 = arith.shrsi %parallel_loop3A_255, %parallel_loop3A_258 : vector<16xi32>
        %parallel_loop3A_260 = arith.constant 7 : i32
        %parallel_loop3A_261 = vector.broadcast %parallel_loop3A_260 : i32 to vector<16xi32>
        %parallel_loop3A_262 = arith.andi %parallel_loop3A_255, %parallel_loop3A_261 : vector<16xi32>
        tpu.vector_store_idx %arg9[%parallel_loop3A_259, %parallel_loop3A_262, %parallel_loop3A_232], %parallel_loop3A_256 : memref<8x8x128xf32, #tpu.memory_space<vmem>>[vector<16xi32>, vector<16xi32>, vector<16xi32>], vector<16xf32>,
        %parallel_loop3A_263 = arith.constant 0 : i32
        %parallel_loop3A_264 = vector.broadcast %parallel_loop3A_263 : i32 to vector<16xi32>
        %parallel_loop3A_265 = arith.addi %and3A_53, %parallel_loop3A_264 : vector<16xi32>
        %parallel_loop3A_266 = tpu.vector_load_idx %arg7[%parallel_loop3A_232, %parallel_loop3A_265] : memref<128x64xf32, #tpu.memory_space<vmem>>[vector<16xi32>, vector<16xi32>], vector<16xf32>,
        %parallel_loop3A_267 = arith.constant 3 : i32
        %parallel_loop3A_268 = vector.broadcast %parallel_loop3A_267 : i32 to vector<16xi32>
        %parallel_loop3A_269 = arith.shrsi %parallel_loop3A_265, %parallel_loop3A_268 : vector<16xi32>
        %parallel_loop3A_270 = arith.constant 7 : i32
        %parallel_loop3A_271 = vector.broadcast %parallel_loop3A_270 : i32 to vector<16xi32>
        %parallel_loop3A_272 = arith.andi %parallel_loop3A_265, %parallel_loop3A_271 : vector<16xi32>
        tpu.vector_store_idx %arg9[%parallel_loop3A_269, %parallel_loop3A_272, %parallel_loop3A_232], %parallel_loop3A_266 : memref<8x8x128xf32, #tpu.memory_space<vmem>>[vector<16xi32>, vector<16xi32>, vector<16xi32>], vector<16xf32>,
        %parallel_loop3A_273 = arith.constant 0 : i32
        %parallel_loop3A_274 = vector.broadcast %parallel_loop3A_273 : i32 to vector<16xi32>
        %parallel_loop3A_275 = arith.addi %and3A_59, %parallel_loop3A_274 : vector<16xi32>
        %parallel_loop3A_276 = tpu.vector_load_idx %arg7[%parallel_loop3A_232, %parallel_loop3A_275] : memref<128x64xf32, #tpu.memory_space<vmem>>[vector<16xi32>, vector<16xi32>], vector<16xf32>,
        %parallel_loop3A_277 = arith.constant 3 : i32
        %parallel_loop3A_278 = vector.broadcast %parallel_loop3A_277 : i32 to vector<16xi32>
        %parallel_loop3A_279 = arith.shrsi %parallel_loop3A_275, %parallel_loop3A_278 : vector<16xi32>
        %parallel_loop3A_280 = arith.constant 7 : i32
        %parallel_loop3A_281 = vector.broadcast %parallel_loop3A_280 : i32 to vector<16xi32>
        %parallel_loop3A_282 = arith.andi %parallel_loop3A_275, %parallel_loop3A_281 : vector<16xi32>
        tpu.vector_store_idx %arg9[%parallel_loop3A_279, %parallel_loop3A_282, %parallel_loop3A_232], %parallel_loop3A_276 : memref<8x8x128xf32, #tpu.memory_space<vmem>>[vector<16xi32>, vector<16xi32>, vector<16xi32>], vector<16xf32>,
        %parallel_loop3A_283 = arith.constant 0 : i32
        %parallel_loop3A_284 = vector.broadcast %parallel_loop3A_283 : i32 to vector<16xi32>
        %parallel_loop3A_285 = arith.addi %and3A_65, %parallel_loop3A_284 : vector<16xi32>
        %parallel_loop3A_286 = tpu.vector_load_idx %arg7[%parallel_loop3A_232, %parallel_loop3A_285] : memref<128x64xf32, #tpu.memory_space<vmem>>[vector<16xi32>, vector<16xi32>], vector<16xf32>,
        %parallel_loop3A_287 = arith.constant 3 : i32
        %parallel_loop3A_288 = vector.broadcast %parallel_loop3A_287 : i32 to vector<16xi32>
        %parallel_loop3A_289 = arith.shrsi %parallel_loop3A_285, %parallel_loop3A_288 : vector<16xi32>
        %parallel_loop3A_290 = arith.constant 7 : i32
        %parallel_loop3A_291 = vector.broadcast %parallel_loop3A_290 : i32 to vector<16xi32>
        %parallel_loop3A_292 = arith.andi %parallel_loop3A_285, %parallel_loop3A_291 : vector<16xi32>
        tpu.vector_store_idx %arg9[%parallel_loop3A_289, %parallel_loop3A_292, %parallel_loop3A_232], %parallel_loop3A_286 : memref<8x8x128xf32, #tpu.memory_space<vmem>>[vector<16xi32>, vector<16xi32>, vector<16xi32>], vector<16xf32>,
        %parallel_loop3A_293 = arith.constant 0 : i32
        %parallel_loop3A_294 = vector.broadcast %parallel_loop3A_293 : i32 to vector<16xi32>
        %parallel_loop3A_295 = arith.addi %and3A_71, %parallel_loop3A_294 : vector<16xi32>
        %parallel_loop3A_296 = tpu.vector_load_idx %arg7[%parallel_loop3A_232, %parallel_loop3A_295] : memref<128x64xf32, #tpu.memory_space<vmem>>[vector<16xi32>, vector<16xi32>], vector<16xf32>,
        %parallel_loop3A_297 = arith.constant 3 : i32
        %parallel_loop3A_298 = vector.broadcast %parallel_loop3A_297 : i32 to vector<16xi32>
        %parallel_loop3A_299 = arith.shrsi %parallel_loop3A_295, %parallel_loop3A_298 : vector<16xi32>
        %parallel_loop3A_300 = arith.constant 7 : i32
        %parallel_loop3A_301 = vector.broadcast %parallel_loop3A_300 : i32 to vector<16xi32>
        %parallel_loop3A_302 = arith.andi %parallel_loop3A_295, %parallel_loop3A_301 : vector<16xi32>
        tpu.vector_store_idx %arg9[%parallel_loop3A_299, %parallel_loop3A_302, %parallel_loop3A_232], %parallel_loop3A_296 : memref<8x8x128xf32, #tpu.memory_space<vmem>>[vector<16xi32>, vector<16xi32>, vector<16xi32>], vector<16xf32>,
        %parallel_loop3A_303 = arith.constant 0 : i32
        %parallel_loop3A_304 = vector.broadcast %parallel_loop3A_303 : i32 to vector<16xi32>
        %parallel_loop3A_305 = arith.addi %and3A_77, %parallel_loop3A_304 : vector<16xi32>
        %parallel_loop3A_306 = tpu.vector_load_idx %arg7[%parallel_loop3A_232, %parallel_loop3A_305] : memref<128x64xf32, #tpu.memory_space<vmem>>[vector<16xi32>, vector<16xi32>], vector<16xf32>,
        %parallel_loop3A_307 = arith.constant 3 : i32
        %parallel_loop3A_308 = vector.broadcast %parallel_loop3A_307 : i32 to vector<16xi32>
        %parallel_loop3A_309 = arith.shrsi %parallel_loop3A_305, %parallel_loop3A_308 : vector<16xi32>
        %parallel_loop3A_310 = arith.constant 7 : i32
        %parallel_loop3A_311 = vector.broadcast %parallel_loop3A_310 : i32 to vector<16xi32>
        %parallel_loop3A_312 = arith.andi %parallel_loop3A_305, %parallel_loop3A_311 : vector<16xi32>
        tpu.vector_store_idx %arg9[%parallel_loop3A_309, %parallel_loop3A_312, %parallel_loop3A_232], %parallel_loop3A_306 : memref<8x8x128xf32, #tpu.memory_space<vmem>>[vector<16xi32>, vector<16xi32>, vector<16xi32>], vector<16xf32>,
        %parallel_loop3A_313 = arith.constant 0 : i32
        %parallel_loop3A_314 = vector.broadcast %parallel_loop3A_313 : i32 to vector<16xi32>
        %parallel_loop3A_315 = arith.addi %and3A_83, %parallel_loop3A_314 : vector<16xi32>
        %parallel_loop3A_316 = tpu.vector_load_idx %arg7[%parallel_loop3A_232, %parallel_loop3A_315] : memref<128x64xf32, #tpu.memory_space<vmem>>[vector<16xi32>, vector<16xi32>], vector<16xf32>,
        %parallel_loop3A_317 = arith.constant 3 : i32
        %parallel_loop3A_318 = vector.broadcast %parallel_loop3A_317 : i32 to vector<16xi32>
        %parallel_loop3A_319 = arith.shrsi %parallel_loop3A_315, %parallel_loop3A_318 : vector<16xi32>
        %parallel_loop3A_320 = arith.constant 7 : i32
        %parallel_loop3A_321 = vector.broadcast %parallel_loop3A_320 : i32 to vector<16xi32>
        %parallel_loop3A_322 = arith.andi %parallel_loop3A_315, %parallel_loop3A_321 : vector<16xi32>
        tpu.vector_store_idx %arg9[%parallel_loop3A_319, %parallel_loop3A_322, %parallel_loop3A_232], %parallel_loop3A_316 : memref<8x8x128xf32, #tpu.memory_space<vmem>>[vector<16xi32>, vector<16xi32>, vector<16xi32>], vector<16xf32>,
        %parallel_loop3A_323 = arith.constant 0 : i32
        %parallel_loop3A_324 = vector.broadcast %parallel_loop3A_323 : i32 to vector<16xi32>
        %parallel_loop3A_325 = arith.addi %and3A_89, %parallel_loop3A_324 : vector<16xi32>
        %parallel_loop3A_326 = tpu.vector_load_idx %arg7[%parallel_loop3A_232, %parallel_loop3A_325] : memref<128x64xf32, #tpu.memory_space<vmem>>[vector<16xi32>, vector<16xi32>], vector<16xf32>,
        %parallel_loop3A_327 = arith.constant 3 : i32
        %parallel_loop3A_328 = vector.broadcast %parallel_loop3A_327 : i32 to vector<16xi32>
        %parallel_loop3A_329 = arith.shrsi %parallel_loop3A_325, %parallel_loop3A_328 : vector<16xi32>
        %parallel_loop3A_330 = arith.constant 7 : i32
        %parallel_loop3A_331 = vector.broadcast %parallel_loop3A_330 : i32 to vector<16xi32>
        %parallel_loop3A_332 = arith.andi %parallel_loop3A_325, %parallel_loop3A_331 : vector<16xi32>
        tpu.vector_store_idx %arg9[%parallel_loop3A_329, %parallel_loop3A_332, %parallel_loop3A_232], %parallel_loop3A_326 : memref<8x8x128xf32, #tpu.memory_space<vmem>>[vector<16xi32>, vector<16xi32>, vector<16xi32>], vector<16xf32>,
        %parallel_loop3A_333 = arith.constant 0 : i32
        %parallel_loop3A_334 = vector.broadcast %parallel_loop3A_333 : i32 to vector<16xi32>
        %parallel_loop3A_335 = arith.addi %and3A_95, %parallel_loop3A_334 : vector<16xi32>
        %parallel_loop3A_336 = tpu.vector_load_idx %arg7[%parallel_loop3A_232, %parallel_loop3A_335] : memref<128x64xf32, #tpu.memory_space<vmem>>[vector<16xi32>, vector<16xi32>], vector<16xf32>,
        %parallel_loop3A_337 = arith.constant 3 : i32
        %parallel_loop3A_338 = vector.broadcast %parallel_loop3A_337 : i32 to vector<16xi32>
        %parallel_loop3A_339 = arith.shrsi %parallel_loop3A_335, %parallel_loop3A_338 : vector<16xi32>
        %parallel_loop3A_340 = arith.constant 7 : i32
        %parallel_loop3A_341 = vector.broadcast %parallel_loop3A_340 : i32 to vector<16xi32>
        %parallel_loop3A_342 = arith.andi %parallel_loop3A_335, %parallel_loop3A_341 : vector<16xi32>
        tpu.vector_store_idx %arg9[%parallel_loop3A_339, %parallel_loop3A_342, %parallel_loop3A_232], %parallel_loop3A_336 : memref<8x8x128xf32, #tpu.memory_space<vmem>>[vector<16xi32>, vector<16xi32>, vector<16xi32>], vector<16xf32>,
        %parallel_loop3A_343 = arith.constant 0 : i32
        %parallel_loop3A_344 = vector.broadcast %parallel_loop3A_343 : i32 to vector<16xi32>
        %parallel_loop3A_345 = arith.addi %and3A_101, %parallel_loop3A_344 : vector<16xi32>
        %parallel_loop3A_346 = tpu.vector_load_idx %arg7[%parallel_loop3A_232, %parallel_loop3A_345] : memref<128x64xf32, #tpu.memory_space<vmem>>[vector<16xi32>, vector<16xi32>], vector<16xf32>,
        %parallel_loop3A_347 = arith.constant 3 : i32
        %parallel_loop3A_348 = vector.broadcast %parallel_loop3A_347 : i32 to vector<16xi32>
        %parallel_loop3A_349 = arith.shrsi %parallel_loop3A_345, %parallel_loop3A_348 : vector<16xi32>
        %parallel_loop3A_350 = arith.constant 7 : i32
        %parallel_loop3A_351 = vector.broadcast %parallel_loop3A_350 : i32 to vector<16xi32>
        %parallel_loop3A_352 = arith.andi %parallel_loop3A_345, %parallel_loop3A_351 : vector<16xi32>
        tpu.vector_store_idx %arg9[%parallel_loop3A_349, %parallel_loop3A_352, %parallel_loop3A_232], %parallel_loop3A_346 : memref<8x8x128xf32, #tpu.memory_space<vmem>>[vector<16xi32>, vector<16xi32>, vector<16xi32>], vector<16xf32>,
        %parallel_loop3A_353 = arith.constant 0 : i32
        %parallel_loop3A_354 = vector.broadcast %parallel_loop3A_353 : i32 to vector<16xi32>
        %parallel_loop3A_355 = arith.addi %and3A_107, %parallel_loop3A_354 : vector<16xi32>
        %parallel_loop3A_356 = tpu.vector_load_idx %arg7[%parallel_loop3A_232, %parallel_loop3A_355] : memref<128x64xf32, #tpu.memory_space<vmem>>[vector<16xi32>, vector<16xi32>], vector<16xf32>,
        %parallel_loop3A_357 = arith.constant 3 : i32
        %parallel_loop3A_358 = vector.broadcast %parallel_loop3A_357 : i32 to vector<16xi32>
        %parallel_loop3A_359 = arith.shrsi %parallel_loop3A_355, %parallel_loop3A_358 : vector<16xi32>
        %parallel_loop3A_360 = arith.constant 7 : i32
        %parallel_loop3A_361 = vector.broadcast %parallel_loop3A_360 : i32 to vector<16xi32>
        %parallel_loop3A_362 = arith.andi %parallel_loop3A_355, %parallel_loop3A_361 : vector<16xi32>
        tpu.vector_store_idx %arg9[%parallel_loop3A_359, %parallel_loop3A_362, %parallel_loop3A_232], %parallel_loop3A_356 : memref<8x8x128xf32, #tpu.memory_space<vmem>>[vector<16xi32>, vector<16xi32>, vector<16xi32>], vector<16xf32>,
        %parallel_loop3A_363 = arith.constant 0 : i32
        %parallel_loop3A_364 = vector.broadcast %parallel_loop3A_363 : i32 to vector<16xi32>
        %parallel_loop3A_365 = arith.addi %and3A_113, %parallel_loop3A_364 : vector<16xi32>
        %parallel_loop3A_366 = tpu.vector_load_idx %arg7[%parallel_loop3A_232, %parallel_loop3A_365] : memref<128x64xf32, #tpu.memory_space<vmem>>[vector<16xi32>, vector<16xi32>], vector<16xf32>,
        %parallel_loop3A_367 = arith.constant 3 : i32
        %parallel_loop3A_368 = vector.broadcast %parallel_loop3A_367 : i32 to vector<16xi32>
        %parallel_loop3A_369 = arith.shrsi %parallel_loop3A_365, %parallel_loop3A_368 : vector<16xi32>
        %parallel_loop3A_370 = arith.constant 7 : i32
        %parallel_loop3A_371 = vector.broadcast %parallel_loop3A_370 : i32 to vector<16xi32>
        %parallel_loop3A_372 = arith.andi %parallel_loop3A_365, %parallel_loop3A_371 : vector<16xi32>
        tpu.vector_store_idx %arg9[%parallel_loop3A_369, %parallel_loop3A_372, %parallel_loop3A_232], %parallel_loop3A_366 : memref<8x8x128xf32, #tpu.memory_space<vmem>>[vector<16xi32>, vector<16xi32>, vector<16xi32>], vector<16xf32>,
        %parallel_loop3A_373 = arith.constant 0 : i32
        %parallel_loop3A_374 = vector.broadcast %parallel_loop3A_373 : i32 to vector<16xi32>
        %parallel_loop3A_375 = arith.addi %and3A_119, %parallel_loop3A_374 : vector<16xi32>
        %parallel_loop3A_376 = tpu.vector_load_idx %arg7[%parallel_loop3A_232, %parallel_loop3A_375] : memref<128x64xf32, #tpu.memory_space<vmem>>[vector<16xi32>, vector<16xi32>], vector<16xf32>,
        %parallel_loop3A_377 = arith.constant 3 : i32
        %parallel_loop3A_378 = vector.broadcast %parallel_loop3A_377 : i32 to vector<16xi32>
        %parallel_loop3A_379 = arith.shrsi %parallel_loop3A_375, %parallel_loop3A_378 : vector<16xi32>
        %parallel_loop3A_380 = arith.constant 7 : i32
        %parallel_loop3A_381 = vector.broadcast %parallel_loop3A_380 : i32 to vector<16xi32>
        %parallel_loop3A_382 = arith.andi %parallel_loop3A_375, %parallel_loop3A_381 : vector<16xi32>
        tpu.vector_store_idx %arg9[%parallel_loop3A_379, %parallel_loop3A_382, %parallel_loop3A_232], %parallel_loop3A_376 : memref<8x8x128xf32, #tpu.memory_space<vmem>>[vector<16xi32>, vector<16xi32>, vector<16xi32>], vector<16xf32>,
        %parallel_loop3A_383 = arith.constant 0 : i32
        %parallel_loop3A_384 = vector.broadcast %parallel_loop3A_383 : i32 to vector<16xi32>
        %parallel_loop3A_385 = arith.addi %and3A_125, %parallel_loop3A_384 : vector<16xi32>
        %parallel_loop3A_386 = tpu.vector_load_idx %arg7[%parallel_loop3A_232, %parallel_loop3A_385] : memref<128x64xf32, #tpu.memory_space<vmem>>[vector<16xi32>, vector<16xi32>], vector<16xf32>,
        %parallel_loop3A_387 = arith.constant 3 : i32
        %parallel_loop3A_388 = vector.broadcast %parallel_loop3A_387 : i32 to vector<16xi32>
        %parallel_loop3A_389 = arith.shrsi %parallel_loop3A_385, %parallel_loop3A_388 : vector<16xi32>
        %parallel_loop3A_390 = arith.constant 7 : i32
        %parallel_loop3A_391 = vector.broadcast %parallel_loop3A_390 : i32 to vector<16xi32>
        %parallel_loop3A_392 = arith.andi %parallel_loop3A_385, %parallel_loop3A_391 : vector<16xi32>
        tpu.vector_store_idx %arg9[%parallel_loop3A_389, %parallel_loop3A_392, %parallel_loop3A_232], %parallel_loop3A_386 : memref<8x8x128xf32, #tpu.memory_space<vmem>>[vector<16xi32>, vector<16xi32>, vector<16xi32>], vector<16xf32>,
        %parallel_loop3A_393 = arith.constant 16 : i32
        %parallel_loop3A_394 = vector.broadcast %parallel_loop3A_393 : i32 to vector<16xi32>
        %parallel_loop3A_395 = arith.addi %and3A_35, %parallel_loop3A_394 : vector<16xi32>
        %parallel_loop3A_396 = tpu.vector_load_idx %arg7[%parallel_loop3A_232, %parallel_loop3A_395] : memref<128x64xf32, #tpu.memory_space<vmem>>[vector<16xi32>, vector<16xi32>], vector<16xf32>,
        %parallel_loop3A_397 = arith.constant 3 : i32
        %parallel_loop3A_398 = vector.broadcast %parallel_loop3A_397 : i32 to vector<16xi32>
        %parallel_loop3A_399 = arith.shrsi %parallel_loop3A_395, %parallel_loop3A_398 : vector<16xi32>
        %parallel_loop3A_400 = arith.constant 7 : i32
        %parallel_loop3A_401 = vector.broadcast %parallel_loop3A_400 : i32 to vector<16xi32>
        %parallel_loop3A_402 = arith.andi %parallel_loop3A_395, %parallel_loop3A_401 : vector<16xi32>
        tpu.vector_store_idx %arg9[%parallel_loop3A_399, %parallel_loop3A_402, %parallel_loop3A_232], %parallel_loop3A_396 : memref<8x8x128xf32, #tpu.memory_space<vmem>>[vector<16xi32>, vector<16xi32>, vector<16xi32>], vector<16xf32>,
        %parallel_loop3A_403 = arith.constant 16 : i32
        %parallel_loop3A_404 = vector.broadcast %parallel_loop3A_403 : i32 to vector<16xi32>
        %parallel_loop3A_405 = arith.addi %and3A_41, %parallel_loop3A_404 : vector<16xi32>
        %parallel_loop3A_406 = tpu.vector_load_idx %arg7[%parallel_loop3A_232, %parallel_loop3A_405] : memref<128x64xf32, #tpu.memory_space<vmem>>[vector<16xi32>, vector<16xi32>], vector<16xf32>,
        %parallel_loop3A_407 = arith.constant 3 : i32
        %parallel_loop3A_408 = vector.broadcast %parallel_loop3A_407 : i32 to vector<16xi32>
        %parallel_loop3A_409 = arith.shrsi %parallel_loop3A_405, %parallel_loop3A_408 : vector<16xi32>
        %parallel_loop3A_410 = arith.constant 7 : i32
        %parallel_loop3A_411 = vector.broadcast %parallel_loop3A_410 : i32 to vector<16xi32>
        %parallel_loop3A_412 = arith.andi %parallel_loop3A_405, %parallel_loop3A_411 : vector<16xi32>
        tpu.vector_store_idx %arg9[%parallel_loop3A_409, %parallel_loop3A_412, %parallel_loop3A_232], %parallel_loop3A_406 : memref<8x8x128xf32, #tpu.memory_space<vmem>>[vector<16xi32>, vector<16xi32>, vector<16xi32>], vector<16xf32>,
        %parallel_loop3A_413 = arith.constant 16 : i32
        %parallel_loop3A_414 = vector.broadcast %parallel_loop3A_413 : i32 to vector<16xi32>
        %parallel_loop3A_415 = arith.addi %and3A_47, %parallel_loop3A_414 : vector<16xi32>
        %parallel_loop3A_416 = tpu.vector_load_idx %arg7[%parallel_loop3A_232, %parallel_loop3A_415] : memref<128x64xf32, #tpu.memory_space<vmem>>[vector<16xi32>, vector<16xi32>], vector<16xf32>,
        %parallel_loop3A_417 = arith.constant 3 : i32
        %parallel_loop3A_418 = vector.broadcast %parallel_loop3A_417 : i32 to vector<16xi32>
        %parallel_loop3A_419 = arith.shrsi %parallel_loop3A_415, %parallel_loop3A_418 : vector<16xi32>
        %parallel_loop3A_420 = arith.constant 7 : i32
        %parallel_loop3A_421 = vector.broadcast %parallel_loop3A_420 : i32 to vector<16xi32>
        %parallel_loop3A_422 = arith.andi %parallel_loop3A_415, %parallel_loop3A_421 : vector<16xi32>
        tpu.vector_store_idx %arg9[%parallel_loop3A_419, %parallel_loop3A_422, %parallel_loop3A_232], %parallel_loop3A_416 : memref<8x8x128xf32, #tpu.memory_space<vmem>>[vector<16xi32>, vector<16xi32>, vector<16xi32>], vector<16xf32>,
        %parallel_loop3A_423 = arith.constant 16 : i32
        %parallel_loop3A_424 = vector.broadcast %parallel_loop3A_423 : i32 to vector<16xi32>
        %parallel_loop3A_425 = arith.addi %and3A_53, %parallel_loop3A_424 : vector<16xi32>
        %parallel_loop3A_426 = tpu.vector_load_idx %arg7[%parallel_loop3A_232, %parallel_loop3A_425] : memref<128x64xf32, #tpu.memory_space<vmem>>[vector<16xi32>, vector<16xi32>], vector<16xf32>,
        %parallel_loop3A_427 = arith.constant 3 : i32
        %parallel_loop3A_428 = vector.broadcast %parallel_loop3A_427 : i32 to vector<16xi32>
        %parallel_loop3A_429 = arith.shrsi %parallel_loop3A_425, %parallel_loop3A_428 : vector<16xi32>
        %parallel_loop3A_430 = arith.constant 7 : i32
        %parallel_loop3A_431 = vector.broadcast %parallel_loop3A_430 : i32 to vector<16xi32>
        %parallel_loop3A_432 = arith.andi %parallel_loop3A_425, %parallel_loop3A_431 : vector<16xi32>
        tpu.vector_store_idx %arg9[%parallel_loop3A_429, %parallel_loop3A_432, %parallel_loop3A_232], %parallel_loop3A_426 : memref<8x8x128xf32, #tpu.memory_space<vmem>>[vector<16xi32>, vector<16xi32>, vector<16xi32>], vector<16xf32>,
        %parallel_loop3A_433 = arith.constant 16 : i32
        %parallel_loop3A_434 = vector.broadcast %parallel_loop3A_433 : i32 to vector<16xi32>
        %parallel_loop3A_435 = arith.addi %and3A_59, %parallel_loop3A_434 : vector<16xi32>
        %parallel_loop3A_436 = tpu.vector_load_idx %arg7[%parallel_loop3A_232, %parallel_loop3A_435] : memref<128x64xf32, #tpu.memory_space<vmem>>[vector<16xi32>, vector<16xi32>], vector<16xf32>,
        %parallel_loop3A_437 = arith.constant 3 : i32
        %parallel_loop3A_438 = vector.broadcast %parallel_loop3A_437 : i32 to vector<16xi32>
        %parallel_loop3A_439 = arith.shrsi %parallel_loop3A_435, %parallel_loop3A_438 : vector<16xi32>
        %parallel_loop3A_440 = arith.constant 7 : i32
        %parallel_loop3A_441 = vector.broadcast %parallel_loop3A_440 : i32 to vector<16xi32>
        %parallel_loop3A_442 = arith.andi %parallel_loop3A_435, %parallel_loop3A_441 : vector<16xi32>
        tpu.vector_store_idx %arg9[%parallel_loop3A_439, %parallel_loop3A_442, %parallel_loop3A_232], %parallel_loop3A_436 : memref<8x8x128xf32, #tpu.memory_space<vmem>>[vector<16xi32>, vector<16xi32>, vector<16xi32>], vector<16xf32>,
        %parallel_loop3A_443 = arith.constant 16 : i32
        %parallel_loop3A_444 = vector.broadcast %parallel_loop3A_443 : i32 to vector<16xi32>
        %parallel_loop3A_445 = arith.addi %and3A_65, %parallel_loop3A_444 : vector<16xi32>
        %parallel_loop3A_446 = tpu.vector_load_idx %arg7[%parallel_loop3A_232, %parallel_loop3A_445] : memref<128x64xf32, #tpu.memory_space<vmem>>[vector<16xi32>, vector<16xi32>], vector<16xf32>,
        %parallel_loop3A_447 = arith.constant 3 : i32
        %parallel_loop3A_448 = vector.broadcast %parallel_loop3A_447 : i32 to vector<16xi32>
        %parallel_loop3A_449 = arith.shrsi %parallel_loop3A_445, %parallel_loop3A_448 : vector<16xi32>
        %parallel_loop3A_450 = arith.constant 7 : i32
        %parallel_loop3A_451 = vector.broadcast %parallel_loop3A_450 : i32 to vector<16xi32>
        %parallel_loop3A_452 = arith.andi %parallel_loop3A_445, %parallel_loop3A_451 : vector<16xi32>
        tpu.vector_store_idx %arg9[%parallel_loop3A_449, %parallel_loop3A_452, %parallel_loop3A_232], %parallel_loop3A_446 : memref<8x8x128xf32, #tpu.memory_space<vmem>>[vector<16xi32>, vector<16xi32>, vector<16xi32>], vector<16xf32>,
        %parallel_loop3A_453 = arith.constant 16 : i32
        %parallel_loop3A_454 = vector.broadcast %parallel_loop3A_453 : i32 to vector<16xi32>
        %parallel_loop3A_455 = arith.addi %and3A_71, %parallel_loop3A_454 : vector<16xi32>
        %parallel_loop3A_456 = tpu.vector_load_idx %arg7[%parallel_loop3A_232, %parallel_loop3A_455] : memref<128x64xf32, #tpu.memory_space<vmem>>[vector<16xi32>, vector<16xi32>], vector<16xf32>,
        %parallel_loop3A_457 = arith.constant 3 : i32
        %parallel_loop3A_458 = vector.broadcast %parallel_loop3A_457 : i32 to vector<16xi32>
        %parallel_loop3A_459 = arith.shrsi %parallel_loop3A_455, %parallel_loop3A_458 : vector<16xi32>
        %parallel_loop3A_460 = arith.constant 7 : i32
        %parallel_loop3A_461 = vector.broadcast %parallel_loop3A_460 : i32 to vector<16xi32>
        %parallel_loop3A_462 = arith.andi %parallel_loop3A_455, %parallel_loop3A_461 : vector<16xi32>
        tpu.vector_store_idx %arg9[%parallel_loop3A_459, %parallel_loop3A_462, %parallel_loop3A_232], %parallel_loop3A_456 : memref<8x8x128xf32, #tpu.memory_space<vmem>>[vector<16xi32>, vector<16xi32>, vector<16xi32>], vector<16xf32>,
        %parallel_loop3A_463 = arith.constant 16 : i32
        %parallel_loop3A_464 = vector.broadcast %parallel_loop3A_463 : i32 to vector<16xi32>
        %parallel_loop3A_465 = arith.addi %and3A_77, %parallel_loop3A_464 : vector<16xi32>
        %parallel_loop3A_466 = tpu.vector_load_idx %arg7[%parallel_loop3A_232, %parallel_loop3A_465] : memref<128x64xf32, #tpu.memory_space<vmem>>[vector<16xi32>, vector<16xi32>], vector<16xf32>,
        %parallel_loop3A_467 = arith.constant 3 : i32
        %parallel_loop3A_468 = vector.broadcast %parallel_loop3A_467 : i32 to vector<16xi32>
        %parallel_loop3A_469 = arith.shrsi %parallel_loop3A_465, %parallel_loop3A_468 : vector<16xi32>
        %parallel_loop3A_470 = arith.constant 7 : i32
        %parallel_loop3A_471 = vector.broadcast %parallel_loop3A_470 : i32 to vector<16xi32>
        %parallel_loop3A_472 = arith.andi %parallel_loop3A_465, %parallel_loop3A_471 : vector<16xi32>
        tpu.vector_store_idx %arg9[%parallel_loop3A_469, %parallel_loop3A_472, %parallel_loop3A_232], %parallel_loop3A_466 : memref<8x8x128xf32, #tpu.memory_space<vmem>>[vector<16xi32>, vector<16xi32>, vector<16xi32>], vector<16xf32>,
        %parallel_loop3A_473 = arith.constant 16 : i32
        %parallel_loop3A_474 = vector.broadcast %parallel_loop3A_473 : i32 to vector<16xi32>
        %parallel_loop3A_475 = arith.addi %and3A_83, %parallel_loop3A_474 : vector<16xi32>
        %parallel_loop3A_476 = tpu.vector_load_idx %arg7[%parallel_loop3A_232, %parallel_loop3A_475] : memref<128x64xf32, #tpu.memory_space<vmem>>[vector<16xi32>, vector<16xi32>], vector<16xf32>,
        %parallel_loop3A_477 = arith.constant 3 : i32
        %parallel_loop3A_478 = vector.broadcast %parallel_loop3A_477 : i32 to vector<16xi32>
        %parallel_loop3A_479 = arith.shrsi %parallel_loop3A_475, %parallel_loop3A_478 : vector<16xi32>
        %parallel_loop3A_480 = arith.constant 7 : i32
        %parallel_loop3A_481 = vector.broadcast %parallel_loop3A_480 : i32 to vector<16xi32>
        %parallel_loop3A_482 = arith.andi %parallel_loop3A_475, %parallel_loop3A_481 : vector<16xi32>
        tpu.vector_store_idx %arg9[%parallel_loop3A_479, %parallel_loop3A_482, %parallel_loop3A_232], %parallel_loop3A_476 : memref<8x8x128xf32, #tpu.memory_space<vmem>>[vector<16xi32>, vector<16xi32>, vector<16xi32>], vector<16xf32>,
        %parallel_loop3A_483 = arith.constant 16 : i32
        %parallel_loop3A_484 = vector.broadcast %parallel_loop3A_483 : i32 to vector<16xi32>
        %parallel_loop3A_485 = arith.addi %and3A_89, %parallel_loop3A_484 : vector<16xi32>
        %parallel_loop3A_486 = tpu.vector_load_idx %arg7[%parallel_loop3A_232, %parallel_loop3A_485] : memref<128x64xf32, #tpu.memory_space<vmem>>[vector<16xi32>, vector<16xi32>], vector<16xf32>,
        %parallel_loop3A_487 = arith.constant 3 : i32
        %parallel_loop3A_488 = vector.broadcast %parallel_loop3A_487 : i32 to vector<16xi32>
        %parallel_loop3A_489 = arith.shrsi %parallel_loop3A_485, %parallel_loop3A_488 : vector<16xi32>
        %parallel_loop3A_490 = arith.constant 7 : i32
        %parallel_loop3A_491 = vector.broadcast %parallel_loop3A_490 : i32 to vector<16xi32>
        %parallel_loop3A_492 = arith.andi %parallel_loop3A_485, %parallel_loop3A_491 : vector<16xi32>
        tpu.vector_store_idx %arg9[%parallel_loop3A_489, %parallel_loop3A_492, %parallel_loop3A_232], %parallel_loop3A_486 : memref<8x8x128xf32, #tpu.memory_space<vmem>>[vector<16xi32>, vector<16xi32>, vector<16xi32>], vector<16xf32>,
        %parallel_loop3A_493 = arith.constant 16 : i32
        %parallel_loop3A_494 = vector.broadcast %parallel_loop3A_493 : i32 to vector<16xi32>
        %parallel_loop3A_495 = arith.addi %and3A_95, %parallel_loop3A_494 : vector<16xi32>
        %parallel_loop3A_496 = tpu.vector_load_idx %arg7[%parallel_loop3A_232, %parallel_loop3A_495] : memref<128x64xf32, #tpu.memory_space<vmem>>[vector<16xi32>, vector<16xi32>], vector<16xf32>,
        %parallel_loop3A_497 = arith.constant 3 : i32
        %parallel_loop3A_498 = vector.broadcast %parallel_loop3A_497 : i32 to vector<16xi32>
        %parallel_loop3A_499 = arith.shrsi %parallel_loop3A_495, %parallel_loop3A_498 : vector<16xi32>
        %parallel_loop3A_500 = arith.constant 7 : i32
        %parallel_loop3A_501 = vector.broadcast %parallel_loop3A_500 : i32 to vector<16xi32>
        %parallel_loop3A_502 = arith.andi %parallel_loop3A_495, %parallel_loop3A_501 : vector<16xi32>
        tpu.vector_store_idx %arg9[%parallel_loop3A_499, %parallel_loop3A_502, %parallel_loop3A_232], %parallel_loop3A_496 : memref<8x8x128xf32, #tpu.memory_space<vmem>>[vector<16xi32>, vector<16xi32>, vector<16xi32>], vector<16xf32>,
        %parallel_loop3A_503 = arith.constant 16 : i32
        %parallel_loop3A_504 = vector.broadcast %parallel_loop3A_503 : i32 to vector<16xi32>
        %parallel_loop3A_505 = arith.addi %and3A_101, %parallel_loop3A_504 : vector<16xi32>
        %parallel_loop3A_506 = tpu.vector_load_idx %arg7[%parallel_loop3A_232, %parallel_loop3A_505] : memref<128x64xf32, #tpu.memory_space<vmem>>[vector<16xi32>, vector<16xi32>], vector<16xf32>,
        %parallel_loop3A_507 = arith.constant 3 : i32
        %parallel_loop3A_508 = vector.broadcast %parallel_loop3A_507 : i32 to vector<16xi32>
        %parallel_loop3A_509 = arith.shrsi %parallel_loop3A_505, %parallel_loop3A_508 : vector<16xi32>
        %parallel_loop3A_510 = arith.constant 7 : i32
        %parallel_loop3A_511 = vector.broadcast %parallel_loop3A_510 : i32 to vector<16xi32>
        %parallel_loop3A_512 = arith.andi %parallel_loop3A_505, %parallel_loop3A_511 : vector<16xi32>
        tpu.vector_store_idx %arg9[%parallel_loop3A_509, %parallel_loop3A_512, %parallel_loop3A_232], %parallel_loop3A_506 : memref<8x8x128xf32, #tpu.memory_space<vmem>>[vector<16xi32>, vector<16xi32>, vector<16xi32>], vector<16xf32>,
        %parallel_loop3A_513 = arith.constant 16 : i32
        %parallel_loop3A_514 = vector.broadcast %parallel_loop3A_513 : i32 to vector<16xi32>
        %parallel_loop3A_515 = arith.addi %and3A_107, %parallel_loop3A_514 : vector<16xi32>
        %parallel_loop3A_516 = tpu.vector_load_idx %arg7[%parallel_loop3A_232, %parallel_loop3A_515] : memref<128x64xf32, #tpu.memory_space<vmem>>[vector<16xi32>, vector<16xi32>], vector<16xf32>,
        %parallel_loop3A_517 = arith.constant 3 : i32
        %parallel_loop3A_518 = vector.broadcast %parallel_loop3A_517 : i32 to vector<16xi32>
        %parallel_loop3A_519 = arith.shrsi %parallel_loop3A_515, %parallel_loop3A_518 : vector<16xi32>
        %parallel_loop3A_520 = arith.constant 7 : i32
        %parallel_loop3A_521 = vector.broadcast %parallel_loop3A_520 : i32 to vector<16xi32>
        %parallel_loop3A_522 = arith.andi %parallel_loop3A_515, %parallel_loop3A_521 : vector<16xi32>
        tpu.vector_store_idx %arg9[%parallel_loop3A_519, %parallel_loop3A_522, %parallel_loop3A_232], %parallel_loop3A_516 : memref<8x8x128xf32, #tpu.memory_space<vmem>>[vector<16xi32>, vector<16xi32>, vector<16xi32>], vector<16xf32>,
        %parallel_loop3A_523 = arith.constant 16 : i32
        %parallel_loop3A_524 = vector.broadcast %parallel_loop3A_523 : i32 to vector<16xi32>
        %parallel_loop3A_525 = arith.addi %and3A_113, %parallel_loop3A_524 : vector<16xi32>
        %parallel_loop3A_526 = tpu.vector_load_idx %arg7[%parallel_loop3A_232, %parallel_loop3A_525] : memref<128x64xf32, #tpu.memory_space<vmem>>[vector<16xi32>, vector<16xi32>], vector<16xf32>,
        %parallel_loop3A_527 = arith.constant 3 : i32
        %parallel_loop3A_528 = vector.broadcast %parallel_loop3A_527 : i32 to vector<16xi32>
        %parallel_loop3A_529 = arith.shrsi %parallel_loop3A_525, %parallel_loop3A_528 : vector<16xi32>
        %parallel_loop3A_530 = arith.constant 7 : i32
        %parallel_loop3A_531 = vector.broadcast %parallel_loop3A_530 : i32 to vector<16xi32>
        %parallel_loop3A_532 = arith.andi %parallel_loop3A_525, %parallel_loop3A_531 : vector<16xi32>
        tpu.vector_store_idx %arg9[%parallel_loop3A_529, %parallel_loop3A_532, %parallel_loop3A_232], %parallel_loop3A_526 : memref<8x8x128xf32, #tpu.memory_space<vmem>>[vector<16xi32>, vector<16xi32>, vector<16xi32>], vector<16xf32>,
        %parallel_loop3A_533 = arith.constant 16 : i32
        %parallel_loop3A_534 = vector.broadcast %parallel_loop3A_533 : i32 to vector<16xi32>
        %parallel_loop3A_535 = arith.addi %and3A_119, %parallel_loop3A_534 : vector<16xi32>
        %parallel_loop3A_536 = tpu.vector_load_idx %arg7[%parallel_loop3A_232, %parallel_loop3A_535] : memref<128x64xf32, #tpu.memory_space<vmem>>[vector<16xi32>, vector<16xi32>], vector<16xf32>,
        %parallel_loop3A_537 = arith.constant 3 : i32
        %parallel_loop3A_538 = vector.broadcast %parallel_loop3A_537 : i32 to vector<16xi32>
        %parallel_loop3A_539 = arith.shrsi %parallel_loop3A_535, %parallel_loop3A_538 : vector<16xi32>
        %parallel_loop3A_540 = arith.constant 7 : i32
        %parallel_loop3A_541 = vector.broadcast %parallel_loop3A_540 : i32 to vector<16xi32>
        %parallel_loop3A_542 = arith.andi %parallel_loop3A_535, %parallel_loop3A_541 : vector<16xi32>
        tpu.vector_store_idx %arg9[%parallel_loop3A_539, %parallel_loop3A_542, %parallel_loop3A_232], %parallel_loop3A_536 : memref<8x8x128xf32, #tpu.memory_space<vmem>>[vector<16xi32>, vector<16xi32>, vector<16xi32>], vector<16xf32>,
        %parallel_loop3A_543 = arith.constant 16 : i32
        %parallel_loop3A_544 = vector.broadcast %parallel_loop3A_543 : i32 to vector<16xi32>
        %parallel_loop3A_545 = arith.addi %and3A_125, %parallel_loop3A_544 : vector<16xi32>
        %parallel_loop3A_546 = tpu.vector_load_idx %arg7[%parallel_loop3A_232, %parallel_loop3A_545] : memref<128x64xf32, #tpu.memory_space<vmem>>[vector<16xi32>, vector<16xi32>], vector<16xf32>,
        %parallel_loop3A_547 = arith.constant 3 : i32
        %parallel_loop3A_548 = vector.broadcast %parallel_loop3A_547 : i32 to vector<16xi32>
        %parallel_loop3A_549 = arith.shrsi %parallel_loop3A_545, %parallel_loop3A_548 : vector<16xi32>
        %parallel_loop3A_550 = arith.constant 7 : i32
        %parallel_loop3A_551 = vector.broadcast %parallel_loop3A_550 : i32 to vector<16xi32>
        %parallel_loop3A_552 = arith.andi %parallel_loop3A_545, %parallel_loop3A_551 : vector<16xi32>
        tpu.vector_store_idx %arg9[%parallel_loop3A_549, %parallel_loop3A_552, %parallel_loop3A_232], %parallel_loop3A_546 : memref<8x8x128xf32, #tpu.memory_space<vmem>>[vector<16xi32>, vector<16xi32>, vector<16xi32>], vector<16xf32>,
        %parallel_loop3A_553 = arith.constant 32 : i32
        %parallel_loop3A_554 = vector.broadcast %parallel_loop3A_553 : i32 to vector<16xi32>
        %parallel_loop3A_555 = arith.addi %and3A_35, %parallel_loop3A_554 : vector<16xi32>
        %parallel_loop3A_556 = tpu.vector_load_idx %arg7[%parallel_loop3A_232, %parallel_loop3A_555] : memref<128x64xf32, #tpu.memory_space<vmem>>[vector<16xi32>, vector<16xi32>], vector<16xf32>,
        %parallel_loop3A_557 = arith.constant 3 : i32
        %parallel_loop3A_558 = vector.broadcast %parallel_loop3A_557 : i32 to vector<16xi32>
        %parallel_loop3A_559 = arith.shrsi %parallel_loop3A_555, %parallel_loop3A_558 : vector<16xi32>
        %parallel_loop3A_560 = arith.constant 7 : i32
        %parallel_loop3A_561 = vector.broadcast %parallel_loop3A_560 : i32 to vector<16xi32>
        %parallel_loop3A_562 = arith.andi %parallel_loop3A_555, %parallel_loop3A_561 : vector<16xi32>
        tpu.vector_store_idx %arg9[%parallel_loop3A_559, %parallel_loop3A_562, %parallel_loop3A_232], %parallel_loop3A_556 : memref<8x8x128xf32, #tpu.memory_space<vmem>>[vector<16xi32>, vector<16xi32>, vector<16xi32>], vector<16xf32>,
        %parallel_loop3A_563 = arith.constant 32 : i32
        %parallel_loop3A_564 = vector.broadcast %parallel_loop3A_563 : i32 to vector<16xi32>
        %parallel_loop3A_565 = arith.addi %and3A_41, %parallel_loop3A_564 : vector<16xi32>
        %parallel_loop3A_566 = tpu.vector_load_idx %arg7[%parallel_loop3A_232, %parallel_loop3A_565] : memref<128x64xf32, #tpu.memory_space<vmem>>[vector<16xi32>, vector<16xi32>], vector<16xf32>,
        %parallel_loop3A_567 = arith.constant 3 : i32
        %parallel_loop3A_568 = vector.broadcast %parallel_loop3A_567 : i32 to vector<16xi32>
        %parallel_loop3A_569 = arith.shrsi %parallel_loop3A_565, %parallel_loop3A_568 : vector<16xi32>
        %parallel_loop3A_570 = arith.constant 7 : i32
        %parallel_loop3A_571 = vector.broadcast %parallel_loop3A_570 : i32 to vector<16xi32>
        %parallel_loop3A_572 = arith.andi %parallel_loop3A_565, %parallel_loop3A_571 : vector<16xi32>
        tpu.vector_store_idx %arg9[%parallel_loop3A_569, %parallel_loop3A_572, %parallel_loop3A_232], %parallel_loop3A_566 : memref<8x8x128xf32, #tpu.memory_space<vmem>>[vector<16xi32>, vector<16xi32>, vector<16xi32>], vector<16xf32>,
        %parallel_loop3A_573 = arith.constant 32 : i32
        %parallel_loop3A_574 = vector.broadcast %parallel_loop3A_573 : i32 to vector<16xi32>
        %parallel_loop3A_575 = arith.addi %and3A_47, %parallel_loop3A_574 : vector<16xi32>
        %parallel_loop3A_576 = tpu.vector_load_idx %arg7[%parallel_loop3A_232, %parallel_loop3A_575] : memref<128x64xf32, #tpu.memory_space<vmem>>[vector<16xi32>, vector<16xi32>], vector<16xf32>,
        %parallel_loop3A_577 = arith.constant 3 : i32
        %parallel_loop3A_578 = vector.broadcast %parallel_loop3A_577 : i32 to vector<16xi32>
        %parallel_loop3A_579 = arith.shrsi %parallel_loop3A_575, %parallel_loop3A_578 : vector<16xi32>
        %parallel_loop3A_580 = arith.constant 7 : i32
        %parallel_loop3A_581 = vector.broadcast %parallel_loop3A_580 : i32 to vector<16xi32>
        %parallel_loop3A_582 = arith.andi %parallel_loop3A_575, %parallel_loop3A_581 : vector<16xi32>
        tpu.vector_store_idx %arg9[%parallel_loop3A_579, %parallel_loop3A_582, %parallel_loop3A_232], %parallel_loop3A_576 : memref<8x8x128xf32, #tpu.memory_space<vmem>>[vector<16xi32>, vector<16xi32>, vector<16xi32>], vector<16xf32>,
        %parallel_loop3A_583 = arith.constant 32 : i32
        %parallel_loop3A_584 = vector.broadcast %parallel_loop3A_583 : i32 to vector<16xi32>
        %parallel_loop3A_585 = arith.addi %and3A_53, %parallel_loop3A_584 : vector<16xi32>
        %parallel_loop3A_586 = tpu.vector_load_idx %arg7[%parallel_loop3A_232, %parallel_loop3A_585] : memref<128x64xf32, #tpu.memory_space<vmem>>[vector<16xi32>, vector<16xi32>], vector<16xf32>,
        %parallel_loop3A_587 = arith.constant 3 : i32
        %parallel_loop3A_588 = vector.broadcast %parallel_loop3A_587 : i32 to vector<16xi32>
        %parallel_loop3A_589 = arith.shrsi %parallel_loop3A_585, %parallel_loop3A_588 : vector<16xi32>
        %parallel_loop3A_590 = arith.constant 7 : i32
        %parallel_loop3A_591 = vector.broadcast %parallel_loop3A_590 : i32 to vector<16xi32>
        %parallel_loop3A_592 = arith.andi %parallel_loop3A_585, %parallel_loop3A_591 : vector<16xi32>
        tpu.vector_store_idx %arg9[%parallel_loop3A_589, %parallel_loop3A_592, %parallel_loop3A_232], %parallel_loop3A_586 : memref<8x8x128xf32, #tpu.memory_space<vmem>>[vector<16xi32>, vector<16xi32>, vector<16xi32>], vector<16xf32>,
        %parallel_loop3A_593 = arith.constant 32 : i32
        %parallel_loop3A_594 = vector.broadcast %parallel_loop3A_593 : i32 to vector<16xi32>
        %parallel_loop3A_595 = arith.addi %and3A_59, %parallel_loop3A_594 : vector<16xi32>
        %parallel_loop3A_596 = tpu.vector_load_idx %arg7[%parallel_loop3A_232, %parallel_loop3A_595] : memref<128x64xf32, #tpu.memory_space<vmem>>[vector<16xi32>, vector<16xi32>], vector<16xf32>,
        %parallel_loop3A_597 = arith.constant 3 : i32
        %parallel_loop3A_598 = vector.broadcast %parallel_loop3A_597 : i32 to vector<16xi32>
        %parallel_loop3A_599 = arith.shrsi %parallel_loop3A_595, %parallel_loop3A_598 : vector<16xi32>
        %parallel_loop3A_600 = arith.constant 7 : i32
        %parallel_loop3A_601 = vector.broadcast %parallel_loop3A_600 : i32 to vector<16xi32>
        %parallel_loop3A_602 = arith.andi %parallel_loop3A_595, %parallel_loop3A_601 : vector<16xi32>
        tpu.vector_store_idx %arg9[%parallel_loop3A_599, %parallel_loop3A_602, %parallel_loop3A_232], %parallel_loop3A_596 : memref<8x8x128xf32, #tpu.memory_space<vmem>>[vector<16xi32>, vector<16xi32>, vector<16xi32>], vector<16xf32>,
        %parallel_loop3A_603 = arith.constant 32 : i32
        %parallel_loop3A_604 = vector.broadcast %parallel_loop3A_603 : i32 to vector<16xi32>
        %parallel_loop3A_605 = arith.addi %and3A_65, %parallel_loop3A_604 : vector<16xi32>
        %parallel_loop3A_606 = tpu.vector_load_idx %arg7[%parallel_loop3A_232, %parallel_loop3A_605] : memref<128x64xf32, #tpu.memory_space<vmem>>[vector<16xi32>, vector<16xi32>], vector<16xf32>,
        %parallel_loop3A_607 = arith.constant 3 : i32
        %parallel_loop3A_608 = vector.broadcast %parallel_loop3A_607 : i32 to vector<16xi32>
        %parallel_loop3A_609 = arith.shrsi %parallel_loop3A_605, %parallel_loop3A_608 : vector<16xi32>
        %parallel_loop3A_610 = arith.constant 7 : i32
        %parallel_loop3A_611 = vector.broadcast %parallel_loop3A_610 : i32 to vector<16xi32>
        %parallel_loop3A_612 = arith.andi %parallel_loop3A_605, %parallel_loop3A_611 : vector<16xi32>
        tpu.vector_store_idx %arg9[%parallel_loop3A_609, %parallel_loop3A_612, %parallel_loop3A_232], %parallel_loop3A_606 : memref<8x8x128xf32, #tpu.memory_space<vmem>>[vector<16xi32>, vector<16xi32>, vector<16xi32>], vector<16xf32>,
        %parallel_loop3A_613 = arith.constant 32 : i32
        %parallel_loop3A_614 = vector.broadcast %parallel_loop3A_613 : i32 to vector<16xi32>
        %parallel_loop3A_615 = arith.addi %and3A_71, %parallel_loop3A_614 : vector<16xi32>
        %parallel_loop3A_616 = tpu.vector_load_idx %arg7[%parallel_loop3A_232, %parallel_loop3A_615] : memref<128x64xf32, #tpu.memory_space<vmem>>[vector<16xi32>, vector<16xi32>], vector<16xf32>,
        %parallel_loop3A_617 = arith.constant 3 : i32
        %parallel_loop3A_618 = vector.broadcast %parallel_loop3A_617 : i32 to vector<16xi32>
        %parallel_loop3A_619 = arith.shrsi %parallel_loop3A_615, %parallel_loop3A_618 : vector<16xi32>
        %parallel_loop3A_620 = arith.constant 7 : i32
        %parallel_loop3A_621 = vector.broadcast %parallel_loop3A_620 : i32 to vector<16xi32>
        %parallel_loop3A_622 = arith.andi %parallel_loop3A_615, %parallel_loop3A_621 : vector<16xi32>
        tpu.vector_store_idx %arg9[%parallel_loop3A_619, %parallel_loop3A_622, %parallel_loop3A_232], %parallel_loop3A_616 : memref<8x8x128xf32, #tpu.memory_space<vmem>>[vector<16xi32>, vector<16xi32>, vector<16xi32>], vector<16xf32>,
        %parallel_loop3A_623 = arith.constant 32 : i32
        %parallel_loop3A_624 = vector.broadcast %parallel_loop3A_623 : i32 to vector<16xi32>
        %parallel_loop3A_625 = arith.addi %and3A_77, %parallel_loop3A_624 : vector<16xi32>
        %parallel_loop3A_626 = tpu.vector_load_idx %arg7[%parallel_loop3A_232, %parallel_loop3A_625] : memref<128x64xf32, #tpu.memory_space<vmem>>[vector<16xi32>, vector<16xi32>], vector<16xf32>,
        %parallel_loop3A_627 = arith.constant 3 : i32
        %parallel_loop3A_628 = vector.broadcast %parallel_loop3A_627 : i32 to vector<16xi32>
        %parallel_loop3A_629 = arith.shrsi %parallel_loop3A_625, %parallel_loop3A_628 : vector<16xi32>
        %parallel_loop3A_630 = arith.constant 7 : i32
        %parallel_loop3A_631 = vector.broadcast %parallel_loop3A_630 : i32 to vector<16xi32>
        %parallel_loop3A_632 = arith.andi %parallel_loop3A_625, %parallel_loop3A_631 : vector<16xi32>
        tpu.vector_store_idx %arg9[%parallel_loop3A_629, %parallel_loop3A_632, %parallel_loop3A_232], %parallel_loop3A_626 : memref<8x8x128xf32, #tpu.memory_space<vmem>>[vector<16xi32>, vector<16xi32>, vector<16xi32>], vector<16xf32>,
        %parallel_loop3A_633 = arith.constant 32 : i32
        %parallel_loop3A_634 = vector.broadcast %parallel_loop3A_633 : i32 to vector<16xi32>
        %parallel_loop3A_635 = arith.addi %and3A_83, %parallel_loop3A_634 : vector<16xi32>
        %parallel_loop3A_636 = tpu.vector_load_idx %arg7[%parallel_loop3A_232, %parallel_loop3A_635] : memref<128x64xf32, #tpu.memory_space<vmem>>[vector<16xi32>, vector<16xi32>], vector<16xf32>,
        %parallel_loop3A_637 = arith.constant 3 : i32
        %parallel_loop3A_638 = vector.broadcast %parallel_loop3A_637 : i32 to vector<16xi32>
        %parallel_loop3A_639 = arith.shrsi %parallel_loop3A_635, %parallel_loop3A_638 : vector<16xi32>
        %parallel_loop3A_640 = arith.constant 7 : i32
        %parallel_loop3A_641 = vector.broadcast %parallel_loop3A_640 : i32 to vector<16xi32>
        %parallel_loop3A_642 = arith.andi %parallel_loop3A_635, %parallel_loop3A_641 : vector<16xi32>
        tpu.vector_store_idx %arg9[%parallel_loop3A_639, %parallel_loop3A_642, %parallel_loop3A_232], %parallel_loop3A_636 : memref<8x8x128xf32, #tpu.memory_space<vmem>>[vector<16xi32>, vector<16xi32>, vector<16xi32>], vector<16xf32>,
        %parallel_loop3A_643 = arith.constant 32 : i32
        %parallel_loop3A_644 = vector.broadcast %parallel_loop3A_643 : i32 to vector<16xi32>
        %parallel_loop3A_645 = arith.addi %and3A_89, %parallel_loop3A_644 : vector<16xi32>
        %parallel_loop3A_646 = tpu.vector_load_idx %arg7[%parallel_loop3A_232, %parallel_loop3A_645] : memref<128x64xf32, #tpu.memory_space<vmem>>[vector<16xi32>, vector<16xi32>], vector<16xf32>,
        %parallel_loop3A_647 = arith.constant 3 : i32
        %parallel_loop3A_648 = vector.broadcast %parallel_loop3A_647 : i32 to vector<16xi32>
        %parallel_loop3A_649 = arith.shrsi %parallel_loop3A_645, %parallel_loop3A_648 : vector<16xi32>
        %parallel_loop3A_650 = arith.constant 7 : i32
        %parallel_loop3A_651 = vector.broadcast %parallel_loop3A_650 : i32 to vector<16xi32>
        %parallel_loop3A_652 = arith.andi %parallel_loop3A_645, %parallel_loop3A_651 : vector<16xi32>
        tpu.vector_store_idx %arg9[%parallel_loop3A_649, %parallel_loop3A_652, %parallel_loop3A_232], %parallel_loop3A_646 : memref<8x8x128xf32, #tpu.memory_space<vmem>>[vector<16xi32>, vector<16xi32>, vector<16xi32>], vector<16xf32>,
        %parallel_loop3A_653 = arith.constant 32 : i32
        %parallel_loop3A_654 = vector.broadcast %parallel_loop3A_653 : i32 to vector<16xi32>
        %parallel_loop3A_655 = arith.addi %and3A_95, %parallel_loop3A_654 : vector<16xi32>
        %parallel_loop3A_656 = tpu.vector_load_idx %arg7[%parallel_loop3A_232, %parallel_loop3A_655] : memref<128x64xf32, #tpu.memory_space<vmem>>[vector<16xi32>, vector<16xi32>], vector<16xf32>,
        %parallel_loop3A_657 = arith.constant 3 : i32
        %parallel_loop3A_658 = vector.broadcast %parallel_loop3A_657 : i32 to vector<16xi32>
        %parallel_loop3A_659 = arith.shrsi %parallel_loop3A_655, %parallel_loop3A_658 : vector<16xi32>
        %parallel_loop3A_660 = arith.constant 7 : i32
        %parallel_loop3A_661 = vector.broadcast %parallel_loop3A_660 : i32 to vector<16xi32>
        %parallel_loop3A_662 = arith.andi %parallel_loop3A_655, %parallel_loop3A_661 : vector<16xi32>
        tpu.vector_store_idx %arg9[%parallel_loop3A_659, %parallel_loop3A_662, %parallel_loop3A_232], %parallel_loop3A_656 : memref<8x8x128xf32, #tpu.memory_space<vmem>>[vector<16xi32>, vector<16xi32>, vector<16xi32>], vector<16xf32>,
        %parallel_loop3A_663 = arith.constant 32 : i32
        %parallel_loop3A_664 = vector.broadcast %parallel_loop3A_663 : i32 to vector<16xi32>
        %parallel_loop3A_665 = arith.addi %and3A_101, %parallel_loop3A_664 : vector<16xi32>
        %parallel_loop3A_666 = tpu.vector_load_idx %arg7[%parallel_loop3A_232, %parallel_loop3A_665] : memref<128x64xf32, #tpu.memory_space<vmem>>[vector<16xi32>, vector<16xi32>], vector<16xf32>,
        %parallel_loop3A_667 = arith.constant 3 : i32
        %parallel_loop3A_668 = vector.broadcast %parallel_loop3A_667 : i32 to vector<16xi32>
        %parallel_loop3A_669 = arith.shrsi %parallel_loop3A_665, %parallel_loop3A_668 : vector<16xi32>
        %parallel_loop3A_670 = arith.constant 7 : i32
        %parallel_loop3A_671 = vector.broadcast %parallel_loop3A_670 : i32 to vector<16xi32>
        %parallel_loop3A_672 = arith.andi %parallel_loop3A_665, %parallel_loop3A_671 : vector<16xi32>
        tpu.vector_store_idx %arg9[%parallel_loop3A_669, %parallel_loop3A_672, %parallel_loop3A_232], %parallel_loop3A_666 : memref<8x8x128xf32, #tpu.memory_space<vmem>>[vector<16xi32>, vector<16xi32>, vector<16xi32>], vector<16xf32>,
        %parallel_loop3A_673 = arith.constant 32 : i32
        %parallel_loop3A_674 = vector.broadcast %parallel_loop3A_673 : i32 to vector<16xi32>
        %parallel_loop3A_675 = arith.addi %and3A_107, %parallel_loop3A_674 : vector<16xi32>
        %parallel_loop3A_676 = tpu.vector_load_idx %arg7[%parallel_loop3A_232, %parallel_loop3A_675] : memref<128x64xf32, #tpu.memory_space<vmem>>[vector<16xi32>, vector<16xi32>], vector<16xf32>,
        %parallel_loop3A_677 = arith.constant 3 : i32
        %parallel_loop3A_678 = vector.broadcast %parallel_loop3A_677 : i32 to vector<16xi32>
        %parallel_loop3A_679 = arith.shrsi %parallel_loop3A_675, %parallel_loop3A_678 : vector<16xi32>
        %parallel_loop3A_680 = arith.constant 7 : i32
        %parallel_loop3A_681 = vector.broadcast %parallel_loop3A_680 : i32 to vector<16xi32>
        %parallel_loop3A_682 = arith.andi %parallel_loop3A_675, %parallel_loop3A_681 : vector<16xi32>
        tpu.vector_store_idx %arg9[%parallel_loop3A_679, %parallel_loop3A_682, %parallel_loop3A_232], %parallel_loop3A_676 : memref<8x8x128xf32, #tpu.memory_space<vmem>>[vector<16xi32>, vector<16xi32>, vector<16xi32>], vector<16xf32>,
        %parallel_loop3A_683 = arith.constant 32 : i32
        %parallel_loop3A_684 = vector.broadcast %parallel_loop3A_683 : i32 to vector<16xi32>
        %parallel_loop3A_685 = arith.addi %and3A_113, %parallel_loop3A_684 : vector<16xi32>
        %parallel_loop3A_686 = tpu.vector_load_idx %arg7[%parallel_loop3A_232, %parallel_loop3A_685] : memref<128x64xf32, #tpu.memory_space<vmem>>[vector<16xi32>, vector<16xi32>], vector<16xf32>,
        %parallel_loop3A_687 = arith.constant 3 : i32
        %parallel_loop3A_688 = vector.broadcast %parallel_loop3A_687 : i32 to vector<16xi32>
        %parallel_loop3A_689 = arith.shrsi %parallel_loop3A_685, %parallel_loop3A_688 : vector<16xi32>
        %parallel_loop3A_690 = arith.constant 7 : i32
        %parallel_loop3A_691 = vector.broadcast %parallel_loop3A_690 : i32 to vector<16xi32>
        %parallel_loop3A_692 = arith.andi %parallel_loop3A_685, %parallel_loop3A_691 : vector<16xi32>
        tpu.vector_store_idx %arg9[%parallel_loop3A_689, %parallel_loop3A_692, %parallel_loop3A_232], %parallel_loop3A_686 : memref<8x8x128xf32, #tpu.memory_space<vmem>>[vector<16xi32>, vector<16xi32>, vector<16xi32>], vector<16xf32>,
        %parallel_loop3A_693 = arith.constant 32 : i32
        %parallel_loop3A_694 = vector.broadcast %parallel_loop3A_693 : i32 to vector<16xi32>
        %parallel_loop3A_695 = arith.addi %and3A_119, %parallel_loop3A_694 : vector<16xi32>
        %parallel_loop3A_696 = tpu.vector_load_idx %arg7[%parallel_loop3A_232, %parallel_loop3A_695] : memref<128x64xf32, #tpu.memory_space<vmem>>[vector<16xi32>, vector<16xi32>], vector<16xf32>,
        %parallel_loop3A_697 = arith.constant 3 : i32
        %parallel_loop3A_698 = vector.broadcast %parallel_loop3A_697 : i32 to vector<16xi32>
        %parallel_loop3A_699 = arith.shrsi %parallel_loop3A_695, %parallel_loop3A_698 : vector<16xi32>
        %parallel_loop3A_700 = arith.constant 7 : i32
        %parallel_loop3A_701 = vector.broadcast %parallel_loop3A_700 : i32 to vector<16xi32>
        %parallel_loop3A_702 = arith.andi %parallel_loop3A_695, %parallel_loop3A_701 : vector<16xi32>
        tpu.vector_store_idx %arg9[%parallel_loop3A_699, %parallel_loop3A_702, %parallel_loop3A_232], %parallel_loop3A_696 : memref<8x8x128xf32, #tpu.memory_space<vmem>>[vector<16xi32>, vector<16xi32>, vector<16xi32>], vector<16xf32>,
        %parallel_loop3A_703 = arith.constant 32 : i32
        %parallel_loop3A_704 = vector.broadcast %parallel_loop3A_703 : i32 to vector<16xi32>
        %parallel_loop3A_705 = arith.addi %and3A_125, %parallel_loop3A_704 : vector<16xi32>
        %parallel_loop3A_706 = tpu.vector_load_idx %arg7[%parallel_loop3A_232, %parallel_loop3A_705] : memref<128x64xf32, #tpu.memory_space<vmem>>[vector<16xi32>, vector<16xi32>], vector<16xf32>,
        %parallel_loop3A_707 = arith.constant 3 : i32
        %parallel_loop3A_708 = vector.broadcast %parallel_loop3A_707 : i32 to vector<16xi32>
        %parallel_loop3A_709 = arith.shrsi %parallel_loop3A_705, %parallel_loop3A_708 : vector<16xi32>
        %parallel_loop3A_710 = arith.constant 7 : i32
        %parallel_loop3A_711 = vector.broadcast %parallel_loop3A_710 : i32 to vector<16xi32>
        %parallel_loop3A_712 = arith.andi %parallel_loop3A_705, %parallel_loop3A_711 : vector<16xi32>
        tpu.vector_store_idx %arg9[%parallel_loop3A_709, %parallel_loop3A_712, %parallel_loop3A_232], %parallel_loop3A_706 : memref<8x8x128xf32, #tpu.memory_space<vmem>>[vector<16xi32>, vector<16xi32>, vector<16xi32>], vector<16xf32>,
        %parallel_loop3A_713 = arith.constant 48 : i32
        %parallel_loop3A_714 = vector.broadcast %parallel_loop3A_713 : i32 to vector<16xi32>
        %parallel_loop3A_715 = arith.addi %and3A_35, %parallel_loop3A_714 : vector<16xi32>
        %parallel_loop3A_716 = tpu.vector_load_idx %arg7[%parallel_loop3A_232, %parallel_loop3A_715] : memref<128x64xf32, #tpu.memory_space<vmem>>[vector<16xi32>, vector<16xi32>], vector<16xf32>,
        %parallel_loop3A_717 = arith.constant 3 : i32
        %parallel_loop3A_718 = vector.broadcast %parallel_loop3A_717 : i32 to vector<16xi32>
        %parallel_loop3A_719 = arith.shrsi %parallel_loop3A_715, %parallel_loop3A_718 : vector<16xi32>
        %parallel_loop3A_720 = arith.constant 7 : i32
        %parallel_loop3A_721 = vector.broadcast %parallel_loop3A_720 : i32 to vector<16xi32>
        %parallel_loop3A_722 = arith.andi %parallel_loop3A_715, %parallel_loop3A_721 : vector<16xi32>
        tpu.vector_store_idx %arg9[%parallel_loop3A_719, %parallel_loop3A_722, %parallel_loop3A_232], %parallel_loop3A_716 : memref<8x8x128xf32, #tpu.memory_space<vmem>>[vector<16xi32>, vector<16xi32>, vector<16xi32>], vector<16xf32>,
        %parallel_loop3A_723 = arith.constant 48 : i32
        %parallel_loop3A_724 = vector.broadcast %parallel_loop3A_723 : i32 to vector<16xi32>
        %parallel_loop3A_725 = arith.addi %and3A_41, %parallel_loop3A_724 : vector<16xi32>
        %parallel_loop3A_726 = tpu.vector_load_idx %arg7[%parallel_loop3A_232, %parallel_loop3A_725] : memref<128x64xf32, #tpu.memory_space<vmem>>[vector<16xi32>, vector<16xi32>], vector<16xf32>,
        %parallel_loop3A_727 = arith.constant 3 : i32
        %parallel_loop3A_728 = vector.broadcast %parallel_loop3A_727 : i32 to vector<16xi32>
        %parallel_loop3A_729 = arith.shrsi %parallel_loop3A_725, %parallel_loop3A_728 : vector<16xi32>
        %parallel_loop3A_730 = arith.constant 7 : i32
        %parallel_loop3A_731 = vector.broadcast %parallel_loop3A_730 : i32 to vector<16xi32>
        %parallel_loop3A_732 = arith.andi %parallel_loop3A_725, %parallel_loop3A_731 : vector<16xi32>
        tpu.vector_store_idx %arg9[%parallel_loop3A_729, %parallel_loop3A_732, %parallel_loop3A_232], %parallel_loop3A_726 : memref<8x8x128xf32, #tpu.memory_space<vmem>>[vector<16xi32>, vector<16xi32>, vector<16xi32>], vector<16xf32>,
        %parallel_loop3A_733 = arith.constant 48 : i32
        %parallel_loop3A_734 = vector.broadcast %parallel_loop3A_733 : i32 to vector<16xi32>
        %parallel_loop3A_735 = arith.addi %and3A_47, %parallel_loop3A_734 : vector<16xi32>
        %parallel_loop3A_736 = tpu.vector_load_idx %arg7[%parallel_loop3A_232, %parallel_loop3A_735] : memref<128x64xf32, #tpu.memory_space<vmem>>[vector<16xi32>, vector<16xi32>], vector<16xf32>,
        %parallel_loop3A_737 = arith.constant 3 : i32
        %parallel_loop3A_738 = vector.broadcast %parallel_loop3A_737 : i32 to vector<16xi32>
        %parallel_loop3A_739 = arith.shrsi %parallel_loop3A_735, %parallel_loop3A_738 : vector<16xi32>
        %parallel_loop3A_740 = arith.constant 7 : i32
        %parallel_loop3A_741 = vector.broadcast %parallel_loop3A_740 : i32 to vector<16xi32>
        %parallel_loop3A_742 = arith.andi %parallel_loop3A_735, %parallel_loop3A_741 : vector<16xi32>
        tpu.vector_store_idx %arg9[%parallel_loop3A_739, %parallel_loop3A_742, %parallel_loop3A_232], %parallel_loop3A_736 : memref<8x8x128xf32, #tpu.memory_space<vmem>>[vector<16xi32>, vector<16xi32>, vector<16xi32>], vector<16xf32>,
        %parallel_loop3A_743 = arith.constant 48 : i32
        %parallel_loop3A_744 = vector.broadcast %parallel_loop3A_743 : i32 to vector<16xi32>
        %parallel_loop3A_745 = arith.addi %and3A_53, %parallel_loop3A_744 : vector<16xi32>
        %parallel_loop3A_746 = tpu.vector_load_idx %arg7[%parallel_loop3A_232, %parallel_loop3A_745] : memref<128x64xf32, #tpu.memory_space<vmem>>[vector<16xi32>, vector<16xi32>], vector<16xf32>,
        %parallel_loop3A_747 = arith.constant 3 : i32
        %parallel_loop3A_748 = vector.broadcast %parallel_loop3A_747 : i32 to vector<16xi32>
        %parallel_loop3A_749 = arith.shrsi %parallel_loop3A_745, %parallel_loop3A_748 : vector<16xi32>
        %parallel_loop3A_750 = arith.constant 7 : i32
        %parallel_loop3A_751 = vector.broadcast %parallel_loop3A_750 : i32 to vector<16xi32>
        %parallel_loop3A_752 = arith.andi %parallel_loop3A_745, %parallel_loop3A_751 : vector<16xi32>
        tpu.vector_store_idx %arg9[%parallel_loop3A_749, %parallel_loop3A_752, %parallel_loop3A_232], %parallel_loop3A_746 : memref<8x8x128xf32, #tpu.memory_space<vmem>>[vector<16xi32>, vector<16xi32>, vector<16xi32>], vector<16xf32>,
        %parallel_loop3A_753 = arith.constant 48 : i32
        %parallel_loop3A_754 = vector.broadcast %parallel_loop3A_753 : i32 to vector<16xi32>
        %parallel_loop3A_755 = arith.addi %and3A_59, %parallel_loop3A_754 : vector<16xi32>
        %parallel_loop3A_756 = tpu.vector_load_idx %arg7[%parallel_loop3A_232, %parallel_loop3A_755] : memref<128x64xf32, #tpu.memory_space<vmem>>[vector<16xi32>, vector<16xi32>], vector<16xf32>,
        %parallel_loop3A_757 = arith.constant 3 : i32
        %parallel_loop3A_758 = vector.broadcast %parallel_loop3A_757 : i32 to vector<16xi32>
        %parallel_loop3A_759 = arith.shrsi %parallel_loop3A_755, %parallel_loop3A_758 : vector<16xi32>
        %parallel_loop3A_760 = arith.constant 7 : i32
        %parallel_loop3A_761 = vector.broadcast %parallel_loop3A_760 : i32 to vector<16xi32>
        %parallel_loop3A_762 = arith.andi %parallel_loop3A_755, %parallel_loop3A_761 : vector<16xi32>
        tpu.vector_store_idx %arg9[%parallel_loop3A_759, %parallel_loop3A_762, %parallel_loop3A_232], %parallel_loop3A_756 : memref<8x8x128xf32, #tpu.memory_space<vmem>>[vector<16xi32>, vector<16xi32>, vector<16xi32>], vector<16xf32>,
        %parallel_loop3A_763 = arith.constant 48 : i32
        %parallel_loop3A_764 = vector.broadcast %parallel_loop3A_763 : i32 to vector<16xi32>
        %parallel_loop3A_765 = arith.addi %and3A_65, %parallel_loop3A_764 : vector<16xi32>
        %parallel_loop3A_766 = tpu.vector_load_idx %arg7[%parallel_loop3A_232, %parallel_loop3A_765] : memref<128x64xf32, #tpu.memory_space<vmem>>[vector<16xi32>, vector<16xi32>], vector<16xf32>,
        %parallel_loop3A_767 = arith.constant 3 : i32
        %parallel_loop3A_768 = vector.broadcast %parallel_loop3A_767 : i32 to vector<16xi32>
        %parallel_loop3A_769 = arith.shrsi %parallel_loop3A_765, %parallel_loop3A_768 : vector<16xi32>
        %parallel_loop3A_770 = arith.constant 7 : i32
        %parallel_loop3A_771 = vector.broadcast %parallel_loop3A_770 : i32 to vector<16xi32>
        %parallel_loop3A_772 = arith.andi %parallel_loop3A_765, %parallel_loop3A_771 : vector<16xi32>
        tpu.vector_store_idx %arg9[%parallel_loop3A_769, %parallel_loop3A_772, %parallel_loop3A_232], %parallel_loop3A_766 : memref<8x8x128xf32, #tpu.memory_space<vmem>>[vector<16xi32>, vector<16xi32>, vector<16xi32>], vector<16xf32>,
        %parallel_loop3A_773 = arith.constant 48 : i32
        %parallel_loop3A_774 = vector.broadcast %parallel_loop3A_773 : i32 to vector<16xi32>
        %parallel_loop3A_775 = arith.addi %and3A_71, %parallel_loop3A_774 : vector<16xi32>
        %parallel_loop3A_776 = tpu.vector_load_idx %arg7[%parallel_loop3A_232, %parallel_loop3A_775] : memref<128x64xf32, #tpu.memory_space<vmem>>[vector<16xi32>, vector<16xi32>], vector<16xf32>,
        %parallel_loop3A_777 = arith.constant 3 : i32
        %parallel_loop3A_778 = vector.broadcast %parallel_loop3A_777 : i32 to vector<16xi32>
        %parallel_loop3A_779 = arith.shrsi %parallel_loop3A_775, %parallel_loop3A_778 : vector<16xi32>
        %parallel_loop3A_780 = arith.constant 7 : i32
        %parallel_loop3A_781 = vector.broadcast %parallel_loop3A_780 : i32 to vector<16xi32>
        %parallel_loop3A_782 = arith.andi %parallel_loop3A_775, %parallel_loop3A_781 : vector<16xi32>
        tpu.vector_store_idx %arg9[%parallel_loop3A_779, %parallel_loop3A_782, %parallel_loop3A_232], %parallel_loop3A_776 : memref<8x8x128xf32, #tpu.memory_space<vmem>>[vector<16xi32>, vector<16xi32>, vector<16xi32>], vector<16xf32>,
        %parallel_loop3A_783 = arith.constant 48 : i32
        %parallel_loop3A_784 = vector.broadcast %parallel_loop3A_783 : i32 to vector<16xi32>
        %parallel_loop3A_785 = arith.addi %and3A_77, %parallel_loop3A_784 : vector<16xi32>
        %parallel_loop3A_786 = tpu.vector_load_idx %arg7[%parallel_loop3A_232, %parallel_loop3A_785] : memref<128x64xf32, #tpu.memory_space<vmem>>[vector<16xi32>, vector<16xi32>], vector<16xf32>,
        %parallel_loop3A_787 = arith.constant 3 : i32
        %parallel_loop3A_788 = vector.broadcast %parallel_loop3A_787 : i32 to vector<16xi32>
        %parallel_loop3A_789 = arith.shrsi %parallel_loop3A_785, %parallel_loop3A_788 : vector<16xi32>
        %parallel_loop3A_790 = arith.constant 7 : i32
        %parallel_loop3A_791 = vector.broadcast %parallel_loop3A_790 : i32 to vector<16xi32>
        %parallel_loop3A_792 = arith.andi %parallel_loop3A_785, %parallel_loop3A_791 : vector<16xi32>
        tpu.vector_store_idx %arg9[%parallel_loop3A_789, %parallel_loop3A_792, %parallel_loop3A_232], %parallel_loop3A_786 : memref<8x8x128xf32, #tpu.memory_space<vmem>>[vector<16xi32>, vector<16xi32>, vector<16xi32>], vector<16xf32>,
        %parallel_loop3A_793 = arith.constant 48 : i32
        %parallel_loop3A_794 = vector.broadcast %parallel_loop3A_793 : i32 to vector<16xi32>
        %parallel_loop3A_795 = arith.addi %and3A_83, %parallel_loop3A_794 : vector<16xi32>
        %parallel_loop3A_796 = tpu.vector_load_idx %arg7[%parallel_loop3A_232, %parallel_loop3A_795] : memref<128x64xf32, #tpu.memory_space<vmem>>[vector<16xi32>, vector<16xi32>], vector<16xf32>,
        %parallel_loop3A_797 = arith.constant 3 : i32
        %parallel_loop3A_798 = vector.broadcast %parallel_loop3A_797 : i32 to vector<16xi32>
        %parallel_loop3A_799 = arith.shrsi %parallel_loop3A_795, %parallel_loop3A_798 : vector<16xi32>
        %parallel_loop3A_800 = arith.constant 7 : i32
        %parallel_loop3A_801 = vector.broadcast %parallel_loop3A_800 : i32 to vector<16xi32>
        %parallel_loop3A_802 = arith.andi %parallel_loop3A_795, %parallel_loop3A_801 : vector<16xi32>
        tpu.vector_store_idx %arg9[%parallel_loop3A_799, %parallel_loop3A_802, %parallel_loop3A_232], %parallel_loop3A_796 : memref<8x8x128xf32, #tpu.memory_space<vmem>>[vector<16xi32>, vector<16xi32>, vector<16xi32>], vector<16xf32>,
        %parallel_loop3A_803 = arith.constant 48 : i32
        %parallel_loop3A_804 = vector.broadcast %parallel_loop3A_803 : i32 to vector<16xi32>
        %parallel_loop3A_805 = arith.addi %and3A_89, %parallel_loop3A_804 : vector<16xi32>
        %parallel_loop3A_806 = tpu.vector_load_idx %arg7[%parallel_loop3A_232, %parallel_loop3A_805] : memref<128x64xf32, #tpu.memory_space<vmem>>[vector<16xi32>, vector<16xi32>], vector<16xf32>,
        %parallel_loop3A_807 = arith.constant 3 : i32
        %parallel_loop3A_808 = vector.broadcast %parallel_loop3A_807 : i32 to vector<16xi32>
        %parallel_loop3A_809 = arith.shrsi %parallel_loop3A_805, %parallel_loop3A_808 : vector<16xi32>
        %parallel_loop3A_810 = arith.constant 7 : i32
        %parallel_loop3A_811 = vector.broadcast %parallel_loop3A_810 : i32 to vector<16xi32>
        %parallel_loop3A_812 = arith.andi %parallel_loop3A_805, %parallel_loop3A_811 : vector<16xi32>
        tpu.vector_store_idx %arg9[%parallel_loop3A_809, %parallel_loop3A_812, %parallel_loop3A_232], %parallel_loop3A_806 : memref<8x8x128xf32, #tpu.memory_space<vmem>>[vector<16xi32>, vector<16xi32>, vector<16xi32>], vector<16xf32>,
        %parallel_loop3A_813 = arith.constant 48 : i32
        %parallel_loop3A_814 = vector.broadcast %parallel_loop3A_813 : i32 to vector<16xi32>
        %parallel_loop3A_815 = arith.addi %and3A_95, %parallel_loop3A_814 : vector<16xi32>
        %parallel_loop3A_816 = tpu.vector_load_idx %arg7[%parallel_loop3A_232, %parallel_loop3A_815] : memref<128x64xf32, #tpu.memory_space<vmem>>[vector<16xi32>, vector<16xi32>], vector<16xf32>,
        %parallel_loop3A_817 = arith.constant 3 : i32
        %parallel_loop3A_818 = vector.broadcast %parallel_loop3A_817 : i32 to vector<16xi32>
        %parallel_loop3A_819 = arith.shrsi %parallel_loop3A_815, %parallel_loop3A_818 : vector<16xi32>
        %parallel_loop3A_820 = arith.constant 7 : i32
        %parallel_loop3A_821 = vector.broadcast %parallel_loop3A_820 : i32 to vector<16xi32>
        %parallel_loop3A_822 = arith.andi %parallel_loop3A_815, %parallel_loop3A_821 : vector<16xi32>
        tpu.vector_store_idx %arg9[%parallel_loop3A_819, %parallel_loop3A_822, %parallel_loop3A_232], %parallel_loop3A_816 : memref<8x8x128xf32, #tpu.memory_space<vmem>>[vector<16xi32>, vector<16xi32>, vector<16xi32>], vector<16xf32>,
        %parallel_loop3A_823 = arith.constant 48 : i32
        %parallel_loop3A_824 = vector.broadcast %parallel_loop3A_823 : i32 to vector<16xi32>
        %parallel_loop3A_825 = arith.addi %and3A_101, %parallel_loop3A_824 : vector<16xi32>
        %parallel_loop3A_826 = tpu.vector_load_idx %arg7[%parallel_loop3A_232, %parallel_loop3A_825] : memref<128x64xf32, #tpu.memory_space<vmem>>[vector<16xi32>, vector<16xi32>], vector<16xf32>,
        %parallel_loop3A_827 = arith.constant 3 : i32
        %parallel_loop3A_828 = vector.broadcast %parallel_loop3A_827 : i32 to vector<16xi32>
        %parallel_loop3A_829 = arith.shrsi %parallel_loop3A_825, %parallel_loop3A_828 : vector<16xi32>
        %parallel_loop3A_830 = arith.constant 7 : i32
        %parallel_loop3A_831 = vector.broadcast %parallel_loop3A_830 : i32 to vector<16xi32>
        %parallel_loop3A_832 = arith.andi %parallel_loop3A_825, %parallel_loop3A_831 : vector<16xi32>
        tpu.vector_store_idx %arg9[%parallel_loop3A_829, %parallel_loop3A_832, %parallel_loop3A_232], %parallel_loop3A_826 : memref<8x8x128xf32, #tpu.memory_space<vmem>>[vector<16xi32>, vector<16xi32>, vector<16xi32>], vector<16xf32>,
        %parallel_loop3A_833 = arith.constant 48 : i32
        %parallel_loop3A_834 = vector.broadcast %parallel_loop3A_833 : i32 to vector<16xi32>
        %parallel_loop3A_835 = arith.addi %and3A_107, %parallel_loop3A_834 : vector<16xi32>
        %parallel_loop3A_836 = tpu.vector_load_idx %arg7[%parallel_loop3A_232, %parallel_loop3A_835] : memref<128x64xf32, #tpu.memory_space<vmem>>[vector<16xi32>, vector<16xi32>], vector<16xf32>,
        %parallel_loop3A_837 = arith.constant 3 : i32
        %parallel_loop3A_838 = vector.broadcast %parallel_loop3A_837 : i32 to vector<16xi32>
        %parallel_loop3A_839 = arith.shrsi %parallel_loop3A_835, %parallel_loop3A_838 : vector<16xi32>
        %parallel_loop3A_840 = arith.constant 7 : i32
        %parallel_loop3A_841 = vector.broadcast %parallel_loop3A_840 : i32 to vector<16xi32>
        %parallel_loop3A_842 = arith.andi %parallel_loop3A_835, %parallel_loop3A_841 : vector<16xi32>
        tpu.vector_store_idx %arg9[%parallel_loop3A_839, %parallel_loop3A_842, %parallel_loop3A_232], %parallel_loop3A_836 : memref<8x8x128xf32, #tpu.memory_space<vmem>>[vector<16xi32>, vector<16xi32>, vector<16xi32>], vector<16xf32>,
        %parallel_loop3A_843 = arith.constant 48 : i32
        %parallel_loop3A_844 = vector.broadcast %parallel_loop3A_843 : i32 to vector<16xi32>
        %parallel_loop3A_845 = arith.addi %and3A_113, %parallel_loop3A_844 : vector<16xi32>
        %parallel_loop3A_846 = tpu.vector_load_idx %arg7[%parallel_loop3A_232, %parallel_loop3A_845] : memref<128x64xf32, #tpu.memory_space<vmem>>[vector<16xi32>, vector<16xi32>], vector<16xf32>,
        %parallel_loop3A_847 = arith.constant 3 : i32
        %parallel_loop3A_848 = vector.broadcast %parallel_loop3A_847 : i32 to vector<16xi32>
        %parallel_loop3A_849 = arith.shrsi %parallel_loop3A_845, %parallel_loop3A_848 : vector<16xi32>
        %parallel_loop3A_850 = arith.constant 7 : i32
        %parallel_loop3A_851 = vector.broadcast %parallel_loop3A_850 : i32 to vector<16xi32>
        %parallel_loop3A_852 = arith.andi %parallel_loop3A_845, %parallel_loop3A_851 : vector<16xi32>
        tpu.vector_store_idx %arg9[%parallel_loop3A_849, %parallel_loop3A_852, %parallel_loop3A_232], %parallel_loop3A_846 : memref<8x8x128xf32, #tpu.memory_space<vmem>>[vector<16xi32>, vector<16xi32>, vector<16xi32>], vector<16xf32>,
        %parallel_loop3A_853 = arith.constant 48 : i32
        %parallel_loop3A_854 = vector.broadcast %parallel_loop3A_853 : i32 to vector<16xi32>
        %parallel_loop3A_855 = arith.addi %and3A_119, %parallel_loop3A_854 : vector<16xi32>
        %parallel_loop3A_856 = tpu.vector_load_idx %arg7[%parallel_loop3A_232, %parallel_loop3A_855] : memref<128x64xf32, #tpu.memory_space<vmem>>[vector<16xi32>, vector<16xi32>], vector<16xf32>,
        %parallel_loop3A_857 = arith.constant 3 : i32
        %parallel_loop3A_858 = vector.broadcast %parallel_loop3A_857 : i32 to vector<16xi32>
        %parallel_loop3A_859 = arith.shrsi %parallel_loop3A_855, %parallel_loop3A_858 : vector<16xi32>
        %parallel_loop3A_860 = arith.constant 7 : i32
        %parallel_loop3A_861 = vector.broadcast %parallel_loop3A_860 : i32 to vector<16xi32>
        %parallel_loop3A_862 = arith.andi %parallel_loop3A_855, %parallel_loop3A_861 : vector<16xi32>
        tpu.vector_store_idx %arg9[%parallel_loop3A_859, %parallel_loop3A_862, %parallel_loop3A_232], %parallel_loop3A_856 : memref<8x8x128xf32, #tpu.memory_space<vmem>>[vector<16xi32>, vector<16xi32>, vector<16xi32>], vector<16xf32>,
        %parallel_loop3A_863 = arith.constant 48 : i32
        %parallel_loop3A_864 = vector.broadcast %parallel_loop3A_863 : i32 to vector<16xi32>
        %parallel_loop3A_865 = arith.addi %and3A_125, %parallel_loop3A_864 : vector<16xi32>
        %parallel_loop3A_866 = tpu.vector_load_idx %arg7[%parallel_loop3A_232, %parallel_loop3A_865] : memref<128x64xf32, #tpu.memory_space<vmem>>[vector<16xi32>, vector<16xi32>], vector<16xf32>,
        %parallel_loop3A_867 = arith.constant 3 : i32
        %parallel_loop3A_868 = vector.broadcast %parallel_loop3A_867 : i32 to vector<16xi32>
        %parallel_loop3A_869 = arith.shrsi %parallel_loop3A_865, %parallel_loop3A_868 : vector<16xi32>
        %parallel_loop3A_870 = arith.constant 7 : i32
        %parallel_loop3A_871 = vector.broadcast %parallel_loop3A_870 : i32 to vector<16xi32>
        %parallel_loop3A_872 = arith.andi %parallel_loop3A_865, %parallel_loop3A_871 : vector<16xi32>
        tpu.vector_store_idx %arg9[%parallel_loop3A_869, %parallel_loop3A_872, %parallel_loop3A_232], %parallel_loop3A_866 : memref<8x8x128xf32, #tpu.memory_space<vmem>>[vector<16xi32>, vector<16xi32>, vector<16xi32>], vector<16xf32>,
      } {sc.loop_unroll_factor = 1 : i64, sc.parallel_access}
      %dma_start3A_183 = arith.constant 0 : i32
      %dma_start3A_184 = arith.constant 0 : i32
      %dma_start3A_185 = arith.constant 0 : i32
      %dma_start3A_186 = tpu.memref_slice %arg4[%add3A_166, %dma_start3A_183, %add3A, %dma_start3A_184, %dma_start3A_185] : memref<200x8x32x8x128xf32, #tpu.memory_space<hbm>> -> memref<1x8x1x8x128xf32, #tpu.memory_space<hbm>>
      %dma_start3A_187 = tpu.memref_squeeze %dma_start3A_186 : memref<1x8x1x8x128xf32, #tpu.memory_space<hbm>> -> memref<8x8x128xf32, #tpu.memory_space<hbm>>
      %dma_start3A_188 = arith.constant 0 : i32
      %dma_start3A_189 = arith.constant 0 : i32
      %dma_start3A_190 = arith.constant 0 : i32
      %dma_start3A_191 = tpu.memref_slice %arg4[%add3A_166, %dma_start3A_188, %add3A, %dma_start3A_189, %dma_start3A_190] : memref<200x8x32x8x128xf32, #tpu.memory_space<hbm>> -> memref<1x8x1x8x128xf32, #tpu.memory_space<hbm>>
      %dma_start3A_192 = tpu.memref_squeeze %dma_start3A_191 : memref<1x8x1x8x128xf32, #tpu.memory_space<hbm>> -> memref<8x8x128xf32, #tpu.memory_space<hbm>>
      tpu.enqueue_dma source(%arg9 : memref<8x8x128xf32, #tpu.memory_space<vmem>>) target(%dma_start3A_192 : memref<8x8x128xf32, #tpu.memory_space<hbm>>) target_semaphore(%arg13 : memref<!tpu.dma_semaphore, #tpu.memory_space<semaphore_mem>>)
      %mul3A_193 = arith.constant 2 : i32
      %mul3A_194 = arith.muli %add3A_162, %mul3A_193 : i32
      %add3A_195 = arith.constant 1 : i32
      %add3A_196 = arith.addi %mul3A_194, %add3A_195 : i32
      %add3A_197 = arith.constant 1 : i32
      %add3A_198 = arith.addi %add3A_196, %add3A_197 : i32
      %lt3A_199 = arith.constant 200 : i32
      %lt3A_200 = arith.cmpi slt, %add3A_198, %lt3A_199 : i32
      %convert_element_type3A_201 = arith.extui %lt3A_200 : i1 to i32
      %cond3A_202 = arith.constant 0 : i32
      %cond3A_203 = arith.cmpi ne, %convert_element_type3A_201, %cond3A_202 : i32
      scf.if %cond3A_203 {
        %add3A_228 = arith.constant 1 : i32
        %add3A_229 = arith.addi %add3A_196, %add3A_228 : i32
        %dma_start3A_230 = arith.constant 0 : i32
        %dma_start3A_231 = tpu.memref_slice %arg6[%add3A_229, %dma_start3A_230] : memref<200x128xi32, #tpu.memory_space<vmem>> -> memref<1x128xi32, #tpu.memory_space<vmem>>
        %dma_start3A_232 = tpu.memref_squeeze %dma_start3A_231 : memref<1x128xi32, #tpu.memory_space<vmem>> -> memref<128xi32, #tpu.memory_space<vmem>>
        %dma_start3A_233 = arith.constant 0 : i32
        %dma_start3A_234 = arith.constant 0 : i32
        %dma_start3A_235 = tpu.memref_slice %arg3[%dma_start3A_233, %dma_start3A_234] : memref<1000000x64xf32, #tpu.memory_space<hbm>> -> memref<1000000x64xf32, #tpu.memory_space<hbm>>
        tpu.enqueue_indirect_dma source(%dma_start3A_235 : memref<1000000x64xf32, #tpu.memory_space<hbm>>) target(%arg7 : memref<128x64xf32, #tpu.memory_space<vmem>>) offsets(%dma_start3A_232 : memref<128xi32, #tpu.memory_space<vmem>>) semaphore(%arg11 : memref<!tpu.dma_semaphore, #tpu.memory_space<semaphore_mem>>)
      } else {
      }
      %dma_wait3A_204 = arith.constant 0 : i32
      %dma_wait3A_205 = tpu.memref_slice %arg6[%add3A_196, %dma_wait3A_204] : memref<200x128xi32, #tpu.memory_space<vmem>> -> memref<1x128xi32, #tpu.memory_space<vmem>>
      %dma_wait3A_206 = tpu.memref_squeeze %dma_wait3A_205 : memref<1x128xi32, #tpu.memory_space<vmem>> -> memref<128xi32, #tpu.memory_space<vmem>>
      %dma_wait3A_207 = arith.constant 0 : i32
      %dma_wait3A_208 = arith.constant 0 : i32
      %dma_wait3A_209 = tpu.memref_slice %arg3[%dma_wait3A_207, %dma_wait3A_208] : memref<1000000x64xf32, #tpu.memory_space<hbm>> -> memref<1000000x64xf32, #tpu.memory_space<hbm>>
      tpu.wait_indirect_dma semaphore(%arg12 : memref<!tpu.dma_semaphore, #tpu.memory_space<semaphore_mem>>) src(%dma_wait3A_209 : memref<1000000x64xf32, #tpu.memory_space<hbm>>) dst(%arg8 : memref<128x64xf32, #tpu.memory_space<vmem>>)
      %gt3A_210 = arith.constant 0 : i32
      %gt3A_211 = arith.cmpi sgt, %add3A_162, %gt3A_210 : i32
      %convert_element_type3A_212 = arith.extui %gt3A_211 : i1 to i32
      %cond3A_213 = arith.constant 0 : i32
      %cond3A_214 = arith.cmpi ne, %convert_element_type3A_212, %cond3A_213 : i32
      scf.if %cond3A_214 {
        %dma_wait3A_228 = arith.constant 0 : i32
        %dma_wait3A_229 = arith.constant 0 : i32
        %dma_wait3A_230 = arith.constant 0 : i32
        %dma_wait3A_231 = arith.constant 0 : i32
        %dma_wait3A_232 = tpu.memref_slice %arg4[%dma_wait3A_228, %dma_wait3A_229, %add3A, %dma_wait3A_230, %dma_wait3A_231] : memref<200x8x32x8x128xf32, #tpu.memory_space<hbm>> -> memref<1x8x1x8x128xf32, #tpu.memory_space<hbm>>
        %dma_wait3A_233 = tpu.memref_squeeze %dma_wait3A_232 : memref<1x8x1x8x128xf32, #tpu.memory_space<hbm>> -> memref<8x8x128xf32, #tpu.memory_space<hbm>>
        %dma_wait3A_234 = arith.constant 0 : i32
        %dma_wait3A_235 = arith.constant 0 : i32
        %dma_wait3A_236 = arith.constant 0 : i32
        %dma_wait3A_237 = tpu.memref_slice %arg4[%dma_wait3A_228, %dma_wait3A_234, %add3A, %dma_wait3A_235, %dma_wait3A_236] : memref<200x8x32x8x128xf32, #tpu.memory_space<hbm>> -> memref<1x8x1x8x128xf32, #tpu.memory_space<hbm>>
        %dma_wait3A_238 = tpu.memref_squeeze %dma_wait3A_237 : memref<1x8x1x8x128xf32, #tpu.memory_space<hbm>> -> memref<8x8x128xf32, #tpu.memory_space<hbm>>
        tpu.wait_dma2 semaphore(%arg14 : memref<!tpu.dma_semaphore, #tpu.memory_space<semaphore_mem>>) src(%arg10 : memref<8x8x128xf32, #tpu.memory_space<vmem>>) dst(%dma_wait3A_238 : memref<8x8x128xf32, #tpu.memory_space<hbm>>)
      } else {
      }
      %parallel_loop3A_215 = arith.constant 0 : i32
      %parallel_loop3A_216 = arith.constant 8 : i32
      %parallel_loop3A_217 = arith.constant 1 : i32
      scf.for %parallel_loop3A_228 = %parallel_loop3A_215 to %parallel_loop3A_216 step %parallel_loop3A_217  : i32 {
        %parallel_loop3A_229 = arith.constant 16 : i32
        %parallel_loop3A_230 = arith.muli %parallel_loop3A_228, %parallel_loop3A_229 : i32
        %parallel_loop3A_231 = vector.broadcast %parallel_loop3A_230 : i32 to vector<16xi32>
        %parallel_loop3A_232 = arith.addi %iota3A, %parallel_loop3A_231 : vector<16xi32>
        %parallel_loop3A_233 = arith.constant 0 : i32
        %parallel_loop3A_234 = vector.broadcast %parallel_loop3A_233 : i32 to vector<16xi32>
        %parallel_loop3A_235 = arith.addi %and3A_35, %parallel_loop3A_234 : vector<16xi32>
        %parallel_loop3A_236 = tpu.vector_load_idx %arg8[%parallel_loop3A_232, %parallel_loop3A_235] : memref<128x64xf32, #tpu.memory_space<vmem>>[vector<16xi32>, vector<16xi32>], vector<16xf32>,
        %parallel_loop3A_237 = arith.constant 3 : i32
        %parallel_loop3A_238 = vector.broadcast %parallel_loop3A_237 : i32 to vector<16xi32>
        %parallel_loop3A_239 = arith.shrsi %parallel_loop3A_235, %parallel_loop3A_238 : vector<16xi32>
        %parallel_loop3A_240 = arith.constant 7 : i32
        %parallel_loop3A_241 = vector.broadcast %parallel_loop3A_240 : i32 to vector<16xi32>
        %parallel_loop3A_242 = arith.andi %parallel_loop3A_235, %parallel_loop3A_241 : vector<16xi32>
        tpu.vector_store_idx %arg10[%parallel_loop3A_239, %parallel_loop3A_242, %parallel_loop3A_232], %parallel_loop3A_236 : memref<8x8x128xf32, #tpu.memory_space<vmem>>[vector<16xi32>, vector<16xi32>, vector<16xi32>], vector<16xf32>,
        %parallel_loop3A_243 = arith.constant 0 : i32
        %parallel_loop3A_244 = vector.broadcast %parallel_loop3A_243 : i32 to vector<16xi32>
        %parallel_loop3A_245 = arith.addi %and3A_41, %parallel_loop3A_244 : vector<16xi32>
        %parallel_loop3A_246 = tpu.vector_load_idx %arg8[%parallel_loop3A_232, %parallel_loop3A_245] : memref<128x64xf32, #tpu.memory_space<vmem>>[vector<16xi32>, vector<16xi32>], vector<16xf32>,
        %parallel_loop3A_247 = arith.constant 3 : i32
        %parallel_loop3A_248 = vector.broadcast %parallel_loop3A_247 : i32 to vector<16xi32>
        %parallel_loop3A_249 = arith.shrsi %parallel_loop3A_245, %parallel_loop3A_248 : vector<16xi32>
        %parallel_loop3A_250 = arith.constant 7 : i32
        %parallel_loop3A_251 = vector.broadcast %parallel_loop3A_250 : i32 to vector<16xi32>
        %parallel_loop3A_252 = arith.andi %parallel_loop3A_245, %parallel_loop3A_251 : vector<16xi32>
        tpu.vector_store_idx %arg10[%parallel_loop3A_249, %parallel_loop3A_252, %parallel_loop3A_232], %parallel_loop3A_246 : memref<8x8x128xf32, #tpu.memory_space<vmem>>[vector<16xi32>, vector<16xi32>, vector<16xi32>], vector<16xf32>,
        %parallel_loop3A_253 = arith.constant 0 : i32
        %parallel_loop3A_254 = vector.broadcast %parallel_loop3A_253 : i32 to vector<16xi32>
        %parallel_loop3A_255 = arith.addi %and3A_47, %parallel_loop3A_254 : vector<16xi32>
        %parallel_loop3A_256 = tpu.vector_load_idx %arg8[%parallel_loop3A_232, %parallel_loop3A_255] : memref<128x64xf32, #tpu.memory_space<vmem>>[vector<16xi32>, vector<16xi32>], vector<16xf32>,
        %parallel_loop3A_257 = arith.constant 3 : i32
        %parallel_loop3A_258 = vector.broadcast %parallel_loop3A_257 : i32 to vector<16xi32>
        %parallel_loop3A_259 = arith.shrsi %parallel_loop3A_255, %parallel_loop3A_258 : vector<16xi32>
        %parallel_loop3A_260 = arith.constant 7 : i32
        %parallel_loop3A_261 = vector.broadcast %parallel_loop3A_260 : i32 to vector<16xi32>
        %parallel_loop3A_262 = arith.andi %parallel_loop3A_255, %parallel_loop3A_261 : vector<16xi32>
        tpu.vector_store_idx %arg10[%parallel_loop3A_259, %parallel_loop3A_262, %parallel_loop3A_232], %parallel_loop3A_256 : memref<8x8x128xf32, #tpu.memory_space<vmem>>[vector<16xi32>, vector<16xi32>, vector<16xi32>], vector<16xf32>,
        %parallel_loop3A_263 = arith.constant 0 : i32
        %parallel_loop3A_264 = vector.broadcast %parallel_loop3A_263 : i32 to vector<16xi32>
        %parallel_loop3A_265 = arith.addi %and3A_53, %parallel_loop3A_264 : vector<16xi32>
        %parallel_loop3A_266 = tpu.vector_load_idx %arg8[%parallel_loop3A_232, %parallel_loop3A_265] : memref<128x64xf32, #tpu.memory_space<vmem>>[vector<16xi32>, vector<16xi32>], vector<16xf32>,
        %parallel_loop3A_267 = arith.constant 3 : i32
        %parallel_loop3A_268 = vector.broadcast %parallel_loop3A_267 : i32 to vector<16xi32>
        %parallel_loop3A_269 = arith.shrsi %parallel_loop3A_265, %parallel_loop3A_268 : vector<16xi32>
        %parallel_loop3A_270 = arith.constant 7 : i32
        %parallel_loop3A_271 = vector.broadcast %parallel_loop3A_270 : i32 to vector<16xi32>
        %parallel_loop3A_272 = arith.andi %parallel_loop3A_265, %parallel_loop3A_271 : vector<16xi32>
        tpu.vector_store_idx %arg10[%parallel_loop3A_269, %parallel_loop3A_272, %parallel_loop3A_232], %parallel_loop3A_266 : memref<8x8x128xf32, #tpu.memory_space<vmem>>[vector<16xi32>, vector<16xi32>, vector<16xi32>], vector<16xf32>,
        %parallel_loop3A_273 = arith.constant 0 : i32
        %parallel_loop3A_274 = vector.broadcast %parallel_loop3A_273 : i32 to vector<16xi32>
        %parallel_loop3A_275 = arith.addi %and3A_59, %parallel_loop3A_274 : vector<16xi32>
        %parallel_loop3A_276 = tpu.vector_load_idx %arg8[%parallel_loop3A_232, %parallel_loop3A_275] : memref<128x64xf32, #tpu.memory_space<vmem>>[vector<16xi32>, vector<16xi32>], vector<16xf32>,
        %parallel_loop3A_277 = arith.constant 3 : i32
        %parallel_loop3A_278 = vector.broadcast %parallel_loop3A_277 : i32 to vector<16xi32>
        %parallel_loop3A_279 = arith.shrsi %parallel_loop3A_275, %parallel_loop3A_278 : vector<16xi32>
        %parallel_loop3A_280 = arith.constant 7 : i32
        %parallel_loop3A_281 = vector.broadcast %parallel_loop3A_280 : i32 to vector<16xi32>
        %parallel_loop3A_282 = arith.andi %parallel_loop3A_275, %parallel_loop3A_281 : vector<16xi32>
        tpu.vector_store_idx %arg10[%parallel_loop3A_279, %parallel_loop3A_282, %parallel_loop3A_232], %parallel_loop3A_276 : memref<8x8x128xf32, #tpu.memory_space<vmem>>[vector<16xi32>, vector<16xi32>, vector<16xi32>], vector<16xf32>,
        %parallel_loop3A_283 = arith.constant 0 : i32
        %parallel_loop3A_284 = vector.broadcast %parallel_loop3A_283 : i32 to vector<16xi32>
        %parallel_loop3A_285 = arith.addi %and3A_65, %parallel_loop3A_284 : vector<16xi32>
        %parallel_loop3A_286 = tpu.vector_load_idx %arg8[%parallel_loop3A_232, %parallel_loop3A_285] : memref<128x64xf32, #tpu.memory_space<vmem>>[vector<16xi32>, vector<16xi32>], vector<16xf32>,
        %parallel_loop3A_287 = arith.constant 3 : i32
        %parallel_loop3A_288 = vector.broadcast %parallel_loop3A_287 : i32 to vector<16xi32>
        %parallel_loop3A_289 = arith.shrsi %parallel_loop3A_285, %parallel_loop3A_288 : vector<16xi32>
        %parallel_loop3A_290 = arith.constant 7 : i32
        %parallel_loop3A_291 = vector.broadcast %parallel_loop3A_290 : i32 to vector<16xi32>
        %parallel_loop3A_292 = arith.andi %parallel_loop3A_285, %parallel_loop3A_291 : vector<16xi32>
        tpu.vector_store_idx %arg10[%parallel_loop3A_289, %parallel_loop3A_292, %parallel_loop3A_232], %parallel_loop3A_286 : memref<8x8x128xf32, #tpu.memory_space<vmem>>[vector<16xi32>, vector<16xi32>, vector<16xi32>], vector<16xf32>,
        %parallel_loop3A_293 = arith.constant 0 : i32
        %parallel_loop3A_294 = vector.broadcast %parallel_loop3A_293 : i32 to vector<16xi32>
        %parallel_loop3A_295 = arith.addi %and3A_71, %parallel_loop3A_294 : vector<16xi32>
        %parallel_loop3A_296 = tpu.vector_load_idx %arg8[%parallel_loop3A_232, %parallel_loop3A_295] : memref<128x64xf32, #tpu.memory_space<vmem>>[vector<16xi32>, vector<16xi32>], vector<16xf32>,
        %parallel_loop3A_297 = arith.constant 3 : i32
        %parallel_loop3A_298 = vector.broadcast %parallel_loop3A_297 : i32 to vector<16xi32>
        %parallel_loop3A_299 = arith.shrsi %parallel_loop3A_295, %parallel_loop3A_298 : vector<16xi32>
        %parallel_loop3A_300 = arith.constant 7 : i32
        %parallel_loop3A_301 = vector.broadcast %parallel_loop3A_300 : i32 to vector<16xi32>
        %parallel_loop3A_302 = arith.andi %parallel_loop3A_295, %parallel_loop3A_301 : vector<16xi32>
        tpu.vector_store_idx %arg10[%parallel_loop3A_299, %parallel_loop3A_302, %parallel_loop3A_232], %parallel_loop3A_296 : memref<8x8x128xf32, #tpu.memory_space<vmem>>[vector<16xi32>, vector<16xi32>, vector<16xi32>], vector<16xf32>,
        %parallel_loop3A_303 = arith.constant 0 : i32
        %parallel_loop3A_304 = vector.broadcast %parallel_loop3A_303 : i32 to vector<16xi32>
        %parallel_loop3A_305 = arith.addi %and3A_77, %parallel_loop3A_304 : vector<16xi32>
        %parallel_loop3A_306 = tpu.vector_load_idx %arg8[%parallel_loop3A_232, %parallel_loop3A_305] : memref<128x64xf32, #tpu.memory_space<vmem>>[vector<16xi32>, vector<16xi32>], vector<16xf32>,
        %parallel_loop3A_307 = arith.constant 3 : i32
        %parallel_loop3A_308 = vector.broadcast %parallel_loop3A_307 : i32 to vector<16xi32>
        %parallel_loop3A_309 = arith.shrsi %parallel_loop3A_305, %parallel_loop3A_308 : vector<16xi32>
        %parallel_loop3A_310 = arith.constant 7 : i32
        %parallel_loop3A_311 = vector.broadcast %parallel_loop3A_310 : i32 to vector<16xi32>
        %parallel_loop3A_312 = arith.andi %parallel_loop3A_305, %parallel_loop3A_311 : vector<16xi32>
        tpu.vector_store_idx %arg10[%parallel_loop3A_309, %parallel_loop3A_312, %parallel_loop3A_232], %parallel_loop3A_306 : memref<8x8x128xf32, #tpu.memory_space<vmem>>[vector<16xi32>, vector<16xi32>, vector<16xi32>], vector<16xf32>,
        %parallel_loop3A_313 = arith.constant 0 : i32
        %parallel_loop3A_314 = vector.broadcast %parallel_loop3A_313 : i32 to vector<16xi32>
        %parallel_loop3A_315 = arith.addi %and3A_83, %parallel_loop3A_314 : vector<16xi32>
        %parallel_loop3A_316 = tpu.vector_load_idx %arg8[%parallel_loop3A_232, %parallel_loop3A_315] : memref<128x64xf32, #tpu.memory_space<vmem>>[vector<16xi32>, vector<16xi32>], vector<16xf32>,
        %parallel_loop3A_317 = arith.constant 3 : i32
        %parallel_loop3A_318 = vector.broadcast %parallel_loop3A_317 : i32 to vector<16xi32>
        %parallel_loop3A_319 = arith.shrsi %parallel_loop3A_315, %parallel_loop3A_318 : vector<16xi32>
        %parallel_loop3A_320 = arith.constant 7 : i32
        %parallel_loop3A_321 = vector.broadcast %parallel_loop3A_320 : i32 to vector<16xi32>
        %parallel_loop3A_322 = arith.andi %parallel_loop3A_315, %parallel_loop3A_321 : vector<16xi32>
        tpu.vector_store_idx %arg10[%parallel_loop3A_319, %parallel_loop3A_322, %parallel_loop3A_232], %parallel_loop3A_316 : memref<8x8x128xf32, #tpu.memory_space<vmem>>[vector<16xi32>, vector<16xi32>, vector<16xi32>], vector<16xf32>,
        %parallel_loop3A_323 = arith.constant 0 : i32
        %parallel_loop3A_324 = vector.broadcast %parallel_loop3A_323 : i32 to vector<16xi32>
        %parallel_loop3A_325 = arith.addi %and3A_89, %parallel_loop3A_324 : vector<16xi32>
        %parallel_loop3A_326 = tpu.vector_load_idx %arg8[%parallel_loop3A_232, %parallel_loop3A_325] : memref<128x64xf32, #tpu.memory_space<vmem>>[vector<16xi32>, vector<16xi32>], vector<16xf32>,
        %parallel_loop3A_327 = arith.constant 3 : i32
        %parallel_loop3A_328 = vector.broadcast %parallel_loop3A_327 : i32 to vector<16xi32>
        %parallel_loop3A_329 = arith.shrsi %parallel_loop3A_325, %parallel_loop3A_328 : vector<16xi32>
        %parallel_loop3A_330 = arith.constant 7 : i32
        %parallel_loop3A_331 = vector.broadcast %parallel_loop3A_330 : i32 to vector<16xi32>
        %parallel_loop3A_332 = arith.andi %parallel_loop3A_325, %parallel_loop3A_331 : vector<16xi32>
        tpu.vector_store_idx %arg10[%parallel_loop3A_329, %parallel_loop3A_332, %parallel_loop3A_232], %parallel_loop3A_326 : memref<8x8x128xf32, #tpu.memory_space<vmem>>[vector<16xi32>, vector<16xi32>, vector<16xi32>], vector<16xf32>,
        %parallel_loop3A_333 = arith.constant 0 : i32
        %parallel_loop3A_334 = vector.broadcast %parallel_loop3A_333 : i32 to vector<16xi32>
        %parallel_loop3A_335 = arith.addi %and3A_95, %parallel_loop3A_334 : vector<16xi32>
        %parallel_loop3A_336 = tpu.vector_load_idx %arg8[%parallel_loop3A_232, %parallel_loop3A_335] : memref<128x64xf32, #tpu.memory_space<vmem>>[vector<16xi32>, vector<16xi32>], vector<16xf32>,
        %parallel_loop3A_337 = arith.constant 3 : i32
        %parallel_loop3A_338 = vector.broadcast %parallel_loop3A_337 : i32 to vector<16xi32>
        %parallel_loop3A_339 = arith.shrsi %parallel_loop3A_335, %parallel_loop3A_338 : vector<16xi32>
        %parallel_loop3A_340 = arith.constant 7 : i32
        %parallel_loop3A_341 = vector.broadcast %parallel_loop3A_340 : i32 to vector<16xi32>
        %parallel_loop3A_342 = arith.andi %parallel_loop3A_335, %parallel_loop3A_341 : vector<16xi32>
        tpu.vector_store_idx %arg10[%parallel_loop3A_339, %parallel_loop3A_342, %parallel_loop3A_232], %parallel_loop3A_336 : memref<8x8x128xf32, #tpu.memory_space<vmem>>[vector<16xi32>, vector<16xi32>, vector<16xi32>], vector<16xf32>,
        %parallel_loop3A_343 = arith.constant 0 : i32
        %parallel_loop3A_344 = vector.broadcast %parallel_loop3A_343 : i32 to vector<16xi32>
        %parallel_loop3A_345 = arith.addi %and3A_101, %parallel_loop3A_344 : vector<16xi32>
        %parallel_loop3A_346 = tpu.vector_load_idx %arg8[%parallel_loop3A_232, %parallel_loop3A_345] : memref<128x64xf32, #tpu.memory_space<vmem>>[vector<16xi32>, vector<16xi32>], vector<16xf32>,
        %parallel_loop3A_347 = arith.constant 3 : i32
        %parallel_loop3A_348 = vector.broadcast %parallel_loop3A_347 : i32 to vector<16xi32>
        %parallel_loop3A_349 = arith.shrsi %parallel_loop3A_345, %parallel_loop3A_348 : vector<16xi32>
        %parallel_loop3A_350 = arith.constant 7 : i32
        %parallel_loop3A_351 = vector.broadcast %parallel_loop3A_350 : i32 to vector<16xi32>
        %parallel_loop3A_352 = arith.andi %parallel_loop3A_345, %parallel_loop3A_351 : vector<16xi32>
        tpu.vector_store_idx %arg10[%parallel_loop3A_349, %parallel_loop3A_352, %parallel_loop3A_232], %parallel_loop3A_346 : memref<8x8x128xf32, #tpu.memory_space<vmem>>[vector<16xi32>, vector<16xi32>, vector<16xi32>], vector<16xf32>,
        %parallel_loop3A_353 = arith.constant 0 : i32
        %parallel_loop3A_354 = vector.broadcast %parallel_loop3A_353 : i32 to vector<16xi32>
        %parallel_loop3A_355 = arith.addi %and3A_107, %parallel_loop3A_354 : vector<16xi32>
        %parallel_loop3A_356 = tpu.vector_load_idx %arg8[%parallel_loop3A_232, %parallel_loop3A_355] : memref<128x64xf32, #tpu.memory_space<vmem>>[vector<16xi32>, vector<16xi32>], vector<16xf32>,
        %parallel_loop3A_357 = arith.constant 3 : i32
        %parallel_loop3A_358 = vector.broadcast %parallel_loop3A_357 : i32 to vector<16xi32>
        %parallel_loop3A_359 = arith.shrsi %parallel_loop3A_355, %parallel_loop3A_358 : vector<16xi32>
        %parallel_loop3A_360 = arith.constant 7 : i32
        %parallel_loop3A_361 = vector.broadcast %parallel_loop3A_360 : i32 to vector<16xi32>
        %parallel_loop3A_362 = arith.andi %parallel_loop3A_355, %parallel_loop3A_361 : vector<16xi32>
        tpu.vector_store_idx %arg10[%parallel_loop3A_359, %parallel_loop3A_362, %parallel_loop3A_232], %parallel_loop3A_356 : memref<8x8x128xf32, #tpu.memory_space<vmem>>[vector<16xi32>, vector<16xi32>, vector<16xi32>], vector<16xf32>,
        %parallel_loop3A_363 = arith.constant 0 : i32
        %parallel_loop3A_364 = vector.broadcast %parallel_loop3A_363 : i32 to vector<16xi32>
        %parallel_loop3A_365 = arith.addi %and3A_113, %parallel_loop3A_364 : vector<16xi32>
        %parallel_loop3A_366 = tpu.vector_load_idx %arg8[%parallel_loop3A_232, %parallel_loop3A_365] : memref<128x64xf32, #tpu.memory_space<vmem>>[vector<16xi32>, vector<16xi32>], vector<16xf32>,
        %parallel_loop3A_367 = arith.constant 3 : i32
        %parallel_loop3A_368 = vector.broadcast %parallel_loop3A_367 : i32 to vector<16xi32>
        %parallel_loop3A_369 = arith.shrsi %parallel_loop3A_365, %parallel_loop3A_368 : vector<16xi32>
        %parallel_loop3A_370 = arith.constant 7 : i32
        %parallel_loop3A_371 = vector.broadcast %parallel_loop3A_370 : i32 to vector<16xi32>
        %parallel_loop3A_372 = arith.andi %parallel_loop3A_365, %parallel_loop3A_371 : vector<16xi32>
        tpu.vector_store_idx %arg10[%parallel_loop3A_369, %parallel_loop3A_372, %parallel_loop3A_232], %parallel_loop3A_366 : memref<8x8x128xf32, #tpu.memory_space<vmem>>[vector<16xi32>, vector<16xi32>, vector<16xi32>], vector<16xf32>,
        %parallel_loop3A_373 = arith.constant 0 : i32
        %parallel_loop3A_374 = vector.broadcast %parallel_loop3A_373 : i32 to vector<16xi32>
        %parallel_loop3A_375 = arith.addi %and3A_119, %parallel_loop3A_374 : vector<16xi32>
        %parallel_loop3A_376 = tpu.vector_load_idx %arg8[%parallel_loop3A_232, %parallel_loop3A_375] : memref<128x64xf32, #tpu.memory_space<vmem>>[vector<16xi32>, vector<16xi32>], vector<16xf32>,
        %parallel_loop3A_377 = arith.constant 3 : i32
        %parallel_loop3A_378 = vector.broadcast %parallel_loop3A_377 : i32 to vector<16xi32>
        %parallel_loop3A_379 = arith.shrsi %parallel_loop3A_375, %parallel_loop3A_378 : vector<16xi32>
        %parallel_loop3A_380 = arith.constant 7 : i32
        %parallel_loop3A_381 = vector.broadcast %parallel_loop3A_380 : i32 to vector<16xi32>
        %parallel_loop3A_382 = arith.andi %parallel_loop3A_375, %parallel_loop3A_381 : vector<16xi32>
        tpu.vector_store_idx %arg10[%parallel_loop3A_379, %parallel_loop3A_382, %parallel_loop3A_232], %parallel_loop3A_376 : memref<8x8x128xf32, #tpu.memory_space<vmem>>[vector<16xi32>, vector<16xi32>, vector<16xi32>], vector<16xf32>,
        %parallel_loop3A_383 = arith.constant 0 : i32
        %parallel_loop3A_384 = vector.broadcast %parallel_loop3A_383 : i32 to vector<16xi32>
        %parallel_loop3A_385 = arith.addi %and3A_125, %parallel_loop3A_384 : vector<16xi32>
        %parallel_loop3A_386 = tpu.vector_load_idx %arg8[%parallel_loop3A_232, %parallel_loop3A_385] : memref<128x64xf32, #tpu.memory_space<vmem>>[vector<16xi32>, vector<16xi32>], vector<16xf32>,
        %parallel_loop3A_387 = arith.constant 3 : i32
        %parallel_loop3A_388 = vector.broadcast %parallel_loop3A_387 : i32 to vector<16xi32>
        %parallel_loop3A_389 = arith.shrsi %parallel_loop3A_385, %parallel_loop3A_388 : vector<16xi32>
        %parallel_loop3A_390 = arith.constant 7 : i32
        %parallel_loop3A_391 = vector.broadcast %parallel_loop3A_390 : i32 to vector<16xi32>
        %parallel_loop3A_392 = arith.andi %parallel_loop3A_385, %parallel_loop3A_391 : vector<16xi32>
        tpu.vector_store_idx %arg10[%parallel_loop3A_389, %parallel_loop3A_392, %parallel_loop3A_232], %parallel_loop3A_386 : memref<8x8x128xf32, #tpu.memory_space<vmem>>[vector<16xi32>, vector<16xi32>, vector<16xi32>], vector<16xf32>,
        %parallel_loop3A_393 = arith.constant 16 : i32
        %parallel_loop3A_394 = vector.broadcast %parallel_loop3A_393 : i32 to vector<16xi32>
        %parallel_loop3A_395 = arith.addi %and3A_35, %parallel_loop3A_394 : vector<16xi32>
        %parallel_loop3A_396 = tpu.vector_load_idx %arg8[%parallel_loop3A_232, %parallel_loop3A_395] : memref<128x64xf32, #tpu.memory_space<vmem>>[vector<16xi32>, vector<16xi32>], vector<16xf32>,
        %parallel_loop3A_397 = arith.constant 3 : i32
        %parallel_loop3A_398 = vector.broadcast %parallel_loop3A_397 : i32 to vector<16xi32>
        %parallel_loop3A_399 = arith.shrsi %parallel_loop3A_395, %parallel_loop3A_398 : vector<16xi32>
        %parallel_loop3A_400 = arith.constant 7 : i32
        %parallel_loop3A_401 = vector.broadcast %parallel_loop3A_400 : i32 to vector<16xi32>
        %parallel_loop3A_402 = arith.andi %parallel_loop3A_395, %parallel_loop3A_401 : vector<16xi32>
        tpu.vector_store_idx %arg10[%parallel_loop3A_399, %parallel_loop3A_402, %parallel_loop3A_232], %parallel_loop3A_396 : memref<8x8x128xf32, #tpu.memory_space<vmem>>[vector<16xi32>, vector<16xi32>, vector<16xi32>], vector<16xf32>,
        %parallel_loop3A_403 = arith.constant 16 : i32
        %parallel_loop3A_404 = vector.broadcast %parallel_loop3A_403 : i32 to vector<16xi32>
        %parallel_loop3A_405 = arith.addi %and3A_41, %parallel_loop3A_404 : vector<16xi32>
        %parallel_loop3A_406 = tpu.vector_load_idx %arg8[%parallel_loop3A_232, %parallel_loop3A_405] : memref<128x64xf32, #tpu.memory_space<vmem>>[vector<16xi32>, vector<16xi32>], vector<16xf32>,
        %parallel_loop3A_407 = arith.constant 3 : i32
        %parallel_loop3A_408 = vector.broadcast %parallel_loop3A_407 : i32 to vector<16xi32>
        %parallel_loop3A_409 = arith.shrsi %parallel_loop3A_405, %parallel_loop3A_408 : vector<16xi32>
        %parallel_loop3A_410 = arith.constant 7 : i32
        %parallel_loop3A_411 = vector.broadcast %parallel_loop3A_410 : i32 to vector<16xi32>
        %parallel_loop3A_412 = arith.andi %parallel_loop3A_405, %parallel_loop3A_411 : vector<16xi32>
        tpu.vector_store_idx %arg10[%parallel_loop3A_409, %parallel_loop3A_412, %parallel_loop3A_232], %parallel_loop3A_406 : memref<8x8x128xf32, #tpu.memory_space<vmem>>[vector<16xi32>, vector<16xi32>, vector<16xi32>], vector<16xf32>,
        %parallel_loop3A_413 = arith.constant 16 : i32
        %parallel_loop3A_414 = vector.broadcast %parallel_loop3A_413 : i32 to vector<16xi32>
        %parallel_loop3A_415 = arith.addi %and3A_47, %parallel_loop3A_414 : vector<16xi32>
        %parallel_loop3A_416 = tpu.vector_load_idx %arg8[%parallel_loop3A_232, %parallel_loop3A_415] : memref<128x64xf32, #tpu.memory_space<vmem>>[vector<16xi32>, vector<16xi32>], vector<16xf32>,
        %parallel_loop3A_417 = arith.constant 3 : i32
        %parallel_loop3A_418 = vector.broadcast %parallel_loop3A_417 : i32 to vector<16xi32>
        %parallel_loop3A_419 = arith.shrsi %parallel_loop3A_415, %parallel_loop3A_418 : vector<16xi32>
        %parallel_loop3A_420 = arith.constant 7 : i32
        %parallel_loop3A_421 = vector.broadcast %parallel_loop3A_420 : i32 to vector<16xi32>
        %parallel_loop3A_422 = arith.andi %parallel_loop3A_415, %parallel_loop3A_421 : vector<16xi32>
        tpu.vector_store_idx %arg10[%parallel_loop3A_419, %parallel_loop3A_422, %parallel_loop3A_232], %parallel_loop3A_416 : memref<8x8x128xf32, #tpu.memory_space<vmem>>[vector<16xi32>, vector<16xi32>, vector<16xi32>], vector<16xf32>,
        %parallel_loop3A_423 = arith.constant 16 : i32
        %parallel_loop3A_424 = vector.broadcast %parallel_loop3A_423 : i32 to vector<16xi32>
        %parallel_loop3A_425 = arith.addi %and3A_53, %parallel_loop3A_424 : vector<16xi32>
        %parallel_loop3A_426 = tpu.vector_load_idx %arg8[%parallel_loop3A_232, %parallel_loop3A_425] : memref<128x64xf32, #tpu.memory_space<vmem>>[vector<16xi32>, vector<16xi32>], vector<16xf32>,
        %parallel_loop3A_427 = arith.constant 3 : i32
        %parallel_loop3A_428 = vector.broadcast %parallel_loop3A_427 : i32 to vector<16xi32>
        %parallel_loop3A_429 = arith.shrsi %parallel_loop3A_425, %parallel_loop3A_428 : vector<16xi32>
        %parallel_loop3A_430 = arith.constant 7 : i32
        %parallel_loop3A_431 = vector.broadcast %parallel_loop3A_430 : i32 to vector<16xi32>
        %parallel_loop3A_432 = arith.andi %parallel_loop3A_425, %parallel_loop3A_431 : vector<16xi32>
        tpu.vector_store_idx %arg10[%parallel_loop3A_429, %parallel_loop3A_432, %parallel_loop3A_232], %parallel_loop3A_426 : memref<8x8x128xf32, #tpu.memory_space<vmem>>[vector<16xi32>, vector<16xi32>, vector<16xi32>], vector<16xf32>,
        %parallel_loop3A_433 = arith.constant 16 : i32
        %parallel_loop3A_434 = vector.broadcast %parallel_loop3A_433 : i32 to vector<16xi32>
        %parallel_loop3A_435 = arith.addi %and3A_59, %parallel_loop3A_434 : vector<16xi32>
        %parallel_loop3A_436 = tpu.vector_load_idx %arg8[%parallel_loop3A_232, %parallel_loop3A_435] : memref<128x64xf32, #tpu.memory_space<vmem>>[vector<16xi32>, vector<16xi32>], vector<16xf32>,
        %parallel_loop3A_437 = arith.constant 3 : i32
        %parallel_loop3A_438 = vector.broadcast %parallel_loop3A_437 : i32 to vector<16xi32>
        %parallel_loop3A_439 = arith.shrsi %parallel_loop3A_435, %parallel_loop3A_438 : vector<16xi32>
        %parallel_loop3A_440 = arith.constant 7 : i32
        %parallel_loop3A_441 = vector.broadcast %parallel_loop3A_440 : i32 to vector<16xi32>
        %parallel_loop3A_442 = arith.andi %parallel_loop3A_435, %parallel_loop3A_441 : vector<16xi32>
        tpu.vector_store_idx %arg10[%parallel_loop3A_439, %parallel_loop3A_442, %parallel_loop3A_232], %parallel_loop3A_436 : memref<8x8x128xf32, #tpu.memory_space<vmem>>[vector<16xi32>, vector<16xi32>, vector<16xi32>], vector<16xf32>,
        %parallel_loop3A_443 = arith.constant 16 : i32
        %parallel_loop3A_444 = vector.broadcast %parallel_loop3A_443 : i32 to vector<16xi32>
        %parallel_loop3A_445 = arith.addi %and3A_65, %parallel_loop3A_444 : vector<16xi32>
        %parallel_loop3A_446 = tpu.vector_load_idx %arg8[%parallel_loop3A_232, %parallel_loop3A_445] : memref<128x64xf32, #tpu.memory_space<vmem>>[vector<16xi32>, vector<16xi32>], vector<16xf32>,
        %parallel_loop3A_447 = arith.constant 3 : i32
        %parallel_loop3A_448 = vector.broadcast %parallel_loop3A_447 : i32 to vector<16xi32>
        %parallel_loop3A_449 = arith.shrsi %parallel_loop3A_445, %parallel_loop3A_448 : vector<16xi32>
        %parallel_loop3A_450 = arith.constant 7 : i32
        %parallel_loop3A_451 = vector.broadcast %parallel_loop3A_450 : i32 to vector<16xi32>
        %parallel_loop3A_452 = arith.andi %parallel_loop3A_445, %parallel_loop3A_451 : vector<16xi32>
        tpu.vector_store_idx %arg10[%parallel_loop3A_449, %parallel_loop3A_452, %parallel_loop3A_232], %parallel_loop3A_446 : memref<8x8x128xf32, #tpu.memory_space<vmem>>[vector<16xi32>, vector<16xi32>, vector<16xi32>], vector<16xf32>,
        %parallel_loop3A_453 = arith.constant 16 : i32
        %parallel_loop3A_454 = vector.broadcast %parallel_loop3A_453 : i32 to vector<16xi32>
        %parallel_loop3A_455 = arith.addi %and3A_71, %parallel_loop3A_454 : vector<16xi32>
        %parallel_loop3A_456 = tpu.vector_load_idx %arg8[%parallel_loop3A_232, %parallel_loop3A_455] : memref<128x64xf32, #tpu.memory_space<vmem>>[vector<16xi32>, vector<16xi32>], vector<16xf32>,
        %parallel_loop3A_457 = arith.constant 3 : i32
        %parallel_loop3A_458 = vector.broadcast %parallel_loop3A_457 : i32 to vector<16xi32>
        %parallel_loop3A_459 = arith.shrsi %parallel_loop3A_455, %parallel_loop3A_458 : vector<16xi32>
        %parallel_loop3A_460 = arith.constant 7 : i32
        %parallel_loop3A_461 = vector.broadcast %parallel_loop3A_460 : i32 to vector<16xi32>
        %parallel_loop3A_462 = arith.andi %parallel_loop3A_455, %parallel_loop3A_461 : vector<16xi32>
        tpu.vector_store_idx %arg10[%parallel_loop3A_459, %parallel_loop3A_462, %parallel_loop3A_232], %parallel_loop3A_456 : memref<8x8x128xf32, #tpu.memory_space<vmem>>[vector<16xi32>, vector<16xi32>, vector<16xi32>], vector<16xf32>,
        %parallel_loop3A_463 = arith.constant 16 : i32
        %parallel_loop3A_464 = vector.broadcast %parallel_loop3A_463 : i32 to vector<16xi32>
        %parallel_loop3A_465 = arith.addi %and3A_77, %parallel_loop3A_464 : vector<16xi32>
        %parallel_loop3A_466 = tpu.vector_load_idx %arg8[%parallel_loop3A_232, %parallel_loop3A_465] : memref<128x64xf32, #tpu.memory_space<vmem>>[vector<16xi32>, vector<16xi32>], vector<16xf32>,
        %parallel_loop3A_467 = arith.constant 3 : i32
        %parallel_loop3A_468 = vector.broadcast %parallel_loop3A_467 : i32 to vector<16xi32>
        %parallel_loop3A_469 = arith.shrsi %parallel_loop3A_465, %parallel_loop3A_468 : vector<16xi32>
        %parallel_loop3A_470 = arith.constant 7 : i32
        %parallel_loop3A_471 = vector.broadcast %parallel_loop3A_470 : i32 to vector<16xi32>
        %parallel_loop3A_472 = arith.andi %parallel_loop3A_465, %parallel_loop3A_471 : vector<16xi32>
        tpu.vector_store_idx %arg10[%parallel_loop3A_469, %parallel_loop3A_472, %parallel_loop3A_232], %parallel_loop3A_466 : memref<8x8x128xf32, #tpu.memory_space<vmem>>[vector<16xi32>, vector<16xi32>, vector<16xi32>], vector<16xf32>,
        %parallel_loop3A_473 = arith.constant 16 : i32
        %parallel_loop3A_474 = vector.broadcast %parallel_loop3A_473 : i32 to vector<16xi32>
        %parallel_loop3A_475 = arith.addi %and3A_83, %parallel_loop3A_474 : vector<16xi32>
        %parallel_loop3A_476 = tpu.vector_load_idx %arg8[%parallel_loop3A_232, %parallel_loop3A_475] : memref<128x64xf32, #tpu.memory_space<vmem>>[vector<16xi32>, vector<16xi32>], vector<16xf32>,
        %parallel_loop3A_477 = arith.constant 3 : i32
        %parallel_loop3A_478 = vector.broadcast %parallel_loop3A_477 : i32 to vector<16xi32>
        %parallel_loop3A_479 = arith.shrsi %parallel_loop3A_475, %parallel_loop3A_478 : vector<16xi32>
        %parallel_loop3A_480 = arith.constant 7 : i32
        %parallel_loop3A_481 = vector.broadcast %parallel_loop3A_480 : i32 to vector<16xi32>
        %parallel_loop3A_482 = arith.andi %parallel_loop3A_475, %parallel_loop3A_481 : vector<16xi32>
        tpu.vector_store_idx %arg10[%parallel_loop3A_479, %parallel_loop3A_482, %parallel_loop3A_232], %parallel_loop3A_476 : memref<8x8x128xf32, #tpu.memory_space<vmem>>[vector<16xi32>, vector<16xi32>, vector<16xi32>], vector<16xf32>,
        %parallel_loop3A_483 = arith.constant 16 : i32
        %parallel_loop3A_484 = vector.broadcast %parallel_loop3A_483 : i32 to vector<16xi32>
        %parallel_loop3A_485 = arith.addi %and3A_89, %parallel_loop3A_484 : vector<16xi32>
        %parallel_loop3A_486 = tpu.vector_load_idx %arg8[%parallel_loop3A_232, %parallel_loop3A_485] : memref<128x64xf32, #tpu.memory_space<vmem>>[vector<16xi32>, vector<16xi32>], vector<16xf32>,
        %parallel_loop3A_487 = arith.constant 3 : i32
        %parallel_loop3A_488 = vector.broadcast %parallel_loop3A_487 : i32 to vector<16xi32>
        %parallel_loop3A_489 = arith.shrsi %parallel_loop3A_485, %parallel_loop3A_488 : vector<16xi32>
        %parallel_loop3A_490 = arith.constant 7 : i32
        %parallel_loop3A_491 = vector.broadcast %parallel_loop3A_490 : i32 to vector<16xi32>
        %parallel_loop3A_492 = arith.andi %parallel_loop3A_485, %parallel_loop3A_491 : vector<16xi32>
        tpu.vector_store_idx %arg10[%parallel_loop3A_489, %parallel_loop3A_492, %parallel_loop3A_232], %parallel_loop3A_486 : memref<8x8x128xf32, #tpu.memory_space<vmem>>[vector<16xi32>, vector<16xi32>, vector<16xi32>], vector<16xf32>,
        %parallel_loop3A_493 = arith.constant 16 : i32
        %parallel_loop3A_494 = vector.broadcast %parallel_loop3A_493 : i32 to vector<16xi32>
        %parallel_loop3A_495 = arith.addi %and3A_95, %parallel_loop3A_494 : vector<16xi32>
        %parallel_loop3A_496 = tpu.vector_load_idx %arg8[%parallel_loop3A_232, %parallel_loop3A_495] : memref<128x64xf32, #tpu.memory_space<vmem>>[vector<16xi32>, vector<16xi32>], vector<16xf32>,
        %parallel_loop3A_497 = arith.constant 3 : i32
        %parallel_loop3A_498 = vector.broadcast %parallel_loop3A_497 : i32 to vector<16xi32>
        %parallel_loop3A_499 = arith.shrsi %parallel_loop3A_495, %parallel_loop3A_498 : vector<16xi32>
        %parallel_loop3A_500 = arith.constant 7 : i32
        %parallel_loop3A_501 = vector.broadcast %parallel_loop3A_500 : i32 to vector<16xi32>
        %parallel_loop3A_502 = arith.andi %parallel_loop3A_495, %parallel_loop3A_501 : vector<16xi32>
        tpu.vector_store_idx %arg10[%parallel_loop3A_499, %parallel_loop3A_502, %parallel_loop3A_232], %parallel_loop3A_496 : memref<8x8x128xf32, #tpu.memory_space<vmem>>[vector<16xi32>, vector<16xi32>, vector<16xi32>], vector<16xf32>,
        %parallel_loop3A_503 = arith.constant 16 : i32
        %parallel_loop3A_504 = vector.broadcast %parallel_loop3A_503 : i32 to vector<16xi32>
        %parallel_loop3A_505 = arith.addi %and3A_101, %parallel_loop3A_504 : vector<16xi32>
        %parallel_loop3A_506 = tpu.vector_load_idx %arg8[%parallel_loop3A_232, %parallel_loop3A_505] : memref<128x64xf32, #tpu.memory_space<vmem>>[vector<16xi32>, vector<16xi32>], vector<16xf32>,
        %parallel_loop3A_507 = arith.constant 3 : i32
        %parallel_loop3A_508 = vector.broadcast %parallel_loop3A_507 : i32 to vector<16xi32>
        %parallel_loop3A_509 = arith.shrsi %parallel_loop3A_505, %parallel_loop3A_508 : vector<16xi32>
        %parallel_loop3A_510 = arith.constant 7 : i32
        %parallel_loop3A_511 = vector.broadcast %parallel_loop3A_510 : i32 to vector<16xi32>
        %parallel_loop3A_512 = arith.andi %parallel_loop3A_505, %parallel_loop3A_511 : vector<16xi32>
        tpu.vector_store_idx %arg10[%parallel_loop3A_509, %parallel_loop3A_512, %parallel_loop3A_232], %parallel_loop3A_506 : memref<8x8x128xf32, #tpu.memory_space<vmem>>[vector<16xi32>, vector<16xi32>, vector<16xi32>], vector<16xf32>,
        %parallel_loop3A_513 = arith.constant 16 : i32
        %parallel_loop3A_514 = vector.broadcast %parallel_loop3A_513 : i32 to vector<16xi32>
        %parallel_loop3A_515 = arith.addi %and3A_107, %parallel_loop3A_514 : vector<16xi32>
        %parallel_loop3A_516 = tpu.vector_load_idx %arg8[%parallel_loop3A_232, %parallel_loop3A_515] : memref<128x64xf32, #tpu.memory_space<vmem>>[vector<16xi32>, vector<16xi32>], vector<16xf32>,
        %parallel_loop3A_517 = arith.constant 3 : i32
        %parallel_loop3A_518 = vector.broadcast %parallel_loop3A_517 : i32 to vector<16xi32>
        %parallel_loop3A_519 = arith.shrsi %parallel_loop3A_515, %parallel_loop3A_518 : vector<16xi32>
        %parallel_loop3A_520 = arith.constant 7 : i32
        %parallel_loop3A_521 = vector.broadcast %parallel_loop3A_520 : i32 to vector<16xi32>
        %parallel_loop3A_522 = arith.andi %parallel_loop3A_515, %parallel_loop3A_521 : vector<16xi32>
        tpu.vector_store_idx %arg10[%parallel_loop3A_519, %parallel_loop3A_522, %parallel_loop3A_232], %parallel_loop3A_516 : memref<8x8x128xf32, #tpu.memory_space<vmem>>[vector<16xi32>, vector<16xi32>, vector<16xi32>], vector<16xf32>,
        %parallel_loop3A_523 = arith.constant 16 : i32
        %parallel_loop3A_524 = vector.broadcast %parallel_loop3A_523 : i32 to vector<16xi32>
        %parallel_loop3A_525 = arith.addi %and3A_113, %parallel_loop3A_524 : vector<16xi32>
        %parallel_loop3A_526 = tpu.vector_load_idx %arg8[%parallel_loop3A_232, %parallel_loop3A_525] : memref<128x64xf32, #tpu.memory_space<vmem>>[vector<16xi32>, vector<16xi32>], vector<16xf32>,
        %parallel_loop3A_527 = arith.constant 3 : i32
        %parallel_loop3A_528 = vector.broadcast %parallel_loop3A_527 : i32 to vector<16xi32>
        %parallel_loop3A_529 = arith.shrsi %parallel_loop3A_525, %parallel_loop3A_528 : vector<16xi32>
        %parallel_loop3A_530 = arith.constant 7 : i32
        %parallel_loop3A_531 = vector.broadcast %parallel_loop3A_530 : i32 to vector<16xi32>
        %parallel_loop3A_532 = arith.andi %parallel_loop3A_525, %parallel_loop3A_531 : vector<16xi32>
        tpu.vector_store_idx %arg10[%parallel_loop3A_529, %parallel_loop3A_532, %parallel_loop3A_232], %parallel_loop3A_526 : memref<8x8x128xf32, #tpu.memory_space<vmem>>[vector<16xi32>, vector<16xi32>, vector<16xi32>], vector<16xf32>,
        %parallel_loop3A_533 = arith.constant 16 : i32
        %parallel_loop3A_534 = vector.broadcast %parallel_loop3A_533 : i32 to vector<16xi32>
        %parallel_loop3A_535 = arith.addi %and3A_119, %parallel_loop3A_534 : vector<16xi32>
        %parallel_loop3A_536 = tpu.vector_load_idx %arg8[%parallel_loop3A_232, %parallel_loop3A_535] : memref<128x64xf32, #tpu.memory_space<vmem>>[vector<16xi32>, vector<16xi32>], vector<16xf32>,
        %parallel_loop3A_537 = arith.constant 3 : i32
        %parallel_loop3A_538 = vector.broadcast %parallel_loop3A_537 : i32 to vector<16xi32>
        %parallel_loop3A_539 = arith.shrsi %parallel_loop3A_535, %parallel_loop3A_538 : vector<16xi32>
        %parallel_loop3A_540 = arith.constant 7 : i32
        %parallel_loop3A_541 = vector.broadcast %parallel_loop3A_540 : i32 to vector<16xi32>
        %parallel_loop3A_542 = arith.andi %parallel_loop3A_535, %parallel_loop3A_541 : vector<16xi32>
        tpu.vector_store_idx %arg10[%parallel_loop3A_539, %parallel_loop3A_542, %parallel_loop3A_232], %parallel_loop3A_536 : memref<8x8x128xf32, #tpu.memory_space<vmem>>[vector<16xi32>, vector<16xi32>, vector<16xi32>], vector<16xf32>,
        %parallel_loop3A_543 = arith.constant 16 : i32
        %parallel_loop3A_544 = vector.broadcast %parallel_loop3A_543 : i32 to vector<16xi32>
        %parallel_loop3A_545 = arith.addi %and3A_125, %parallel_loop3A_544 : vector<16xi32>
        %parallel_loop3A_546 = tpu.vector_load_idx %arg8[%parallel_loop3A_232, %parallel_loop3A_545] : memref<128x64xf32, #tpu.memory_space<vmem>>[vector<16xi32>, vector<16xi32>], vector<16xf32>,
        %parallel_loop3A_547 = arith.constant 3 : i32
        %parallel_loop3A_548 = vector.broadcast %parallel_loop3A_547 : i32 to vector<16xi32>
        %parallel_loop3A_549 = arith.shrsi %parallel_loop3A_545, %parallel_loop3A_548 : vector<16xi32>
        %parallel_loop3A_550 = arith.constant 7 : i32
        %parallel_loop3A_551 = vector.broadcast %parallel_loop3A_550 : i32 to vector<16xi32>
        %parallel_loop3A_552 = arith.andi %parallel_loop3A_545, %parallel_loop3A_551 : vector<16xi32>
        tpu.vector_store_idx %arg10[%parallel_loop3A_549, %parallel_loop3A_552, %parallel_loop3A_232], %parallel_loop3A_546 : memref<8x8x128xf32, #tpu.memory_space<vmem>>[vector<16xi32>, vector<16xi32>, vector<16xi32>], vector<16xf32>,
        %parallel_loop3A_553 = arith.constant 32 : i32
        %parallel_loop3A_554 = vector.broadcast %parallel_loop3A_553 : i32 to vector<16xi32>
        %parallel_loop3A_555 = arith.addi %and3A_35, %parallel_loop3A_554 : vector<16xi32>
        %parallel_loop3A_556 = tpu.vector_load_idx %arg8[%parallel_loop3A_232, %parallel_loop3A_555] : memref<128x64xf32, #tpu.memory_space<vmem>>[vector<16xi32>, vector<16xi32>], vector<16xf32>,
        %parallel_loop3A_557 = arith.constant 3 : i32
        %parallel_loop3A_558 = vector.broadcast %parallel_loop3A_557 : i32 to vector<16xi32>
        %parallel_loop3A_559 = arith.shrsi %parallel_loop3A_555, %parallel_loop3A_558 : vector<16xi32>
        %parallel_loop3A_560 = arith.constant 7 : i32
        %parallel_loop3A_561 = vector.broadcast %parallel_loop3A_560 : i32 to vector<16xi32>
        %parallel_loop3A_562 = arith.andi %parallel_loop3A_555, %parallel_loop3A_561 : vector<16xi32>
        tpu.vector_store_idx %arg10[%parallel_loop3A_559, %parallel_loop3A_562, %parallel_loop3A_232], %parallel_loop3A_556 : memref<8x8x128xf32, #tpu.memory_space<vmem>>[vector<16xi32>, vector<16xi32>, vector<16xi32>], vector<16xf32>,
        %parallel_loop3A_563 = arith.constant 32 : i32
        %parallel_loop3A_564 = vector.broadcast %parallel_loop3A_563 : i32 to vector<16xi32>
        %parallel_loop3A_565 = arith.addi %and3A_41, %parallel_loop3A_564 : vector<16xi32>
        %parallel_loop3A_566 = tpu.vector_load_idx %arg8[%parallel_loop3A_232, %parallel_loop3A_565] : memref<128x64xf32, #tpu.memory_space<vmem>>[vector<16xi32>, vector<16xi32>], vector<16xf32>,
        %parallel_loop3A_567 = arith.constant 3 : i32
        %parallel_loop3A_568 = vector.broadcast %parallel_loop3A_567 : i32 to vector<16xi32>
        %parallel_loop3A_569 = arith.shrsi %parallel_loop3A_565, %parallel_loop3A_568 : vector<16xi32>
        %parallel_loop3A_570 = arith.constant 7 : i32
        %parallel_loop3A_571 = vector.broadcast %parallel_loop3A_570 : i32 to vector<16xi32>
        %parallel_loop3A_572 = arith.andi %parallel_loop3A_565, %parallel_loop3A_571 : vector<16xi32>
        tpu.vector_store_idx %arg10[%parallel_loop3A_569, %parallel_loop3A_572, %parallel_loop3A_232], %parallel_loop3A_566 : memref<8x8x128xf32, #tpu.memory_space<vmem>>[vector<16xi32>, vector<16xi32>, vector<16xi32>], vector<16xf32>,
        %parallel_loop3A_573 = arith.constant 32 : i32
        %parallel_loop3A_574 = vector.broadcast %parallel_loop3A_573 : i32 to vector<16xi32>
        %parallel_loop3A_575 = arith.addi %and3A_47, %parallel_loop3A_574 : vector<16xi32>
        %parallel_loop3A_576 = tpu.vector_load_idx %arg8[%parallel_loop3A_232, %parallel_loop3A_575] : memref<128x64xf32, #tpu.memory_space<vmem>>[vector<16xi32>, vector<16xi32>], vector<16xf32>,
        %parallel_loop3A_577 = arith.constant 3 : i32
        %parallel_loop3A_578 = vector.broadcast %parallel_loop3A_577 : i32 to vector<16xi32>
        %parallel_loop3A_579 = arith.shrsi %parallel_loop3A_575, %parallel_loop3A_578 : vector<16xi32>
        %parallel_loop3A_580 = arith.constant 7 : i32
        %parallel_loop3A_581 = vector.broadcast %parallel_loop3A_580 : i32 to vector<16xi32>
        %parallel_loop3A_582 = arith.andi %parallel_loop3A_575, %parallel_loop3A_581 : vector<16xi32>
        tpu.vector_store_idx %arg10[%parallel_loop3A_579, %parallel_loop3A_582, %parallel_loop3A_232], %parallel_loop3A_576 : memref<8x8x128xf32, #tpu.memory_space<vmem>>[vector<16xi32>, vector<16xi32>, vector<16xi32>], vector<16xf32>,
        %parallel_loop3A_583 = arith.constant 32 : i32
        %parallel_loop3A_584 = vector.broadcast %parallel_loop3A_583 : i32 to vector<16xi32>
        %parallel_loop3A_585 = arith.addi %and3A_53, %parallel_loop3A_584 : vector<16xi32>
        %parallel_loop3A_586 = tpu.vector_load_idx %arg8[%parallel_loop3A_232, %parallel_loop3A_585] : memref<128x64xf32, #tpu.memory_space<vmem>>[vector<16xi32>, vector<16xi32>], vector<16xf32>,
        %parallel_loop3A_587 = arith.constant 3 : i32
        %parallel_loop3A_588 = vector.broadcast %parallel_loop3A_587 : i32 to vector<16xi32>
        %parallel_loop3A_589 = arith.shrsi %parallel_loop3A_585, %parallel_loop3A_588 : vector<16xi32>
        %parallel_loop3A_590 = arith.constant 7 : i32
        %parallel_loop3A_591 = vector.broadcast %parallel_loop3A_590 : i32 to vector<16xi32>
        %parallel_loop3A_592 = arith.andi %parallel_loop3A_585, %parallel_loop3A_591 : vector<16xi32>
        tpu.vector_store_idx %arg10[%parallel_loop3A_589, %parallel_loop3A_592, %parallel_loop3A_232], %parallel_loop3A_586 : memref<8x8x128xf32, #tpu.memory_space<vmem>>[vector<16xi32>, vector<16xi32>, vector<16xi32>], vector<16xf32>,
        %parallel_loop3A_593 = arith.constant 32 : i32
        %parallel_loop3A_594 = vector.broadcast %parallel_loop3A_593 : i32 to vector<16xi32>
        %parallel_loop3A_595 = arith.addi %and3A_59, %parallel_loop3A_594 : vector<16xi32>
        %parallel_loop3A_596 = tpu.vector_load_idx %arg8[%parallel_loop3A_232, %parallel_loop3A_595] : memref<128x64xf32, #tpu.memory_space<vmem>>[vector<16xi32>, vector<16xi32>], vector<16xf32>,
        %parallel_loop3A_597 = arith.constant 3 : i32
        %parallel_loop3A_598 = vector.broadcast %parallel_loop3A_597 : i32 to vector<16xi32>
        %parallel_loop3A_599 = arith.shrsi %parallel_loop3A_595, %parallel_loop3A_598 : vector<16xi32>
        %parallel_loop3A_600 = arith.constant 7 : i32
        %parallel_loop3A_601 = vector.broadcast %parallel_loop3A_600 : i32 to vector<16xi32>
        %parallel_loop3A_602 = arith.andi %parallel_loop3A_595, %parallel_loop3A_601 : vector<16xi32>
        tpu.vector_store_idx %arg10[%parallel_loop3A_599, %parallel_loop3A_602, %parallel_loop3A_232], %parallel_loop3A_596 : memref<8x8x128xf32, #tpu.memory_space<vmem>>[vector<16xi32>, vector<16xi32>, vector<16xi32>], vector<16xf32>,
        %parallel_loop3A_603 = arith.constant 32 : i32
        %parallel_loop3A_604 = vector.broadcast %parallel_loop3A_603 : i32 to vector<16xi32>
        %parallel_loop3A_605 = arith.addi %and3A_65, %parallel_loop3A_604 : vector<16xi32>
        %parallel_loop3A_606 = tpu.vector_load_idx %arg8[%parallel_loop3A_232, %parallel_loop3A_605] : memref<128x64xf32, #tpu.memory_space<vmem>>[vector<16xi32>, vector<16xi32>], vector<16xf32>,
        %parallel_loop3A_607 = arith.constant 3 : i32
        %parallel_loop3A_608 = vector.broadcast %parallel_loop3A_607 : i32 to vector<16xi32>
        %parallel_loop3A_609 = arith.shrsi %parallel_loop3A_605, %parallel_loop3A_608 : vector<16xi32>
        %parallel_loop3A_610 = arith.constant 7 : i32
        %parallel_loop3A_611 = vector.broadcast %parallel_loop3A_610 : i32 to vector<16xi32>
        %parallel_loop3A_612 = arith.andi %parallel_loop3A_605, %parallel_loop3A_611 : vector<16xi32>
        tpu.vector_store_idx %arg10[%parallel_loop3A_609, %parallel_loop3A_612, %parallel_loop3A_232], %parallel_loop3A_606 : memref<8x8x128xf32, #tpu.memory_space<vmem>>[vector<16xi32>, vector<16xi32>, vector<16xi32>], vector<16xf32>,
        %parallel_loop3A_613 = arith.constant 32 : i32
        %parallel_loop3A_614 = vector.broadcast %parallel_loop3A_613 : i32 to vector<16xi32>
        %parallel_loop3A_615 = arith.addi %and3A_71, %parallel_loop3A_614 : vector<16xi32>
        %parallel_loop3A_616 = tpu.vector_load_idx %arg8[%parallel_loop3A_232, %parallel_loop3A_615] : memref<128x64xf32, #tpu.memory_space<vmem>>[vector<16xi32>, vector<16xi32>], vector<16xf32>,
        %parallel_loop3A_617 = arith.constant 3 : i32
        %parallel_loop3A_618 = vector.broadcast %parallel_loop3A_617 : i32 to vector<16xi32>
        %parallel_loop3A_619 = arith.shrsi %parallel_loop3A_615, %parallel_loop3A_618 : vector<16xi32>
        %parallel_loop3A_620 = arith.constant 7 : i32
        %parallel_loop3A_621 = vector.broadcast %parallel_loop3A_620 : i32 to vector<16xi32>
        %parallel_loop3A_622 = arith.andi %parallel_loop3A_615, %parallel_loop3A_621 : vector<16xi32>
        tpu.vector_store_idx %arg10[%parallel_loop3A_619, %parallel_loop3A_622, %parallel_loop3A_232], %parallel_loop3A_616 : memref<8x8x128xf32, #tpu.memory_space<vmem>>[vector<16xi32>, vector<16xi32>, vector<16xi32>], vector<16xf32>,
        %parallel_loop3A_623 = arith.constant 32 : i32
        %parallel_loop3A_624 = vector.broadcast %parallel_loop3A_623 : i32 to vector<16xi32>
        %parallel_loop3A_625 = arith.addi %and3A_77, %parallel_loop3A_624 : vector<16xi32>
        %parallel_loop3A_626 = tpu.vector_load_idx %arg8[%parallel_loop3A_232, %parallel_loop3A_625] : memref<128x64xf32, #tpu.memory_space<vmem>>[vector<16xi32>, vector<16xi32>], vector<16xf32>,
        %parallel_loop3A_627 = arith.constant 3 : i32
        %parallel_loop3A_628 = vector.broadcast %parallel_loop3A_627 : i32 to vector<16xi32>
        %parallel_loop3A_629 = arith.shrsi %parallel_loop3A_625, %parallel_loop3A_628 : vector<16xi32>
        %parallel_loop3A_630 = arith.constant 7 : i32
        %parallel_loop3A_631 = vector.broadcast %parallel_loop3A_630 : i32 to vector<16xi32>
        %parallel_loop3A_632 = arith.andi %parallel_loop3A_625, %parallel_loop3A_631 : vector<16xi32>
        tpu.vector_store_idx %arg10[%parallel_loop3A_629, %parallel_loop3A_632, %parallel_loop3A_232], %parallel_loop3A_626 : memref<8x8x128xf32, #tpu.memory_space<vmem>>[vector<16xi32>, vector<16xi32>, vector<16xi32>], vector<16xf32>,
        %parallel_loop3A_633 = arith.constant 32 : i32
        %parallel_loop3A_634 = vector.broadcast %parallel_loop3A_633 : i32 to vector<16xi32>
        %parallel_loop3A_635 = arith.addi %and3A_83, %parallel_loop3A_634 : vector<16xi32>
        %parallel_loop3A_636 = tpu.vector_load_idx %arg8[%parallel_loop3A_232, %parallel_loop3A_635] : memref<128x64xf32, #tpu.memory_space<vmem>>[vector<16xi32>, vector<16xi32>], vector<16xf32>,
        %parallel_loop3A_637 = arith.constant 3 : i32
        %parallel_loop3A_638 = vector.broadcast %parallel_loop3A_637 : i32 to vector<16xi32>
        %parallel_loop3A_639 = arith.shrsi %parallel_loop3A_635, %parallel_loop3A_638 : vector<16xi32>
        %parallel_loop3A_640 = arith.constant 7 : i32
        %parallel_loop3A_641 = vector.broadcast %parallel_loop3A_640 : i32 to vector<16xi32>
        %parallel_loop3A_642 = arith.andi %parallel_loop3A_635, %parallel_loop3A_641 : vector<16xi32>
        tpu.vector_store_idx %arg10[%parallel_loop3A_639, %parallel_loop3A_642, %parallel_loop3A_232], %parallel_loop3A_636 : memref<8x8x128xf32, #tpu.memory_space<vmem>>[vector<16xi32>, vector<16xi32>, vector<16xi32>], vector<16xf32>,
        %parallel_loop3A_643 = arith.constant 32 : i32
        %parallel_loop3A_644 = vector.broadcast %parallel_loop3A_643 : i32 to vector<16xi32>
        %parallel_loop3A_645 = arith.addi %and3A_89, %parallel_loop3A_644 : vector<16xi32>
        %parallel_loop3A_646 = tpu.vector_load_idx %arg8[%parallel_loop3A_232, %parallel_loop3A_645] : memref<128x64xf32, #tpu.memory_space<vmem>>[vector<16xi32>, vector<16xi32>], vector<16xf32>,
        %parallel_loop3A_647 = arith.constant 3 : i32
        %parallel_loop3A_648 = vector.broadcast %parallel_loop3A_647 : i32 to vector<16xi32>
        %parallel_loop3A_649 = arith.shrsi %parallel_loop3A_645, %parallel_loop3A_648 : vector<16xi32>
        %parallel_loop3A_650 = arith.constant 7 : i32
        %parallel_loop3A_651 = vector.broadcast %parallel_loop3A_650 : i32 to vector<16xi32>
        %parallel_loop3A_652 = arith.andi %parallel_loop3A_645, %parallel_loop3A_651 : vector<16xi32>
        tpu.vector_store_idx %arg10[%parallel_loop3A_649, %parallel_loop3A_652, %parallel_loop3A_232], %parallel_loop3A_646 : memref<8x8x128xf32, #tpu.memory_space<vmem>>[vector<16xi32>, vector<16xi32>, vector<16xi32>], vector<16xf32>,
        %parallel_loop3A_653 = arith.constant 32 : i32
        %parallel_loop3A_654 = vector.broadcast %parallel_loop3A_653 : i32 to vector<16xi32>
        %parallel_loop3A_655 = arith.addi %and3A_95, %parallel_loop3A_654 : vector<16xi32>
        %parallel_loop3A_656 = tpu.vector_load_idx %arg8[%parallel_loop3A_232, %parallel_loop3A_655] : memref<128x64xf32, #tpu.memory_space<vmem>>[vector<16xi32>, vector<16xi32>], vector<16xf32>,
        %parallel_loop3A_657 = arith.constant 3 : i32
        %parallel_loop3A_658 = vector.broadcast %parallel_loop3A_657 : i32 to vector<16xi32>
        %parallel_loop3A_659 = arith.shrsi %parallel_loop3A_655, %parallel_loop3A_658 : vector<16xi32>
        %parallel_loop3A_660 = arith.constant 7 : i32
        %parallel_loop3A_661 = vector.broadcast %parallel_loop3A_660 : i32 to vector<16xi32>
        %parallel_loop3A_662 = arith.andi %parallel_loop3A_655, %parallel_loop3A_661 : vector<16xi32>
        tpu.vector_store_idx %arg10[%parallel_loop3A_659, %parallel_loop3A_662, %parallel_loop3A_232], %parallel_loop3A_656 : memref<8x8x128xf32, #tpu.memory_space<vmem>>[vector<16xi32>, vector<16xi32>, vector<16xi32>], vector<16xf32>,
        %parallel_loop3A_663 = arith.constant 32 : i32
        %parallel_loop3A_664 = vector.broadcast %parallel_loop3A_663 : i32 to vector<16xi32>
        %parallel_loop3A_665 = arith.addi %and3A_101, %parallel_loop3A_664 : vector<16xi32>
        %parallel_loop3A_666 = tpu.vector_load_idx %arg8[%parallel_loop3A_232, %parallel_loop3A_665] : memref<128x64xf32, #tpu.memory_space<vmem>>[vector<16xi32>, vector<16xi32>], vector<16xf32>,
        %parallel_loop3A_667 = arith.constant 3 : i32
        %parallel_loop3A_668 = vector.broadcast %parallel_loop3A_667 : i32 to vector<16xi32>
        %parallel_loop3A_669 = arith.shrsi %parallel_loop3A_665, %parallel_loop3A_668 : vector<16xi32>
        %parallel_loop3A_670 = arith.constant 7 : i32
        %parallel_loop3A_671 = vector.broadcast %parallel_loop3A_670 : i32 to vector<16xi32>
        %parallel_loop3A_672 = arith.andi %parallel_loop3A_665, %parallel_loop3A_671 : vector<16xi32>
        tpu.vector_store_idx %arg10[%parallel_loop3A_669, %parallel_loop3A_672, %parallel_loop3A_232], %parallel_loop3A_666 : memref<8x8x128xf32, #tpu.memory_space<vmem>>[vector<16xi32>, vector<16xi32>, vector<16xi32>], vector<16xf32>,
        %parallel_loop3A_673 = arith.constant 32 : i32
        %parallel_loop3A_674 = vector.broadcast %parallel_loop3A_673 : i32 to vector<16xi32>
        %parallel_loop3A_675 = arith.addi %and3A_107, %parallel_loop3A_674 : vector<16xi32>
        %parallel_loop3A_676 = tpu.vector_load_idx %arg8[%parallel_loop3A_232, %parallel_loop3A_675] : memref<128x64xf32, #tpu.memory_space<vmem>>[vector<16xi32>, vector<16xi32>], vector<16xf32>,
        %parallel_loop3A_677 = arith.constant 3 : i32
        %parallel_loop3A_678 = vector.broadcast %parallel_loop3A_677 : i32 to vector<16xi32>
        %parallel_loop3A_679 = arith.shrsi %parallel_loop3A_675, %parallel_loop3A_678 : vector<16xi32>
        %parallel_loop3A_680 = arith.constant 7 : i32
        %parallel_loop3A_681 = vector.broadcast %parallel_loop3A_680 : i32 to vector<16xi32>
        %parallel_loop3A_682 = arith.andi %parallel_loop3A_675, %parallel_loop3A_681 : vector<16xi32>
        tpu.vector_store_idx %arg10[%parallel_loop3A_679, %parallel_loop3A_682, %parallel_loop3A_232], %parallel_loop3A_676 : memref<8x8x128xf32, #tpu.memory_space<vmem>>[vector<16xi32>, vector<16xi32>, vector<16xi32>], vector<16xf32>,
        %parallel_loop3A_683 = arith.constant 32 : i32
        %parallel_loop3A_684 = vector.broadcast %parallel_loop3A_683 : i32 to vector<16xi32>
        %parallel_loop3A_685 = arith.addi %and3A_113, %parallel_loop3A_684 : vector<16xi32>
        %parallel_loop3A_686 = tpu.vector_load_idx %arg8[%parallel_loop3A_232, %parallel_loop3A_685] : memref<128x64xf32, #tpu.memory_space<vmem>>[vector<16xi32>, vector<16xi32>], vector<16xf32>,
        %parallel_loop3A_687 = arith.constant 3 : i32
        %parallel_loop3A_688 = vector.broadcast %parallel_loop3A_687 : i32 to vector<16xi32>
        %parallel_loop3A_689 = arith.shrsi %parallel_loop3A_685, %parallel_loop3A_688 : vector<16xi32>
        %parallel_loop3A_690 = arith.constant 7 : i32
        %parallel_loop3A_691 = vector.broadcast %parallel_loop3A_690 : i32 to vector<16xi32>
        %parallel_loop3A_692 = arith.andi %parallel_loop3A_685, %parallel_loop3A_691 : vector<16xi32>
        tpu.vector_store_idx %arg10[%parallel_loop3A_689, %parallel_loop3A_692, %parallel_loop3A_232], %parallel_loop3A_686 : memref<8x8x128xf32, #tpu.memory_space<vmem>>[vector<16xi32>, vector<16xi32>, vector<16xi32>], vector<16xf32>,
        %parallel_loop3A_693 = arith.constant 32 : i32
        %parallel_loop3A_694 = vector.broadcast %parallel_loop3A_693 : i32 to vector<16xi32>
        %parallel_loop3A_695 = arith.addi %and3A_119, %parallel_loop3A_694 : vector<16xi32>
        %parallel_loop3A_696 = tpu.vector_load_idx %arg8[%parallel_loop3A_232, %parallel_loop3A_695] : memref<128x64xf32, #tpu.memory_space<vmem>>[vector<16xi32>, vector<16xi32>], vector<16xf32>,
        %parallel_loop3A_697 = arith.constant 3 : i32
        %parallel_loop3A_698 = vector.broadcast %parallel_loop3A_697 : i32 to vector<16xi32>
        %parallel_loop3A_699 = arith.shrsi %parallel_loop3A_695, %parallel_loop3A_698 : vector<16xi32>
        %parallel_loop3A_700 = arith.constant 7 : i32
        %parallel_loop3A_701 = vector.broadcast %parallel_loop3A_700 : i32 to vector<16xi32>
        %parallel_loop3A_702 = arith.andi %parallel_loop3A_695, %parallel_loop3A_701 : vector<16xi32>
        tpu.vector_store_idx %arg10[%parallel_loop3A_699, %parallel_loop3A_702, %parallel_loop3A_232], %parallel_loop3A_696 : memref<8x8x128xf32, #tpu.memory_space<vmem>>[vector<16xi32>, vector<16xi32>, vector<16xi32>], vector<16xf32>,
        %parallel_loop3A_703 = arith.constant 32 : i32
        %parallel_loop3A_704 = vector.broadcast %parallel_loop3A_703 : i32 to vector<16xi32>
        %parallel_loop3A_705 = arith.addi %and3A_125, %parallel_loop3A_704 : vector<16xi32>
        %parallel_loop3A_706 = tpu.vector_load_idx %arg8[%parallel_loop3A_232, %parallel_loop3A_705] : memref<128x64xf32, #tpu.memory_space<vmem>>[vector<16xi32>, vector<16xi32>], vector<16xf32>,
        %parallel_loop3A_707 = arith.constant 3 : i32
        %parallel_loop3A_708 = vector.broadcast %parallel_loop3A_707 : i32 to vector<16xi32>
        %parallel_loop3A_709 = arith.shrsi %parallel_loop3A_705, %parallel_loop3A_708 : vector<16xi32>
        %parallel_loop3A_710 = arith.constant 7 : i32
        %parallel_loop3A_711 = vector.broadcast %parallel_loop3A_710 : i32 to vector<16xi32>
        %parallel_loop3A_712 = arith.andi %parallel_loop3A_705, %parallel_loop3A_711 : vector<16xi32>
        tpu.vector_store_idx %arg10[%parallel_loop3A_709, %parallel_loop3A_712, %parallel_loop3A_232], %parallel_loop3A_706 : memref<8x8x128xf32, #tpu.memory_space<vmem>>[vector<16xi32>, vector<16xi32>, vector<16xi32>], vector<16xf32>,
        %parallel_loop3A_713 = arith.constant 48 : i32
        %parallel_loop3A_714 = vector.broadcast %parallel_loop3A_713 : i32 to vector<16xi32>
        %parallel_loop3A_715 = arith.addi %and3A_35, %parallel_loop3A_714 : vector<16xi32>
        %parallel_loop3A_716 = tpu.vector_load_idx %arg8[%parallel_loop3A_232, %parallel_loop3A_715] : memref<128x64xf32, #tpu.memory_space<vmem>>[vector<16xi32>, vector<16xi32>], vector<16xf32>,
        %parallel_loop3A_717 = arith.constant 3 : i32
        %parallel_loop3A_718 = vector.broadcast %parallel_loop3A_717 : i32 to vector<16xi32>
        %parallel_loop3A_719 = arith.shrsi %parallel_loop3A_715, %parallel_loop3A_718 : vector<16xi32>
        %parallel_loop3A_720 = arith.constant 7 : i32
        %parallel_loop3A_721 = vector.broadcast %parallel_loop3A_720 : i32 to vector<16xi32>
        %parallel_loop3A_722 = arith.andi %parallel_loop3A_715, %parallel_loop3A_721 : vector<16xi32>
        tpu.vector_store_idx %arg10[%parallel_loop3A_719, %parallel_loop3A_722, %parallel_loop3A_232], %parallel_loop3A_716 : memref<8x8x128xf32, #tpu.memory_space<vmem>>[vector<16xi32>, vector<16xi32>, vector<16xi32>], vector<16xf32>,
        %parallel_loop3A_723 = arith.constant 48 : i32
        %parallel_loop3A_724 = vector.broadcast %parallel_loop3A_723 : i32 to vector<16xi32>
        %parallel_loop3A_725 = arith.addi %and3A_41, %parallel_loop3A_724 : vector<16xi32>
        %parallel_loop3A_726 = tpu.vector_load_idx %arg8[%parallel_loop3A_232, %parallel_loop3A_725] : memref<128x64xf32, #tpu.memory_space<vmem>>[vector<16xi32>, vector<16xi32>], vector<16xf32>,
        %parallel_loop3A_727 = arith.constant 3 : i32
        %parallel_loop3A_728 = vector.broadcast %parallel_loop3A_727 : i32 to vector<16xi32>
        %parallel_loop3A_729 = arith.shrsi %parallel_loop3A_725, %parallel_loop3A_728 : vector<16xi32>
        %parallel_loop3A_730 = arith.constant 7 : i32
        %parallel_loop3A_731 = vector.broadcast %parallel_loop3A_730 : i32 to vector<16xi32>
        %parallel_loop3A_732 = arith.andi %parallel_loop3A_725, %parallel_loop3A_731 : vector<16xi32>
        tpu.vector_store_idx %arg10[%parallel_loop3A_729, %parallel_loop3A_732, %parallel_loop3A_232], %parallel_loop3A_726 : memref<8x8x128xf32, #tpu.memory_space<vmem>>[vector<16xi32>, vector<16xi32>, vector<16xi32>], vector<16xf32>,
        %parallel_loop3A_733 = arith.constant 48 : i32
        %parallel_loop3A_734 = vector.broadcast %parallel_loop3A_733 : i32 to vector<16xi32>
        %parallel_loop3A_735 = arith.addi %and3A_47, %parallel_loop3A_734 : vector<16xi32>
        %parallel_loop3A_736 = tpu.vector_load_idx %arg8[%parallel_loop3A_232, %parallel_loop3A_735] : memref<128x64xf32, #tpu.memory_space<vmem>>[vector<16xi32>, vector<16xi32>], vector<16xf32>,
        %parallel_loop3A_737 = arith.constant 3 : i32
        %parallel_loop3A_738 = vector.broadcast %parallel_loop3A_737 : i32 to vector<16xi32>
        %parallel_loop3A_739 = arith.shrsi %parallel_loop3A_735, %parallel_loop3A_738 : vector<16xi32>
        %parallel_loop3A_740 = arith.constant 7 : i32
        %parallel_loop3A_741 = vector.broadcast %parallel_loop3A_740 : i32 to vector<16xi32>
        %parallel_loop3A_742 = arith.andi %parallel_loop3A_735, %parallel_loop3A_741 : vector<16xi32>
        tpu.vector_store_idx %arg10[%parallel_loop3A_739, %parallel_loop3A_742, %parallel_loop3A_232], %parallel_loop3A_736 : memref<8x8x128xf32, #tpu.memory_space<vmem>>[vector<16xi32>, vector<16xi32>, vector<16xi32>], vector<16xf32>,
        %parallel_loop3A_743 = arith.constant 48 : i32
        %parallel_loop3A_744 = vector.broadcast %parallel_loop3A_743 : i32 to vector<16xi32>
        %parallel_loop3A_745 = arith.addi %and3A_53, %parallel_loop3A_744 : vector<16xi32>
        %parallel_loop3A_746 = tpu.vector_load_idx %arg8[%parallel_loop3A_232, %parallel_loop3A_745] : memref<128x64xf32, #tpu.memory_space<vmem>>[vector<16xi32>, vector<16xi32>], vector<16xf32>,
        %parallel_loop3A_747 = arith.constant 3 : i32
        %parallel_loop3A_748 = vector.broadcast %parallel_loop3A_747 : i32 to vector<16xi32>
        %parallel_loop3A_749 = arith.shrsi %parallel_loop3A_745, %parallel_loop3A_748 : vector<16xi32>
        %parallel_loop3A_750 = arith.constant 7 : i32
        %parallel_loop3A_751 = vector.broadcast %parallel_loop3A_750 : i32 to vector<16xi32>
        %parallel_loop3A_752 = arith.andi %parallel_loop3A_745, %parallel_loop3A_751 : vector<16xi32>
        tpu.vector_store_idx %arg10[%parallel_loop3A_749, %parallel_loop3A_752, %parallel_loop3A_232], %parallel_loop3A_746 : memref<8x8x128xf32, #tpu.memory_space<vmem>>[vector<16xi32>, vector<16xi32>, vector<16xi32>], vector<16xf32>,
        %parallel_loop3A_753 = arith.constant 48 : i32
        %parallel_loop3A_754 = vector.broadcast %parallel_loop3A_753 : i32 to vector<16xi32>
        %parallel_loop3A_755 = arith.addi %and3A_59, %parallel_loop3A_754 : vector<16xi32>
        %parallel_loop3A_756 = tpu.vector_load_idx %arg8[%parallel_loop3A_232, %parallel_loop3A_755] : memref<128x64xf32, #tpu.memory_space<vmem>>[vector<16xi32>, vector<16xi32>], vector<16xf32>,
        %parallel_loop3A_757 = arith.constant 3 : i32
        %parallel_loop3A_758 = vector.broadcast %parallel_loop3A_757 : i32 to vector<16xi32>
        %parallel_loop3A_759 = arith.shrsi %parallel_loop3A_755, %parallel_loop3A_758 : vector<16xi32>
        %parallel_loop3A_760 = arith.constant 7 : i32
        %parallel_loop3A_761 = vector.broadcast %parallel_loop3A_760 : i32 to vector<16xi32>
        %parallel_loop3A_762 = arith.andi %parallel_loop3A_755, %parallel_loop3A_761 : vector<16xi32>
        tpu.vector_store_idx %arg10[%parallel_loop3A_759, %parallel_loop3A_762, %parallel_loop3A_232], %parallel_loop3A_756 : memref<8x8x128xf32, #tpu.memory_space<vmem>>[vector<16xi32>, vector<16xi32>, vector<16xi32>], vector<16xf32>,
        %parallel_loop3A_763 = arith.constant 48 : i32
        %parallel_loop3A_764 = vector.broadcast %parallel_loop3A_763 : i32 to vector<16xi32>
        %parallel_loop3A_765 = arith.addi %and3A_65, %parallel_loop3A_764 : vector<16xi32>
        %parallel_loop3A_766 = tpu.vector_load_idx %arg8[%parallel_loop3A_232, %parallel_loop3A_765] : memref<128x64xf32, #tpu.memory_space<vmem>>[vector<16xi32>, vector<16xi32>], vector<16xf32>,
        %parallel_loop3A_767 = arith.constant 3 : i32
        %parallel_loop3A_768 = vector.broadcast %parallel_loop3A_767 : i32 to vector<16xi32>
        %parallel_loop3A_769 = arith.shrsi %parallel_loop3A_765, %parallel_loop3A_768 : vector<16xi32>
        %parallel_loop3A_770 = arith.constant 7 : i32
        %parallel_loop3A_771 = vector.broadcast %parallel_loop3A_770 : i32 to vector<16xi32>
        %parallel_loop3A_772 = arith.andi %parallel_loop3A_765, %parallel_loop3A_771 : vector<16xi32>
        tpu.vector_store_idx %arg10[%parallel_loop3A_769, %parallel_loop3A_772, %parallel_loop3A_232], %parallel_loop3A_766 : memref<8x8x128xf32, #tpu.memory_space<vmem>>[vector<16xi32>, vector<16xi32>, vector<16xi32>], vector<16xf32>,
        %parallel_loop3A_773 = arith.constant 48 : i32
        %parallel_loop3A_774 = vector.broadcast %parallel_loop3A_773 : i32 to vector<16xi32>
        %parallel_loop3A_775 = arith.addi %and3A_71, %parallel_loop3A_774 : vector<16xi32>
        %parallel_loop3A_776 = tpu.vector_load_idx %arg8[%parallel_loop3A_232, %parallel_loop3A_775] : memref<128x64xf32, #tpu.memory_space<vmem>>[vector<16xi32>, vector<16xi32>], vector<16xf32>,
        %parallel_loop3A_777 = arith.constant 3 : i32
        %parallel_loop3A_778 = vector.broadcast %parallel_loop3A_777 : i32 to vector<16xi32>
        %parallel_loop3A_779 = arith.shrsi %parallel_loop3A_775, %parallel_loop3A_778 : vector<16xi32>
        %parallel_loop3A_780 = arith.constant 7 : i32
        %parallel_loop3A_781 = vector.broadcast %parallel_loop3A_780 : i32 to vector<16xi32>
        %parallel_loop3A_782 = arith.andi %parallel_loop3A_775, %parallel_loop3A_781 : vector<16xi32>
        tpu.vector_store_idx %arg10[%parallel_loop3A_779, %parallel_loop3A_782, %parallel_loop3A_232], %parallel_loop3A_776 : memref<8x8x128xf32, #tpu.memory_space<vmem>>[vector<16xi32>, vector<16xi32>, vector<16xi32>], vector<16xf32>,
        %parallel_loop3A_783 = arith.constant 48 : i32
        %parallel_loop3A_784 = vector.broadcast %parallel_loop3A_783 : i32 to vector<16xi32>
        %parallel_loop3A_785 = arith.addi %and3A_77, %parallel_loop3A_784 : vector<16xi32>
        %parallel_loop3A_786 = tpu.vector_load_idx %arg8[%parallel_loop3A_232, %parallel_loop3A_785] : memref<128x64xf32, #tpu.memory_space<vmem>>[vector<16xi32>, vector<16xi32>], vector<16xf32>,
        %parallel_loop3A_787 = arith.constant 3 : i32
        %parallel_loop3A_788 = vector.broadcast %parallel_loop3A_787 : i32 to vector<16xi32>
        %parallel_loop3A_789 = arith.shrsi %parallel_loop3A_785, %parallel_loop3A_788 : vector<16xi32>
        %parallel_loop3A_790 = arith.constant 7 : i32
        %parallel_loop3A_791 = vector.broadcast %parallel_loop3A_790 : i32 to vector<16xi32>
        %parallel_loop3A_792 = arith.andi %parallel_loop3A_785, %parallel_loop3A_791 : vector<16xi32>
        tpu.vector_store_idx %arg10[%parallel_loop3A_789, %parallel_loop3A_792, %parallel_loop3A_232], %parallel_loop3A_786 : memref<8x8x128xf32, #tpu.memory_space<vmem>>[vector<16xi32>, vector<16xi32>, vector<16xi32>], vector<16xf32>,
        %parallel_loop3A_793 = arith.constant 48 : i32
        %parallel_loop3A_794 = vector.broadcast %parallel_loop3A_793 : i32 to vector<16xi32>
        %parallel_loop3A_795 = arith.addi %and3A_83, %parallel_loop3A_794 : vector<16xi32>
        %parallel_loop3A_796 = tpu.vector_load_idx %arg8[%parallel_loop3A_232, %parallel_loop3A_795] : memref<128x64xf32, #tpu.memory_space<vmem>>[vector<16xi32>, vector<16xi32>], vector<16xf32>,
        %parallel_loop3A_797 = arith.constant 3 : i32
        %parallel_loop3A_798 = vector.broadcast %parallel_loop3A_797 : i32 to vector<16xi32>
        %parallel_loop3A_799 = arith.shrsi %parallel_loop3A_795, %parallel_loop3A_798 : vector<16xi32>
        %parallel_loop3A_800 = arith.constant 7 : i32
        %parallel_loop3A_801 = vector.broadcast %parallel_loop3A_800 : i32 to vector<16xi32>
        %parallel_loop3A_802 = arith.andi %parallel_loop3A_795, %parallel_loop3A_801 : vector<16xi32>
        tpu.vector_store_idx %arg10[%parallel_loop3A_799, %parallel_loop3A_802, %parallel_loop3A_232], %parallel_loop3A_796 : memref<8x8x128xf32, #tpu.memory_space<vmem>>[vector<16xi32>, vector<16xi32>, vector<16xi32>], vector<16xf32>,
        %parallel_loop3A_803 = arith.constant 48 : i32
        %parallel_loop3A_804 = vector.broadcast %parallel_loop3A_803 : i32 to vector<16xi32>
        %parallel_loop3A_805 = arith.addi %and3A_89, %parallel_loop3A_804 : vector<16xi32>
        %parallel_loop3A_806 = tpu.vector_load_idx %arg8[%parallel_loop3A_232, %parallel_loop3A_805] : memref<128x64xf32, #tpu.memory_space<vmem>>[vector<16xi32>, vector<16xi32>], vector<16xf32>,
        %parallel_loop3A_807 = arith.constant 3 : i32
        %parallel_loop3A_808 = vector.broadcast %parallel_loop3A_807 : i32 to vector<16xi32>
        %parallel_loop3A_809 = arith.shrsi %parallel_loop3A_805, %parallel_loop3A_808 : vector<16xi32>
        %parallel_loop3A_810 = arith.constant 7 : i32
        %parallel_loop3A_811 = vector.broadcast %parallel_loop3A_810 : i32 to vector<16xi32>
        %parallel_loop3A_812 = arith.andi %parallel_loop3A_805, %parallel_loop3A_811 : vector<16xi32>
        tpu.vector_store_idx %arg10[%parallel_loop3A_809, %parallel_loop3A_812, %parallel_loop3A_232], %parallel_loop3A_806 : memref<8x8x128xf32, #tpu.memory_space<vmem>>[vector<16xi32>, vector<16xi32>, vector<16xi32>], vector<16xf32>,
        %parallel_loop3A_813 = arith.constant 48 : i32
        %parallel_loop3A_814 = vector.broadcast %parallel_loop3A_813 : i32 to vector<16xi32>
        %parallel_loop3A_815 = arith.addi %and3A_95, %parallel_loop3A_814 : vector<16xi32>
        %parallel_loop3A_816 = tpu.vector_load_idx %arg8[%parallel_loop3A_232, %parallel_loop3A_815] : memref<128x64xf32, #tpu.memory_space<vmem>>[vector<16xi32>, vector<16xi32>], vector<16xf32>,
        %parallel_loop3A_817 = arith.constant 3 : i32
        %parallel_loop3A_818 = vector.broadcast %parallel_loop3A_817 : i32 to vector<16xi32>
        %parallel_loop3A_819 = arith.shrsi %parallel_loop3A_815, %parallel_loop3A_818 : vector<16xi32>
        %parallel_loop3A_820 = arith.constant 7 : i32
        %parallel_loop3A_821 = vector.broadcast %parallel_loop3A_820 : i32 to vector<16xi32>
        %parallel_loop3A_822 = arith.andi %parallel_loop3A_815, %parallel_loop3A_821 : vector<16xi32>
        tpu.vector_store_idx %arg10[%parallel_loop3A_819, %parallel_loop3A_822, %parallel_loop3A_232], %parallel_loop3A_816 : memref<8x8x128xf32, #tpu.memory_space<vmem>>[vector<16xi32>, vector<16xi32>, vector<16xi32>], vector<16xf32>,
        %parallel_loop3A_823 = arith.constant 48 : i32
        %parallel_loop3A_824 = vector.broadcast %parallel_loop3A_823 : i32 to vector<16xi32>
        %parallel_loop3A_825 = arith.addi %and3A_101, %parallel_loop3A_824 : vector<16xi32>
        %parallel_loop3A_826 = tpu.vector_load_idx %arg8[%parallel_loop3A_232, %parallel_loop3A_825] : memref<128x64xf32, #tpu.memory_space<vmem>>[vector<16xi32>, vector<16xi32>], vector<16xf32>,
        %parallel_loop3A_827 = arith.constant 3 : i32
        %parallel_loop3A_828 = vector.broadcast %parallel_loop3A_827 : i32 to vector<16xi32>
        %parallel_loop3A_829 = arith.shrsi %parallel_loop3A_825, %parallel_loop3A_828 : vector<16xi32>
        %parallel_loop3A_830 = arith.constant 7 : i32
        %parallel_loop3A_831 = vector.broadcast %parallel_loop3A_830 : i32 to vector<16xi32>
        %parallel_loop3A_832 = arith.andi %parallel_loop3A_825, %parallel_loop3A_831 : vector<16xi32>
        tpu.vector_store_idx %arg10[%parallel_loop3A_829, %parallel_loop3A_832, %parallel_loop3A_232], %parallel_loop3A_826 : memref<8x8x128xf32, #tpu.memory_space<vmem>>[vector<16xi32>, vector<16xi32>, vector<16xi32>], vector<16xf32>,
        %parallel_loop3A_833 = arith.constant 48 : i32
        %parallel_loop3A_834 = vector.broadcast %parallel_loop3A_833 : i32 to vector<16xi32>
        %parallel_loop3A_835 = arith.addi %and3A_107, %parallel_loop3A_834 : vector<16xi32>
        %parallel_loop3A_836 = tpu.vector_load_idx %arg8[%parallel_loop3A_232, %parallel_loop3A_835] : memref<128x64xf32, #tpu.memory_space<vmem>>[vector<16xi32>, vector<16xi32>], vector<16xf32>,
        %parallel_loop3A_837 = arith.constant 3 : i32
        %parallel_loop3A_838 = vector.broadcast %parallel_loop3A_837 : i32 to vector<16xi32>
        %parallel_loop3A_839 = arith.shrsi %parallel_loop3A_835, %parallel_loop3A_838 : vector<16xi32>
        %parallel_loop3A_840 = arith.constant 7 : i32
        %parallel_loop3A_841 = vector.broadcast %parallel_loop3A_840 : i32 to vector<16xi32>
        %parallel_loop3A_842 = arith.andi %parallel_loop3A_835, %parallel_loop3A_841 : vector<16xi32>
        tpu.vector_store_idx %arg10[%parallel_loop3A_839, %parallel_loop3A_842, %parallel_loop3A_232], %parallel_loop3A_836 : memref<8x8x128xf32, #tpu.memory_space<vmem>>[vector<16xi32>, vector<16xi32>, vector<16xi32>], vector<16xf32>,
        %parallel_loop3A_843 = arith.constant 48 : i32
        %parallel_loop3A_844 = vector.broadcast %parallel_loop3A_843 : i32 to vector<16xi32>
        %parallel_loop3A_845 = arith.addi %and3A_113, %parallel_loop3A_844 : vector<16xi32>
        %parallel_loop3A_846 = tpu.vector_load_idx %arg8[%parallel_loop3A_232, %parallel_loop3A_845] : memref<128x64xf32, #tpu.memory_space<vmem>>[vector<16xi32>, vector<16xi32>], vector<16xf32>,
        %parallel_loop3A_847 = arith.constant 3 : i32
        %parallel_loop3A_848 = vector.broadcast %parallel_loop3A_847 : i32 to vector<16xi32>
        %parallel_loop3A_849 = arith.shrsi %parallel_loop3A_845, %parallel_loop3A_848 : vector<16xi32>
        %parallel_loop3A_850 = arith.constant 7 : i32
        %parallel_loop3A_851 = vector.broadcast %parallel_loop3A_850 : i32 to vector<16xi32>
        %parallel_loop3A_852 = arith.andi %parallel_loop3A_845, %parallel_loop3A_851 : vector<16xi32>
        tpu.vector_store_idx %arg10[%parallel_loop3A_849, %parallel_loop3A_852, %parallel_loop3A_232], %parallel_loop3A_846 : memref<8x8x128xf32, #tpu.memory_space<vmem>>[vector<16xi32>, vector<16xi32>, vector<16xi32>], vector<16xf32>,
        %parallel_loop3A_853 = arith.constant 48 : i32
        %parallel_loop3A_854 = vector.broadcast %parallel_loop3A_853 : i32 to vector<16xi32>
        %parallel_loop3A_855 = arith.addi %and3A_119, %parallel_loop3A_854 : vector<16xi32>
        %parallel_loop3A_856 = tpu.vector_load_idx %arg8[%parallel_loop3A_232, %parallel_loop3A_855] : memref<128x64xf32, #tpu.memory_space<vmem>>[vector<16xi32>, vector<16xi32>], vector<16xf32>,
        %parallel_loop3A_857 = arith.constant 3 : i32
        %parallel_loop3A_858 = vector.broadcast %parallel_loop3A_857 : i32 to vector<16xi32>
        %parallel_loop3A_859 = arith.shrsi %parallel_loop3A_855, %parallel_loop3A_858 : vector<16xi32>
        %parallel_loop3A_860 = arith.constant 7 : i32
        %parallel_loop3A_861 = vector.broadcast %parallel_loop3A_860 : i32 to vector<16xi32>
        %parallel_loop3A_862 = arith.andi %parallel_loop3A_855, %parallel_loop3A_861 : vector<16xi32>
        tpu.vector_store_idx %arg10[%parallel_loop3A_859, %parallel_loop3A_862, %parallel_loop3A_232], %parallel_loop3A_856 : memref<8x8x128xf32, #tpu.memory_space<vmem>>[vector<16xi32>, vector<16xi32>, vector<16xi32>], vector<16xf32>,
        %parallel_loop3A_863 = arith.constant 48 : i32
        %parallel_loop3A_864 = vector.broadcast %parallel_loop3A_863 : i32 to vector<16xi32>
        %parallel_loop3A_865 = arith.addi %and3A_125, %parallel_loop3A_864 : vector<16xi32>
        %parallel_loop3A_866 = tpu.vector_load_idx %arg8[%parallel_loop3A_232, %parallel_loop3A_865] : memref<128x64xf32, #tpu.memory_space<vmem>>[vector<16xi32>, vector<16xi32>], vector<16xf32>,
        %parallel_loop3A_867 = arith.constant 3 : i32
        %parallel_loop3A_868 = vector.broadcast %parallel_loop3A_867 : i32 to vector<16xi32>
        %parallel_loop3A_869 = arith.shrsi %parallel_loop3A_865, %parallel_loop3A_868 : vector<16xi32>
        %parallel_loop3A_870 = arith.constant 7 : i32
        %parallel_loop3A_871 = vector.broadcast %parallel_loop3A_870 : i32 to vector<16xi32>
        %parallel_loop3A_872 = arith.andi %parallel_loop3A_865, %parallel_loop3A_871 : vector<16xi32>
        tpu.vector_store_idx %arg10[%parallel_loop3A_869, %parallel_loop3A_872, %parallel_loop3A_232], %parallel_loop3A_866 : memref<8x8x128xf32, #tpu.memory_space<vmem>>[vector<16xi32>, vector<16xi32>, vector<16xi32>], vector<16xf32>,
      } {sc.loop_unroll_factor = 1 : i64, sc.parallel_access}
      %dma_start3A_218 = arith.constant 0 : i32
      %dma_start3A_219 = arith.constant 0 : i32
      %dma_start3A_220 = arith.constant 0 : i32
      %dma_start3A_221 = tpu.memref_slice %arg4[%add3A_196, %dma_start3A_218, %add3A, %dma_start3A_219, %dma_start3A_220] : memref<200x8x32x8x128xf32, #tpu.memory_space<hbm>> -> memref<1x8x1x8x128xf32, #tpu.memory_space<hbm>>
      %dma_start3A_222 = tpu.memref_squeeze %dma_start3A_221 : memref<1x8x1x8x128xf32, #tpu.memory_space<hbm>> -> memref<8x8x128xf32, #tpu.memory_space<hbm>>
      %dma_start3A_223 = arith.constant 0 : i32
      %dma_start3A_224 = arith.constant 0 : i32
      %dma_start3A_225 = arith.constant 0 : i32
      %dma_start3A_226 = tpu.memref_slice %arg4[%add3A_196, %dma_start3A_223, %add3A, %dma_start3A_224, %dma_start3A_225] : memref<200x8x32x8x128xf32, #tpu.memory_space<hbm>> -> memref<1x8x1x8x128xf32, #tpu.memory_space<hbm>>
      %dma_start3A_227 = tpu.memref_squeeze %dma_start3A_226 : memref<1x8x1x8x128xf32, #tpu.memory_space<hbm>> -> memref<8x8x128xf32, #tpu.memory_space<hbm>>
      tpu.enqueue_dma source(%arg10 : memref<8x8x128xf32, #tpu.memory_space<vmem>>) target(%dma_start3A_227 : memref<8x8x128xf32, #tpu.memory_space<hbm>>) target_semaphore(%arg14 : memref<!tpu.dma_semaphore, #tpu.memory_space<semaphore_mem>>)
    }
    %scan3A_136 = arith.constant 100 : i32
    %dma_wait3A = arith.constant 0 : i32
    %dma_wait3A_137 = arith.constant 0 : i32
    %dma_wait3A_138 = arith.constant 0 : i32
    %dma_wait3A_139 = arith.constant 0 : i32
    %dma_wait3A_140 = tpu.memref_slice %arg4[%dma_wait3A, %dma_wait3A_137, %add3A, %dma_wait3A_138, %dma_wait3A_139] : memref<200x8x32x8x128xf32, #tpu.memory_space<hbm>> -> memref<1x8x1x8x128xf32, #tpu.memory_space<hbm>>
    %dma_wait3A_141 = tpu.memref_squeeze %dma_wait3A_140 : memref<1x8x1x8x128xf32, #tpu.memory_space<hbm>> -> memref<8x8x128xf32, #tpu.memory_space<hbm>>
    %dma_wait3A_142 = arith.constant 0 : i32
    %dma_wait3A_143 = arith.constant 0 : i32
    %dma_wait3A_144 = arith.constant 0 : i32
    %dma_wait3A_145 = tpu.memref_slice %arg4[%dma_wait3A, %dma_wait3A_142, %add3A, %dma_wait3A_143, %dma_wait3A_144] : memref<200x8x32x8x128xf32, #tpu.memory_space<hbm>> -> memref<1x8x1x8x128xf32, #tpu.memory_space<hbm>>
    %dma_wait3A_146 = tpu.memref_squeeze %dma_wait3A_145 : memref<1x8x1x8x128xf32, #tpu.memory_space<hbm>> -> memref<8x8x128xf32, #tpu.memory_space<hbm>>
    tpu.wait_dma2 semaphore(%arg13 : memref<!tpu.dma_semaphore, #tpu.memory_space<semaphore_mem>>) src(%arg9 : memref<8x8x128xf32, #tpu.memory_space<vmem>>) dst(%dma_wait3A_146 : memref<8x8x128xf32, #tpu.memory_space<hbm>>)
    %dma_wait3A_147 = arith.constant 0 : i32
    %dma_wait3A_148 = arith.constant 0 : i32
    %dma_wait3A_149 = arith.constant 0 : i32
    %dma_wait3A_150 = arith.constant 0 : i32
    %dma_wait3A_151 = tpu.memref_slice %arg4[%dma_wait3A_147, %dma_wait3A_148, %add3A, %dma_wait3A_149, %dma_wait3A_150] : memref<200x8x32x8x128xf32, #tpu.memory_space<hbm>> -> memref<1x8x1x8x128xf32, #tpu.memory_space<hbm>>
    %dma_wait3A_152 = tpu.memref_squeeze %dma_wait3A_151 : memref<1x8x1x8x128xf32, #tpu.memory_space<hbm>> -> memref<8x8x128xf32, #tpu.memory_space<hbm>>
    %dma_wait3A_153 = arith.constant 0 : i32
    %dma_wait3A_154 = arith.constant 0 : i32
    %dma_wait3A_155 = arith.constant 0 : i32
    %dma_wait3A_156 = tpu.memref_slice %arg4[%dma_wait3A_147, %dma_wait3A_153, %add3A, %dma_wait3A_154, %dma_wait3A_155] : memref<200x8x32x8x128xf32, #tpu.memory_space<hbm>> -> memref<1x8x1x8x128xf32, #tpu.memory_space<hbm>>
    %dma_wait3A_157 = tpu.memref_squeeze %dma_wait3A_156 : memref<1x8x1x8x128xf32, #tpu.memory_space<hbm>> -> memref<8x8x128xf32, #tpu.memory_space<hbm>>
    tpu.wait_dma2 semaphore(%arg14 : memref<!tpu.dma_semaphore, #tpu.memory_space<semaphore_mem>>) src(%arg10 : memref<8x8x128xf32, #tpu.memory_space<vmem>>) dst(%dma_wait3A_157 : memref<8x8x128xf32, #tpu.memory_space<hbm>>)
    return
  }
}

</mosaic_0001>

<sc_bundles>
// kernel: kernel.3.cloned.1.call-start
scs
__scs_entry_jumppad:
0x0: {  	(pc) =	sbr.rel $0x88, $3  }
0x1: {  	(tag) =	ssettag $0x0;
	lr =	simm.s32 $0x1  }
0x2: {  	[smem:$0x3F9F] =	sst lr;
	_ =	strace $0xD0000000  }
0x3: {  	_ = 	snop  }
0x4: {  	_ = 	snop  }
0x5: {  	_ = 	snop  }
0x6: {  	_ = 	snop  }
0x7: {  	_ = 	snop  }
__scs_overlays_trampoline_lowered:
0x8: {  	[smem:$0x3FAE] =	sst s0  }
0x9: {  	[smem:$0x3FAF] =	sst s1  }
0xa: {  	[smem:$0x3FB0] =	sst s2  }
0xb: {  	[smem:$0x3FB1] =	sst s3  }
0xc: {  	[smem:$0x3FB2] =	sst s4  }
0xd: {  	[smem:$0x3FB3] =	sst s5  }
0xe: {  	[smem:$0x3FB4] =	sst s6  }
0xf: {  	[smem:$0x3FB5] =	sst s7  }
0x10: {  	[smem:$0x3FB6] =	sst s8  }
0x11: {  	[smem:$0x3FB7] =	sst s9;
	s0 =	simm.s32 @!p0 $0x0  }
0x12: {  	s1 =	sld [smem:$0x3F9D];
	s0 =	simm.s32 @p0 $0x1  }
0x13: {  	[smem:$0x3FB8] =	sst s0;
	s0 =	simm.s32 @!p1 $0x0  }
0x14: {  	s2 =	sld [smem:$0x3F9C];
	s0 =	simm.s32 @p1 $0x1  }
0x15: {  	[smem:$0x3FB9] =	sst s0;
	s0 =	simm.s32 @!p2 $0x0  }
0x16: {  	s3 =	sld [smem:$0x3FDB];
	s0 =	simm.s32 @p2 $0x1  }
0x17: {  	s4 =	simm.s32 $0x1BF5;
	[smem:$0x3FBB] =	sst s0  }
0x18: {  	s0 =	sld [smem:$0x3F9E];
	_ =	swait.ge [sflag:s4], $0x0  }
0x19: {  	s7 =	sld [smem:$0x3F9F]  }
0x1a: {  	s8 =	sadd.s32 $0xFFFFE003, lr  }
0x1b: {  	s9 =	sadd.s32 $0xFFFFFEF7, lr;
	s5 =	simm.s32 $0xFFFFFFFF;
	p2 =	slt.u32 s8, $0xFFFFF086  }
0x1c: {  	p1 =	slt.u32 s9, $0xF7A;
	s5 =	simm.s32 @!p2 $0x0  }
0x1d: {  	s5 =	simm.s32 @p1 $0x1;
	p0 =	seq.s32 s7, s2  }
0x1e: {  	s7 =	smul.u32 @!p0 $0xF7A, s2;
	p2 =	seq.s32 @!p0 s5, $0x0  }
0x1f: {  	s9 =	smul.u32 $0xF7A, s1;
	s8 =	simm.s32 @!p0 $0x1BF5;
	p2 =	por !p2, p0  }
0x20: {  	[sflag:s8] =	ssyncset.s32 @!p0 $0xFFFFF086;
	s6 =	sadd.s32 @!p0 s3, s7;
	s7 =	simm.s32 @!p0 $0x108  }
0x21: {  	s3 =	sadd.s32 s3, s9;
	s6 =	sadd.s32 @!p0 $0x88, s6;
	s7 =	simm.s32 @p2 $0x1082  }
0x22: {  	[simem:s7], [sflag:s8] =	dma.local @!p0 [hbm:s6], $0xF7A  }
0x23: {  	s9 =	sor.u32 $0xD0000000, s2;
	s6 =	simm.s32 $0x108;
	_ =	swait.ge @!p0 [sflag:s8], $0x0  }
0x24: {  	s3 =	sadd.s32 $0x88, s3;
	s6 =	simm.s32 @!p1 $0x1082;
	[sflag:s4] =	ssyncset.s32 $0xFFFFF086  }
0x25: {  	[simem:s6], [sflag:s4] =	dma.local [hbm:s3], $0xF7A  }
0x26: {  	[smem:$0x3F9F] =	sst s1;
	(tag) =	ssettag s2;
	_ =	strace s9  }
0x27: {  	s1 =	sld [smem:$0x3FAF]  }
0x28: {  	s2 =	sld [smem:$0x3FB0]  }
0x29: {  	s4 =	sld [smem:$0x3FB2]  }
0x2a: {  	p0 =	seq.s32 s5, $0x0;
	s5 =	sld [smem:$0x3FB3]  }
0x2b: {  	s6 =	sld [smem:$0x3FB4]  }
0x2c: {  	s7 =	sld [smem:$0x3FB5]  }
0x2d: {  	s3 =	simm.s32 $0x108;
	s8 =	sld [smem:$0x3FB6]  }
0x2e: {  	s3 =	simm.s32 @!p0 $0x1082;
	s9 =	sld [smem:$0x3FB7]  }
0x2f: {  	lr =	sadd.s32 s0, s3;
	s0 =	sld [smem:$0x3FAE]  }
0x30: {  	s3 =	sld [smem:$0x3FB1]  }
0x31: {  	[smem:$0x3FBA] =	sst s10  }
0x32: {  	s10 =	sld [smem:$0x3FB8];
	_ =	sdelay $0x3  }
0x33: {  	p0 =	seq.s32 s10, $0x1;
	s10 =	sld [smem:$0x3FBA];
	_ =	sdelay $0x3  }
0x34: {  	[smem:$0x3FBA] =	sst s10  }
0x35: {  	s10 =	sld [smem:$0x3FB9];
	_ =	sdelay $0x3  }
0x36: {  	p1 =	seq.s32 s10, $0x1;
	s10 =	sld [smem:$0x3FBA];
	_ =	sdelay $0x3  }
0x37: {  	[smem:$0x3FBA] =	sst s10  }
0x38: {  	s10 =	sld [smem:$0x3FBB]  }
0x39: {  	_ = 	snop;
	(pc) =	sbr.ind lr, $3  }
0x3a: {  	_ = 	snop  }
0x3b: {  	_ = 	snop  }
0x3c: {  	p2 =	seq.s32 s10, $0x1;
	s10 =	sld [smem:$0x3FBA]  }
0x3d: {  	_ =	shalt  }
0x3e: {  	_ =	shalt  }
0x3f: {  	_ =	shalt  }
0x40: {  	_ =	shalt  }
0x41: {  	_ =	shalt  }
0x42: {  	_ =	shalt  }
0x43: {  	_ =	shalt  }
0x44: {  	_ =	shalt  }
0x45: {  	_ =	shalt  }
0x46: {  	_ =	shalt  }
0x47: {  	_ =	shalt  }
0x48: {  	_ =	shalt  }
0x49: {  	_ =	shalt  }
0x4a: {  	_ =	shalt  }
0x4b: {  	_ =	shalt  }
0x4c: {  	_ =	shalt  }
0x4d: {  	_ =	shalt  }
0x4e: {  	_ =	shalt  }
0x4f: {  	_ =	shalt  }
0x50: {  	_ =	shalt  }
0x51: {  	_ =	shalt  }
0x52: {  	_ =	shalt  }
0x53: {  	_ =	shalt  }
0x54: {  	_ =	shalt  }
0x55: {  	_ =	shalt  }
0x56: {  	_ =	shalt  }
0x57: {  	_ =	shalt  }
0x58: {  	_ =	shalt  }
0x59: {  	_ =	shalt  }
0x5a: {  	_ =	shalt  }
0x5b: {  	_ =	shalt  }
0x5c: {  	_ =	shalt  }
0x5d: {  	_ =	shalt  }
0x5e: {  	_ =	shalt  }
0x5f: {  	_ =	shalt  }
0x60: {  	_ =	shalt  }
0x61: {  	_ =	shalt  }
0x62: {  	_ =	shalt  }
0x63: {  	_ =	shalt  }
0x64: {  	_ =	shalt  }
0x65: {  	_ =	shalt  }
0x66: {  	_ =	shalt  }
0x67: {  	_ =	shalt  }
0x68: {  	_ =	shalt  }
0x69: {  	_ =	shalt  }
0x6a: {  	_ =	shalt  }
0x6b: {  	_ =	shalt  }
0x6c: {  	_ =	shalt  }
0x6d: {  	_ =	shalt  }
0x6e: {  	_ =	shalt  }
0x6f: {  	_ =	shalt  }
0x70: {  	_ =	shalt  }
0x71: {  	_ =	shalt  }
0x72: {  	_ =	shalt  }
0x73: {  	_ =	shalt  }
0x74: {  	_ =	shalt  }
0x75: {  	_ =	shalt  }
0x76: {  	_ =	shalt  }
0x77: {  	_ =	shalt  }
0x78: {  	_ =	shalt  }
0x79: {  	_ =	shalt  }
0x7a: {  	_ =	shalt  }
0x7b: {  	_ =	shalt  }
0x7c: {  	_ =	shalt  }
0x7d: {  	_ =	shalt  }
0x7e: {  	_ =	shalt  }
0x7f: {  	_ =	shalt  }
0x80: {  	_ =	shalt  }
0x81: {  	_ =	shalt  }
0x82: {  	_ =	shalt  }
0x83: {  	_ =	shalt  }
0x84: {  	_ =	shalt  }
0x85: {  	_ =	shalt  }
0x86: {  	_ =	shalt  }
0x87: {  	_ =	shalt  }
.Lfunc_end0:
.L_simem_size_0:
called_computation_lowered:
.L_overlay_start_0:
0x88: {  	s2 =	sld [smem:$0x3FD9]  }
0x89: {  	s3 =	sld [smem:$0x3FFE];
	_ =	sdelay $0x1  }
0x8a: {  	s1 =	srdreg.scid  }
0x8b: {  	s0 =	sand.u32 $0x1, s1  }
0x8c: {  	s17 =	sshll.u32 s0, $0xA;
	s2 =	sadd.s32 s3, s2  }
0x8d: {  	s2 =	sadd.s32 s2, s17  }
0x8e: {  	[smem:$0x3FC6] =	sst s2  }
0x8f: {  	_ = 	snop  }
0x90: {  	s2 =	sld [smem:$0x3FD0];
	(tm) =	ssettm $0x1  }
0x91: {  	s18 =	sld [smem:$0x3FFB];
	_ =	sdelay $0x3  }
0x92: {  	_ =	strace s18  }
0x93: {  	s3 =	sld [smem:$0x3FFC];
	_ =	sdelay $0x3  }
0x94: {  	_ =	strace s3  }
0x95: {  	s3 =	sld [smem:$0x3FFD];
	_ =	sdelay $0x3  }
0x96: {  	_ =	strace s3  }
0x97: {  	_ =	strace $0x8FFFFFFF  }
0x98: {  	s19 =	sld [smem:$0x3FDB];
	_ =	sdelay $0x1  }
0x99: {  	s4 =	simm.s32 $_scs_section_size  }
0x9a: {  	s5 =	simm.s32 $_size__tile_overlayer_lowered;
	s6 =	simm.s32 $_tile_overlayer_lowered  }
0x9b: {  	s22 =	simm.s32 $0x1BFF;
	s21 =	sshll.u32 s6, $0x1;
	s3 =	sadd.s32 s4, s19  }
0x9c: {  	s7 =	simm.s32 $0x0;
	s20 =	sshll.u32 s5, $0x1;
	s5 =	sadd.s32 s21, s3  }
0x9d: {  	[timem:s7], [sflag:s22] =	dma.local [hbm:s5], s20  }
0x9e: {  	_ =	swait.ge [sflag:s22], s20  }
0x9f: {  	s4 =	ssub.s32 $0x0, s20;
	[sflag:s22] =	ssyncset.done $0x0  }
0xa0: {  	[sflag:s22] =	ssyncadd.s32 s4;
	_ =	sdelay $0x1  }
0xa1: {  	s23 =	simm.s32 $0x1B8B  }
0xa2: {  	_ =	swait.ge [sflag:s23], $0x1  }
0xa3: {  	[sflag:s23] =	ssyncset.done $0x0  }
0xa4: {  	s25 =	simm.s32 $0x1B8E;
	s24 =	sld [smem:$0x3FFE];
	[sflag:s23] =	ssyncadd.s32 $0xFFFFFFFF  }
0xa5: {  	s26 =	simm.s32 $execute0_lowered;
	[smem:$0x3FD2] =	sst s25  }
0xa6: {  	s5 =	sshll.u32 s26, $0x1;
	_ =	strace $0x80000046;
	[dreg:$0x1] =	wrdreg $0xFFFFFFFF  }
0xa7: {  	s28 =	simm.s32 $_size_execute0_lowered;
	s3 =	sadd.s32 s3, s5;
	[dreg:$0x0] =	wrdreg $0x0  }
0xa8: {  	s5 =	sshll.u32 s28, $0x1;
	[dreg:$0x2] =	wrdreg s3  }
0xa9: {  	[dreg:$0x3] =	wrdreg s5  }
0xaa: {  	[dreg:$0x4] =	wrdreg $0xC0  }
0xab: {  	_ =	task [dreg:s7], $0x5FFFF  }
0xac: {  	[dreg:$0x1] =	wrdreg $0xFFFFFFFF  }
0xad: {  	[dreg:$0x0] =	wrdreg $0x60  }
0xae: {  	[dreg:$0x2] =	wrdreg s24  }
0xaf: {  	[dreg:$0x3] =	wrdreg s2  }
0xb0: {  	[dreg:$0x4] =	wrdreg $0x9  }
0xb1: {  	_ =	task.clear_ibuf [dreg:s7], $0x5FFFF;
	_ =	strace $0x90000046  }
0xb2: {  	s29 =	simm.s32 $0x9;
	_ =	strace $0x80000048  }
0xb3: {  	_ =	swait.ge [sflag:s29], $0x1  }
0xb4: {  	[sflag:s29] =	ssyncadd.s32 $0xFFFFFFFF  }
0xb5: {  	_ =	strace $0x90000048  }
0xb6: {  	_ =	sfence  }
0xb7: {  	s30 =	sld [smem:$0x0];
	_ =	sdelay $0x2  }
0xb8: {  	s31 =	sshll.u32 s1, $0xD;
	s1 =	sshrl.u32 s1, $0x2  }
0xb9: {  	s3 =	sand.u32 $0x4000, s31;
	s1 =	sadd.s32 s1, s30  }
0xba: {  	s0 =	sor.u32 s3, s0;
	s1 =	sshll.u32 s1, $0x11  }
0xbb: {  	s0 =	sor.u32 s1, s0  }
0xbc: {  	s0 =	sadd.s32 $0x8F2B, s0  }
0xbd: {  	[sflag:s0] =	ssyncadd.remote.s32 $0x1  }
0xbe: {  	_ =	sfence.sel $0xFFFF  }
0xbf: {  	[dreg:$0x0] =	wrdreg $0xFFFFFFFF;
	(pc) =	sbr.abs _section_cstart, $3  }
0xc0: {  	[dreg:$0x1] =	wrdreg $0xFFFFFFFF  }
0xc1: {  	_ =	task.clear_ibuf [dreg:s7], $0x2FFFF;
	_ =	strace $0x9FFFFFFF  }
0xc2: {  	(tm) =	ssettm $0x7FFFFFFF  }
0xc3: {  	_ =	shalt  }
tec
execute0_lowered:
.L_overlay_start_1:
0x0: {  	(tag) =	ssettag $0x1  }
0x1: {  	vm14 =	vcmask $0x300;
	v0 =	vimm.s32 $0x787  }
0x2: {  	vm13 =	vcmask $0x704;
	vm12 =	vcmask $0xB08;
	vm11 =	vcmask $0xF0C  }
0x3: {  	vm10 =	vcmask $0x1310;
	vm9 =	vcmask $0x1714;
	vm8 =	vcmask $0x1B18  }
0x4: {  	vm7 =	vcmask $0x1F1C;
	vm5 =	vcmask $0x2320;
	vm6 =	vcmask $0x2724  }
0x5: {  	v1 =	vimm.s32 $0x7;
	vm2 =	vcmask $0x2B28;
	vm3 =	vcmask $0x2F2C  }
0x6: {  	vm4 =	vcmask $0x3330;
	vm1 =	vcmask $0x3734;
	v3 =	vimm.s32 $0x87654321  }
0x7: {  	v4 =	vimm.s32 $0x87;
	vm0 =	vcmask $0x3B38;
	v7 =	vimm.s32 $0xA9876543  }
0x8: {  	v11 =	vimm.s32 $0x207;
	v13 =	vimm.s32 $0x287;
	v15 =	vimm.s32 $0xEDCBA987  }
0x9: {  	v40 =	vimm.s32 $0xFEDCBA98;
	v41 =	vimm.s32 $0x76543210;
	v43 =	vimm.s32 $0x407  }
0xa: {  	v44 =	vimm.s32 $0x487;
	v45 =	vimm.s32 $0x1007;
	v46 =	vimm.s32 $0x1087  }
0xb: {  	v47 =	vimm.s32 $0x1107;
	v19 =	vimm.s32 $0x1187;
	v20 =	vimm.s32 $0x1207  }
0xc: {  	v21 =	vimm.s32 $0x1287;
	v22 =	vimm.s32 $0x1307;
	v23 =	vimm.s32 $0x1387  }
0xd: {  	v24 =	vimm.s32 $0x1407;
	v25 =	vimm.s32 $0x1487;
	v26 =	vimm.s32 $0x1507  }
0xe: {  	v27 =	vimm.s32 $0x1587;
	v28 =	vimm.s32 $0x1607;
	v29 =	vimm.s32 $0x1687  }
0xf: {  	v30 =	vimm.s32 $0x1707;
	v31 =	vimm.s32 $0x1F87;
	v32 =	vimm.s32 $0x1807  }
0x10: {  	v33 =	vimm.s32 $0x1887;
	v34 =	vimm.s32 $0x1907;
	v35 =	vimm.s32 $0x1987  }
0x11: {  	v36 =	vimm.s32 $0x1A07;
	v37 =	vimm.s32 $0x1A87;
	v38 =	vimm.s32 $0x1B07  }
0x12: {  	v49 =	vimm.s32 $0x18171615;
	v0 =	vsel vm14, $0x0, v0;
	v1 =	vsel vm14, $0x80, v1  }
0x13: {  	v3 =	vunpack.c.l.s4.s8 v3;
	v4 =	vsel vm14, $0x100, v4;
	v7 =	vunpack.c.l.s4.s8 v7  }
0x14: {  	v15 =	vunpack.c.l.s4.s8 v15;
	v19 =	vsel vm14, $0x1200, v19;
	v20 =	vsel vm14, $0x1280, v20  }
0x15: {  	v21 =	vsel vm14, $0x1300, v21;
	v22 =	vsel vm14, $0x1380, v22;
	v23 =	vsel vm14, $0x1400, v23  }
0x16: {  	v24 =	vsel vm14, $0x1480, v24;
	v25 =	vsel vm14, $0x1500, v25;
	v26 =	vsel vm14, $0x1580, v26  }
0x17: {  	v27 =	vsel vm14, $0x1600, v27;
	v28 =	vsel vm14, $0x1680, v28;
	v29 =	vsel vm14, $0x1700, v29  }
0x18: {  	v30 =	vsel vm14, $0x1780, v30;
	v31 =	vsel vm14, $0x1800, v31;
	v32 =	vsel vm14, $0x1880, v32  }
0x19: {  	v33 =	vsel vm14, $0x1900, v33;
	v34 =	vsel vm14, $0x1980, v34;
	v35 =	vsel vm14, $0x1A00, v35  }
0x1a: {  	v36 =	vsel vm14, $0x1A80, v36;
	v37 =	vsel vm14, $0x1B00, v37;
	v38 =	vsel vm14, $0x1B80, v38  }
0x1b: {  	v55 =	vunpack.c.0.s8.s32 v49;
	v49 =	vimm.s32 $0x1D1C1B1A;
	v0 =	vsel vm13, $0x81, v0  }
0x1c: {  	v1 =	vsel vm13, $0x101, v1;
	v4 =	vsel vm13, $0x181, v4;
	v19 =	vsel vm13, $0x1281, v19  }
0x1d: {  	v20 =	vsel vm13, $0x1301, v20;
	v21 =	vsel vm13, $0x1381, v21;
	v22 =	vsel vm13, $0x1401, v22  }
0x1e: {  	v23 =	vsel vm13, $0x1481, v23;
	v24 =	vsel vm13, $0x1501, v24;
	v0 =	vsel vm12, $0x102, v0  }
0x1f: {  	v25 =	vsel vm13, $0x1581, v25;
	v26 =	vsel vm13, $0x1601, v26;
	v0 =	vsel vm11, $0x183, v0  }
0x20: {  	v27 =	vsel vm13, $0x1681, v27;
	v28 =	vsel vm13, $0x1701, v28;
	v0 =	vsel vm10, $0x204, v0  }
0x21: {  	v29 =	vsel vm13, $0x1781, v29;
	v30 =	vsel vm13, $0x1001, v30;
	v0 =	vsel vm9, $0x285, v0  }
0x22: {  	v31 =	vsel vm13, $0x1881, v31;
	v32 =	vsel vm13, $0x1901, v32;
	v0 =	vsel vm8, $0x306, v0  }
0x23: {  	v33 =	vsel vm13, $0x1981, v33;
	v1 =	vsel vm12, $0x182, v1;
	v0 =	vsel vm7, $0x387, v0  }
0x24: {  	v34 =	vsel vm13, $0x1A01, v34;
	v1 =	vsel vm11, $0x203, v1;
	v0 =	vsel vm5, $0x400, v0  }
0x25: {  	v35 =	vsel vm13, $0x1A81, v35;
	v1 =	vsel vm10, $0x284, v1;
	v0 =	vsel vm6, $0x481, v0  }
0x26: {  	v36 =	vsel vm13, $0x1B01, v36;
	v1 =	vsel vm9, $0x305, v1;
	v0 =	vsel vm2, $0x502, v0  }
0x27: {  	v37 =	vsel vm13, $0x1B81, v37;
	v1 =	vsel vm8, $0x386, v1;
	v0 =	vsel vm3, $0x583, v0  }
0x28: {  	v5 =	vsel vm7, $0x407, v1;
	v1 =	vunpack.c.0.s8.s32 v3;
	v0 =	vsel vm4, $0x604, v0  }
0x29: {  	v3 =	vsel vm5, $0x480, v5;
	v2 =	vsel vm1, $0x685, v0;
	v0 =	vimm.s32 $0xFEDCBA9  }
0x2a: {  	v4 =	vsel vm12, $0x202, v4;
	v3 =	vsel vm6, $0x501, v3;
	v0 =	vunpack.c.l.s4.s8 v0  }
0x2b: {  	v4 =	vsel vm11, $0x283, v4;
	v3 =	vsel vm2, $0x582, v3;
	v57 =	vsel vm0, $0x706, v2  }
0x2c: {  	v2 =	vsel vm3, $0x603, v3;
	v3 =	vsel vm10, $0x304, v4;
	v0 =	vunpack.c.0.s8.s32 v0  }
0x2d: {  	v38 =	vsel vm13, $0x1C01, v38;
	v2 =	vsel vm4, $0x684, v2;
	v3 =	vsel vm9, $0x385, v3  }
0x2e: {  	v2 =	vsel vm1, $0x705, v2;
	v3 =	vsel vm8, $0x406, v3;
	v5 =	vcombine.low v1, v0  }
0x2f: {  	v7 =	vunpack.c.0.s8.s32 v7;
	v62 =	vsel vm0, $0x786, v2;
	v3 =	vsel vm7, $0x487, v3  }
0x30: {  	v3 =	vsel vm5, $0x500, v3;
	v4 =	vand.u32 $0xF, v5;
	v5 =	vimm.s32 $0x107  }
0x31: {  	v0 =	vcombine.low v0, v1;
	[tilespmem:$0x1F8D0] =	vst v4;
	v4 =	vimm.s32 $0x10FEDCBA;
	v5 =	vsel vm14, $0x180, v5  }
0x32: {  	v2 =	vunpack.c.l.s4.s8 v4;
	v4 =	vimm.s32 $0x98765432;
	v5 =	vsel vm13, $0x201, v5  }
0x33: {  	v3 =	vsel vm6, $0x581, v3;
	v4 =	vunpack.c.l.s4.s8 v4;
	v5 =	vsel vm12, $0x282, v5  }
0x34: {  	v6 =	vsel vm2, $0x602, v3;
	v2 =	vunpack.c.0.s8.s32 v2;
	v5 =	vsel vm11, $0x303, v5  }
0x35: {  	v3 =	vunpack.c.0.s8.s32 v4;
	v4 =	vsel vm3, $0x683, v6;
	v6 =	vimm.s32 $0x210FEDCB  }
0x36: {  	v0 =	vand.u32 $0xF, v0;
	v5 =	vsel vm10, $0x384, v5;
	v6 =	vunpack.c.l.s4.s8 v6  }
0x37: {  	v4 =	vsel vm4, $0x704, v4;
	v9 =	vsel vm9, $0x405, v5;
	v8 =	vcombine.low v3, v2  }
0x38: {  	v4 =	vsel vm1, $0x785, v4;
	v2 =	vcombine.low v2, v3;
	v5 =	vunpack.c.0.s8.s32 v6  }
0x39: {  	v6 =	vsel vm8, $0x486, v9;
	v9 =	vimm.s32 $0x187;
	v4 =	vsel vm0, $0x6, v4  }
0x3a: {  	v48 =	vand.u32 $0xF, v8;
	v6 =	vsel vm7, $0x507, v6;
	v2 =	vand.u32 $0xF, v2  }
0x3b: {  	v8 =	vcombine.low v7, v5;
	v6 =	vsel vm5, $0x580, v6;
	[tilespmem:$0x1F960] =	vst v2;
	v2 =	vcombine.low v5, v7  }
0x3c: {  	[tilespmem:$0x1FAF0] =	vst v4;
	v5 =	vimm.s32 $0xA87;
	v7 =	vimm.s32 $0xB87;
	v4 =	vsel vm6, $0x601, v6  }
0x3d: {  	v6 =	vsel vm14, $0x200, v9;
	v9 =	vimm.s32 $0xBA987654;
	v5 =	vsel vm14, $0xB00, v5  }
0x3e: {  	v7 =	vsel vm14, $0xC00, v7;
	v8 =	vand.u32 $0xF, v8;
	v4 =	vsel vm2, $0x682, v4  }
0x3f: {  	v6 =	vsel vm13, $0x281, v6;
	v9 =	vunpack.c.l.s4.s8 v9;
	v60 =	vand.u32 $0xF, v2  }
0x40: {  	v2 =	vimm.s32 $0x607;
	v5 =	vsel vm13, $0xB81, v5;
	v7 =	vsel vm13, $0xC81, v7  }
0x41: {  	[tilespmem:$0x1F750] =	vst v8;
	v4 =	vsel vm3, $0x703, v4;
	v8 =	vimm.s32 $0x3210FEDC;
	v6 =	vsel vm12, $0x302, v6  }
0x42: {  	v2 =	vsel vm14, $0x680, v2;
	v8 =	vunpack.c.l.s4.s8 v8;
	v6 =	vsel vm11, $0x383, v6  }
0x43: {  	v10 =	vsel vm4, $0x784, v4;
	v2 =	vsel vm13, $0x701, v2;
	v6 =	vsel vm10, $0x404, v6  }
0x44: {  	v10 =	vsel vm1, $0x5, v10;
	v2 =	vsel vm12, $0x782, v2;
	v4 =	vunpack.c.0.s8.s32 v8  }
0x45: {  	v8 =	vsel vm9, $0x485, v6;
	v6 =	vunpack.c.0.s8.s32 v9;
	v9 =	vsel vm14, $0x280, v11  }
0x46: {  	v10 =	vsel vm0, $0x86, v10;
	v8 =	vsel vm8, $0x506, v8;
	v9 =	vsel vm13, $0x301, v9  }
0x47: {  	v8 =	vsel vm7, $0x587, v8;
	v11 =	vcombine.low v6, v4;
	v9 =	vsel vm12, $0x382, v9  }
0x48: {  	v2 =	vsel vm11, $0x3, v2;
	v8 =	vsel vm5, $0x600, v8;
	v9 =	vsel vm11, $0x403, v9  }
0x49: {  	[tilespmem:$0x1F760] =	vst v10;
	v8 =	vsel vm6, $0x681, v8;
	v10 =	vand.u32 $0xF, v11;
	v9 =	vsel vm10, $0x484, v9  }
0x4a: {  	v11 =	vimm.s32 $0xCBA98765;
	[tilespmem:$0x1F770] =	vst v10;
	v10 =	vimm.s32 $0x43210FED;
	v9 =	vsel vm9, $0x505, v9  }
0x4b: {  	v8 =	vsel vm2, $0x702, v8;
	v10 =	vunpack.c.l.s4.s8 v10;
	v9 =	vsel vm8, $0x586, v9  }
0x4c: {  	v11 =	vunpack.c.l.s4.s8 v11;
	v8 =	vsel vm3, $0x783, v8;
	v9 =	vsel vm7, $0x607, v9  }
0x4d: {  	v12 =	vsel vm4, $0x4, v8;
	v8 =	vunpack.c.0.s8.s32 v10;
	v10 =	vsel vm5, $0x680, v9  }
0x4e: {  	v9 =	vunpack.c.0.s8.s32 v11;
	v11 =	vsel vm14, $0x300, v13;
	v10 =	vsel vm6, $0x701, v10  }
0x4f: {  	v12 =	vsel vm1, $0x85, v12;
	v11 =	vsel vm13, $0x381, v11;
	v10 =	vsel vm2, $0x782, v10  }
0x50: {  	v13 =	vcombine.low v9, v8;
	v11 =	vsel vm12, $0x402, v11;
	v10 =	vsel vm3, $0x3, v10  }
0x51: {  	v12 =	vsel vm0, $0x106, v12;
	v11 =	vsel vm11, $0x483, v11;
	v10 =	vsel vm4, $0x84, v10  }
0x52: {  	[tilespmem:$0x1F780] =	vst v12;
	v12 =	vand.u32 $0xF, v13;
	v11 =	vsel vm10, $0x504, v11;
	v10 =	vsel vm1, $0x105, v10  }
0x53: {  	v13 =	vimm.s32 $0xDCBA9876;
	[tilespmem:$0x1F790] =	vst v12;
	v11 =	vsel vm9, $0x585, v11;
	v10 =	vsel vm0, $0x186, v10  }
0x54: {  	v12 =	vimm.s32 $0x307;
	v13 =	vunpack.c.l.s4.s8 v13;
	[tilespmem:$0x1F7A0] =	vst v10;
	v10 =	vimm.s32 $0x543210FE  }
0x55: {  	v11 =	vsel vm8, $0x606, v11;
	v12 =	vsel vm14, $0x380, v12;
	v10 =	vunpack.c.l.s4.s8 v10  }
0x56: {  	v2 =	vsel vm10, $0x84, v2;
	v11 =	vsel vm7, $0x687, v11;
	v14 =	vsel vm13, $0x401, v12  }
0x57: {  	v13 =	vunpack.c.0.s8.s32 v13;
	v11 =	vsel vm5, $0x700, v11;
	v12 =	vunpack.c.0.s8.s32 v10  }
0x58: {  	v10 =	vsel vm6, $0x781, v11;
	v11 =	vsel vm12, $0x482, v14;
	v14 =	vimm.s32 $0x6543210F  }
0x59: {  	v2 =	vsel vm9, $0x105, v2;
	v11 =	vsel vm11, $0x503, v11;
	v14 =	vunpack.c.l.s4.s8 v14  }
0x5a: {  	v10 =	vsel vm2, $0x2, v10;
	v11 =	vsel vm10, $0x584, v11;
	v16 =	vcombine.low v13, v12  }
0x5b: {  	v17 =	vsel vm3, $0x83, v10;
	v11 =	vsel vm9, $0x605, v11;
	v10 =	vunpack.c.0.s8.s32 v14  }
0x5c: {  	v18 =	vsel vm8, $0x686, v11;
	v11 =	vunpack.c.0.s8.s32 v15;
	v15 =	vand.u32 $0xF, v16  }
0x5d: {  	v14 =	vsel vm7, $0x707, v18;
	[tilespmem:$0x1F7B0] =	vst v15;
	v15 =	vsel vm4, $0x104, v17;
	v17 =	vunpack.c.l.s4.s8 v41  }
0x5e: {  	v18 =	vsel vm14, $0x1180, v47;
	v41 =	vimm.s32 $0x1C87;
	v47 =	vimm.s32 $0x14131211  }
0x5f: {  	v14 =	vsel vm5, $0x780, v14;
	v15 =	vsel vm1, $0x185, v15;
	v39 =	vcombine.low v11, v10  }
0x60: {  	v41 =	vsel vm14, $0x1D00, v41;
	v18 =	vsel vm13, $0x1201, v18;
	v14 =	vsel vm6, $0x1, v14  }
0x61: {  	v15 =	vsel vm0, $0x206, v15;
	v42 =	vunpack.c.0.s8.s32 v17;
	v17 =	vsel vm14, $0x480, v43  }
0x62: {  	v43 =	vimm.s32 $0x1D87;
	v41 =	vsel vm13, $0x1D81, v41;
	v14 =	vsel vm2, $0x82, v14  }
0x63: {  	[tilespmem:$0x1F7C0] =	vst v15;
	v15 =	vimm.s32 $0x387;
	v16 =	vand.u32 $0xF, v39;
	v39 =	vimm.s32 $0x1B87  }
0x64: {  	v43 =	vsel vm14, $0x1E00, v43;
	v14 =	vsel vm3, $0x103, v14;
	v15 =	vsel vm14, $0x400, v15  }
0x65: {  	[tilespmem:$0x1F7D0] =	vst v16;
	v16 =	vunpack.c.l.s4.s8 v40;
	v40 =	vimm.s32 $0x1C07;
	v39 =	vsel vm14, $0x1C00, v39  }
0x66: {  	v43 =	vsel vm13, $0x1E81, v43;
	v14 =	vsel vm4, $0x184, v14;
	v15 =	vsel vm13, $0x481, v15  }
0x67: {  	v40 =	vsel vm14, $0x1C80, v40;
	v39 =	vsel vm13, $0x1C81, v39;
	v14 =	vsel vm1, $0x205, v14  }
0x68: {  	v52 =	vsel vm12, $0x1F02, v43;
	v15 =	vsel vm12, $0x502, v15;
	v14 =	vsel vm0, $0x286, v14  }
0x69: {  	v40 =	vsel vm13, $0x1D01, v40;
	v15 =	vsel vm11, $0x583, v15;
	[tilespmem:$0x1F7E0] =	vst v14;
	v14 =	vunpack.c.0.s8.s32 v16  }
0x6a: {  	v15 =	vsel vm10, $0x604, v15;
	v16 =	vsel vm14, $0x500, v44;
	v44 =	vimm.s32 $0x1E07  }
0x6b: {  	v15 =	vsel vm9, $0x685, v15;
	v16 =	vsel vm13, $0x581, v16;
	v44 =	vsel vm14, $0x1E80, v44  }
0x6c: {  	v14 =	vand.u32 $0xF, v14;
	v15 =	vsel vm8, $0x706, v15;
	v16 =	vsel vm12, $0x602, v16  }
0x6d: {  	v44 =	vsel vm13, $0x1F01, v44;
	v14 =	vcombine.low v14, v42;
	v16 =	vsel vm11, $0x683, v16  }
0x6e: {  	v42 =	vimm.s32 $0x1D07;
	v53 =	vsel vm12, $0x1F82, v44;
	v16 =	vsel vm10, $0x704, v16  }
0x6f: {  	v42 =	vsel vm14, $0x1D80, v42;
	v43 =	vsel vm11, $0x1803, v53;
	v53 =	vimm.s32 $0x19181716  }
0x70: {  	[tilespmem:$0x1F7F0] =	vst v14;
	v14 =	vsel vm7, $0x787, v15;
	v15 =	vsel vm13, $0x501, v17;
	v17 =	vsel vm14, $0x1100, v46  }
0x71: {  	v46 =	vimm.s32 $0x1F07;
	v42 =	vsel vm13, $0x1E01, v42;
	v43 =	vsel vm10, $0x1884, v43  }
0x72: {  	v14 =	vsel vm5, $0x0, v14;
	v15 =	vsel vm12, $0x582, v15;
	v46 =	vsel vm14, $0x1F80, v46  }
0x73: {  	v17 =	vsel vm13, $0x1181, v17;
	v51 =	vsel vm12, $0x1E82, v42;
	v42 =	vsel vm11, $0x1F83, v52  }
0x74: {  	v52 =	vimm.s32 $0x15141312;
	v43 =	vsel vm9, $0x1905, v43;
	v14 =	vsel vm6, $0x81, v14  }
0x75: {  	v15 =	vsel vm11, $0x603, v15;
	v46 =	vsel vm13, $0x1801, v46;
	v42 =	vsel vm10, $0x1804, v42  }
0x76: {  	v43 =	vsel vm8, $0x1986, v43;
	v14 =	vsel vm2, $0x102, v14;
	v15 =	vsel vm10, $0x684, v15  }
0x77: {  	v56 =	vsel vm12, $0x1882, v46;
	v46 =	vunpack.c.0.s8.s32 v49;
	v15 =	vsel vm9, $0x705, v15  }
0x78: {  	v42 =	vsel vm9, $0x1885, v42;
	v14 =	vsel vm3, $0x183, v14;
	v15 =	vsel vm8, $0x786, v15  }
0x79: {  	v42 =	vsel vm8, $0x1906, v42;
	v14 =	vsel vm4, $0x204, v14;
	v15 =	vsel vm7, $0x7, v15  }
0x7a: {  	v14 =	vsel vm1, $0x285, v14;
	v1 =	vsel vm5, $0x80, v15;
	v15 =	vsel vm9, $0x785, v16  }
0x7b: {  	v14 =	vsel vm0, $0x306, v14;
	v16 =	vsel vm14, $0x1080, v45;
	v45 =	vimm.s32 $0x1E87  }
0x7c: {  	[tilespmem:$0x1FB30] =	vst v14;
	v1 =	vsel vm6, $0x101, v1;
	v14 =	vsel vm8, $0x6, v15;
	v15 =	vimm.s32 $0x1787  }
0x7d: {  	[tilespmem:$0x1F980] =	vst v0;
	v45 =	vsel vm14, $0x1F00, v45;
	v16 =	vsel vm13, $0x1101, v16;
	v0 =	vsel vm2, $0x182, v1  }
0x7e: {  	v1 =	vsel vm7, $0x87, v14;
	v14 =	vimm.s32 $0x507;
	v15 =	vsel vm14, $0x1000, v15  }
0x7f: {  	v45 =	vsel vm13, $0x1F81, v45;
	v0 =	vsel vm3, $0x203, v0;
	v1 =	vsel vm5, $0x100, v1  }
0x80: {  	v14 =	vsel vm14, $0x580, v14;
	v15 =	vsel vm13, $0x1081, v15;
	v54 =	vsel vm12, $0x1802, v45  }
0x81: {  	v45 =	vsel vm11, $0x1903, v56;
	v56 =	vimm.s32 $0x1211101F;
	v0 =	vsel vm4, $0x284, v0  }
0x82: {  	v1 =	vsel vm6, $0x181, v1;
	v14 =	vsel vm13, $0x601, v14;
	v44 =	vsel vm11, $0x1883, v54  }
0x83: {  	v45 =	vsel vm10, $0x1984, v45;
	v54 =	vimm.s32 $0x1E1D1C1B;
	v0 =	vsel vm1, $0x305, v0  }
0x84: {  	v1 =	vsel vm2, $0x202, v1;
	v3 =	vsel vm12, $0x682, v14;
	v14 =	vimm.s32 $0xF07  }
0x85: {  	v44 =	vsel vm10, $0x1904, v44;
	v1 =	vsel vm3, $0x283, v1;
	v0 =	vsel vm0, $0x386, v0  }
0x86: {  	v45 =	vsel vm9, $0x1A05, v45;
	[tilespmem:$0x1F950] =	vst v0;
	v0 =	vsel vm4, $0x304, v1;
	v1 =	vsel vm11, $0x703, v3  }
0x87: {  	v14 =	vsel vm14, $0xF80, v14;
	v44 =	vsel vm9, $0x1985, v44;
	v1 =	vsel vm10, $0x784, v1  }
0x88: {  	v3 =	vimm.s32 $0x587;
	v0 =	vsel vm1, $0x385, v0;
	v1 =	vsel vm9, $0x5, v1  }
0x89: {  	v63 =	vsel vm0, $0x406, v0;
	v0 =	vsel vm8, $0x86, v1;
	v1 =	vsel vm14, $0x600, v3  }
0x8a: {  	v45 =	vsel vm8, $0x1A86, v45;
	v14 =	vsel vm13, $0x801, v14;
	v1 =	vsel vm13, $0x681, v1  }
0x8b: {  	v44 =	vsel vm8, $0x1A06, v44;
	v0 =	vsel vm7, $0x107, v0;
	v1 =	vsel vm12, $0x702, v1  }
0x8c: {  	v3 =	vcombine.low v4, v6;
	v0 =	vsel vm5, $0x180, v0;
	v1 =	vsel vm11, $0x783, v1  }
0x8d: {  	v4 =	vimm.s32 $0xA07;
	v0 =	vsel vm6, $0x201, v0;
	v1 =	vsel vm10, $0x4, v1  }
0x8e: {  	v6 =	vimm.s32 $0xB07;
	v0 =	vsel vm2, $0x282, v0;
	v1 =	vsel vm9, $0x85, v1  }
0x8f: {  	v4 =	vsel vm14, $0xA80, v4;
	v0 =	vsel vm3, $0x303, v0;
	v1 =	vsel vm8, $0x106, v1  }
0x90: {  	v6 =	vsel vm14, $0xB80, v6;
	v0 =	vsel vm4, $0x384, v0;
	v1 =	vsel vm7, $0x187, v1  }
0x91: {  	v4 =	vsel vm13, $0xB01, v4;
	v0 =	vsel vm1, $0x405, v0;
	v1 =	vsel vm5, $0x200, v1  }
0x92: {  	v6 =	vsel vm13, $0xC01, v6;
	v61 =	vsel vm0, $0x486, v0;
	v0 =	vsel vm6, $0x281, v1  }
0x93: {  	v1 =	vsel vm8, $0x186, v2;
	v2 =	vand.u32 $0xF, v3;
	v3 =	vcombine.low v12, v13  }
0x94: {  	v12 =	vimm.s32 $0xE07;
	v13 =	vimm.s32 $0xE87;
	v0 =	vsel vm2, $0x302, v0  }
0x95: {  	[tilespmem:$0x1FB00] =	vst v2;
	v1 =	vsel vm7, $0x207, v1;
	v2 =	vimm.s32 $0x687;
	v12 =	vsel vm14, $0xE80, v12  }
0x96: {  	v13 =	vsel vm14, $0xF00, v13;
	v0 =	vsel vm3, $0x383, v0;
	v1 =	vsel vm5, $0x280, v1  }
0x97: {  	v2 =	vsel vm14, $0x700, v2;
	v12 =	vsel vm13, $0xF01, v12;
	v0 =	vsel vm4, $0x404, v0  }
0x98: {  	v13 =	vsel vm13, $0xF81, v13;
	v1 =	vsel vm6, $0x301, v1;
	v0 =	vsel vm1, $0x485, v0  }
0x99: {  	v2 =	vsel vm13, $0x781, v2;
	v1 =	vsel vm2, $0x382, v1;
	v50 =	vsel vm0, $0x506, v0  }
0x9a: {  	v0 =	vsel vm3, $0x403, v1;
	v1 =	vsel vm12, $0x2, v2;
	v2 =	vcombine.low v8, v9  }
0x9b: {  	v8 =	vimm.s32 $0xC07;
	v9 =	vimm.s32 $0xC87;
	v0 =	vsel vm4, $0x484, v0  }
0x9c: {  	v1 =	vsel vm11, $0x83, v1;
	v8 =	vsel vm14, $0xC80, v8;
	v0 =	vsel vm1, $0x505, v0  }
0x9d: {  	v9 =	vsel vm14, $0xD00, v9;
	v1 =	vsel vm10, $0x104, v1;
	v0 =	vsel vm0, $0x586, v0  }
0x9e: {  	v2 =	vand.u32 $0xF, v2;
	[tilespmem:$0x1F910] =	vst v0;
	v0 =	vsel vm9, $0x185, v1;
	v1 =	vand.u32 $0xF, v3  }
0x9f: {  	v8 =	vsel vm13, $0xD01, v8;
	v9 =	vsel vm13, $0xD81, v9;
	[tilespmem:$0x1F920] =	vst v1;
	v1 =	vimm.s32 $0x707  }
0xa0: {  	[tilespmem:$0x1FA70] =	vst v2;
	v2 =	vimm.s32 $0xF87;
	v0 =	vsel vm8, $0x206, v0;
	v1 =	vsel vm14, $0x780, v1  }
0xa1: {  	v2 =	vsel vm14, $0x800, v2;
	v0 =	vsel vm7, $0x287, v0;
	v1 =	vsel vm13, $0x1, v1  }
0xa2: {  	v3 =	vcombine.low v10, v11;
	v0 =	vsel vm5, $0x300, v0;
	v1 =	vsel vm12, $0x82, v1  }
0xa3: {  	v2 =	vsel vm13, $0x881, v2;
	v0 =	vsel vm6, $0x381, v0;
	v1 =	vsel vm11, $0x103, v1  }
0xa4: {  	v2 =	vsel vm12, $0x902, v2;
	v0 =	vsel vm2, $0x402, v0;
	v1 =	vsel vm10, $0x184, v1  }
0xa5: {  	v2 =	vsel vm11, $0x983, v2;
	v0 =	vsel vm3, $0x483, v0;
	v1 =	vsel vm9, $0x205, v1  }
0xa6: {  	v2 =	vsel vm10, $0xA04, v2;
	v0 =	vsel vm4, $0x504, v0;
	v1 =	vsel vm8, $0x286, v1  }
0xa7: {  	v2 =	vsel vm9, $0xA85, v2;
	v0 =	vsel vm1, $0x585, v0;
	v1 =	vsel vm7, $0x307, v1  }
0xa8: {  	v2 =	vsel vm8, $0xB06, v2;
	v59 =	vsel vm0, $0x606, v0;
	v0 =	vsel vm5, $0x380, v1  }
0xa9: {  	v10 =	vimm.s32 $0xD07;
	v1 =	vsel vm7, $0xB87, v2;
	v0 =	vsel vm6, $0x401, v0  }
0xaa: {  	v11 =	vimm.s32 $0xD87;
	v1 =	vsel vm5, $0xC00, v1;
	v0 =	vsel vm2, $0x482, v0  }
0xab: {  	v10 =	vsel vm14, $0xD80, v10;
	v1 =	vsel vm6, $0xC81, v1;
	v0 =	vsel vm3, $0x503, v0  }
0xac: {  	v2 =	vimm.s32 $0x807;
	v1 =	vsel vm2, $0xD02, v1;
	v0 =	vsel vm4, $0x584, v0  }
0xad: {  	v2 =	vsel vm14, $0x880, v2;
	v1 =	vsel vm3, $0xD83, v1;
	v0 =	vsel vm1, $0x605, v0  }
0xae: {  	v2 =	vsel vm13, $0x901, v2;
	v1 =	vsel vm4, $0xE04, v1;
	v0 =	vsel vm0, $0x686, v0  }
0xaf: {  	v11 =	vsel vm14, $0xE00, v11;
	v2 =	vsel vm12, $0x982, v2;
	[tilespmem:$0x1F800] =	vst v0;
	v0 =	vsel vm1, $0xE85, v1  }
0xb0: {  	v58 =	vand.u32 $0xF, v3;
	v1 =	vsel vm11, $0xA03, v2;
	v0 =	vsel vm0, $0xF06, v0  }
0xb1: {  	v3 =	vimm.s32 $0x987;
	v10 =	vsel vm13, $0xE01, v10;
	[tilespmem:$0x1F810] =	vst v0;
	v0 =	vsel vm10, $0xA84, v1  }
0xb2: {  	v2 =	vimm.s32 $0x1C1B1A19;
	v1 =	vimm.s32 $0x887;
	v0 =	vsel vm9, $0xB05, v0  }
0xb3: {  	v2 =	vunpack.c.0.s8.s32 v2;
	v1 =	vsel vm14, $0x900, v1;
	v0 =	vsel vm8, $0xB86, v0  }
0xb4: {  	v11 =	vsel vm13, $0xE81, v11;
	v1 =	vsel vm13, $0x981, v1;
	v0 =	vsel vm7, $0xC07, v0  }
0xb5: {  	[tilespmem:$0x1FD40] =	vst v2;
	v2 =	vimm.s32 $0x101F1E1D;
	v1 =	vsel vm12, $0xA02, v1;
	v0 =	vsel vm5, $0xC80, v0  }
0xb6: {  	v2 =	vunpack.c.0.s8.s32 v2;
	v1 =	vsel vm11, $0xA83, v1;
	v0 =	vsel vm6, $0xD01, v0  }
0xb7: {  	v3 =	vsel vm14, $0xA00, v3;
	v1 =	vsel vm10, $0xB04, v1;
	v0 =	vsel vm2, $0xD82, v0  }
0xb8: {  	[tilespmem:$0x1FD50] =	vst v2;
	v2 =	vimm.s32 $0x907;
	v1 =	vsel vm9, $0xB85, v1;
	v0 =	vsel vm3, $0xE03, v0  }
0xb9: {  	v2 =	vsel vm14, $0x980, v2;
	v1 =	vsel vm8, $0xC06, v1;
	v0 =	vsel vm4, $0xE84, v0  }
0xba: {  	v2 =	vsel vm13, $0xA01, v2;
	v1 =	vsel vm7, $0xC87, v1;
	v0 =	vsel vm1, $0xF05, v0  }
0xbb: {  	v2 =	vsel vm12, $0xA82, v2;
	v1 =	vsel vm5, $0xD00, v1;
	v0 =	vsel vm0, $0xF86, v0  }
0xbc: {  	v3 =	vsel vm13, $0xA81, v3;
	[tilespmem:$0x1F820] =	vst v0;
	v0 =	vsel vm6, $0xD81, v1;
	v1 =	vsel vm11, $0xB03, v2  }
0xbd: {  	v2 =	vsel vm12, $0xB02, v3;
	v3 =	vsel vm12, $0xB82, v4;
	v4 =	vsel vm12, $0xC02, v5  }
0xbe: {  	v5 =	vsel vm12, $0xC82, v6;
	v6 =	vsel vm12, $0xD02, v7;
	v7 =	vsel vm12, $0xD82, v8  }
0xbf: {  	v8 =	vsel vm12, $0xE02, v9;
	v9 =	vsel vm12, $0xE82, v10;
	v10 =	vsel vm12, $0xF02, v11  }
0xc0: {  	v11 =	vsel vm12, $0xF82, v12;
	v12 =	vsel vm12, $0x802, v13;
	v13 =	vsel vm12, $0x882, v14  }
0xc1: {  	v14 =	vsel vm12, $0x1102, v15;
	v15 =	vsel vm12, $0x1182, v16;
	v16 =	vsel vm12, $0x1202, v17  }
0xc2: {  	v17 =	vsel vm12, $0x1282, v18;
	v18 =	vsel vm12, $0x1302, v19;
	v19 =	vsel vm12, $0x1382, v20  }
0xc3: {  	v20 =	vsel vm12, $0x1402, v21;
	v21 =	vsel vm12, $0x1482, v22;
	v22 =	vsel vm12, $0x1502, v23  }
0xc4: {  	v23 =	vsel vm12, $0x1582, v24;
	v24 =	vsel vm12, $0x1602, v25;
	v25 =	vsel vm12, $0x1682, v26  }
0xc5: {  	v26 =	vsel vm12, $0x1702, v27;
	v27 =	vsel vm12, $0x1782, v28;
	v28 =	vsel vm12, $0x1002, v29  }
0xc6: {  	v29 =	vsel vm12, $0x1082, v30;
	v30 =	vsel vm12, $0x1902, v31;
	v31 =	vsel vm12, $0x1982, v32  }
0xc7: {  	v32 =	vsel vm12, $0x1A02, v33;
	v33 =	vsel vm12, $0x1A82, v34;
	v34 =	vsel vm12, $0x1B02, v35  }
0xc8: {  	v35 =	vsel vm12, $0x1B82, v36;
	v36 =	vsel vm12, $0x1C02, v37;
	v37 =	vsel vm12, $0x1C82, v38  }
0xc9: {  	v38 =	vsel vm12, $0x1D02, v39;
	v39 =	vsel vm12, $0x1D82, v40;
	v40 =	vsel vm12, $0x1E02, v41  }
0xca: {  	v41 =	vsel vm11, $0x1F03, v51;
	v51 =	vimm.s32 $0x11101F1E;
	v0 =	vsel vm2, $0xE02, v0  }
0xcb: {  	v1 =	vsel vm10, $0xB84, v1;
	v2 =	vsel vm11, $0xB83, v2;
	v3 =	vsel vm11, $0xC03, v3  }
0xcc: {  	v4 =	vsel vm11, $0xC83, v4;
	v5 =	vsel vm11, $0xD03, v5;
	v6 =	vsel vm11, $0xD83, v6  }
0xcd: {  	v7 =	vsel vm11, $0xE03, v7;
	v8 =	vsel vm11, $0xE83, v8;
	v9 =	vsel vm11, $0xF03, v9  }
0xce: {  	v10 =	vsel vm11, $0xF83, v10;
	v11 =	vsel vm11, $0x803, v11;
	v12 =	vsel vm11, $0x883, v12  }
0xcf: {  	v13 =	vsel vm11, $0x903, v13;
	v14 =	vsel vm11, $0x1183, v14;
	v15 =	vsel vm11, $0x1203, v15  }
0xd0: {  	v16 =	vsel vm11, $0x1283, v16;
	v17 =	vsel vm11, $0x1303, v17;
	v18 =	vsel vm11, $0x1383, v18  }
0xd1: {  	v19 =	vsel vm11, $0x1403, v19;
	v20 =	vsel vm11, $0x1483, v20;
	v21 =	vsel vm11, $0x1503, v21  }
0xd2: {  	v22 =	vsel vm11, $0x1583, v22;
	v23 =	vsel vm11, $0x1603, v23;
	v24 =	vsel vm11, $0x1683, v24  }
0xd3: {  	v25 =	vsel vm11, $0x1703, v25;
	v26 =	vsel vm11, $0x1783, v26;
	v27 =	vsel vm11, $0x1003, v27  }
0xd4: {  	v28 =	vsel vm11, $0x1083, v28;
	v29 =	vsel vm11, $0x1103, v29;
	v30 =	vsel vm11, $0x1983, v30  }
0xd5: {  	v31 =	vsel vm11, $0x1A03, v31;
	v32 =	vsel vm11, $0x1A83, v32;
	v33 =	vsel vm11, $0x1B03, v33  }
0xd6: {  	v34 =	vsel vm11, $0x1B83, v34;
	v35 =	vsel vm11, $0x1C03, v35;
	v36 =	vsel vm11, $0x1C83, v36  }
0xd7: {  	v37 =	vsel vm11, $0x1D03, v37;
	v38 =	vsel vm11, $0x1D83, v38;
	v39 =	vsel vm11, $0x1E03, v39  }
0xd8: {  	[tilespmem:$0x1F830] =	vst v46;
	v40 =	vsel vm11, $0x1E83, v40;
	v46 =	vunpack.c.0.s8.s32 v51;
	v41 =	vsel vm10, $0x1F84, v41  }
0xd9: {  	v0 =	vsel vm3, $0xE83, v0;
	v1 =	vsel vm9, $0xC05, v1;
	v2 =	vsel vm10, $0xC04, v2  }
0xda: {  	v3 =	vsel vm10, $0xC84, v3;
	v4 =	vsel vm10, $0xD04, v4;
	v5 =	vsel vm10, $0xD84, v5  }
0xdb: {  	v6 =	vsel vm10, $0xE04, v6;
	v7 =	vsel vm10, $0xE84, v7;
	v8 =	vsel vm10, $0xF04, v8  }
0xdc: {  	v9 =	vsel vm10, $0xF84, v9;
	v10 =	vsel vm10, $0x804, v10;
	v11 =	vsel vm10, $0x884, v11  }
0xdd: {  	v12 =	vsel vm10, $0x904, v12;
	v13 =	vsel vm10, $0x984, v13;
	v14 =	vsel vm10, $0x1204, v14  }
0xde: {  	v15 =	vsel vm10, $0x1284, v15;
	v16 =	vsel vm10, $0x1304, v16;
	v17 =	vsel vm10, $0x1384, v17  }
0xdf: {  	v18 =	vsel vm10, $0x1404, v18;
	v19 =	vsel vm10, $0x1484, v19;
	v20 =	vsel vm10, $0x1504, v20  }
0xe0: {  	v21 =	vsel vm10, $0x1584, v21;
	v22 =	vsel vm10, $0x1604, v22;
	v23 =	vsel vm10, $0x1684, v23  }
0xe1: {  	v24 =	vsel vm10, $0x1704, v24;
	v25 =	vsel vm10, $0x1784, v25;
	v26 =	vsel vm10, $0x1004, v26  }
0xe2: {  	v27 =	vsel vm10, $0x1084, v27;
	v28 =	vsel vm10, $0x1104, v28;
	v29 =	vsel vm10, $0x1184, v29  }
0xe3: {  	v30 =	vsel vm10, $0x1A04, v30;
	v31 =	vsel vm10, $0x1A84, v31;
	v32 =	vsel vm10, $0x1B04, v32  }
0xe4: {  	v33 =	vsel vm10, $0x1B84, v33;
	v34 =	vsel vm10, $0x1C04, v34;
	v35 =	vsel vm10, $0x1C84, v35  }
0xe5: {  	v36 =	vsel vm10, $0x1D04, v36;
	v37 =	vsel vm10, $0x1D84, v37;
	v38 =	vsel vm10, $0x1E04, v38  }
0xe6: {  	v39 =	vsel vm10, $0x1E84, v39;
	v40 =	vsel vm10, $0x1F04, v40;
	v41 =	vsel vm9, $0x1805, v41  }
0xe7: {  	[tilespmem:$0x1F840] =	vst v46;
	v46 =	vunpack.c.0.s8.s32 v52;
	v0 =	vsel vm4, $0xF04, v0;
	v1 =	vsel vm8, $0xC86, v1  }
0xe8: {  	v2 =	vsel vm9, $0xC85, v2;
	v3 =	vsel vm9, $0xD05, v3;
	v4 =	vsel vm9, $0xD85, v4  }
0xe9: {  	v5 =	vsel vm9, $0xE05, v5;
	v6 =	vsel vm9, $0xE85, v6;
	v7 =	vsel vm9, $0xF05, v7  }
0xea: {  	v8 =	vsel vm9, $0xF85, v8;
	v9 =	vsel vm9, $0x805, v9;
	v10 =	vsel vm9, $0x885, v10  }
0xeb: {  	v11 =	vsel vm9, $0x905, v11;
	v12 =	vsel vm9, $0x985, v12;
	v13 =	vsel vm9, $0xA05, v13  }
0xec: {  	v14 =	vsel vm9, $0x1285, v14;
	v15 =	vsel vm9, $0x1305, v15;
	v16 =	vsel vm9, $0x1385, v16  }
0xed: {  	v17 =	vsel vm9, $0x1405, v17;
	v18 =	vsel vm9, $0x1485, v18;
	v19 =	vsel vm9, $0x1505, v19  }
0xee: {  	v20 =	vsel vm9, $0x1585, v20;
	v21 =	vsel vm9, $0x1605, v21;
	v22 =	vsel vm9, $0x1685, v22  }
0xef: {  	v23 =	vsel vm9, $0x1705, v23;
	v24 =	vsel vm9, $0x1785, v24;
	v25 =	vsel vm9, $0x1005, v25  }
0xf0: {  	v26 =	vsel vm9, $0x1085, v26;
	v27 =	vsel vm9, $0x1105, v27;
	v28 =	vsel vm9, $0x1185, v28  }
0xf1: {  	v29 =	vsel vm9, $0x1205, v29;
	v30 =	vsel vm9, $0x1A85, v30;
	v31 =	vsel vm9, $0x1B05, v31  }
0xf2: {  	v32 =	vsel vm9, $0x1B85, v32;
	v33 =	vsel vm9, $0x1C05, v33;
	v34 =	vsel vm9, $0x1C85, v34  }
0xf3: {  	v35 =	vsel vm9, $0x1D05, v35;
	v36 =	vsel vm9, $0x1D85, v36;
	v37 =	vsel vm9, $0x1E05, v37  }
0xf4: {  	v38 =	vsel vm9, $0x1E85, v38;
	v39 =	vsel vm9, $0x1F05, v39;
	v40 =	vsel vm9, $0x1F85, v40  }
0xf5: {  	v41 =	vsel vm8, $0x1886, v41;
	v0 =	vsel vm1, $0xF85, v0;
	v1 =	vsel vm7, $0xD07, v1  }
0xf6: {  	v2 =	vsel vm8, $0xD06, v2;
	v3 =	vsel vm8, $0xD86, v3;
	v4 =	vsel vm8, $0xE06, v4  }
0xf7: {  	v5 =	vsel vm8, $0xE86, v5;
	v6 =	vsel vm8, $0xF06, v6;
	v7 =	vsel vm8, $0xF86, v7  }
0xf8: {  	v8 =	vsel vm8, $0x806, v8;
	v9 =	vsel vm8, $0x886, v9;
	v10 =	vsel vm8, $0x906, v10  }
0xf9: {  	v11 =	vsel vm8, $0x986, v11;
	v12 =	vsel vm8, $0xA06, v12;
	v13 =	vsel vm8, $0xA86, v13  }
0xfa: {  	v14 =	vsel vm8, $0x1306, v14;
	v15 =	vsel vm8, $0x1386, v15;
	v16 =	vsel vm8, $0x1406, v16  }
0xfb: {  	v17 =	vsel vm8, $0x1486, v17;
	v18 =	vsel vm8, $0x1506, v18;
	v19 =	vsel vm8, $0x1586, v19  }
0xfc: {  	v20 =	vsel vm8, $0x1606, v20;
	v21 =	vsel vm8, $0x1686, v21;
	v22 =	vsel vm8, $0x1706, v22  }
0xfd: {  	v23 =	vsel vm8, $0x1786, v23;
	v24 =	vsel vm8, $0x1006, v24;
	v25 =	vsel vm8, $0x1086, v25  }
0xfe: {  	v26 =	vsel vm8, $0x1106, v26;
	v27 =	vsel vm8, $0x1186, v27;
	v28 =	vsel vm8, $0x1206, v28  }
0xff: {  	v29 =	vsel vm8, $0x1286, v29;
	v30 =	vsel vm8, $0x1B06, v30;
	v31 =	vsel vm8, $0x1B86, v31  }
0x100: {  	v32 =	vsel vm8, $0x1C06, v32;
	v33 =	vsel vm8, $0x1C86, v33;
	v0 =	vsel vm0, $0x806, v0  }
0x101: {  	v34 =	vsel vm8, $0x1D06, v34;
	v35 =	vsel vm8, $0x1D86, v35;
	[tilespmem:$0x1F870] =	vst v0;
	v0 =	vunpack.c.0.s8.s32 v54  }
0x102: {  	v36 =	vsel vm8, $0x1E06, v36;
	v37 =	vsel vm8, $0x1E86, v37;
	v38 =	vsel vm8, $0x1F06, v38  }
0x103: {  	v39 =	vsel vm8, $0x1F86, v39;
	v40 =	vsel vm8, $0x1806, v40;
	[tilespmem:$0x1F880] =	vst v0;
	v0 =	vsel vm5, $0xD80, v1  }
0x104: {  	v1 =	vsel vm7, $0xD87, v2;
	v2 =	vsel vm7, $0xE07, v3;
	v3 =	vsel vm7, $0xE87, v4  }
0x105: {  	v4 =	vsel vm7, $0xF07, v5;
	v5 =	vsel vm7, $0xF87, v6;
	v6 =	vsel vm7, $0x807, v7  }
0x106: {  	v7 =	vsel vm7, $0x887, v8;
	v8 =	vsel vm7, $0x907, v9;
	v9 =	vsel vm7, $0x987, v10  }
0x107: {  	v10 =	vsel vm7, $0xA07, v11;
	v11 =	vsel vm7, $0xA87, v12;
	v12 =	vsel vm7, $0xB07, v13  }
0x108: {  	v13 =	vsel vm7, $0x1387, v14;
	v14 =	vsel vm7, $0x1407, v15;
	v15 =	vsel vm7, $0x1487, v16  }
0x109: {  	v16 =	vsel vm7, $0x1507, v17;
	v17 =	vsel vm7, $0x1587, v18;
	v18 =	vsel vm7, $0x1607, v19  }
0x10a: {  	v19 =	vsel vm7, $0x1687, v20;
	v20 =	vsel vm7, $0x1707, v21;
	v21 =	vsel vm7, $0x1787, v22  }
0x10b: {  	v22 =	vsel vm7, $0x1007, v23;
	v23 =	vsel vm7, $0x1087, v24;
	v24 =	vsel vm7, $0x1107, v25  }
0x10c: {  	v25 =	vsel vm7, $0x1187, v26;
	v26 =	vsel vm7, $0x1207, v27;
	v27 =	vsel vm7, $0x1287, v28  }
0x10d: {  	v28 =	vsel vm7, $0x1307, v29;
	v29 =	vsel vm7, $0x1B87, v30;
	v30 =	vsel vm7, $0x1C07, v31  }
0x10e: {  	v31 =	vsel vm7, $0x1C87, v32;
	v32 =	vsel vm7, $0x1D07, v33;
	v33 =	vsel vm7, $0x1D87, v34  }
0x10f: {  	v34 =	vsel vm7, $0x1E07, v35;
	v35 =	vsel vm7, $0x1E87, v36;
	v36 =	vsel vm7, $0x1F07, v37  }
0x110: {  	v37 =	vsel vm7, $0x1F87, v38;
	v38 =	vsel vm7, $0x1807, v39;
	v39 =	vsel vm7, $0x1887, v40  }
0x111: {  	v40 =	vsel vm7, $0x1907, v41;
	v41 =	vsel vm7, $0x1987, v42;
	v42 =	vsel vm7, $0x1A07, v43  }
0x112: {  	v43 =	vsel vm7, $0x1A87, v44;
	v44 =	vsel vm7, $0x1B07, v45;
	v45 =	vunpack.c.0.s8.s32 v56  }
0x113: {  	v47 =	vunpack.c.0.s8.s32 v47;
	[tilespmem:$0x1F850] =	vst v46;
	v46 =	vunpack.c.0.s8.s32 v53;
	v0 =	vsel vm6, $0xE01, v0  }
0x114: {  	v1 =	vsel vm5, $0xE00, v1;
	[tilespmem:$0x1F890] =	vst v45;
	v45 =	vsel vm2, $0xE82, v0;
	v0 =	vsel vm5, $0xE80, v2  }
0x115: {  	[tilespmem:$0x1F860] =	vst v46;
	v46 =	vsel vm6, $0xE81, v1;
	v1 =	vsel vm5, $0xF80, v4;
	v2 =	vsel vm6, $0xF01, v0  }
0x116: {  	v0 =	vsel vm5, $0xF00, v3;
	v54 =	vsel vm6, $0x801, v1;
	v1 =	vsel vm5, $0x900, v7  }
0x117: {  	[tilespmem:$0x1FD60] =	vst v47;
	v3 =	vsel vm5, $0x1B80, v44;
	v47 =	vsel vm6, $0xF81, v0;
	v0 =	vsel vm5, $0x800, v5  }
0x118: {  	v51 =	vsel vm6, $0x981, v1;
	v1 =	vsel vm5, $0xA80, v10;
	v4 =	vsel vm6, $0x1C01, v3  }
0x119: {  	v3 =	vimm.s32 $0x16151413;
	v2 =	vsel vm2, $0xF82, v2;
	v44 =	vsel vm2, $0x882, v54  }
0x11a: {  	v49 =	vsel vm6, $0x881, v0;
	v0 =	vsel vm5, $0x880, v6;
	v53 =	vsel vm6, $0xB01, v1  }
0x11b: {  	v1 =	vsel vm5, $0x1400, v13;
	v3 =	vunpack.c.0.s8.s32 v3;
	v56 =	vsel vm6, $0x901, v0  }
0x11c: {  	v0 =	vsel vm5, $0x980, v8;
	v13 =	vsel vm6, $0x1481, v1;
	v1 =	vsel vm5, $0x1580, v16  }
0x11d: {  	v53 =	vsel vm2, $0xB82, v53;
	v52 =	vsel vm6, $0xA01, v0;
	v0 =	vsel vm5, $0xA00, v9  }
0x11e: {  	v16 =	vsel vm6, $0x1601, v1;
	v1 =	vsel vm5, $0x1700, v19;
	v10 =	vsel vm6, $0xA81, v0  }
0x11f: {  	v0 =	vsel vm5, $0xB00, v11;
	v19 =	vsel vm6, $0x1781, v1;
	v1 =	vsel vm5, $0x1080, v22  }
0x120: {  	v52 =	vsel vm2, $0xA82, v52;
	v11 =	vsel vm6, $0xB81, v0;
	v0 =	vsel vm5, $0xB80, v12  }
0x121: {  	v22 =	vsel vm6, $0x1101, v1;
	v1 =	vsel vm5, $0x1200, v25;
	v12 =	vsel vm6, $0xC01, v0  }
0x122: {  	v0 =	vsel vm5, $0x1480, v14;
	v25 =	vsel vm6, $0x1281, v1;
	v1 =	vsel vm5, $0x1380, v28  }
0x123: {  	v11 =	vsel vm2, $0xC02, v11;
	v14 =	vsel vm6, $0x1501, v0;
	v0 =	vsel vm5, $0x1500, v15  }
0x124: {  	v28 =	vsel vm6, $0x1401, v1;
	v1 =	vsel vm5, $0x1D00, v31;
	v11 =	vsel vm3, $0xC83, v11  }
0x125: {  	v12 =	vsel vm2, $0xC82, v12;
	v15 =	vsel vm6, $0x1581, v0;
	v0 =	vsel vm5, $0x1600, v17  }
0x126: {  	v31 =	vsel vm6, $0x1D81, v1;
	v1 =	vsel vm5, $0x1E80, v34;
	v11 =	vsel vm4, $0xD04, v11  }
0x127: {  	v12 =	vsel vm3, $0xD03, v12;
	v17 =	vsel vm6, $0x1681, v0;
	v0 =	vsel vm5, $0x1680, v18  }
0x128: {  	v34 =	vsel vm6, $0x1F01, v1;
	v1 =	vsel vm5, $0x1800, v37;
	v12 =	vsel vm4, $0xD84, v12  }
0x129: {  	v15 =	vsel vm2, $0x1602, v15;
	v11 =	vsel vm1, $0xD85, v11;
	v18 =	vsel vm6, $0x1701, v0  }
0x12a: {  	v0 =	vsel vm5, $0x1780, v20;
	v9 =	vsel vm6, $0x1881, v1;
	v1 =	vsel vm5, $0x1980, v40  }
0x12b: {  	v40 =	vimm.s32 $0x1A191817;
	v15 =	vsel vm3, $0x1683, v15;
	v34 =	vsel vm2, $0x1F82, v34  }
0x12c: {  	v12 =	vsel vm1, $0xE05, v12;
	v20 =	vsel vm6, $0x1001, v0;
	v0 =	vsel vm5, $0x1000, v21  }
0x12d: {  	[tilespmem:$0x1F8A0] =	vst v3;
	v6 =	vsel vm6, $0x1A01, v1;
	v1 =	vsel vm5, $0x1B00, v43;
	v3 =	vunpack.c.0.s8.s32 v40  }
0x12e: {  	v43 =	vsel vm2, $0x802, v47;
	v47 =	vsel vm2, $0xA02, v51;
	v15 =	vsel vm4, $0x1704, v15  }
0x12f: {  	v34 =	vsel vm3, $0x1803, v34;
	v21 =	vsel vm6, $0x1081, v0;
	v0 =	vsel vm5, $0x1100, v23  }
0x130: {  	v1 =	vsel vm6, $0x1B81, v1;
	v34 =	vsel vm4, $0x1884, v34;
	v15 =	vsel vm1, $0x1785, v15  }
0x131: {  	v23 =	vsel vm6, $0x1181, v0;
	v0 =	vsel vm5, $0x1180, v24;
	[tilespmem:$0x1F8B0] =	vst v3;
	v3 =	vsel vm3, $0xF03, v45  }
0x132: {  	v45 =	vsel vm2, $0x902, v49;
	v24 =	vsel vm6, $0x1201, v0;
	v0 =	vsel vm5, $0x1280, v26  }
0x133: {  	v1 =	vsel vm2, $0x1C02, v1;
	v26 =	vsel vm6, $0x1301, v0;
	v0 =	vsel vm5, $0x1300, v27  }
0x134: {  	v3 =	vsel vm4, $0xF84, v3;
	v27 =	vsel vm6, $0x1381, v0;
	v0 =	vsel vm5, $0x1C00, v29  }
0x135: {  	v1 =	vsel vm3, $0x1C83, v1;
	v29 =	vsel vm6, $0x1C81, v0;
	v0 =	vsel vm5, $0x1C80, v30  }
0x136: {  	v3 =	vsel vm1, $0x805, v3;
	v30 =	vsel vm6, $0x1D01, v0;
	v0 =	vsel vm5, $0x1D80, v32  }
0x137: {  	v1 =	vsel vm4, $0x1D04, v1;
	v32 =	vsel vm6, $0x1E01, v0;
	v0 =	vsel vm5, $0x1E00, v33  }
0x138: {  	v1 =	vsel vm1, $0x1D85, v1;
	v33 =	vsel vm6, $0x1E81, v0;
	v0 =	vsel vm5, $0x1F00, v35  }
0x139: {  	v35 =	vsel vm6, $0x1F81, v0;
	v0 =	vsel vm5, $0x1F80, v36;
	v33 =	vsel vm2, $0x1F02, v33  }
0x13a: {  	v8 =	vsel vm6, $0x1801, v0;
	v0 =	vsel vm5, $0x1880, v38;
	v38 =	vsel vm3, $0x903, v44  }
0x13b: {  	v35 =	vsel vm2, $0x1802, v35;
	v33 =	vsel vm3, $0x1F83, v33;
	v36 =	vsel vm6, $0x1901, v0  }
0x13c: {  	v0 =	vsel vm5, $0x1900, v39;
	v39 =	vsel vm3, $0x983, v45;
	v35 =	vsel vm3, $0x1883, v35  }
0x13d: {  	v33 =	vsel vm4, $0x1804, v33;
	v5 =	vsel vm6, $0x1981, v0;
	v0 =	vsel vm5, $0x1A00, v41  }
0x13e: {  	v41 =	vsel vm2, $0xF02, v46;
	v39 =	vsel vm4, $0xA04, v39;
	v46 =	vsel vm2, $0x982, v56  }
0x13f: {  	v35 =	vsel vm4, $0x1904, v35;
	v7 =	vsel vm6, $0x1A81, v0;
	v0 =	vsel vm5, $0x1A80, v42  }
0x140: {  	v37 =	vsel vm3, $0xF83, v41;
	v42 =	vsel vm3, $0x803, v2;
	v2 =	vsel vm0, $0x886, v3  }
0x141: {  	v40 =	vsel vm3, $0xA03, v46;
	v39 =	vsel vm1, $0xA85, v39;
	v0 =	vsel vm6, $0x1B01, v0  }
0x142: {  	v3 =	vsel vm4, $0x884, v42;
	v49 =	vsel vm4, $0xA84, v40;
	v40 =	vimm.s32 $0x1F1E1D1C  }
0x143: {  	v42 =	vsel vm3, $0xB03, v52;
	v52 =	vimm.s32 $0x13121110;
	v44 =	vunpack.c.0.s8.s32 v40  }
0x144: {  	[tilespmem:$0x1F8C0] =	vst v2;
	v2 =	vsel vm4, $0x804, v37;
	v0 =	vsel vm2, $0x1B82, v0;
	v54 =	vunpack.c.0.s8.s32 v52  }
0x145: {  	v2 =	vsel vm1, $0x885, v2;
	v3 =	vsel vm1, $0x905, v3;
	v40 =	vimm.s32 $0x1B1A1918;
	[tilespmem:$0x1F8E0] =	vst v44  }
0x146: {  	v0 =	vsel vm3, $0x1C03, v0;
	v2 =	vsel vm0, $0x906, v2;
	[tilespmem:$0x1F8F0] =	vst v54;
	v44 =	vunpack.c.0.s8.s32 v40  }
0x147: {  	v33 =	vsel vm1, $0x1885, v33;
	v0 =	vsel vm4, $0x1C84, v0;
	[tilespmem:$0x1F940] =	vst v2;
	v2 =	vsel vm0, $0x986, v3  }
0x148: {  	v0 =	vsel vm1, $0x1D05, v0;
	[tilespmem:$0x1F930] =	vst v44;
	v44 =	vsel vm0, $0xB06, v39;
	v39 =	vmovc v2;
	v2 =	vsel vm0, $0xE06, v11  }
0x149: {  	v54 =	vsel vm0, $0x1D86, v0;
	v0 =	vimm.s32 $0x2C2B2A29;
	[tilespmem:$0x1F9B0] =	vst v2;
	v2 =	vsel vm0, $0xE86, v12  }
0x14a: {  	v41 =	vsel vm3, $0xA83, v47;
	v0 =	vunpack.c.0.s8.s32 v0;
	[tilespmem:$0x1F9C0] =	vst v2;
	v2 =	vsel vm0, $0x1006, v15  }
0x14b: {  	v35 =	vsel vm1, $0x1985, v35;
	v37 =	vsel vm3, $0x883, v43;
	v43 =	vsel vm3, $0xC03, v53;
	[tilespmem:$0x1F9E0] =	vst v2  }
0x14c: {  	v47 =	vsel vm4, $0xC84, v43;
	v43 =	vsel vm1, $0x1905, v34;
	v2 =	vsel vm0, $0x1906, v33;
	[tilespmem:$0x1FB40] =	vst v0  }
0x14d: {  	v15 =	vsel vm0, $0x1E06, v1;
	v1 =	vimm.s32 $0x202F2E2D;
	[tilespmem:$0x1FAE0] =	vst v2;
	v2 =	vsel vm0, $0x1986, v43  }
0x14e: {  	v13 =	vsel vm2, $0x1502, v13;
	v0 =	vunpack.c.0.s8.s32 v1;
	[tilespmem:$0x1FB10] =	vst v2;
	v2 =	vsel vm0, $0x1A06, v35  }
0x14f: {  	v13 =	vsel vm3, $0x1583, v13;
	[tilespmem:$0x1FB20] =	vst v2;
	v2 =	vimm.s32 $0x24232221  }
0x150: {  	v16 =	vsel vm2, $0x1682, v16;
	v10 =	vsel vm2, $0xB02, v10;
	[tilespmem:$0x1FB50] =	vst v0;
	v0 =	vunpack.c.0.s8.s32 v2  }
0x151: {  	v13 =	vsel vm4, $0x1604, v13;
	v16 =	vsel vm3, $0x1703, v16;
	v19 =	vsel vm2, $0x1002, v19  }
0x152: {  	v10 =	vsel vm3, $0xB83, v10;
	v16 =	vsel vm4, $0x1784, v16;
	[tilespmem:$0x1FB60] =	vst v0;
	v0 =	vimm.s32 $0x28272625  }
0x153: {  	v19 =	vsel vm3, $0x1083, v19;
	v22 =	vsel vm2, $0x1182, v22;
	v0 =	vunpack.c.0.s8.s32 v0  }
0x154: {  	v13 =	vsel vm1, $0x1685, v13;
	v10 =	vsel vm4, $0xC04, v10;
	v1 =	vimm.s32 $0x2D2C2B2A  }
0x155: {  	v19 =	vsel vm4, $0x1104, v19;
	v22 =	vsel vm3, $0x1203, v22;
	[tilespmem:$0x1FB70] =	vst v0;
	v0 =	vunpack.c.0.s8.s32 v1  }
0x156: {  	v25 =	vsel vm2, $0x1302, v25;
	v16 =	vsel vm1, $0x1005, v16;
	v2 =	vimm.s32 $0x21202F2E  }
0x157: {  	v14 =	vsel vm2, $0x1582, v14;
	v22 =	vsel vm4, $0x1284, v22;
	[tilespmem:$0x1FB80] =	vst v0;
	v0 =	vunpack.c.0.s8.s32 v2  }
0x158: {  	v25 =	vsel vm3, $0x1383, v25;
	v10 =	vsel vm1, $0xC85, v10;
	v19 =	vsel vm1, $0x1185, v19  }
0x159: {  	v14 =	vsel vm3, $0x1603, v14;
	v25 =	vsel vm4, $0x1404, v25;
	[tilespmem:$0x1FB90] =	vst v0;
	v0 =	vimm.s32 $0x25242322  }
0x15a: {  	v31 =	vsel vm2, $0x1E02, v31;
	v22 =	vsel vm1, $0x1305, v22;
	v0 =	vunpack.c.0.s8.s32 v0  }
0x15b: {  	v10 =	vsel vm0, $0xD06, v10;
	v14 =	vsel vm4, $0x1684, v14;
	v1 =	vimm.s32 $0x29282726  }
0x15c: {  	v17 =	vsel vm2, $0x1702, v17;
	v31 =	vsel vm3, $0x1E83, v31;
	[tilespmem:$0x1FBA0] =	vst v0;
	v0 =	vunpack.c.0.s8.s32 v1  }
0x15d: {  	v25 =	vsel vm1, $0x1485, v25;
	v17 =	vsel vm3, $0x1783, v17;
	v2 =	vimm.s32 $0x2E2D2C2B  }
0x15e: {  	v18 =	vsel vm2, $0x1782, v18;
	v31 =	vsel vm4, $0x1F04, v31;
	[tilespmem:$0x1FBB0] =	vst v0;
	v0 =	vunpack.c.0.s8.s32 v2  }
0x15f: {  	v14 =	vsel vm1, $0x1705, v14;
	v17 =	vsel vm4, $0x1004, v17;
	v20 =	vsel vm2, $0x1082, v20  }
0x160: {  	v18 =	vsel vm3, $0x1003, v18;
	v20 =	vsel vm3, $0x1103, v20;
	[tilespmem:$0x1FBC0] =	vst v0;
	v0 =	vimm.s32 $0x2221202F  }
0x161: {  	v18 =	vsel vm4, $0x1084, v18;
	v53 =	vimm.s32 $0x17161514;
	v0 =	vunpack.c.0.s8.s32 v0  }
0x162: {  	[tilespmem:$0x1F990] =	vst v10;
	v21 =	vsel vm2, $0x1102, v21;
	v56 =	vmovc v63;
	v63 =	vunpack.c.0.s8.s32 v53;
	v1 =	vimm.s32 $0x26252423  }
0x163: {  	v17 =	vsel vm1, $0x1085, v17;
	v41 =	vsel vm4, $0xB04, v41;
	[tilespmem:$0x1FBD0] =	vst v0;
	v0 =	vunpack.c.0.s8.s32 v1  }
0x164: {  	v20 =	vsel vm4, $0x1184, v20;
	v41 =	vsel vm1, $0xB85, v41;
	[tilespmem:$0x1F900] =	vst v63;
	v2 =	vimm.s32 $0x2A292827  }
0x165: {  	v53 =	vsel vm1, $0x1F85, v31;
	v31 =	vsel vm0, $0xC06, v41;
	[tilespmem:$0x1FBE0] =	vst v0;
	v0 =	vunpack.c.0.s8.s32 v2  }
0x166: {  	v23 =	vsel vm2, $0x1202, v23;
	v45 =	vsel vm1, $0xB05, v49;
	v49 =	vsel vm1, $0xD05, v47;
	[tilespmem:$0x1F970] =	vst v31  }
0x167: {  	v21 =	vsel vm3, $0x1183, v21;
	v10 =	vsel vm0, $0xD86, v49;
	[tilespmem:$0x1FBF0] =	vst v0;
	v0 =	vimm.s32 $0x2F2E2D2C  }
0x168: {  	[tilespmem:$0x1F9A0] =	vst v10;
	v10 =	vsel vm0, $0x1706, v13;
	v13 =	vsel vm0, $0x1106, v17;
	v0 =	vunpack.c.0.s8.s32 v0  }
0x169: {  	v18 =	vsel vm1, $0x1105, v18;
	v23 =	vsel vm3, $0x1283, v23;
	[tilespmem:$0x1FA00] =	vst v13;
	v1 =	vimm.s32 $0x23222120  }
0x16a: {  	v21 =	vsel vm4, $0x1204, v21;
	v11 =	vsel vm0, $0x1786, v14;
	[tilespmem:$0x1FC00] =	vst v0;
	v0 =	vunpack.c.0.s8.s32 v1  }
0x16b: {  	v24 =	vsel vm2, $0x1282, v24;
	v20 =	vsel vm1, $0x1205, v20;
	[tilespmem:$0x1F9D0] =	vst v11;
	v2 =	vimm.s32 $0x27262524  }
0x16c: {  	v23 =	vsel vm4, $0x1304, v23;
	v13 =	vsel vm0, $0x1186, v18;
	[tilespmem:$0x1FC10] =	vst v0;
	v0 =	vunpack.c.0.s8.s32 v2  }
0x16d: {  	v26 =	vsel vm2, $0x1382, v26;
	v24 =	vsel vm3, $0x1303, v24;
	v21 =	vsel vm1, $0x1285, v21;
	[tilespmem:$0x1FA10] =	vst v13  }
0x16e: {  	v26 =	vsel vm3, $0x1403, v26;
	v12 =	vsel vm0, $0x1086, v16;
	[tilespmem:$0x1FC20] =	vst v0;
	v0 =	vimm.s32 $0x2B2A2928  }
0x16f: {  	v24 =	vsel vm4, $0x1384, v24;
	v13 =	vsel vm0, $0x1206, v19;
	[tilespmem:$0x1F9F0] =	vst v12;
	v0 =	vunpack.c.0.s8.s32 v0  }
0x170: {  	v27 =	vsel vm2, $0x1402, v27;
	v23 =	vsel vm1, $0x1385, v23;
	[tilespmem:$0x1FA20] =	vst v13;
	v1 =	vimm.s32 $0x3C3B3A39  }
0x171: {  	v26 =	vsel vm4, $0x1484, v26;
	v13 =	vsel vm0, $0x1286, v20;
	[tilespmem:$0x1FC30] =	vst v0;
	v0 =	vunpack.c.0.s8.s32 v1  }
0x172: {  	v29 =	vsel vm2, $0x1D02, v29;
	v27 =	vsel vm3, $0x1483, v27;
	[tilespmem:$0x1FA30] =	vst v13;
	v2 =	vimm.s32 $0x303F3E3D  }
0x173: {  	v24 =	vsel vm1, $0x1405, v24;
	v13 =	vsel vm0, $0x1306, v21;
	[tilespmem:$0x1FC40] =	vst v0;
	v0 =	vunpack.c.0.s8.s32 v2  }
0x174: {  	v29 =	vsel vm3, $0x1D83, v29;
	v27 =	vsel vm4, $0x1504, v27;
	v30 =	vsel vm2, $0x1D82, v30;
	[tilespmem:$0x1FA40] =	vst v13  }
0x175: {  	v26 =	vsel vm1, $0x1505, v26;
	v13 =	vsel vm0, $0x1386, v22;
	[tilespmem:$0x1FC50] =	vst v0;
	v0 =	vimm.s32 $0x34333231  }
0x176: {  	v29 =	vsel vm4, $0x1E04, v29;
	[tilespmem:$0x1FA50] =	vst v13;
	v13 =	vsel vm0, $0x1406, v23;
	v0 =	vunpack.c.0.s8.s32 v0  }
0x177: {  	v32 =	vsel vm2, $0x1E82, v32;
	v30 =	vsel vm3, $0x1E03, v30;
	[tilespmem:$0x1FA60] =	vst v13;
	v1 =	vimm.s32 $0x38373635  }
0x178: {  	v27 =	vsel vm1, $0x1585, v27;
	v13 =	vsel vm0, $0x1486, v24;
	[tilespmem:$0x1FC60] =	vst v0;
	v0 =	vunpack.c.0.s8.s32 v1  }
0x179: {  	v32 =	vsel vm3, $0x1F03, v32;
	v30 =	vsel vm4, $0x1E84, v30;
	[tilespmem:$0x1FA80] =	vst v13;
	v2 =	vimm.s32 $0x3D3C3B3A  }
0x17a: {  	v29 =	vsel vm1, $0x1E85, v29;
	v13 =	vsel vm0, $0x1506, v25;
	[tilespmem:$0x1FC70] =	vst v0;
	v0 =	vunpack.c.0.s8.s32 v2  }
0x17b: {  	v51 =	vld [tilespmem:$0x1F8D0];
	v30 =	vsel vm1, $0x1F05, v30;
	v38 =	vsel vm4, $0x984, v38;
	v36 =	vsel vm2, $0x1982, v36;
	[tilespmem:$0x1FA90] =	vst v13  }
0x17c: {  	v38 =	vsel vm1, $0xA05, v38;
	v46 =	vmovc v57;
	v57 =	vmovc v60;
	v60 =	vld [tilespmem:$0x1F920];
	v13 =	vsel vm0, $0x1586, v26;
	[tilespmem:$0x1FC80] =	vst v0;
	v0 =	vimm.s32 $0x31303F3E  }
0x17d: {  	v37 =	vsel vm4, $0x904, v37;
	v41 =	vld [tilespmem:$0x1F980];
	[tilespmem:$0x1FAA0] =	vst v13;
	v13 =	vsel vm0, $0x1606, v27;
	v0 =	vunpack.c.0.s8.s32 v0  }
0x17e: {  	v36 =	vsel vm3, $0x1A03, v36;
	v37 =	vsel vm1, $0x985, v37;
	v63 =	vld [tilespmem:$0x1F910];
	[tilespmem:$0x1FAB0] =	vst v13;
	v1 =	vimm.s32 $0x35343332  }
0x17f: {  	v34 =	vsel vm0, $0xA06, v37;
	v37 =	vld [tilespmem:$0x1F950];
	v13 =	vsel vm0, $0x1F06, v29;
	[tilespmem:$0x1FC90] =	vst v0;
	v0 =	vunpack.c.0.s8.s32 v1  }
0x180: {  	s1 =	srdreg.scid;
	v36 =	vsel vm4, $0x1A84, v36;
	v40 =	vsel vm0, $0xA86, v38;
	v38 =	vld [tilespmem:$0x1F960];
	[tilespmem:$0x1FAC0] =	vst v13;
	v2 =	vimm.s32 $0x39383736  }
0x181: {  	s0 =	stileid.u32;
	s4 =	rddreg [dreg:$0x0];
	v36 =	vsel vm1, $0x1B05, v36;
	v12 =	vld [tilespmem:$0x1FAF0];
	v13 =	vsel vm0, $0x1F86, v30;
	[tilespmem:$0x1FCA0] =	vst v0;
	v0 =	vunpack.c.0.s8.s32 v2  }
0x182: {  	s2 =	simm.s32 $0x0;
	s5 =	sand.u32 $0x1, s1;
	s1 =	rddreg [dreg:$0x1];
	v28 =	vsel vm2, $0x1482, v28;
	v32 =	vsel vm4, $0x1F84, v32;
	v22 =	vsel vm0, $0x1B86, v36;
	v36 =	vld [tilespmem:$0x1FB30];
	[tilespmem:$0x1FAD0] =	vst v13  }
0x183: {  	s3 =	sshll.u32 s0, $0x1;
	[smem:$0x7FF] =	sst s2;
	v4 =	vsel vm2, $0x1C82, v4;
	v28 =	vsel vm3, $0x1503, v28;
	v32 =	vsel vm1, $0x1805, v32;
	v24 =	vld [tilespmem:$0x1FA70];
	[tilespmem:$0x1FCB0] =	vst v0  }
0x184: {  	s6 =	sor.u32 s5, s3;
	s3 =	rddreg [dreg:$0x2];
	v6 =	vsel vm2, $0x1A82, v6;
	v25 =	vmov v57;
	v57 =	vsel vm0, $0x1886, v32;
	v32 =	vld [tilespmem:$0x1FB00];
	_ =	strace $0x80000047;
	[tilespmem:$0x1FD70] =	vst v55  }
0x185: {  	v28 =	vsel vm4, $0x1584, v28;
	v6 =	vsel vm3, $0x1B03, v6;
	v5 =	vsel vm2, $0x1A02, v5;
	[tilespmem:$0x1FDC0] =	vst v34  }
0x186: {  	v28 =	vsel vm1, $0x1605, v28;
	v6 =	vsel vm4, $0x1B84, v6;
	v5 =	vsel vm3, $0x1A83, v5;
	[tilespmem:$0x1FDD0] =	vst v40  }
0x187: {  	v7 =	vsel vm2, $0x1B02, v7;
	v5 =	vsel vm4, $0x1B04, v5;
	v27 =	vsel vm0, $0x1686, v28;
	[tilespmem:$0x1FDE0] =	vst v44  }
0x188: {  	v7 =	vsel vm3, $0x1B83, v7;
	v5 =	vsel vm1, $0x1B85, v5;
	v53 =	vsel vm0, $0x1806, v53;
	[tilespmem:$0x1FDF0] =	vst v27  }
0x189: {  	v6 =	vsel vm1, $0x1C05, v6;
	v7 =	vsel vm4, $0x1C04, v7;
	v43 =	vsel vm0, $0x1C06, v5;
	[tilespmem:$0x1FE00] =	vst v53  }
0x18a: {  	v47 =	vsel vm0, $0xB86, v45;
	v45 =	vsel vm0, $0x1C86, v6;
	v7 =	vsel vm1, $0x1C85, v7;
	[tilespmem:$0x1FE10] =	vst v43  }
0x18b: {  	v4 =	vsel vm3, $0x1D03, v4;
	v52 =	vsel vm0, $0x1D06, v7;
	[tilespmem:$0x1FE20] =	vst v45  }
0x18c: {  	v4 =	vsel vm4, $0x1D84, v4;
	[tilespmem:$0x1FE30] =	vst v52  }
0x18d: {  	v4 =	vsel vm1, $0x1E05, v4;
	[tilespmem:$0x1FE40] =	vst v54  }
0x18e: {  	v14 =	vsel vm0, $0x1E86, v4;
	[tilespmem:$0x1FE50] =	vst v15  }
0x18f: {  	[tilespmem:$0x1FE60] =	vst v14  }
0x190: {  	[tilespmem:$0x1FE70] =	vst v62  }
0x191: {  	[tilespmem:$0x1FE80] =	vst v48  }
0x192: {  	[tilespmem:$0x1FE90] =	vst v56  }
0x193: {  	v28 =	vmov v61;
	[tilespmem:$0x1FEA0] =	vst v25  }
0x194: {  	v0 =	vimm.s32 $0x3E3D3C3B;
	[tilespmem:$0x1FEB0] =	vst v28  }
0x195: {  	v0 =	vunpack.c.0.s8.s32 v0;
	[tilespmem:$0x1FEC0] =	vst v50  }
0x196: {  	v1 =	vimm.s32 $0x3231303F;
	[tilespmem:$0x1FED0] =	vst v39  }
0x197: {  	v8 =	vsel vm2, $0x1882, v8;
	[tilespmem:$0x1FCC0] =	vst v0;
	v0 =	vunpack.c.0.s8.s32 v1  }
0x198: {  	v8 =	vsel vm3, $0x1903, v8;
	v2 =	vimm.s32 $0x36353433;
	[tilespmem:$0x1FEE0] =	vst v47  }
0x199: {  	v8 =	vsel vm4, $0x1984, v8;
	v23 =	vmov v10;
	[tilespmem:$0x1FCD0] =	vst v0;
	v0 =	vunpack.c.0.s8.s32 v2  }
0x19a: {  	v8 =	vsel vm1, $0x1A05, v8;
	v3 =	vlaneseq.u32;
	[tilespmem:$0x1FEF0] =	vst v23  }
0x19b: {  	v4 =	vmul.u32 $0xC8, v3;
	v21 =	vsel vm0, $0x1A86, v8;
	[tilespmem:$0x1FCE0] =	vst v0;
	v0 =	vimm.s32 $0x3A393837  }
0x19c: {  	[tilespmem:$0x1FF00] =	vst v21;
	v0 =	vunpack.c.0.s8.s32 v0  }
0x19d: {  	[tilespmem:$0x1FF10] =	vst v4;
	v1 =	vimm.s32 $0x3F3E3D3C  }
0x19e: {  	v5 =	vadd.s32 $0xC80, v4;
	[tilespmem:$0x1FCF0] =	vst v0;
	v0 =	vunpack.c.0.s8.s32 v1  }
0x19f: {  	[tilespmem:$0x1FF20] =	vst v5  }
0x1a0: {  	v6 =	vadd.s32 $0x1900, v4;
	[tilespmem:$0x1FD00] =	vst v0;
	v0 =	vimm.s32 $0x33323130  }
0x1a1: {  	v9 =	vsel vm2, $0x1902, v9;
	v7 =	vadd.s32 $0x2580, v4;
	[tilespmem:$0x1FF30] =	vst v6;
	v0 =	vunpack.c.0.s8.s32 v0  }
0x1a2: {  	v9 =	vsel vm3, $0x1983, v9;
	[tilespmem:$0x1FF40] =	vst v7;
	v1 =	vimm.s32 $0x37363534  }
0x1a3: {  	v9 =	vsel vm4, $0x1A04, v9;
	v8 =	vadd.s32 $0x3200, v4;
	[tilespmem:$0x1FD10] =	vst v0;
	v0 =	vunpack.c.0.s8.s32 v1  }
0x1a4: {  	v9 =	vsel vm1, $0x1A85, v9;
	[tilespmem:$0x1FF50] =	vst v8;
	v2 =	vimm.s32 $0x3B3A3938  }
0x1a5: {  	v20 =	vsel vm0, $0x1B06, v9;
	v9 =	vadd.s32 $0x3E80, v4;
	[tilespmem:$0x1FD20] =	vst v0;
	v0 =	vunpack.c.0.s8.s32 v2  }
0x1a6: {  	[tilespmem:$0x1FF60] =	vst v9;
	v1 =	vld [tilespmem:$0x1FD50]  }
0x1a7: {  	v10 =	vadd.s32 $0x4B00, v4;
	[tilespmem:$0x1FD30] =	vst v0;
	v0 =	vld [tilespmem:$0x1FD40]  }
0x1a8: {  	v11 =	vadd.s32 $0x5780, v4;
	[tilespmem:$0x1FF70] =	vst v10  }
0x1a9: {  	v42 =	vsel vm4, $0xB84, v42;
	[tilespmem:$0x1FF80] =	vst v11  }
0x1aa: {  	v42 =	vsel vm1, $0xC05, v42;
	[tilespmem:$0x1FF90] =	vst v57  }
0x1ab: {  	v42 =	vsel vm0, $0xC86, v42;
	vm0 =	vcmask $0x1F10;
	[tilespmem:$0x1FFA0] =	vst v20  }
0x1ac: {  	[tilespmem:$0x1FFB0] =	vst v22;
	v0 =	vsel vm0, v1, v0;
	v1 =	vld [tilespmem:$0x1FD60]  }
0x1ad: {  	s10 =	simm.s32 $0x6400;
	s11 =	simm.s32 $0xC800;
	[tilespmem:$0x1FFC0] =	vst v46  }
0x1ae: {  	s12 =	simm.s32 $0xE800;
	s13 =	simm.s32 $0x1;
	s14 =	simm.s32 $0x10800;
	[tilespmem:$0x1FFD0] =	vst v42  }
0x1af: {  	s15 =	simm.s32 $0x400;
	s16 =	simm.s32 $0x8000;
	s17 =	simm.s32 $0x2;
	[tilespmem:$0x1FFE0] =	vst v59  }
0x1b0: {  	s18 =	simm.s32 $0x4;
	s19 =	simm.s32 $0x12800;
	s8 =	ssub.s32 $0x2, s5;
	[tilespmem:$0x1FFF0] =	vst v58;
	v2 =	vor.u32 $0x10, v3  }
0x1b1: {  	s20 =	simm.s32 $0x3;
	s7 =	smul.u32 $0xC80, s6;
	s9 =	sshrl.u32 s8, $0x1;
	[tilespmem:$0x1FD80] =	vst v2;
	v1 =	vsel vm0, v55, v1  }
0x1b2: {  	s21 =	simm.s32 $0x0;
	s6 =	sshll.u32 s6, $0xA;
	s31 =	ssub.s32 s8, s9;
	[tilespmem:$0x1FD90] =	vst v0;
	v0 =	vcombine.low v1, v0  }
0x1b3: {  	s8 =	simm.s32 $0x5;
	s9 =	simm.s32 $0x80;
	s7 =	sadd.s32 s7, s4;
	v49 =	vmov v47;
	[tilespmem:$0x1FDA0] =	vst v1  }
0x1b4: {  	s4 =	sadd.s32 $0xF42A00, s4;
	s5 =	sadd.s32 $0x600, s7;
	s7 =	smax.u32 s31, $0x1;
	v31 =	vmovc v40;
	v33 =	vmovc v44;
	v35 =	vmov v58;
	v13 =	vmov v48;
	v3 =	vmov v37;
	[tilespmem:$0x1FDB0] =	vst v0  }
.LBB2_1:
0x1b5: {  	v0 =	vmov s2  }
0x1b6: {  	v0 =	vand.u32 $0xFF, v0  }
0x1b7: {  	v1 =	vadd.s32 v4, v0  }
0x1b8: {  	[tilespmem:s2], [sflag:$0x5] =	stream.linear.gather [hbm4b:s5+s2], $0x6400, $0x38;
	[tilespmem:$0x14800] =	vst v63  }
0x1b9: {  	_ =	swait.ge [sflag:s8], $0x6400  }
0x1ba: {  	[sflag:s8] =	ssyncset.done $0x0  }
0x1bb: {  	[sflag:s8] =	ssyncadd.s32 $0xFFFF9C00  }
0x1bc: {  	v1 =	vld.idx.msk [tilespmem:v1+s2+$0x0], $0xffff  }
0x1bd: {  	v2 =	vadd.s32 v5, v0;
	_ =	sdelay $0x2  }
0x1be: {  	s22 =	simm.s32 $0x6440  }
0x1bf: {  	[tilespmem:s22+$0xFFFFFFC0] =	vst v1  }
0x1c0: {  	v1 =	vld.idx.msk [tilespmem:v2+s2+$0x0], $0xffff  }
0x1c1: {  	v2 =	vadd.s32 v6, v0;
	_ =	sdelay $0x3  }
0x1c2: {  	[tilespmem:s22+$0xFFFFFFD0] =	vst v1  }
0x1c3: {  	v1 =	vld.idx.msk [tilespmem:v2+s2+$0x0], $0xffff  }
0x1c4: {  	v2 =	vadd.s32 v7, v0;
	_ =	sdelay $0x3  }
0x1c5: {  	[tilespmem:s22+$0xFFFFFFE0] =	vst v1  }
0x1c6: {  	v1 =	vld.idx.msk [tilespmem:v2+s2+$0x0], $0xffff  }
0x1c7: {  	v2 =	vadd.s32 v8, v0;
	_ =	sdelay $0x3  }
0x1c8: {  	[tilespmem:s22+$0xFFFFFFF0] =	vst v1  }
0x1c9: {  	v1 =	vld.idx.msk [tilespmem:v2+s2+$0x0], $0xffff  }
0x1ca: {  	v2 =	vadd.s32 v9, v0;
	_ =	sdelay $0x3  }
0x1cb: {  	[tilespmem:s22+$0x0] =	vst v1  }
0x1cc: {  	v1 =	vld.idx.msk [tilespmem:v2+s2+$0x0], $0xffff  }
0x1cd: {  	v2 =	vadd.s32 v10, v0;
	_ =	sdelay $0x3  }
0x1ce: {  	[tilespmem:s22+$0x10] =	vst v1  }
0x1cf: {  	v1 =	vld.idx.msk [tilespmem:v2+s2+$0x0], $0xffff  }
0x1d0: {  	v0 =	vadd.s32 v11, v0;
	_ =	sdelay $0x3  }
0x1d1: {  	s23 =	simm.s32 $0x1;
	[tilespmem:s22+$0x20] =	vst v1  }
0x1d2: {  	v1 =	vmov s23;
	s23 =	simm.s32 $0x2;
	v0 =	vld.idx.msk [tilespmem:v0+s2+$0x0], $0xffff  }
.LBB2_2:
0x1d3: {  	p0 =	sne.s32 s23, $0xC7;
	v1 =	vand.u32 $0xFF, v1  }
0x1d4: {  	v2 =	vadd.s32 v4, v1;
	_ =	sdelay $0x3  }
0x1d5: {  	[tilespmem:s22+$0x30] =	vst v0  }
0x1d6: {  	v0 =	vld.idx.msk [tilespmem:v2+s2+$0x0], $0xffff;
	_ =	sdelay $0x1  }
0x1d7: {  	v2 =	vadd.s32 v5, v1;
	_ =	sdelay $0x2  }
0x1d8: {  	s22 =	sadd.s32 $0x80, s22  }
0x1d9: {  	[tilespmem:s22+$0xFFFFFFC0] =	vst v0  }
0x1da: {  	v0 =	vld.idx.msk [tilespmem:v2+s2+$0x0], $0xffff;
	_ =	sdelay $0x1  }
0x1db: {  	v2 =	vadd.s32 v6, v1;
	_ =	sdelay $0x3  }
0x1dc: {  	[tilespmem:s22+$0xFFFFFFD0] =	vst v0  }
0x1dd: {  	v0 =	vld.idx.msk [tilespmem:v2+s2+$0x0], $0xffff;
	_ =	sdelay $0x1  }
0x1de: {  	v2 =	vadd.s32 v7, v1;
	_ =	sdelay $0x3  }
0x1df: {  	[tilespmem:s22+$0xFFFFFFE0] =	vst v0  }
0x1e0: {  	v0 =	vld.idx.msk [tilespmem:v2+s2+$0x0], $0xffff;
	_ =	sdelay $0x1  }
0x1e1: {  	v2 =	vadd.s32 v8, v1;
	_ =	sdelay $0x3  }
0x1e2: {  	[tilespmem:s22+$0xFFFFFFF0] =	vst v0  }
0x1e3: {  	v0 =	vld.idx.msk [tilespmem:v2+s2+$0x0], $0xffff;
	_ =	sdelay $0x1  }
0x1e4: {  	v2 =	vadd.s32 v9, v1;
	_ =	sdelay $0x3  }
0x1e5: {  	[tilespmem:s22+$0x0] =	vst v0  }
0x1e6: {  	v0 =	vld.idx.msk [tilespmem:v2+s2+$0x0], $0xffff;
	_ =	sdelay $0x1  }
0x1e7: {  	v2 =	vadd.s32 v10, v1;
	_ =	sdelay $0x3  }
0x1e8: {  	[tilespmem:s22+$0x10] =	vst v0  }
0x1e9: {  	v0 =	vld.idx.msk [tilespmem:v2+s2+$0x0], $0xffff;
	_ =	sdelay $0x1  }
0x1ea: {  	v2 =	vadd.s32 v11, v1  }
.Ltmp0:
0x1eb: {  	(pc) =	sbr.rel @p0 .LBB2_2-.Ltmp0, $3  }
0x1ec: {  	_ =	sdelay $0x1  }
0x1ed: {  	[tilespmem:s22+$0x20] =	vst v0  }
0x1ee: {  	v1 =	vmov s23;
	s23 =	sadd.s32 $0x1, s23;
	v0 =	vld.idx.msk [tilespmem:v2+s2+$0x0], $0xffff  }
0x1ef: {  	v1 =	vand.u32 $0xFF, v1  }
0x1f0: {  	v2 =	vadd.s32 v4, v1;
	_ =	sdelay $0x3  }
0x1f1: {  	[tilespmem:s22+$0x30] =	vst v0  }
0x1f2: {  	v0 =	vld.idx.msk [tilespmem:v2+s2+$0x0], $0xffff  }
0x1f3: {  	v53 =	vadd.s32 v5, v1;
	_ =	sdelay $0x2  }
0x1f4: {  	s31 =	sadd.s32 $0x80, s22  }
0x1f5: {  	[tilespmem:s31+$0xFFFFFFC0] =	vst v0  }
0x1f6: {  	v0 =	vld.idx.msk [tilespmem:v53+s2+$0x0], $0xffff  }
0x1f7: {  	v54 =	vadd.s32 v6, v1;
	_ =	sdelay $0x3  }
0x1f8: {  	[tilespmem:s31+$0xFFFFFFD0] =	vst v0  }
0x1f9: {  	v0 =	vld.idx.msk [tilespmem:v54+s2+$0x0], $0xffff  }
0x1fa: {  	v55 =	vadd.s32 v7, v1;
	_ =	sdelay $0x3  }
0x1fb: {  	[tilespmem:s31+$0xFFFFFFE0] =	vst v0  }
0x1fc: {  	v0 =	vld.idx.msk [tilespmem:v55+s2+$0x0], $0xffff  }
0x1fd: {  	v57 =	vadd.s32 v8, v1;
	_ =	sdelay $0x3  }
0x1fe: {  	[tilespmem:s31+$0xFFFFFFF0] =	vst v0  }
0x1ff: {  	v0 =	vld.idx.msk [tilespmem:v57+s2+$0x0], $0xffff  }
0x200: {  	v58 =	vadd.s32 v9, v1;
	_ =	sdelay $0x3  }
0x201: {  	[tilespmem:s31+$0x0] =	vst v0  }
0x202: {  	v0 =	vld.idx.msk [tilespmem:v58+s2+$0x0], $0xffff  }
0x203: {  	v61 =	vadd.s32 v10, v1;
	_ =	sdelay $0x3  }
0x204: {  	[tilespmem:s31+$0x10] =	vst v0  }
0x205: {  	v0 =	vld.idx.msk [tilespmem:v61+s2+$0x0], $0xffff  }
0x206: {  	v1 =	vadd.s32 v11, v1;
	_ =	sdelay $0x3  }
0x207: {  	[tilespmem:s31+$0x20] =	vst v0  }
0x208: {  	v0 =	vld.idx.msk [tilespmem:v1+s2+$0x0], $0xffff;
	_ =	sdelay $0x4  }
0x209: {  	s23 =	simm.s32 $0x0;
	s22 =	simm.s32 $0x0;
	[tilespmem:s31+$0x30] =	vst v0  }
0x20a: {  	v48 =	vmovc v60;
	v5 =	vmovc v50;
	v6 =	vmov v3;
	v7 =	vmov v38;
	v55 =	vmov v49;
	[tilespmem:s11], [sflag:$0x1] =	stream.indirect.gather [hbm4b:s4+s9], $0x40, s10, s9, $0xb8;
	[tilespmem:$0x14800] =	vst v63  }
.LBB2_4:
0x20b: {  	s24 =	sshllo.u32 s23, $0x1  }
0x20c: {  	s25 =	sshll.u32 s24, $0x7  }
0x20d: {  	s25 =	sand.u32 $0x3FFFFF80, s25  }
0x20e: {  	v2 =	vlaneseq.u32;
	s25 =	sadd.s32 $0x6400, s25  }
0x20f: {  	v1 =	vor.u32 s22, v2;
	[tilespmem:s12], [sflag:$0x2] =	stream.indirect.gather [hbm4b:s4+s9], $0x40, s25, s9, $0xb8;
	[tilespmem:$0x14800] =	vst v63  }
0x210: {  	v0 =	vshll.u32 v1, $0x6;
	_ =	swait.ge [sflag:s13], $0x2000  }
0x211: {  	p0 =	seq.s32 s23, $0x0;
	v2 =	vor.u32 v2, v0;
	[sflag:s13] =	ssyncset.done $0x0  }
0x212: {  	s25 =	simm.s32 @!p0 $0x3;
	[sflag:s13] =	ssyncadd.s32 $0xFFFFE000  }
0x213: {  	_ =	swait.ge @!p0 [sflag:s25], $0x2000  }
0x214: {  	[sflag:s25] =	ssyncset.done @!p0 $0x0  }
0x215: {  	v1 =	vand.u32 $0x78, v1;
	[sflag:s25] =	ssyncadd.s32 @!p0 $0xFFFFE000  }
0x216: {  	v3 =	vor.u32 v46, v1;
	v2 =	vld.idx.msk [tilespmem:v2+s11+$0x0], $0xffff  }
0x217: {  	v4 =	vor.u32 v51, v0;
	_ =	sdelay $0x3  }
0x218: {  	[tilespmem:v3+s14+$0x0] =	vst.idx.msk $0xffff, v2  }
0x219: {  	v3 =	vor.u32 v62, v1;
	v2 =	vld.idx.msk [tilespmem:v4+s11+$0x0], $0xffff  }
0x21a: {  	v4 =	vor.u32 v13, v0;
	_ =	sdelay $0x3  }
0x21b: {  	[tilespmem:v3+s14+$0x0] =	vst.idx.msk $0xffff, v2  }
0x21c: {  	v3 =	vor.u32 v12, v1;
	v2 =	vld.idx.msk [tilespmem:v4+s11+$0x0], $0xffff  }
0x21d: {  	v52 =	vld [tilespmem:$0x1F750];
	_ =	sdelay $0x3  }
0x21e: {  	[tilespmem:v3+s14+$0x0] =	vst.idx.msk $0xffff, v2  }
0x21f: {  	v4 =	vor.u32 v52, v0;
	v20 =	vld [tilespmem:$0x1F760];
	_ =	sdelay $0x4  }
0x220: {  	v2 =	vld.idx.msk [tilespmem:v4+s11+$0x0], $0xffff;
	v3 =	vor.u32 v20, v1  }
0x221: {  	v19 =	vld [tilespmem:$0x1F770];
	_ =	sdelay $0x3  }
0x222: {  	[tilespmem:v3+s14+$0x0] =	vst.idx.msk $0xffff, v2  }
0x223: {  	v4 =	vor.u32 v19, v0;
	v26 =	vld [tilespmem:$0x1F780];
	_ =	sdelay $0x4  }
0x224: {  	v2 =	vld.idx.msk [tilespmem:v4+s11+$0x0], $0xffff;
	v3 =	vor.u32 v26, v1  }
0x225: {  	v23 =	vld [tilespmem:$0x1F790];
	_ =	sdelay $0x3  }
0x226: {  	[tilespmem:v3+s14+$0x0] =	vst.idx.msk $0xffff, v2  }
0x227: {  	v4 =	vor.u32 v23, v0;
	v42 =	vld [tilespmem:$0x1F7A0];
	_ =	sdelay $0x4  }
0x228: {  	v2 =	vld.idx.msk [tilespmem:v4+s11+$0x0], $0xffff;
	v3 =	vor.u32 v42, v1  }
0x229: {  	v54 =	vmov v33;
	v33 =	vld [tilespmem:$0x1F7B0];
	_ =	sdelay $0x3  }
0x22a: {  	[tilespmem:v3+s14+$0x0] =	vst.idx.msk $0xffff, v2  }
0x22b: {  	v4 =	vor.u32 v33, v0;
	v44 =	vld [tilespmem:$0x1F7C0];
	_ =	sdelay $0x4  }
0x22c: {  	v2 =	vld.idx.msk [tilespmem:v4+s11+$0x0], $0xffff;
	v3 =	vor.u32 v44, v1  }
0x22d: {  	v43 =	vld [tilespmem:$0x1F7D0];
	_ =	sdelay $0x3  }
0x22e: {  	[tilespmem:v3+s14+$0x0] =	vst.idx.msk $0xffff, v2  }
0x22f: {  	v4 =	vor.u32 v43, v0;
	v50 =	vld [tilespmem:$0x1F7E0]  }
0x230: {  	v45 =	vld [tilespmem:$0x1F7F0];
	_ =	sdelay $0x3  }
0x231: {  	v2 =	vld.idx.msk [tilespmem:v4+s11+$0x0], $0xffff;
	v3 =	vor.u32 v50, v1  }
0x232: {  	v4 =	vor.u32 v45, v0;
	_ =	sdelay $0x3  }
0x233: {  	[tilespmem:v3+s14+$0x0] =	vst.idx.msk $0xffff, v2  }
0x234: {  	v3 =	vor.u32 v36, v1;
	v2 =	vld.idx.msk [tilespmem:v4+s11+$0x0], $0xffff  }
0x235: {  	v4 =	vor.u32 v41, v0;
	_ =	sdelay $0x3  }
0x236: {  	[tilespmem:v3+s14+$0x0] =	vst.idx.msk $0xffff, v2  }
0x237: {  	v3 =	vor.u32 v6, v1;
	v2 =	vld.idx.msk [tilespmem:v4+s11+$0x0], $0xffff  }
0x238: {  	v4 =	vor.u32 v7, v0;
	_ =	sdelay $0x3  }
0x239: {  	[tilespmem:v3+s14+$0x0] =	vst.idx.msk $0xffff, v2  }
0x23a: {  	v3 =	vor.u32 v56, v1;
	v2 =	vld.idx.msk [tilespmem:v4+s11+$0x0], $0xffff  }
0x23b: {  	v4 =	vor.u32 v25, v0;
	_ =	sdelay $0x3  }
0x23c: {  	[tilespmem:v3+s14+$0x0] =	vst.idx.msk $0xffff, v2  }
0x23d: {  	v3 =	vor.u32 v28, v1;
	v2 =	vld.idx.msk [tilespmem:v4+s11+$0x0], $0xffff  }
0x23e: {  	v4 =	vor.u32 v32, v0;
	_ =	sdelay $0x3  }
0x23f: {  	[tilespmem:v3+s14+$0x0] =	vst.idx.msk $0xffff, v2  }
0x240: {  	v2 =	vld.idx.msk [tilespmem:v4+s11+$0x0], $0xffff;
	v4 =	vor.u32 v5, v1  }
0x241: {  	v61 =	vmov v39;
	v39 =	vmov v5;
	v5 =	vor.u32 v24, v0;
	_ =	sdelay $0x1  }
0x242: {  	v10 =	vlaneseq.u32;
	s28 =	simm.s32 $0x10  }
0x243: {  	v58 =	vmov v34;
	v34 =	vmov v6;
	v6 =	vor.u32 s28, v10  }
0x244: {  	v3 =	vshll.u32 v6, $0x6;
	[tilespmem:v4+s14+$0x0] =	vst.idx.msk $0xffff, v2  }
0x245: {  	v38 =	vmov v7;
	v7 =	vor.u32 v10, v3;
	v4 =	vld.idx.msk [tilespmem:v5+s11+$0x0], $0xffff;
	v5 =	vor.u32 v63, v1  }
0x246: {  	v8 =	vor.u32 v48, v0;
	_ =	sdelay $0x2  }
0x247: {  	v2 =	vand.u32 $0x78, v6  }
0x248: {  	v6 =	vld.idx.msk [tilespmem:v7+s11+$0x0], $0xffff;
	v7 =	vor.u32 v46, v2;
	[tilespmem:v5+s14+$0x0] =	vst.idx.msk $0xffff, v4  }
0x249: {  	v5 =	vor.u32 v59, v1;
	v4 =	vld.idx.msk [tilespmem:v8+s11+$0x0], $0xffff;
	_ =	sdelay $0x1  }
0x24a: {  	v9 =	vor.u32 v51, v3;
	_ =	sdelay $0x1  }
0x24b: {  	[tilespmem:v7+s14+$0x0] =	vst.idx.msk $0xffff, v6  }
0x24c: {  	[tilespmem:v5+s14+$0x0] =	vst.idx.msk $0xffff, v4  }
0x24d: {  	v8 =	vor.u32 v35, v0;
	v47 =	vld [tilespmem:$0x1F800]  }
0x24e: {  	v7 =	vor.u32 v62, v2;
	v6 =	vld.idx.msk [tilespmem:v9+s11+$0x0], $0xffff  }
0x24f: {  	v9 =	vor.u32 v13, v3;
	_ =	sdelay $0x2  }
0x250: {  	v4 =	vld.idx.msk [tilespmem:v8+s11+$0x0], $0xffff;
	v5 =	vor.u32 v47, v1  }
0x251: {  	v40 =	vmov v48;
	v48 =	vld [tilespmem:$0x1FD80];
	[tilespmem:v7+s14+$0x0] =	vst.idx.msk $0xffff, v6  }
0x252: {  	v7 =	vor.u32 v12, v2;
	v6 =	vld.idx.msk [tilespmem:v9+s11+$0x0], $0xffff;
	_ =	sdelay $0x2  }
0x253: {  	[tilespmem:v5+s14+$0x0] =	vst.idx.msk $0xffff, v4  }
0x254: {  	v59 =	vld [tilespmem:$0x1F810]  }
0x255: {  	v49 =	vld [tilespmem:$0x1FDB0];
	[tilespmem:v7+s14+$0x0] =	vst.idx.msk $0xffff, v6  }
0x256: {  	v8 =	vor.u32 v48, v0;
	v15 =	vld [tilespmem:$0x1F830]  }
0x257: {  	v16 =	vld [tilespmem:$0x1F840]  }
0x258: {  	v9 =	vor.u32 v52, v3;
	v17 =	vld [tilespmem:$0x1F850]  }
0x259: {  	v18 =	vld [tilespmem:$0x1F860];
	_ =	sdelay $0x1  }
0x25a: {  	v4 =	vld.idx.msk [tilespmem:v8+s11+$0x0], $0xffff;
	v5 =	vor.u32 v59, v1  }
0x25b: {  	v8 =	vor.u32 v49, v0  }
0x25c: {  	v10 =	vor.u32 v20, v2;
	v7 =	vld.idx.msk [tilespmem:v9+s11+$0x0], $0xffff  }
0x25d: {  	v6 =	vsel vm0, v16, v15;
	v9 =	vsel vm0, v18, v17  }
0x25e: {  	v53 =	vmov v63;
	v63 =	vcombine.low v9, v6  }
0x25f: {  	[tilespmem:v5+s14+$0x0] =	vst.idx.msk $0xffff, v4  }
0x260: {  	v4 =	vld.idx.msk [tilespmem:v8+s11+$0x0], $0xffff;
	[tilespmem:$0x1F480] =	vst v63  }
0x261: {  	v60 =	vld [tilespmem:$0x1F820];
	[tilespmem:v10+s14+$0x0] =	vst.idx.msk $0xffff, v7  }
0x262: {  	v11 =	vor.u32 v19, v3;
	v19 =	vld [tilespmem:$0x1F880]  }
0x263: {  	v20 =	vld [tilespmem:$0x1F890]  }
0x264: {  	v21 =	vld [tilespmem:$0x1F8A0]  }
0x265: {  	v22 =	vld [tilespmem:$0x1F8B0];
	_ =	sdelay $0x1  }
0x266: {  	v5 =	vor.u32 v60, v1;
	_ =	sdelay $0x1  }
0x267: {  	v57 =	vmov v12;
	v12 =	vor.u32 v26, v2;
	v8 =	vor.u32 v63, v0;
	v10 =	vld.idx.msk [tilespmem:v11+s11+$0x0], $0xffff  }
0x268: {  	v7 =	vsel vm0, v20, v19;
	v11 =	vsel vm0, v22, v21  }
0x269: {  	v37 =	vmov v13;
	v13 =	vor.u32 v23, v3;
	v23 =	vcombine.low v11, v7  }
0x26a: {  	[tilespmem:v5+s14+$0x0] =	vst.idx.msk $0xffff, v4  }
0x26b: {  	[tilespmem:$0x1F4D0] =	vst v23;
	v5 =	vld [tilespmem:$0x1F870]  }
0x26c: {  	v4 =	vld.idx.msk [tilespmem:v8+s11+$0x0], $0xffff;
	[tilespmem:v12+s14+$0x0] =	vst.idx.msk $0xffff, v10  }
0x26d: {  	v8 =	vor.u32 v23, v0;
	v23 =	vld [tilespmem:$0x1F8E0]  }
0x26e: {  	v29 =	vmov v24;
	v24 =	vld [tilespmem:$0x1F8F0]  }
0x26f: {  	v30 =	vmov v25;
	v25 =	vld [tilespmem:$0x1F900]  }
0x270: {  	v26 =	vld [tilespmem:$0x1F930];
	_ =	sdelay $0x1  }
0x271: {  	v5 =	vor.u32 v5, v1;
	_ =	sdelay $0x1  }
0x272: {  	v14 =	vmov v62;
	v12 =	vor.u32 v42, v2;
	v10 =	vld.idx.msk [tilespmem:v13+s11+$0x0], $0xffff  }
0x273: {  	v62 =	vmovc v28;
	v13 =	vor.u32 v33, v3;
	v27 =	vsel vm0, v24, v23;
	v28 =	vsel vm0, v26, v25  }
0x274: {  	v32 =	vcombine.low v28, v27  }
0x275: {  	[tilespmem:v5+s14+$0x0] =	vst.idx.msk $0xffff, v4  }
0x276: {  	v4 =	vld.idx.msk [tilespmem:v8+s11+$0x0], $0xffff;
	[tilespmem:$0x1F520] =	vst v32  }
0x277: {  	v5 =	vld [tilespmem:$0x1F8C0];
	[tilespmem:v12+s14+$0x0] =	vst.idx.msk $0xffff, v10  }
0x278: {  	v10 =	vld.idx.msk [tilespmem:v13+s11+$0x0], $0xffff  }
0x279: {  	v12 =	vld [tilespmem:$0x1FD50]  }
0x27a: {  	v13 =	vld [tilespmem:$0x1FD60];
	_ =	sdelay $0x3  }
0x27b: {  	v33 =	vmov v14;
	v14 =	vld [tilespmem:$0x1FD70];
	v5 =	vor.u32 v5, v1  }
0x27c: {  	v42 =	vsel vm0, v13, v12;
	v13 =	vld [tilespmem:$0x1FD40];
	_ =	sdelay $0x3  }
0x27d: {  	v8 =	vor.u32 v32, v0;
	[tilespmem:v5+s14+$0x0] =	vst.idx.msk $0xffff, v4  }
0x27e: {  	v12 =	vor.u32 v44, v2;
	v44 =	vsel vm0, v13, v14;
	v13 =	vor.u32 v43, v3;
	v43 =	vld [tilespmem:$0x1F940];
	_ =	sdelay $0x1  }
0x27f: {  	v14 =	vcombine.low v44, v42;
	_ =	sdelay $0x1  }
0x280: {  	[tilespmem:$0x1F540] =	vst v14  }
0x281: {  	v4 =	vld.idx.msk [tilespmem:v8+s11+$0x0], $0xffff;
	v5 =	vor.u32 v43, v1;
	_ =	sdelay $0x1  }
0x282: {  	v8 =	vor.u32 v14, v0  }
0x283: {  	v16 =	vsel vm0, v17, v16;
	v17 =	vsel vm0, v15, v18  }
0x284: {  	[tilespmem:v12+s14+$0x0] =	vst.idx.msk $0xffff, v10;
	v14 =	vcombine.low v17, v16  }
0x285: {  	v12 =	vor.u32 v50, v2;
	v10 =	vld.idx.msk [tilespmem:v13+s11+$0x0], $0xffff;
	[tilespmem:v5+s14+$0x0] =	vst.idx.msk $0xffff, v4  }
0x286: {  	v13 =	vor.u32 v45, v3;
	[tilespmem:$0x1F560] =	vst v14  }
0x287: {  	v5 =	vor.u32 v61, v1;
	v4 =	vld.idx.msk [tilespmem:v8+s11+$0x0], $0xffff;
	_ =	sdelay $0x1  }
0x288: {  	v8 =	vor.u32 v14, v0  }
0x289: {  	v20 =	vsel vm0, v21, v20;
	v21 =	vsel vm0, v19, v22;
	[tilespmem:v12+s14+$0x0] =	vst.idx.msk $0xffff, v10  }
0x28a: {  	v12 =	vor.u32 v36, v2;
	v14 =	vcombine.low v21, v20;
	v10 =	vld.idx.msk [tilespmem:v13+s11+$0x0], $0xffff  }
0x28b: {  	v13 =	vor.u32 v41, v3;
	[tilespmem:v5+s14+$0x0] =	vst.idx.msk $0xffff, v4  }
0x28c: {  	[tilespmem:$0x1F580] =	vst v14  }
0x28d: {  	v5 =	vor.u32 v58, v1;
	v4 =	vld.idx.msk [tilespmem:v8+s11+$0x0], $0xffff;
	_ =	sdelay $0x1  }
0x28e: {  	v8 =	vor.u32 v14, v0;
	[tilespmem:v12+s14+$0x0] =	vst.idx.msk $0xffff, v10  }
0x28f: {  	v12 =	vsel vm0, v25, v24;
	v10 =	vld.idx.msk [tilespmem:v13+s11+$0x0], $0xffff;
	v13 =	vsel vm0, v23, v26  }
0x290: {  	v12 =	vcombine.low v13, v12  }
0x291: {  	[tilespmem:v5+s14+$0x0] =	vst.idx.msk $0xffff, v4  }
0x292: {  	v14 =	vor.u32 v34, v2;
	[tilespmem:$0x1F5A0] =	vst v12  }
0x293: {  	v5 =	vor.u32 v31, v1;
	v4 =	vld.idx.msk [tilespmem:v8+s11+$0x0], $0xffff;
	_ =	sdelay $0x3  }
0x294: {  	[tilespmem:v14+s14+$0x0] =	vst.idx.msk $0xffff, v10  }
0x295: {  	[tilespmem:v5+s14+$0x0] =	vst.idx.msk $0xffff, v4  }
0x296: {  	v4 =	vld [tilespmem:$0x1FD90]  }
0x297: {  	v5 =	vld [tilespmem:$0x1FDA0];
	_ =	sdelay $0x1  }
0x298: {  	v15 =	vor.u32 v38, v3  }
0x299: {  	v8 =	vor.u32 v12, v0;
	_ =	sdelay $0x1  }
0x29a: {  	v14 =	vcombine.low v4, v5;
	_ =	sdelay $0x1  }
0x29b: {  	v12 =	vor.u32 v56, v2;
	v10 =	vld.idx.msk [tilespmem:v15+s11+$0x0], $0xffff;
	[tilespmem:$0x1F5F0] =	vst v14  }
0x29c: {  	v5 =	vor.u32 v54, v1;
	v4 =	vld.idx.msk [tilespmem:v8+s11+$0x0], $0xffff  }
0x29d: {  	v13 =	vor.u32 v30, v3  }
0x29e: {  	v8 =	vor.u32 v14, v0;
	_ =	sdelay $0x1  }
0x29f: {  	v6 =	vcombine.low v6, v9;
	[tilespmem:v12+s14+$0x0] =	vst.idx.msk $0xffff, v10  }
0x2a0: {  	v18 =	vld [tilespmem:$0x1FB00];
	[tilespmem:v5+s14+$0x0] =	vst.idx.msk $0xffff, v4  }
0x2a1: {  	v12 =	vor.u32 v62, v2;
	v10 =	vld.idx.msk [tilespmem:v13+s11+$0x0], $0xffff;
	[tilespmem:$0x1F640] =	vst v6  }
0x2a2: {  	v5 =	vor.u32 v55, v1;
	v4 =	vld.idx.msk [tilespmem:v8+s11+$0x0], $0xffff;
	_ =	sdelay $0x3  }
0x2a3: {  	[tilespmem:v12+s14+$0x0] =	vst.idx.msk $0xffff, v10  }
0x2a4: {  	v13 =	vor.u32 v18, v3;
	[tilespmem:v5+s14+$0x0] =	vst.idx.msk $0xffff, v4  }
0x2a5: {  	v6 =	vor.u32 v6, v0;
	v30 =	vld [tilespmem:$0x1F970];
	_ =	sdelay $0x3  }
0x2a6: {  	v9 =	vor.u32 v39, v2;
	v8 =	vld.idx.msk [tilespmem:v13+s11+$0x0], $0xffff  }
0x2a7: {  	v4 =	vld.idx.msk [tilespmem:v6+s11+$0x0], $0xffff;
	v5 =	vor.u32 v30, v1;
	_ =	sdelay $0x3  }
0x2a8: {  	v34 =	vcombine.low v7, v11;
	v10 =	vor.u32 v29, v3;
	[tilespmem:v9+s14+$0x0] =	vst.idx.msk $0xffff, v8  }
0x2a9: {  	[tilespmem:v5+s14+$0x0] =	vst.idx.msk $0xffff, v4  }
0x2aa: {  	v7 =	vor.u32 v34, v0;
	v14 =	vmov v35;
	v35 =	vld [tilespmem:$0x1FFD0];
	_ =	sdelay $0x2  }
0x2ab: {  	v9 =	vld.idx.msk [tilespmem:v10+s11+$0x0], $0xffff;
	[tilespmem:$0x1F2F0] =	vst v27  }
0x2ac: {  	v10 =	vor.u32 v53, v2;
	[tilespmem:$0x1F300] =	vst v28  }
0x2ad: {  	s29 =	simm.s32 $0x20;
	v12 =	vlaneseq.u32;
	v5 =	vld.idx.msk [tilespmem:v7+s11+$0x0], $0xffff;
	v7 =	vor.u32 v35, v1  }
0x2ae: {  	v11 =	vor.u32 s29, v12  }
0x2af: {  	v6 =	vshll.u32 v11, $0x6  }
0x2b0: {  	v8 =	vor.u32 v12, v6  }
0x2b1: {  	v38 =	vcombine.low v27, v28;
	v12 =	vor.u32 v40, v3;
	[tilespmem:v10+s14+$0x0] =	vst.idx.msk $0xffff, v9  }
0x2b2: {  	v54 =	vld [tilespmem:$0x1FFE0];
	[tilespmem:v7+s14+$0x0] =	vst.idx.msk $0xffff, v5  }
0x2b3: {  	v13 =	vor.u32 v38, v0;
	v7 =	vld [tilespmem:$0x1F990];
	_ =	sdelay $0x1  }
0x2b4: {  	v4 =	vand.u32 $0x78, v11;
	v8 =	vld.idx.msk [tilespmem:v8+s11+$0x0], $0xffff  }
0x2b5: {  	v11 =	vor.u32 v46, v4;
	v10 =	vld.idx.msk [tilespmem:v12+s11+$0x0], $0xffff;
	[tilespmem:$0x1F310] =	vst v42  }
0x2b6: {  	v12 =	vor.u32 v54, v2;
	[tilespmem:$0x1F320] =	vst v44  }
0x2b7: {  	v5 =	vld.idx.msk [tilespmem:v13+s11+$0x0], $0xffff;
	v7 =	vor.u32 v7, v1;
	_ =	sdelay $0x2  }
0x2b8: {  	v9 =	vor.u32 v51, v6;
	[tilespmem:v11+s14+$0x0] =	vst.idx.msk $0xffff, v8  }
0x2b9: {  	v14 =	vor.u32 v14, v3;
	v53 =	vcombine.low v42, v44;
	[tilespmem:v12+s14+$0x0] =	vst.idx.msk $0xffff, v10  }
0x2ba: {  	[tilespmem:v7+s14+$0x0] =	vst.idx.msk $0xffff, v5  }
0x2bb: {  	v61 =	vmov v55;
	v13 =	vor.u32 v53, v0;
	v55 =	vld [tilespmem:$0x1F9A0];
	_ =	sdelay $0x1  }
0x2bc: {  	v8 =	vld.idx.msk [tilespmem:v9+s11+$0x0], $0xffff;
	v9 =	vor.u32 v33, v4  }
0x2bd: {  	v10 =	vor.u32 v37, v6;
	v11 =	vld.idx.msk [tilespmem:v14+s11+$0x0], $0xffff;
	[tilespmem:$0x1F330] =	vst v16  }
0x2be: {  	v12 =	vor.u32 v47, v2;
	[tilespmem:$0x1F340] =	vst v17  }
0x2bf: {  	v5 =	vld.idx.msk [tilespmem:v13+s11+$0x0], $0xffff;
	v7 =	vor.u32 v55, v1  }
0x2c0: {  	v14 =	vor.u32 v48, v3  }
0x2c1: {  	[tilespmem:v9+s14+$0x0] =	vst.idx.msk $0xffff, v8  }
0x2c2: {  	v9 =	vor.u32 v57, v4;
	v8 =	vld.idx.msk [tilespmem:v10+s11+$0x0], $0xffff  }
0x2c3: {  	v39 =	vcombine.low v16, v17;
	[tilespmem:v12+s14+$0x0] =	vst.idx.msk $0xffff, v11  }
0x2c4: {  	[tilespmem:v7+s14+$0x0] =	vst.idx.msk $0xffff, v5  }
0x2c5: {  	v13 =	vor.u32 v39, v0;
	v11 =	vld.idx.msk [tilespmem:v14+s11+$0x0], $0xffff;
	[tilespmem:$0x1F350] =	vst v20  }
0x2c6: {  	v12 =	vor.u32 v59, v2;
	v10 =	vor.u32 v52, v6;
	[tilespmem:$0x1F360] =	vst v21;
	v50 =	vld [tilespmem:$0x1F9B0]  }
0x2c7: {  	[tilespmem:v9+s14+$0x0] =	vst.idx.msk $0xffff, v8  }
0x2c8: {  	v9 =	vld [tilespmem:$0x1F760];
	_ =	sdelay $0x1  }
0x2c9: {  	v56 =	vcombine.low v20, v21;
	v5 =	vld.idx.msk [tilespmem:v13+s11+$0x0], $0xffff  }
0x2ca: {  	v14 =	vor.u32 v49, v3;
	v8 =	vld.idx.msk [tilespmem:v10+s11+$0x0], $0xffff;
	[tilespmem:v12+s14+$0x0] =	vst.idx.msk $0xffff, v11;
	v7 =	vor.u32 v50, v1  }
0x2cb: {  	v13 =	vor.u32 v56, v0;
	v10 =	vld [tilespmem:$0x1F770]  }
0x2cc: {  	v9 =	vor.u32 v9, v4;
	_ =	sdelay $0x2  }
0x2cd: {  	v11 =	vld.idx.msk [tilespmem:v14+s11+$0x0], $0xffff;
	[tilespmem:v7+s14+$0x0] =	vst.idx.msk $0xffff, v5  }
0x2ce: {  	v12 =	vor.u32 v60, v2;
	v10 =	vor.u32 v10, v6;
	v5 =	vld.idx.msk [tilespmem:v13+s11+$0x0], $0xffff  }
0x2cf: {  	v7 =	vld [tilespmem:$0x1F9C0];
	[tilespmem:v9+s14+$0x0] =	vst.idx.msk $0xffff, v8  }
0x2d0: {  	v17 =	vld [tilespmem:$0x1FB40]  }
0x2d1: {  	v9 =	vld [tilespmem:$0x1F780]  }
0x2d2: {  	v14 =	vor.u32 v63, v3;
	v20 =	vld [tilespmem:$0x1FB50]  }
0x2d3: {  	v8 =	vld.idx.msk [tilespmem:v10+s11+$0x0], $0xffff;
	[tilespmem:v12+s14+$0x0] =	vst.idx.msk $0xffff, v11  }
0x2d4: {  	v15 =	vlaneseq.u32;
	v12 =	vld [tilespmem:$0x1F870];
	v7 =	vor.u32 v7, v1  }
0x2d5: {  	v57 =	vor.u32 $0x20, v15;
	v21 =	vld [tilespmem:$0x1FB60]  }
0x2d6: {  	v13 =	vor.u32 v57, v0;
	v10 =	vld [tilespmem:$0x1F790];
	v9 =	vor.u32 v9, v4  }
0x2d7: {  	v11 =	vld.idx.msk [tilespmem:v14+s11+$0x0], $0xffff  }
0x2d8: {  	v14 =	vld [tilespmem:$0x1F4D0]  }
0x2d9: {  	v22 =	vld [tilespmem:$0x1FB70];
	v12 =	vor.u32 v12, v2;
	[tilespmem:v7+s14+$0x0] =	vst.idx.msk $0xffff, v5  }
0x2da: {  	v37 =	vld [tilespmem:$0x1FEF0]  }
0x2db: {  	v10 =	vor.u32 v10, v6;
	v7 =	vld.idx.msk [tilespmem:v13+s11+$0x0], $0xffff;
	[tilespmem:v9+s14+$0x0] =	vst.idx.msk $0xffff, v8  }
0x2dc: {  	v9 =	vld [tilespmem:$0x1F7A0]  }
0x2dd: {  	v14 =	vor.u32 v14, v3;
	v40 =	vld [tilespmem:$0x1FB80]  }
0x2de: {  	v23 =	vld [tilespmem:$0x1FB90];
	[tilespmem:v12+s14+$0x0] =	vst.idx.msk $0xffff, v11  }
0x2df: {  	v5 =	vld [tilespmem:$0x1F8C0];
	v13 =	vor.u32 v37, v1  }
0x2e0: {  	v8 =	vld.idx.msk [tilespmem:v10+s11+$0x0], $0xffff  }
0x2e1: {  	v10 =	vld [tilespmem:$0x1F7B0];
	v9 =	vor.u32 v9, v4  }
0x2e2: {  	v11 =	vld.idx.msk [tilespmem:v14+s11+$0x0], $0xffff  }
0x2e3: {  	v24 =	vld [tilespmem:$0x1FBA0]  }
0x2e4: {  	v25 =	vld [tilespmem:$0x1FBB0];
	v12 =	vor.u32 v5, v2;
	[tilespmem:v13+s14+$0x0] =	vst.idx.msk $0xffff, v7  }
0x2e5: {  	v33 =	vsel vm0, v20, v17;
	v31 =	vsel vm0, v22, v21;
	v52 =	vld [tilespmem:$0x1F9E0]  }
0x2e6: {  	v62 =	vcombine.low v31, v33;
	v45 =	vld [tilespmem:$0x1F9D0];
	[tilespmem:v9+s14+$0x0] =	vst.idx.msk $0xffff, v8  }
0x2e7: {  	v42 =	vld [tilespmem:$0x1FBC0]  }
0x2e8: {  	v15 =	vor.u32 v62, v0;
	v27 =	vld [tilespmem:$0x1FBD0]  }
0x2e9: {  	v10 =	vor.u32 v10, v6;
	v9 =	vld [tilespmem:$0x1F7C0];
	[tilespmem:v12+s14+$0x0] =	vst.idx.msk $0xffff, v11  }
0x2ea: {  	v44 =	vld [tilespmem:$0x1FBE0]  }
0x2eb: {  	v47 =	vld [tilespmem:$0x1FBF0]  }
0x2ec: {  	v14 =	vor.u32 v32, v3  }
0x2ed: {  	v7 =	vld.idx.msk [tilespmem:v15+s11+$0x0], $0xffff;
	v13 =	vor.u32 v45, v1  }
0x2ee: {  	v8 =	vld.idx.msk [tilespmem:v10+s11+$0x0], $0xffff  }
0x2ef: {  	v10 =	vld [tilespmem:$0x1F7D0];
	v9 =	vor.u32 v9, v4  }
0x2f0: {  	v29 =	vsel vm0, v27, v42;
	v26 =	vsel vm0, v47, v44  }
0x2f1: {  	v11 =	vld.idx.msk [tilespmem:v14+s11+$0x0], $0xffff;
	v5 =	vcombine.low v26, v29  }
0x2f2: {  	v14 =	vld [tilespmem:$0x1F540];
	[tilespmem:v13+s14+$0x0] =	vst.idx.msk $0xffff, v7  }
0x2f3: {  	[tilespmem:$0x1F550] =	vst v5  }
0x2f4: {  	v12 =	vor.u32 v43, v2;
	v10 =	vor.u32 v10, v6;
	[tilespmem:v9+s14+$0x0] =	vst.idx.msk $0xffff, v8  }
0x2f5: {  	v9 =	vld [tilespmem:$0x1F7E0]  }
0x2f6: {  	v48 =	vld [tilespmem:$0x1FC00]  }
0x2f7: {  	v32 =	vld [tilespmem:$0x1F9F0]  }
0x2f8: {  	v28 =	vsel vm0, v23, v40;
	v19 =	vsel vm0, v25, v24;
	v49 =	vld [tilespmem:$0x1FC10]  }
0x2f9: {  	v59 =	vcombine.low v19, v28;
	v8 =	vld.idx.msk [tilespmem:v10+s11+$0x0], $0xffff;
	[tilespmem:v12+s14+$0x0] =	vst.idx.msk $0xffff, v11  }
0x2fa: {  	v10 =	vor.u32 v9, v4;
	v9 =	vld [tilespmem:$0x1F7F0]  }
0x2fb: {  	v15 =	vor.u32 v59, v0;
	_ =	sdelay $0x2  }
0x2fc: {  	v14 =	vor.u32 v14, v3  }
0x2fd: {  	v11 =	vor.u32 v9, v6;
	v9 =	vld [tilespmem:$0x1FED0]  }
0x2fe: {  	v7 =	vld.idx.msk [tilespmem:v15+s11+$0x0], $0xffff  }
0x2ff: {  	v60 =	vld [tilespmem:$0x1FC20]  }
0x300: {  	v15 =	vor.u32 v5, v0;
	v5 =	vmov v61;
	v61 =	vld [tilespmem:$0x1FC30]  }
0x301: {  	v13 =	vor.u32 v52, v1;
	v12 =	vld.idx.msk [tilespmem:v14+s11+$0x0], $0xffff  }
0x302: {  	v14 =	vor.u32 v9, v2;
	v9 =	vld [tilespmem:$0x1F560];
	_ =	sdelay $0x2  }
0x303: {  	v63 =	vmov v35  }
0x304: {  	v35 =	vmov v54;
	v43 =	vsel vm0, v49, v48;
	v54 =	vsel vm0, v61, v60;
	[tilespmem:v13+s14+$0x0] =	vst.idx.msk $0xffff, v7  }
0x305: {  	[tilespmem:$0x1F700] =	vst v54;
	v16 =	vor.u32 v9, v3;
	v9 =	vcombine.low v54, v43  }
0x306: {  	[tilespmem:$0x1F6F0] =	vst v43  }
0x307: {  	[tilespmem:$0x1F570] =	vst v9  }
0x308: {  	[tilespmem:v10+s14+$0x0] =	vst.idx.msk $0xffff, v8  }
0x309: {  	v7 =	vld.idx.msk [tilespmem:v15+s11+$0x0], $0xffff;
	[tilespmem:v14+s14+$0x0] =	vst.idx.msk $0xffff, v12  }
0x30a: {  	v13 =	vor.u32 v32, v1;
	v14 =	vld [tilespmem:$0x1FDC0]  }
0x30b: {  	v12 =	vld.idx.msk [tilespmem:v16+s11+$0x0], $0xffff  }
0x30c: {  	v16 =	vld [tilespmem:$0x1F580]  }
0x30d: {  	v15 =	vor.u32 v9, v0;
	v10 =	vor.u32 v36, v4;
	v8 =	vld.idx.msk [tilespmem:v11+s11+$0x0], $0xffff  }
0x30e: {  	v9 =	vsel vm0, v21, v20;
	v21 =	vsel vm0, v17, v22;
	v11 =	vor.u32 v41, v6  }
0x30f: {  	v17 =	vcombine.low v21, v9;
	[tilespmem:v13+s14+$0x0] =	vst.idx.msk $0xffff, v7  }
0x310: {  	v14 =	vor.u32 v14, v2;
	v13 =	vld [tilespmem:$0x1FA00]  }
0x311: {  	[tilespmem:$0x1F590] =	vst v17;
	v16 =	vor.u32 v16, v3  }
0x312: {  	v7 =	vld.idx.msk [tilespmem:v15+s11+$0x0], $0xffff;
	[tilespmem:v10+s14+$0x0] =	vst.idx.msk $0xffff, v8  }
0x313: {  	v8 =	vld.idx.msk [tilespmem:v11+s11+$0x0], $0xffff  }
0x314: {  	v58 =	vld [tilespmem:$0x1F950]  }
0x315: {  	v11 =	vld [tilespmem:$0x1F960];
	v13 =	vor.u32 v13, v1;
	[tilespmem:v14+s14+$0x0] =	vst.idx.msk $0xffff, v12  }
0x316: {  	v12 =	vld.idx.msk [tilespmem:v16+s11+$0x0], $0xffff  }
0x317: {  	v14 =	vld [tilespmem:$0x1FDD0]  }
0x318: {  	v16 =	vld [tilespmem:$0x1F5A0]  }
0x319: {  	v15 =	vor.u32 v17, v0;
	v10 =	vor.u32 v58, v4  }
0x31a: {  	v22 =	vsel vm0, v24, v23;
	v20 =	vsel vm0, v40, v25;
	[tilespmem:v13+s14+$0x0] =	vst.idx.msk $0xffff, v7  }
0x31b: {  	v17 =	vcombine.low v20, v22;
	v11 =	vor.u32 v11, v6;
	v13 =	vld [tilespmem:$0x1FA10]  }
0x31c: {  	v14 =	vor.u32 v14, v2  }
0x31d: {  	v16 =	vor.u32 v16, v3;
	[tilespmem:$0x1F5B0] =	vst v17  }
0x31e: {  	v7 =	vld.idx.msk [tilespmem:v15+s11+$0x0], $0xffff;
	[tilespmem:v10+s14+$0x0] =	vst.idx.msk $0xffff, v8  }
0x31f: {  	v10 =	vld [tilespmem:$0x1FE90]  }
0x320: {  	v8 =	vld.idx.msk [tilespmem:v11+s11+$0x0], $0xffff;
	v13 =	vor.u32 v13, v1  }
0x321: {  	v11 =	vld [tilespmem:$0x1FEA0];
	[tilespmem:v14+s14+$0x0] =	vst.idx.msk $0xffff, v12  }
0x322: {  	v12 =	vld.idx.msk [tilespmem:v16+s11+$0x0], $0xffff  }
0x323: {  	v14 =	vld [tilespmem:$0x1FDE0]  }
0x324: {  	v16 =	vld [tilespmem:$0x1F5F0];
	v10 =	vor.u32 v10, v4  }
0x325: {  	v47 =	vsel vm0, v42, v47;
	v24 =	vsel vm0, v44, v27;
	v40 =	vld [tilespmem:$0x1FDF0];
	[tilespmem:v13+s14+$0x0] =	vst.idx.msk $0xffff, v7  }
0x326: {  	v15 =	vor.u32 v17, v0;
	v17 =	vcombine.low v47, v24;
	v13 =	vld [tilespmem:$0x1FA20];
	_ =	sdelay $0x1  }
0x327: {  	v11 =	vor.u32 v11, v6;
	v14 =	vor.u32 v14, v2;
	[tilespmem:$0x1F600] =	vst v17  }
0x328: {  	v16 =	vor.u32 v16, v3;
	[tilespmem:v10+s14+$0x0] =	vst.idx.msk $0xffff, v8  }
0x329: {  	v10 =	vld [tilespmem:$0x1FEB0]  }
0x32a: {  	v7 =	vld.idx.msk [tilespmem:v15+s11+$0x0], $0xffff;
	v13 =	vor.u32 v13, v1;
	_ =	sdelay $0x1  }
0x32b: {  	v8 =	vld.idx.msk [tilespmem:v11+s11+$0x0], $0xffff;
	[tilespmem:v14+s14+$0x0] =	vst.idx.msk $0xffff, v12  }
0x32c: {  	v12 =	vld.idx.msk [tilespmem:v16+s11+$0x0], $0xffff  }
0x32d: {  	v15 =	vor.u32 v17, v0;
	v23 =	vld [tilespmem:$0x1F640];
	v10 =	vor.u32 v10, v4  }
0x32e: {  	v17 =	vsel vm0, v48, v61;
	v16 =	vsel vm0, v60, v49;
	v60 =	vld [tilespmem:$0x1F9C0];
	[tilespmem:v13+s14+$0x0] =	vst.idx.msk $0xffff, v7  }
0x32f: {  	v16 =	vcombine.low v17, v16;
	v13 =	vld [tilespmem:$0x1FA30];
	_ =	sdelay $0x1  }
0x330: {  	v11 =	vor.u32 v18, v6;
	v14 =	vor.u32 v5, v2;
	[tilespmem:$0x1F6B0] =	vst v16  }
0x331: {  	v5 =	vmov v30;
	v30 =	vor.u32 v23, v3;
	[tilespmem:v10+s14+$0x0] =	vst.idx.msk $0xffff, v8  }
0x332: {  	v8 =	vld [tilespmem:$0x1FEC0]  }
0x333: {  	v7 =	vld.idx.msk [tilespmem:v15+s11+$0x0], $0xffff;
	v13 =	vor.u32 v13, v1;
	_ =	sdelay $0x1  }
0x334: {  	v10 =	vld.idx.msk [tilespmem:v11+s11+$0x0], $0xffff;
	[tilespmem:v14+s14+$0x0] =	vst.idx.msk $0xffff, v12  }
0x335: {  	v14 =	vld.idx.msk [tilespmem:v30+s11+$0x0], $0xffff  }
0x336: {  	v15 =	vor.u32 v16, v0;
	[tilespmem:$0x1F370] =	vst v34;
	v11 =	vor.u32 v8, v4;
	v8 =	vld [tilespmem:$0x1FA70]  }
0x337: {  	[tilespmem:v13+s14+$0x0] =	vst.idx.msk $0xffff, v7  }
0x338: {  	v7 =	vld [tilespmem:$0x1FA40]  }
0x339: {  	v18 =	vcombine.low v33, v31;
	[tilespmem:$0x1F380] =	vst v33  }
0x33a: {  	[tilespmem:$0x1F390] =	vst v31  }
0x33b: {  	v17 =	vor.u32 v5, v2;
	v12 =	vor.u32 v8, v6;
	v15 =	vld.idx.msk [tilespmem:v15+s11+$0x0], $0xffff;
	[tilespmem:$0x1F3A0] =	vst v18  }
0x33c: {  	s30 =	simm.s32 $0x30;
	v23 =	vlaneseq.u32;
	v30 =	vor.u32 v34, v3;
	[tilespmem:v11+s14+$0x0] =	vst.idx.msk $0xffff, v10  }
0x33d: {  	v16 =	vor.u32 s30, v23;
	v31 =	vor.u32 v7, v1;
	v7 =	vld [tilespmem:$0x1F910]  }
0x33e: {  	v8 =	vshll.u32 v16, $0x6  }
0x33f: {  	v13 =	vor.u32 v23, v8  }
0x340: {  	v33 =	vor.u32 v18, v0;
	[tilespmem:v17+s14+$0x0] =	vst.idx.msk $0xffff, v14;
	v10 =	vld.idx.msk [tilespmem:v12+s11+$0x0], $0xffff  }
0x341: {  	v12 =	vld.idx.msk [tilespmem:v30+s11+$0x0], $0xffff  }
0x342: {  	v11 =	vor.u32 v7, v4;
	v7 =	vand.u32 $0x78, v16;
	v16 =	vld [tilespmem:$0x1F920];
	[tilespmem:v31+s14+$0x0] =	vst.idx.msk $0xffff, v15  }
0x343: {  	v23 =	vld [tilespmem:$0x1FA50]  }
0x344: {  	v14 =	vor.u32 v63, v2;
	v13 =	vld.idx.msk [tilespmem:v13+s11+$0x0], $0xffff;
	[tilespmem:$0x1F3B0] =	vst v38  }
0x345: {  	v17 =	vor.u32 v46, v7;
	v30 =	vld.idx.msk [tilespmem:v33+s11+$0x0], $0xffff;
	[tilespmem:$0x1F3C0] =	vst v28  }
0x346: {  	v18 =	vcombine.low v28, v19;
	[tilespmem:$0x1F3D0] =	vst v19  }
0x347: {  	v15 =	vor.u32 v38, v3;
	[tilespmem:v11+s14+$0x0] =	vst.idx.msk $0xffff, v10  }
0x348: {  	v31 =	vor.u32 v23, v1;
	[tilespmem:$0x1F3E0] =	vst v18  }
0x349: {  	[tilespmem:v14+s14+$0x0] =	vst.idx.msk $0xffff, v12  }
0x34a: {  	[tilespmem:v17+s14+$0x0] =	vst.idx.msk $0xffff, v13  }
0x34b: {  	v16 =	vor.u32 v16, v6;
	v13 =	vld [tilespmem:$0x1FFF0]  }
0x34c: {  	v61 =	vor.u32 v51, v8;
	v14 =	vld.idx.msk [tilespmem:v15+s11+$0x0], $0xffff  }
0x34d: {  	v5 =	vld [tilespmem:$0x1F990];
	[tilespmem:v31+s14+$0x0] =	vst.idx.msk $0xffff, v30  }
0x34e: {  	v17 =	vld [tilespmem:$0x1FE70]  }
0x34f: {  	v10 =	vor.u32 v18, v0;
	v23 =	vld [tilespmem:$0x1FA60]  }
0x350: {  	v11 =	vld.idx.msk [tilespmem:v16+s11+$0x0], $0xffff  }
0x351: {  	v12 =	vor.u32 v35, v4;
	v16 =	vld.idx.msk [tilespmem:v61+s11+$0x0], $0xffff;
	[tilespmem:$0x1F3F0] =	vst v53  }
0x352: {  	[tilespmem:$0x1F400] =	vst v29;
	v15 =	vor.u32 v5, v2  }
0x353: {  	v18 =	vcombine.low v29, v26;
	[tilespmem:$0x1F410] =	vst v26;
	v19 =	vld [tilespmem:$0x1FE80];
	v17 =	vor.u32 v17, v7  }
0x354: {  	v10 =	vld.idx.msk [tilespmem:v10+s11+$0x0], $0xffff;
	v63 =	vor.u32 v23, v1  }
0x355: {  	[tilespmem:$0x1F420] =	vst v18  }
0x356: {  	[tilespmem:v12+s14+$0x0] =	vst.idx.msk $0xffff, v11  }
0x357: {  	v13 =	vor.u32 v13, v6;
	[tilespmem:v15+s14+$0x0] =	vst.idx.msk $0xffff, v14  }
0x358: {  	v30 =	vor.u32 v53, v3;
	v5 =	vld [tilespmem:$0x1F800];
	[tilespmem:v17+s14+$0x0] =	vst.idx.msk $0xffff, v16  }
0x359: {  	v31 =	vor.u32 v19, v8;
	[tilespmem:v63+s14+$0x0] =	vst.idx.msk $0xffff, v10  }
0x35a: {  	v16 =	vld [tilespmem:$0x1FAF0];
	_ =	sdelay $0x1  }
0x35b: {  	v38 =	vor.u32 v18, v0;
	v11 =	vld.idx.msk [tilespmem:v13+s11+$0x0], $0xffff  }
0x35c: {  	v14 =	vor.u32 v55, v2;
	v13 =	vld.idx.msk [tilespmem:v30+s11+$0x0], $0xffff  }
0x35d: {  	v15 =	vld.idx.msk [tilespmem:v31+s11+$0x0], $0xffff;
	v12 =	vor.u32 v5, v4  }
0x35e: {  	v23 =	vld [tilespmem:$0x1FA80];
	v16 =	vor.u32 v16, v7  }
0x35f: {  	v5 =	vld [tilespmem:$0x1FD80]  }
0x360: {  	v17 =	vld.idx.msk [tilespmem:v38+s11+$0x0], $0xffff;
	[tilespmem:$0x1F430] =	vst v39  }
0x361: {  	v18 =	vld [tilespmem:$0x1F750];
	[tilespmem:v14+s14+$0x0] =	vst.idx.msk $0xffff, v13  }
0x362: {  	[tilespmem:v12+s14+$0x0] =	vst.idx.msk $0xffff, v11  }
0x363: {  	v30 =	vor.u32 v39, v3;
	[tilespmem:v16+s14+$0x0] =	vst.idx.msk $0xffff, v15  }
0x364: {  	v39 =	vor.u32 v23, v1;
	v10 =	vor.u32 v5, v6;
	v5 =	vld [tilespmem:$0x1F810];
	_ =	sdelay $0x3  }
0x365: {  	v14 =	vld.idx.msk [tilespmem:v30+s11+$0x0], $0xffff;
	v42 =	vor.u32 v18, v8  }
0x366: {  	v31 =	vcombine.low v43, v54;
	v12 =	vor.u32 v5, v4;
	v5 =	vld [tilespmem:$0x1FDB0];
	[tilespmem:v39+s14+$0x0] =	vst.idx.msk $0xffff, v17  }
0x367: {  	v17 =	vld [tilespmem:$0x1F760]  }
0x368: {  	v11 =	vor.u32 v31, v0;
	v23 =	vld [tilespmem:$0x1FA90]  }
0x369: {  	v10 =	vld.idx.msk [tilespmem:v10+s11+$0x0], $0xffff  }
0x36a: {  	v15 =	vor.u32 v50, v2;
	v16 =	vld.idx.msk [tilespmem:v42+s11+$0x0], $0xffff;
	[tilespmem:$0x1F440] =	vst v56  }
0x36b: {  	[tilespmem:$0x1F450] =	vst v9  }
0x36c: {  	v18 =	vcombine.low v9, v21;
	[tilespmem:$0x1F460] =	vst v21;
	v17 =	vor.u32 v17, v7  }
0x36d: {  	v11 =	vld.idx.msk [tilespmem:v11+s11+$0x0], $0xffff;
	v43 =	vor.u32 v23, v1  }
0x36e: {  	v9 =	vld [tilespmem:$0x1F770];
	[tilespmem:$0x1F470] =	vst v18  }
0x36f: {  	[tilespmem:v15+s14+$0x0] =	vst.idx.msk $0xffff, v14  }
0x370: {  	[tilespmem:v12+s14+$0x0] =	vst.idx.msk $0xffff, v10  }
0x371: {  	v13 =	vor.u32 v5, v6;
	v5 =	vld [tilespmem:$0x1F820];
	[tilespmem:v17+s14+$0x0] =	vst.idx.msk $0xffff, v16  }
0x372: {  	[tilespmem:v43+s14+$0x0] =	vst.idx.msk $0xffff, v11  }
0x373: {  	v31 =	vor.u32 v9, v8;
	v9 =	vld [tilespmem:$0x1F480];
	_ =	sdelay $0x1  }
0x374: {  	v30 =	vor.u32 v56, v3;
	_ =	sdelay $0x1  }
0x375: {  	v44 =	vor.u32 v18, v0  }
0x376: {  	v11 =	vor.u32 v9, v6;
	v9 =	vld [tilespmem:$0x1F780]  }
0x377: {  	v10 =	vld.idx.msk [tilespmem:v13+s11+$0x0], $0xffff  }
0x378: {  	v13 =	vld.idx.msk [tilespmem:v30+s11+$0x0], $0xffff;
	v12 =	vor.u32 v5, v4  }
0x379: {  	v15 =	vld.idx.msk [tilespmem:v31+s11+$0x0], $0xffff  }
0x37a: {  	v14 =	vor.u32 v60, v2;
	v17 =	vld.idx.msk [tilespmem:v44+s11+$0x0], $0xffff;
	[tilespmem:$0x1F490] =	vst v57  }
0x37b: {  	[tilespmem:$0x1F4A0] =	vst v22;
	v23 =	vld [tilespmem:$0x1FAA0];
	v16 =	vor.u32 v9, v7  }
0x37c: {  	v18 =	vcombine.low v22, v20;
	[tilespmem:$0x1F4B0] =	vst v20;
	v5 =	vld [tilespmem:$0x1F790]  }
0x37d: {  	[tilespmem:v12+s14+$0x0] =	vst.idx.msk $0xffff, v10  }
0x37e: {  	[tilespmem:$0x1F4C0] =	vst v18  }
0x37f: {  	[tilespmem:v14+s14+$0x0] =	vst.idx.msk $0xffff, v13  }
0x380: {  	v31 =	vor.u32 v23, v1;
	[tilespmem:v16+s14+$0x0] =	vst.idx.msk $0xffff, v15  }
0x381: {  	v48 =	vor.u32 v5, v8;
	v5 =	vld [tilespmem:$0x1F870];
	_ =	sdelay $0x3  }
0x382: {  	[tilespmem:v31+s14+$0x0] =	vst.idx.msk $0xffff, v17  }
0x383: {  	v12 =	vor.u32 v5, v4;
	v5 =	vld [tilespmem:$0x1F4D0];
	_ =	sdelay $0x1  }
0x384: {  	v30 =	vor.u32 v57, v3;
	_ =	sdelay $0x2  }
0x385: {  	v13 =	vor.u32 v5, v6;
	v5 =	vld [tilespmem:$0x1F7A0];
	_ =	sdelay $0x1  }
0x386: {  	v10 =	vor.u32 v18, v0;
	v14 =	vld.idx.msk [tilespmem:v30+s11+$0x0], $0xffff  }
0x387: {  	v11 =	vld.idx.msk [tilespmem:v11+s11+$0x0], $0xffff  }
0x388: {  	v15 =	vor.u32 v37, v2;
	v16 =	vld.idx.msk [tilespmem:v48+s11+$0x0], $0xffff;
	[tilespmem:$0x1F4E0] =	vst v62  }
0x389: {  	v19 =	vcombine.low v24, v47;
	[tilespmem:$0x1F4F0] =	vst v24;
	v17 =	vor.u32 v5, v7;
	v5 =	vld [tilespmem:$0x1F7B0]  }
0x38a: {  	[tilespmem:$0x1F500] =	vst v47  }
0x38b: {  	v10 =	vld.idx.msk [tilespmem:v10+s11+$0x0], $0xffff;
	[tilespmem:$0x1F510] =	vst v19  }
0x38c: {  	v23 =	vld [tilespmem:$0x1FAB0];
	[tilespmem:v12+s14+$0x0] =	vst.idx.msk $0xffff, v11  }
0x38d: {  	[tilespmem:v15+s14+$0x0] =	vst.idx.msk $0xffff, v14  }
0x38e: {  	v31 =	vor.u32 v5, v8;
	v5 =	vld [tilespmem:$0x1F8C0];
	_ =	sdelay $0x3  }
0x38f: {  	v49 =	vor.u32 v23, v1;
	[tilespmem:v17+s14+$0x0] =	vst.idx.msk $0xffff, v16  }
0x390: {  	v12 =	vor.u32 v5, v4;
	v5 =	vld [tilespmem:$0x1F520];
	_ =	sdelay $0x3  }
0x391: {  	v30 =	vor.u32 v62, v3;
	[tilespmem:v49+s14+$0x0] =	vst.idx.msk $0xffff, v10  }
0x392: {  	v18 =	vmov v5;
	v14 =	vor.u32 v5, v6;
	v5 =	vld [tilespmem:$0x1F7C0];
	_ =	sdelay $0x1  }
0x393: {  	v50 =	vor.u32 v19, v0  }
0x394: {  	v11 =	vld.idx.msk [tilespmem:v13+s11+$0x0], $0xffff  }
0x395: {  	v15 =	vor.u32 v45, v2;
	v13 =	vld.idx.msk [tilespmem:v30+s11+$0x0], $0xffff  }
0x396: {  	v25 =	vlaneseq.u32;
	v16 =	vor.u32 v5, v7;
	v5 =	vld [tilespmem:$0x1F7D0]  }
0x397: {  	v23 =	vor.u32 $0x30, v25;
	v10 =	vld.idx.msk [tilespmem:v31+s11+$0x0], $0xffff  }
0x398: {  	v30 =	vld.idx.msk [tilespmem:v50+s11+$0x0], $0xffff;
	[tilespmem:$0x1F530] =	vst v23  }
0x399: {  	[tilespmem:v12+s14+$0x0] =	vst.idx.msk $0xffff, v11  }
0x39a: {  	v53 =	vor.u32 v40, v1;
	[tilespmem:v15+s14+$0x0] =	vst.idx.msk $0xffff, v13  }
0x39b: {  	v31 =	vor.u32 v5, v8;
	v5 =	vld [tilespmem:$0x1F940];
	_ =	sdelay $0x2  }
0x39c: {  	[tilespmem:v16+s14+$0x0] =	vst.idx.msk $0xffff, v10  }
0x39d: {  	[tilespmem:v53+s14+$0x0] =	vst.idx.msk $0xffff, v30  }
0x39e: {  	v12 =	vor.u32 v5, v4;
	v5 =	vld [tilespmem:$0x1F7E0]  }
0x39f: {  	v17 =	vor.u32 v59, v3;
	_ =	sdelay $0x2  }
0x3a0: {  	v11 =	vld.idx.msk [tilespmem:v14+s11+$0x0], $0xffff  }
0x3a1: {  	v15 =	vor.u32 v5, v7;
	v5 =	vld [tilespmem:$0x1F540]  }
0x3a2: {  	v55 =	vor.u32 v23, v0;
	v19 =	vld.idx.msk [tilespmem:v17+s11+$0x0], $0xffff  }
0x3a3: {  	v21 =	vld [tilespmem:$0x1FC40]  }
0x3a4: {  	v30 =	vld [tilespmem:$0x1FAC0]  }
0x3a5: {  	v25 =	vld [tilespmem:$0x1FC50]  }
0x3a6: {  	v10 =	vmov v5;
	v17 =	vor.u32 v5, v6;
	v5 =	vld [tilespmem:$0x1F550]  }
0x3a7: {  	v13 =	vor.u32 v52, v2;
	v16 =	vld.idx.msk [tilespmem:v55+s11+$0x0], $0xffff  }
0x3a8: {  	v14 =	vld.idx.msk [tilespmem:v31+s11+$0x0], $0xffff  }
0x3a9: {  	v35 =	vld [tilespmem:$0x1FC60];
	v30 =	vor.u32 v30, v1  }
0x3aa: {  	v42 =	vld [tilespmem:$0x1FC70];
	[tilespmem:v12+s14+$0x0] =	vst.idx.msk $0xffff, v11  }
0x3ab: {  	v34 =	vmov v5;
	v31 =	vor.u32 v5, v3;
	v5 =	vld [tilespmem:$0x1F7F0]  }
0x3ac: {  	[tilespmem:v13+s14+$0x0] =	vst.idx.msk $0xffff, v19  }
0x3ad: {  	[tilespmem:v15+s14+$0x0] =	vst.idx.msk $0xffff, v14  }
0x3ae: {  	[tilespmem:v30+s14+$0x0] =	vst.idx.msk $0xffff, v16;
	v12 =	vld.idx.msk [tilespmem:v17+s11+$0x0], $0xffff  }
0x3af: {  	v56 =	vld [tilespmem:$0x1FED0]  }
0x3b0: {  	v44 =	vld [tilespmem:$0x1FC80];
	v11 =	vor.u32 v5, v8  }
0x3b1: {  	v5 =	vld [tilespmem:$0x1F560]  }
0x3b2: {  	v45 =	vld [tilespmem:$0x1FC90]  }
0x3b3: {  	v16 =	vor.u32 v32, v2;
	v14 =	vld.idx.msk [tilespmem:v31+s11+$0x0], $0xffff  }
0x3b4: {  	v47 =	vld [tilespmem:$0x1FCA0];
	v13 =	vor.u32 v56, v4  }
0x3b5: {  	v17 =	vor.u32 v36, v7;
	v11 =	vld.idx.msk [tilespmem:v11+s11+$0x0], $0xffff  }
0x3b6: {  	v29 =	vmov v5;
	v15 =	vor.u32 v5, v6;
	v5 =	vld [tilespmem:$0x1F570]  }
0x3b7: {  	v37 =	vmov v59;
	v59 =	vsel vm0, v25, v21;
	v52 =	vsel vm0, v42, v35;
	v48 =	vld [tilespmem:$0x1FCB0]  }
0x3b8: {  	v60 =	vcombine.low v52, v59;
	v61 =	vld [tilespmem:$0x1FAD0];
	[tilespmem:v16+s14+$0x0] =	vst.idx.msk $0xffff, v14  }
0x3b9: {  	[tilespmem:v13+s14+$0x0] =	vst.idx.msk $0xffff, v12  }
0x3ba: {  	v19 =	vor.u32 v60, v0;
	v43 =	vld [tilespmem:$0x1FDC0];
	[tilespmem:v17+s14+$0x0] =	vst.idx.msk $0xffff, v11  }
0x3bb: {  	v9 =	vor.u32 v5, v3;
	v5 =	vld [tilespmem:$0x1F580];
	_ =	sdelay $0x3  }
0x3bc: {  	v19 =	vld.idx.msk [tilespmem:v19+s11+$0x0], $0xffff;
	v33 =	vor.u32 v61, v1  }
0x3bd: {  	v24 =	vsel vm0, v45, v44;
	v38 =	vsel vm0, v48, v47;
	v26 =	vmovc v5;
	v11 =	vor.u32 v5, v6;
	v5 =	vld [tilespmem:$0x1FA00]  }
0x3be: {  	v30 =	vcombine.low v38, v24  }
0x3bf: {  	v31 =	vor.u32 v41, v8  }
0x3c0: {  	v30 =	vor.u32 v30, v0  }
0x3c1: {  	v12 =	vld.idx.msk [tilespmem:v15+s11+$0x0], $0xffff;
	[tilespmem:v33+s14+$0x0] =	vst.idx.msk $0xffff, v19  }
0x3c2: {  	v14 =	vor.u32 v5, v2;
	v5 =	vld [tilespmem:$0x1FE00]  }
0x3c3: {  	v9 =	vld.idx.msk [tilespmem:v9+s11+$0x0], $0xffff  }
0x3c4: {  	v19 =	vld.idx.msk [tilespmem:v31+s11+$0x0], $0xffff  }
0x3c5: {  	v13 =	vor.u32 v43, v4;
	v16 =	vld.idx.msk [tilespmem:v30+s11+$0x0], $0xffff  }
0x3c6: {  	v49 =	vld [tilespmem:$0x1FCC0]  }
0x3c7: {  	v17 =	vor.u32 v5, v1;
	v5 =	vld [tilespmem:$0x1F590]  }
0x3c8: {  	v50 =	vld [tilespmem:$0x1FCD0]  }
0x3c9: {  	v55 =	vld [tilespmem:$0x1FCE0]  }
0x3ca: {  	v57 =	vld [tilespmem:$0x1FCF0];
	[tilespmem:v13+s14+$0x0] =	vst.idx.msk $0xffff, v12  }
0x3cb: {  	v15 =	vor.u32 v58, v7;
	v39 =	vld [tilespmem:$0x1F960];
	[tilespmem:v14+s14+$0x0] =	vst.idx.msk $0xffff, v9  }
0x3cc: {  	v27 =	vmov v5;
	v30 =	vor.u32 v5, v3;
	v5 =	vld [tilespmem:$0x1FDD0];
	_ =	sdelay $0x3  }
0x3cd: {  	[tilespmem:v15+s14+$0x0] =	vst.idx.msk $0xffff, v19  }
0x3ce: {  	v13 =	vor.u32 v5, v4;
	v5 =	vld [tilespmem:$0x1F5A0];
	_ =	sdelay $0x3  }
0x3cf: {  	[tilespmem:v17+s14+$0x0] =	vst.idx.msk $0xffff, v16  }
0x3d0: {  	v32 =	vor.u32 v5, v6;
	v5 =	vld [tilespmem:$0x1FA10];
	_ =	sdelay $0x2  }
0x3d1: {  	v58 =	vld [tilespmem:$0x1FD00]  }
0x3d2: {  	v60 =	vld [tilespmem:$0x1FD10]  }
0x3d3: {  	v15 =	vor.u32 v5, v2;
	v5 =	vld [tilespmem:$0x1FE90]  }
0x3d4: {  	v61 =	vld [tilespmem:$0x1FD20]  }
0x3d5: {  	v12 =	vor.u32 v39, v8;
	v63 =	vld [tilespmem:$0x1FD30];
	_ =	sdelay $0x1  }
0x3d6: {  	v9 =	vld.idx.msk [tilespmem:v11+s11+$0x0], $0xffff  }
0x3d7: {  	v16 =	vor.u32 v5, v7;
	v5 =	vld [tilespmem:$0x1F5B0]  }
0x3d8: {  	v14 =	vld.idx.msk [tilespmem:v30+s11+$0x0], $0xffff;
	v19 =	vsel vm0, v60, v58  }
0x3d9: {  	v12 =	vld.idx.msk [tilespmem:v12+s11+$0x0], $0xffff;
	v20 =	vsel vm0, v63, v61;
	[tilespmem:$0x1F5C0] =	vst v19  }
0x3da: {  	[tilespmem:$0x1F5D0] =	vst v20  }
0x3db: {  	[tilespmem:v13+s14+$0x0] =	vst.idx.msk $0xffff, v9  }
0x3dc: {  	v28 =	vmov v5;
	v17 =	vor.u32 v5, v3;
	v5 =	vld [tilespmem:$0x1FF90];
	_ =	sdelay $0x2  }
0x3dd: {  	v53 =	vsel vm0, v50, v49;
	v23 =	vsel vm0, v57, v55  }
0x3de: {  	v31 =	vcombine.low v23, v53  }
0x3df: {  	v13 =	vor.u32 v5, v1;
	v5 =	vld [tilespmem:$0x1FDE0]  }
0x3e0: {  	v11 =	vor.u32 v31, v0;
	_ =	sdelay $0x3  }
0x3e1: {  	v31 =	vcombine.low v20, v19;
	v30 =	vor.u32 v5, v4;
	v5 =	vld [tilespmem:$0x1F5F0]  }
0x3e2: {  	v9 =	vld.idx.msk [tilespmem:v11+s11+$0x0], $0xffff  }
0x3e3: {  	v19 =	vld.idx.msk [tilespmem:v32+s11+$0x0], $0xffff;
	[tilespmem:$0x1F5E0] =	vst v31  }
0x3e4: {  	v40 =	vld [tilespmem:$0x1FEA0];
	[tilespmem:v15+s14+$0x0] =	vst.idx.msk $0xffff, v14  }
0x3e5: {  	[tilespmem:v16+s14+$0x0] =	vst.idx.msk $0xffff, v12  }
0x3e6: {  	v62 =	vor.u32 v5, v6;
	v5 =	vld [tilespmem:$0x1FA20];
	_ =	sdelay $0x1  }
0x3e7: {  	[tilespmem:v13+s14+$0x0] =	vst.idx.msk $0xffff, v9  }
0x3e8: {  	v11 =	vor.u32 v40, v8;
	v32 =	vld [tilespmem:$0x1FEB0];
	[tilespmem:v30+s14+$0x0] =	vst.idx.msk $0xffff, v19  }
0x3e9: {  	v31 =	vor.u32 v31, v0;
	v13 =	vld [tilespmem:$0x1FAE0]  }
0x3ea: {  	v12 =	vld.idx.msk [tilespmem:v17+s11+$0x0], $0xffff;
	v14 =	vor.u32 v5, v2  }
0x3eb: {  	v5 =	vld [tilespmem:$0x1FEE0];
	_ =	sdelay $0x1  }
0x3ec: {  	v9 =	vld.idx.msk [tilespmem:v11+s11+$0x0], $0xffff;
	v11 =	vor.u32 v32, v7  }
0x3ed: {  	v20 =	vld.idx.msk [tilespmem:v31+s11+$0x0], $0xffff;
	v13 =	vor.u32 v13, v1  }
0x3ee: {  	v17 =	vsel vm0, v35, v25;
	[tilespmem:v14+s14+$0x0] =	vst.idx.msk $0xffff, v12  }
0x3ef: {  	v19 =	vsel vm0, v21, v42;
	v15 =	vld.idx.msk [tilespmem:v62+s11+$0x0], $0xffff;
	v16 =	vor.u32 v5, v4;
	[tilespmem:$0x1F610] =	vst v17  }
0x3f0: {  	[tilespmem:$0x1F620] =	vst v19  }
0x3f1: {  	v14 =	vcombine.low v19, v17;
	v12 =	vld [tilespmem:$0x1F600];
	[tilespmem:v11+s14+$0x0] =	vst.idx.msk $0xffff, v9  }
0x3f2: {  	v25 =	vld [tilespmem:$0x1FB00];
	[tilespmem:v13+s14+$0x0] =	vst.idx.msk $0xffff, v20  }
0x3f3: {  	[tilespmem:$0x1F630] =	vst v14  }
0x3f4: {  	[tilespmem:v16+s14+$0x0] =	vst.idx.msk $0xffff, v15  }
0x3f5: {  	v9 =	vld [tilespmem:$0x1F640];
	_ =	sdelay $0x3  }
0x3f6: {  	v5 =	vmov v12;
	v12 =	vor.u32 v12, v3  }
0x3f7: {  	v11 =	vor.u32 v25, v8;
	v16 =	vor.u32 v9, v6;
	v9 =	vsel vm0, v61, v60  }
0x3f8: {  	[tilespmem:$0x1F650] =	vst v9;
	v9 =	vsel vm0, v58, v63  }
0x3f9: {  	[tilespmem:$0x1F660] =	vst v9;
	v9 =	vsel vm0, v55, v50  }
0x3fa: {  	[tilespmem:$0x1F670] =	vst v9;
	v9 =	vsel vm0, v49, v57  }
0x3fb: {  	v50 =	vld.idx.msk [tilespmem:v12+s11+$0x0], $0xffff;
	[tilespmem:$0x1F680] =	vst v9  }
0x3fc: {  	v15 =	vld.idx.msk [tilespmem:v11+s11+$0x0], $0xffff  }
0x3fd: {  	v11 =	vld [tilespmem:$0x1FA30];
	_ =	sdelay $0x1  }
0x3fe: {  	v9 =	vsel vm0, v47, v45  }
0x3ff: {  	v21 =	vld [tilespmem:$0x1F910];
	v12 =	vsel vm0, v44, v48;
	[tilespmem:$0x1F690] =	vst v9  }
0x400: {  	v14 =	vor.u32 v14, v0;
	[tilespmem:$0x1F6A0] =	vst v12;
	v12 =	vcombine.low v12, v9;
	v9 =	vld [tilespmem:$0x1F6B0]  }
0x401: {  	v13 =	vor.u32 v11, v2;
	v11 =	vld [tilespmem:$0x1FA70]  }
0x402: {  	v19 =	vld [tilespmem:$0x1F920]  }
0x403: {  	v22 =	vld [tilespmem:$0x1FFE0]  }
0x404: {  	v20 =	vld [tilespmem:$0x1FFF0]  }
0x405: {  	v30 =	vld.idx.msk [tilespmem:v14+s11+$0x0], $0xffff  }
0x406: {  	v14 =	vor.u32 v9, v3;
	v9 =	vmovc v43;
	v57 =	vor.u32 v11, v8;
	v43 =	vmov v11;
	v11 =	vld [tilespmem:$0x1FB10]  }
0x407: {  	v62 =	vld [tilespmem:$0x1FEC0]  }
0x408: {  	v42 =	vld [tilespmem:$0x1FE70]  }
0x409: {  	s31 =	simm.s32 $0x40;
	v54 =	vlaneseq.u32;
	v33 =	vld [tilespmem:$0x1F6F0]  }
0x40a: {  	v44 =	vor.u32 s31, v54;
	v54 =	vld.idx.msk [tilespmem:v16+s11+$0x0], $0xffff;
	[tilespmem:$0x1F6D0] =	vst v59  }
0x40b: {  	v47 =	vmov v41;
	[tilespmem:$0x1F6E0] =	vst v52;
	v41 =	vor.u32 v11, v1;
	v11 =	vld [tilespmem:$0x1F970]  }
0x40c: {  	v35 =	vld [tilespmem:$0x1F700];
	[tilespmem:$0x1F710] =	vst v24  }
0x40d: {  	v60 =	vmov v39;
	v39 =	vmov v51;
	v61 =	vld [tilespmem:$0x1FE90];
	[tilespmem:$0x1F720] =	vst v38  }
0x40e: {  	v51 =	vmovc v59;
	v58 =	vld [tilespmem:$0x1FE80];
	v63 =	vmovc v40;
	v40 =	vmov v25;
	v55 =	vor.u32 v62, v7;
	v49 =	vmov v36;
	[tilespmem:$0x1F730] =	vst v53  }
0x40f: {  	v36 =	vmovc v38;
	v48 =	vld [tilespmem:$0x1FAF0];
	v45 =	vmovc v32;
	v32 =	vmov v56;
	v38 =	vmov v46;
	v46 =	vmov v53;
	[tilespmem:$0x1F740] =	vst v23  }
0x410: {  	s25 =	simm.s32 $0x50;
	v17 =	vlaneseq.u32;
	v59 =	vld [tilespmem:$0x1F950];
	[tilespmem:$0x1F6C0] =	vst v12;
	v31 =	vor.u32 v12, v0;
	v12 =	vmovc v23;
	v56 =	vor.u32 v11, v4;
	v11 =	vmovc v24  }
.LBB2_5:
0x411: {  	_ =	sdelay $0x3  }
0x412: {  	[tilespmem:v13+s14+$0x0] =	vst.idx.msk $0xffff, v50  }
0x413: {  	v16 =	vshll.u32 v44, $0x6;
	[tilespmem:v55+s14+$0x0] =	vst.idx.msk $0xffff, v15;
	v15 =	vld [tilespmem:$0x1F380]  }
0x414: {  	v13 =	vor.u32 v17, v16;
	v17 =	vld [tilespmem:$0x1F390];
	_ =	sdelay $0x4  }
0x415: {  	v15 =	vcombine.low v15, v17;
	v17 =	vld [tilespmem:$0x1FA40];
	_ =	sdelay $0x2  }
0x416: {  	v23 =	vld [tilespmem:$0x1F370]  }
0x417: {  	v53 =	vld [tilespmem:$0x1F300]  }
0x418: {  	v55 =	vor.u32 v17, v2;
	v17 =	vld [tilespmem:$0x1F2F0];
	_ =	sdelay $0x2  }
0x419: {  	v14 =	vld.idx.msk [tilespmem:v14+s11+$0x0], $0xffff  }
0x41a: {  	v50 =	vld.idx.msk [tilespmem:v57+s11+$0x0], $0xffff;
	[tilespmem:v41+s14+$0x0] =	vst.idx.msk $0xffff, v30;
	v23 =	vor.u32 v23, v6  }
0x41b: {  	[tilespmem:v56+s14+$0x0] =	vst.idx.msk $0xffff, v54;
	v54 =	vcombine.low v17, v53;
	v17 =	vld [tilespmem:$0x1FB20]  }
0x41c: {  	v24 =	vld [tilespmem:$0x1F670]  }
0x41d: {  	v25 =	vld [tilespmem:$0x1F680];
	v57 =	vor.u32 v21, v7  }
0x41e: {  	v31 =	vld.idx.msk [tilespmem:v31+s11+$0x0], $0xffff  }
0x41f: {  	v23 =	vld.idx.msk [tilespmem:v23+s11+$0x0], $0xffff  }
0x420: {  	v56 =	vor.u32 v17, v1;
	v17 =	vld [tilespmem:$0x1FFD0]  }
0x421: {  	v53 =	vld.idx.msk [tilespmem:v13+s11+$0x0], $0xffff;
	[tilespmem:v55+s14+$0x0] =	vst.idx.msk $0xffff, v14  }
0x422: {  	v15 =	vor.u32 v15, v3;
	[tilespmem:v57+s14+$0x0] =	vst.idx.msk $0xffff, v50;
	v50 =	vld [tilespmem:$0x1F3C0]  }
0x423: {  	v57 =	vld [tilespmem:$0x1F3D0]  }
0x424: {  	v30 =	vor.u32 v19, v8;
	v41 =	vcombine.low v25, v24  }
0x425: {  	v13 =	vand.u32 $0x78, v44;
	v44 =	vor.u32 v17, v4  }
0x426: {  	v41 =	vor.u32 v41, v0  }
0x427: {  	v15 =	vld.idx.msk [tilespmem:v15+s11+$0x0], $0xffff  }
0x428: {  	v50 =	vcombine.low v50, v57;
	v57 =	vld [tilespmem:$0x1FA50]  }
0x429: {  	v30 =	vld.idx.msk [tilespmem:v30+s11+$0x0], $0xffff;
	[tilespmem:v56+s14+$0x0] =	vst.idx.msk $0xffff, v31  }
0x42a: {  	v17 =	vor.u32 v38, v13;
	v56 =	vld [tilespmem:$0x1F660];
	[tilespmem:v44+s14+$0x0] =	vst.idx.msk $0xffff, v23  }
0x42b: {  	v54 =	vor.u32 v54, v6;
	v23 =	vld.idx.msk [tilespmem:v41+s11+$0x0], $0xffff  }
0x42c: {  	v41 =	vld [tilespmem:$0x1F650]  }
0x42d: {  	v14 =	vor.u32 v39, v16;
	v55 =	vor.u32 v57, v2  }
0x42e: {  	v57 =	vor.u32 v22, v7  }
0x42f: {  	v50 =	vor.u32 v50, v3;
	v44 =	vld [tilespmem:$0x1F310];
	[tilespmem:v17+s14+$0x0] =	vst.idx.msk $0xffff, v53  }
0x430: {  	v17 =	vld.idx.msk [tilespmem:v54+s11+$0x0], $0xffff  }
0x431: {  	v41 =	vcombine.low v56, v41;
	v56 =	vld [tilespmem:$0x1F320]  }
0x432: {  	v14 =	vld.idx.msk [tilespmem:v14+s11+$0x0], $0xffff;
	[tilespmem:v55+s14+$0x0] =	vst.idx.msk $0xffff, v15  }
0x433: {  	[tilespmem:v57+s14+$0x0] =	vst.idx.msk $0xffff, v30;
	v57 =	vld [tilespmem:$0x1F410]  }
0x434: {  	v30 =	vld.idx.msk [tilespmem:v50+s11+$0x0], $0xffff  }
0x435: {  	v50 =	vld [tilespmem:$0x1F400]  }
0x436: {  	v44 =	vcombine.low v44, v56;
	v56 =	vld [tilespmem:$0x1FF00]  }
0x437: {  	v54 =	vld [tilespmem:$0x1F990];
	_ =	sdelay $0x2  }
0x438: {  	v31 =	vor.u32 v20, v8  }
0x439: {  	v50 =	vcombine.low v50, v57;
	v57 =	vld [tilespmem:$0x1FA60];
	v53 =	vor.u32 v56, v1  }
0x43a: {  	v54 =	vor.u32 v54, v4  }
0x43b: {  	v41 =	vor.u32 v41, v0  }
0x43c: {  	v56 =	vor.u32 v42, v13  }
0x43d: {  	v31 =	vld.idx.msk [tilespmem:v31+s11+$0x0], $0xffff  }
0x43e: {  	v44 =	vor.u32 v44, v6;
	v55 =	vor.u32 v57, v2;
	v57 =	vld [tilespmem:$0x1F800];
	[tilespmem:v53+s14+$0x0] =	vst.idx.msk $0xffff, v23  }
0x43f: {  	v15 =	vor.u32 v58, v16;
	[tilespmem:v54+s14+$0x0] =	vst.idx.msk $0xffff, v17;
	v54 =	vld [tilespmem:$0x1F330]  }
0x440: {  	v17 =	vld.idx.msk [tilespmem:v41+s11+$0x0], $0xffff  }
0x441: {  	[tilespmem:v56+s14+$0x0] =	vst.idx.msk $0xffff, v14;
	v56 =	vld [tilespmem:$0x1F340]  }
0x442: {  	v23 =	vld [tilespmem:$0x1FD80]  }
0x443: {  	v57 =	vor.u32 v57, v7;
	v14 =	vld.idx.msk [tilespmem:v44+s11+$0x0], $0xffff  }
0x444: {  	v50 =	vor.u32 v50, v3;
	v15 =	vld.idx.msk [tilespmem:v15+s11+$0x0], $0xffff  }
0x445: {  	[tilespmem:v55+s14+$0x0] =	vst.idx.msk $0xffff, v30;
	v30 =	vld [tilespmem:$0x1F6D0]  }
0x446: {  	v44 =	vcombine.low v54, v56;
	v54 =	vld [tilespmem:$0x1FFA0]  }
0x447: {  	v55 =	vld [tilespmem:$0x1F810]  }
0x448: {  	[tilespmem:v57+s14+$0x0] =	vst.idx.msk $0xffff, v31;
	v56 =	vld [tilespmem:$0x1F9A0]  }
0x449: {  	v23 =	vor.u32 v23, v8;
	v31 =	vld.idx.msk [tilespmem:v50+s11+$0x0], $0xffff  }
0x44a: {  	v50 =	vld [tilespmem:$0x1FA80]  }
0x44b: {  	v41 =	vcombine.low v51, v52;
	v52 =	vor.u32 v54, v1  }
0x44c: {  	v57 =	vld [tilespmem:$0x1F350]  }
0x44d: {  	v51 =	vmov v30;
	v30 =	vld [tilespmem:$0x1F750];
	v53 =	vor.u32 v56, v4;
	v56 =	vcombine.low v33, v35  }
0x44e: {  	v41 =	vor.u32 v41, v0;
	v23 =	vld.idx.msk [tilespmem:v23+s11+$0x0], $0xffff;
	v54 =	vor.u32 v48, v13  }
0x44f: {  	v35 =	vor.u32 v50, v2;
	v50 =	vor.u32 v55, v7;
	v55 =	vor.u32 v56, v3;
	v56 =	vld [tilespmem:$0x1FA90]  }
0x450: {  	v44 =	vor.u32 v44, v6;
	[tilespmem:v52+s14+$0x0] =	vst.idx.msk $0xffff, v17;
	v17 =	vld [tilespmem:$0x1F6F0]  }
0x451: {  	v52 =	vld [tilespmem:$0x1FFB0]  }
0x452: {  	v30 =	vor.u32 v30, v16;
	[tilespmem:v53+s14+$0x0] =	vst.idx.msk $0xffff, v14;
	v53 =	vld [tilespmem:$0x1F9B0]  }
0x453: {  	v14 =	vld.idx.msk [tilespmem:v41+s11+$0x0], $0xffff  }
0x454: {  	[tilespmem:v54+s14+$0x0] =	vst.idx.msk $0xffff, v15;
	v54 =	vld [tilespmem:$0x1F450]  }
0x455: {  	v15 =	vld.idx.msk [tilespmem:v44+s11+$0x0], $0xffff  }
0x456: {  	v44 =	vld [tilespmem:$0x1F360]  }
0x457: {  	v30 =	vld.idx.msk [tilespmem:v30+s11+$0x0], $0xffff  }
0x458: {  	v11 =	vcombine.low v11, v36;
	[tilespmem:v35+s14+$0x0] =	vst.idx.msk $0xffff, v31;
	v31 =	vld [tilespmem:$0x1F710]  }
0x459: {  	v33 =	vmov v17;
	v17 =	vld [tilespmem:$0x1FDB0]  }
0x45a: {  	[tilespmem:v50+s14+$0x0] =	vst.idx.msk $0xffff, v23;
	v41 =	vor.u32 v52, v1;
	v52 =	vor.u32 v11, v0;
	v11 =	vld [tilespmem:$0x1F760]  }
0x45b: {  	v23 =	vld.idx.msk [tilespmem:v55+s11+$0x0], $0xffff  }
0x45c: {  	v55 =	vld [tilespmem:$0x1F460]  }
0x45d: {  	v36 =	vcombine.low v57, v44;
	v57 =	vld [tilespmem:$0x1F820]  }
0x45e: {  	v17 =	vor.u32 v17, v8  }
0x45f: {  	v50 =	vor.u32 v56, v2;
	v56 =	vld [tilespmem:$0x1FAA0]  }
0x460: {  	v44 =	vor.u32 v53, v4;
	v53 =	vor.u32 v11, v13;
	v11 =	vmov v31;
	v31 =	vld [tilespmem:$0x1F770]  }
0x461: {  	v35 =	vcombine.low v54, v55;
	v55 =	vld [tilespmem:$0x1F4B0]  }
0x462: {  	v54 =	vor.u32 v57, v7;
	v57 =	vld [tilespmem:$0x1F870]  }
0x463: {  	v12 =	vcombine.low v46, v12;
	v17 =	vld.idx.msk [tilespmem:v17+s11+$0x0], $0xffff  }
0x464: {  	v36 =	vor.u32 v36, v6;
	[tilespmem:v41+s14+$0x0] =	vst.idx.msk $0xffff, v14;
	v14 =	vld [tilespmem:$0x1F480]  }
0x465: {  	v31 =	vor.u32 v31, v16;
	[tilespmem:v44+s14+$0x0] =	vst.idx.msk $0xffff, v15;
	v44 =	vor.u32 v12, v0;
	v12 =	vld [tilespmem:$0x1F780]  }
0x466: {  	v15 =	vld.idx.msk [tilespmem:v52+s11+$0x0], $0xffff  }
0x467: {  	v52 =	vld [tilespmem:$0x1FE10]  }
0x468: {  	[tilespmem:v53+s14+$0x0] =	vst.idx.msk $0xffff, v30;
	v53 =	vld [tilespmem:$0x1F9C0]  }
0x469: {  	v30 =	vld.idx.msk [tilespmem:v36+s11+$0x0], $0xffff  }
0x46a: {  	v35 =	vor.u32 v35, v3;
	v31 =	vld.idx.msk [tilespmem:v31+s11+$0x0], $0xffff  }
0x46b: {  	[tilespmem:v50+s14+$0x0] =	vst.idx.msk $0xffff, v23;
	v23 =	vld [tilespmem:$0x1F740]  }
0x46c: {  	v14 =	vor.u32 v14, v8;
	v50 =	vor.u32 v56, v2;
	v56 =	vld [tilespmem:$0x1F5C0]  }
0x46d: {  	v46 =	vor.u32 v12, v13;
	v12 =	vld [tilespmem:$0x1F490]  }
0x46e: {  	[tilespmem:v54+s14+$0x0] =	vst.idx.msk $0xffff, v17;
	v54 =	vld [tilespmem:$0x1F4A0]  }
0x46f: {  	v17 =	vld.idx.msk [tilespmem:v35+s11+$0x0], $0xffff  }
0x470: {  	v36 =	vor.u32 v52, v1;
	v41 =	vor.u32 v53, v4;
	v53 =	vor.u32 v57, v7;
	v57 =	vld [tilespmem:$0x1F5D0]  }
0x471: {  	v14 =	vld.idx.msk [tilespmem:v14+s11+$0x0], $0xffff  }
0x472: {  	v52 =	vor.u32 v12, v6;
	v12 =	vmov v23;
	v23 =	vld [tilespmem:$0x1F790]  }
0x473: {  	v35 =	vcombine.low v54, v55;
	v54 =	vld [tilespmem:$0x1FE20]  }
0x474: {  	v55 =	vld [tilespmem:$0x1FEF0]  }
0x475: {  	[tilespmem:v36+s14+$0x0] =	vst.idx.msk $0xffff, v15;
	v15 =	vld [tilespmem:$0x1F720]  }
0x476: {  	[tilespmem:v41+s14+$0x0] =	vst.idx.msk $0xffff, v30;
	v41 =	vcombine.low v56, v57;
	v56 =	vld [tilespmem:$0x1F7A0]  }
0x477: {  	v57 =	vld [tilespmem:$0x1F4E0]  }
0x478: {  	v30 =	vld.idx.msk [tilespmem:v44+s11+$0x0], $0xffff;
	[tilespmem:v46+s14+$0x0] =	vst.idx.msk $0xffff, v31;
	v23 =	vor.u32 v23, v16  }
0x479: {  	v31 =	vld.idx.msk [tilespmem:v52+s11+$0x0], $0xffff  }
0x47a: {  	v36 =	vmov v15;
	v15 =	vld [tilespmem:$0x1F4D0]  }
0x47b: {  	v35 =	vor.u32 v35, v3;
	v44 =	vor.u32 v54, v1;
	v54 =	vor.u32 v56, v13;
	v56 =	vld [tilespmem:$0x1F4F0]  }
0x47c: {  	v46 =	vor.u32 v55, v4;
	v55 =	vor.u32 v57, v6;
	v57 =	vld [tilespmem:$0x1F500]  }
0x47d: {  	v23 =	vld.idx.msk [tilespmem:v23+s11+$0x0], $0xffff  }
0x47e: {  	[tilespmem:v50+s14+$0x0] =	vst.idx.msk $0xffff, v17;
	v17 =	vld [tilespmem:$0x1F6E0]  }
0x47f: {  	v15 =	vor.u32 v15, v8;
	[tilespmem:v53+s14+$0x0] =	vst.idx.msk $0xffff, v14;
	v53 =	vld [tilespmem:$0x1FAB0]  }
0x480: {  	v14 =	vld.idx.msk [tilespmem:v35+s11+$0x0], $0xffff  }
0x481: {  	v41 =	vor.u32 v41, v0;
	v35 =	vcombine.low v56, v57;
	v56 =	vld [tilespmem:$0x1F8C0]  }
0x482: {  	v57 =	vld [tilespmem:$0x1F620]  }
0x483: {  	v52 =	vmov v17;
	v17 =	vld [tilespmem:$0x1F7B0]  }
0x484: {  	v15 =	vld.idx.msk [tilespmem:v15+s11+$0x0], $0xffff;
	[tilespmem:v44+s14+$0x0] =	vst.idx.msk $0xffff, v30  }
0x485: {  	v30 =	vld [tilespmem:$0x1F700];
	[tilespmem:v46+s14+$0x0] =	vst.idx.msk $0xffff, v31  }
0x486: {  	v31 =	vld.idx.msk [tilespmem:v41+s11+$0x0], $0xffff  }
0x487: {  	v41 =	vld [tilespmem:$0x1F610]  }
0x488: {  	[tilespmem:v54+s14+$0x0] =	vst.idx.msk $0xffff, v23;
	v54 =	vld [tilespmem:$0x1FE30];
	v17 =	vor.u32 v17, v16  }
0x489: {  	v50 =	vor.u32 v53, v2;
	v23 =	vld.idx.msk [tilespmem:v55+s11+$0x0], $0xffff  }
0x48a: {  	v55 =	vld [tilespmem:$0x1F9D0]  }
0x48b: {  	v53 =	vor.u32 v56, v7  }
0x48c: {  	v56 =	vor.u32 v35, v3;
	v41 =	vcombine.low v41, v57;
	v57 =	vld [tilespmem:$0x1F7C0]  }
0x48d: {  	v35 =	vmov v30;
	v30 =	vor.u32 v18, v8;
	v17 =	vld.idx.msk [tilespmem:v17+s11+$0x0], $0xffff  }
0x48e: {  	v44 =	vor.u32 v54, v1;
	[tilespmem:v50+s14+$0x0] =	vst.idx.msk $0xffff, v14;
	v14 =	vld [tilespmem:$0x1F7D0]  }
0x48f: {  	v54 =	vor.u32 v55, v4;
	v50 =	vld [tilespmem:$0x1FDF0]  }
0x490: {  	v41 =	vor.u32 v41, v0;
	[tilespmem:v53+s14+$0x0] =	vst.idx.msk $0xffff, v15;
	v53 =	vld [tilespmem:$0x1F940]  }
0x491: {  	v15 =	vld.idx.msk [tilespmem:v56+s11+$0x0], $0xffff;
	v55 =	vor.u32 v57, v13  }
0x492: {  	v30 =	vld.idx.msk [tilespmem:v30+s11+$0x0], $0xffff;
	v57 =	vor.u32 v37, v6  }
0x493: {  	v56 =	vld [tilespmem:$0x1F530];
	[tilespmem:v44+s14+$0x0] =	vst.idx.msk $0xffff, v31  }
0x494: {  	[tilespmem:v54+s14+$0x0] =	vst.idx.msk $0xffff, v23;
	v54 =	vld [tilespmem:$0x1F6A0]  }
0x495: {  	v23 =	vld.idx.msk [tilespmem:v41+s11+$0x0], $0xffff  }
0x496: {  	v41 =	vld [tilespmem:$0x1F690];
	[tilespmem:v55+s14+$0x0] =	vst.idx.msk $0xffff, v17  }
0x497: {  	v17 =	vld.idx.msk [tilespmem:v57+s11+$0x0], $0xffff  }
0x498: {  	v57 =	vld [tilespmem:$0x1F9E0];
	_ =	sdelay $0x1  }
0x499: {  	v31 =	vld [tilespmem:$0x1F730];
	v14 =	vor.u32 v14, v16;
	v50 =	vor.u32 v50, v2  }
0x49a: {  	v53 =	vor.u32 v53, v7;
	v55 =	vld [tilespmem:$0x1FE40]  }
0x49b: {  	v56 =	vor.u32 v56, v3  }
0x49c: {  	v41 =	vcombine.low v41, v54;
	v54 =	vor.u32 v57, v4;
	v57 =	vld [tilespmem:$0x1F7E0];
	_ =	sdelay $0x1  }
0x49d: {  	v14 =	vld.idx.msk [tilespmem:v14+s11+$0x0], $0xffff;
	[tilespmem:v50+s14+$0x0] =	vst.idx.msk $0xffff, v15  }
0x49e: {  	v46 =	vmov v31;
	v31 =	vor.u32 v10, v8;
	v15 =	vld [tilespmem:$0x1F7F0];
	[tilespmem:v53+s14+$0x0] =	vst.idx.msk $0xffff, v30;
	v44 =	vor.u32 v55, v1  }
0x49f: {  	v30 =	vld.idx.msk [tilespmem:v56+s11+$0x0], $0xffff  }
0x4a0: {  	v41 =	vor.u32 v41, v0;
	v56 =	vld [tilespmem:$0x1FAC0];
	v55 =	vor.u32 v57, v13  }
0x4a1: {  	v57 =	vor.u32 v34, v6;
	_ =	sdelay $0x1  }
0x4a2: {  	v31 =	vld.idx.msk [tilespmem:v31+s11+$0x0], $0xffff;
	[tilespmem:v44+s14+$0x0] =	vst.idx.msk $0xffff, v23  }
0x4a3: {  	[tilespmem:v54+s14+$0x0] =	vst.idx.msk $0xffff, v17  }
0x4a4: {  	v15 =	vor.u32 v15, v16;
	v53 =	vor.u32 v56, v2;
	v17 =	vld.idx.msk [tilespmem:v41+s11+$0x0], $0xffff;
	[tilespmem:v55+s14+$0x0] =	vst.idx.msk $0xffff, v14  }
0x4a5: {  	v56 =	vor.u32 v32, v7;
	v14 =	vld.idx.msk [tilespmem:v57+s11+$0x0], $0xffff  }
0x4a6: {  	v57 =	vld [tilespmem:$0x1FE50]  }
0x4a7: {  	v50 =	vcombine.low v52, v51;
	v41 =	vcombine.low v24, v25;
	v24 =	vld [tilespmem:$0x1F9F0];
	_ =	sdelay $0x1  }
0x4a8: {  	v50 =	vor.u32 v50, v3;
	v44 =	vcombine.low v35, v33;
	v15 =	vld.idx.msk [tilespmem:v15+s11+$0x0], $0xffff;
	[tilespmem:v53+s14+$0x0] =	vst.idx.msk $0xffff, v30  }
0x4a9: {  	v23 =	vor.u32 v29, v8;
	[tilespmem:v56+s14+$0x0] =	vst.idx.msk $0xffff, v31;
	v56 =	vld [tilespmem:$0x1FAD0]  }
0x4aa: {  	v44 =	vor.u32 v44, v6;
	v54 =	vor.u32 v57, v1  }
0x4ab: {  	v41 =	vor.u32 v41, v0;
	v0 =	vmovc v3;
	v3 =	vmov v6;
	v6 =	vld [tilespmem:$0x1FE60];
	v55 =	vor.u32 v24, v4  }
0x4ac: {  	v57 =	vor.u32 v49, v13  }
0x4ad: {  	v24 =	vcombine.low v36, v11;
	v31 =	vld.idx.msk [tilespmem:v50+s11+$0x0], $0xffff  }
0x4ae: {  	v30 =	vor.u32 v47, v16;
	v23 =	vld.idx.msk [tilespmem:v23+s11+$0x0], $0xffff;
	v50 =	vor.u32 v56, v2  }
0x4af: {  	v53 =	vor.u32 v9, v7;
	v56 =	vor.u32 v24, v0;
	v24 =	vld [tilespmem:$0x1FE00];
	[tilespmem:v54+s14+$0x0] =	vst.idx.msk $0xffff, v17  }
0x4b0: {  	v1 =	vor.u32 v6, v1;
	v6 =	vld [tilespmem:$0x1FA00];
	[tilespmem:v55+s14+$0x0] =	vst.idx.msk $0xffff, v14  }
0x4b1: {  	v17 =	vor.u32 v26, v8;
	v14 =	vld.idx.msk [tilespmem:v41+s11+$0x0], $0xffff;
	[tilespmem:v57+s14+$0x0] =	vst.idx.msk $0xffff, v15  }
0x4b2: {  	v15 =	vld.idx.msk [tilespmem:v44+s11+$0x0], $0xffff  }
0x4b3: {  	v30 =	vld.idx.msk [tilespmem:v30+s11+$0x0], $0xffff;
	[tilespmem:v50+s14+$0x0] =	vst.idx.msk $0xffff, v31  }
0x4b4: {  	v50 =	vor.u32 v24, v2;
	v24 =	vld [tilespmem:$0x1FDD0];
	[tilespmem:v53+s14+$0x0] =	vst.idx.msk $0xffff, v23  }
0x4b5: {  	v23 =	vld.idx.msk [tilespmem:v56+s11+$0x0], $0xffff  }
0x4b6: {  	v41 =	vor.u32 v6, v4;
	v17 =	vld.idx.msk [tilespmem:v17+s11+$0x0], $0xffff  }
0x4b7: {  	v44 =	vor.u32 v59, v13;
	[tilespmem:v1+s14+$0x0] =	vst.idx.msk $0xffff, v14;
	v1 =	vld [tilespmem:$0x1F5A0]  }
0x4b8: {  	v54 =	vor.u32 v27, v3  }
0x4b9: {  	v31 =	vor.u32 v60, v16;
	_ =	sdelay $0x1  }
0x4ba: {  	v6 =	vmov v8;
	v53 =	vor.u32 v24, v7;
	[tilespmem:v41+s14+$0x0] =	vst.idx.msk $0xffff, v15  }
0x4bb: {  	[tilespmem:v44+s14+$0x0] =	vst.idx.msk $0xffff, v30;
	v14 =	vor.u32 v1, v6;
	v1 =	vmovc v2;
	v2 =	vmov v4;
	v4 =	vmov v7;
	v7 =	vld [tilespmem:$0x1FA10]  }
0x4bc: {  	v25 =	vcombine.low v12, v46;
	v15 =	vld.idx.msk [tilespmem:v54+s11+$0x0], $0xffff  }
0x4bd: {  	v8 =	vmov v16;
	v16 =	vld.idx.msk [tilespmem:v31+s11+$0x0], $0xffff  }
0x4be: {  	v57 =	vor.u32 v25, v0;
	[tilespmem:v50+s14+$0x0] =	vst.idx.msk $0xffff, v23;
	v23 =	vld [tilespmem:$0x1FF90]  }
0x4bf: {  	v24 =	vld [tilespmem:$0x1FDE0]  }
0x4c0: {  	v30 =	vor.u32 v7, v2  }
0x4c1: {  	v31 =	vor.u32 v61, v13  }
0x4c2: {  	v41 =	vor.u32 v28, v3;
	[tilespmem:v53+s14+$0x0] =	vst.idx.msk $0xffff, v17  }
0x4c3: {  	v17 =	vld.idx.msk [tilespmem:v57+s11+$0x0], $0xffff;
	v23 =	vor.u32 v23, v1;
	v7 =	vmov v13;
	v13 =	vor.u32 v63, v8  }
0x4c4: {  	v44 =	vor.u32 v24, v4;
	v14 =	vld.idx.msk [tilespmem:v14+s11+$0x0], $0xffff  }
0x4c5: {  	[tilespmem:v30+s14+$0x0] =	vst.idx.msk $0xffff, v15  }
0x4c6: {  	[tilespmem:v31+s14+$0x0] =	vst.idx.msk $0xffff, v16  }
0x4c7: {  	v15 =	vld.idx.msk [tilespmem:v41+s11+$0x0], $0xffff  }
0x4c8: {  	v13 =	vld.idx.msk [tilespmem:v13+s11+$0x0], $0xffff;
	[tilespmem:v23+s14+$0x0] =	vst.idx.msk $0xffff, v17  }
0x4c9: {  	[tilespmem:v44+s14+$0x0] =	vst.idx.msk $0xffff, v14;
	v14 =	vld [tilespmem:$0x1FAE0];
	_ =	sdelay $0x2  }
0x4ca: {  	v56 =	vld [tilespmem:$0x1F5E0]  }
0x4cb: {  	v24 =	vld [tilespmem:$0x1F5F0]  }
0x4cc: {  	v44 =	vor.u32 v14, v1;
	v14 =	vld [tilespmem:$0x1FEE0]  }
0x4cd: {  	v16 =	vld [tilespmem:$0x1FA20];
	_ =	sdelay $0x1  }
0x4ce: {  	v50 =	vor.u32 v56, v0  }
0x4cf: {  	v57 =	vor.u32 v24, v6  }
0x4d0: {  	v53 =	vor.u32 v14, v4;
	v14 =	vld [tilespmem:$0x1F630]  }
0x4d1: {  	v16 =	vor.u32 v16, v2;
	_ =	sdelay $0x1  }
0x4d2: {  	v30 =	vor.u32 v45, v7;
	v23 =	vld.idx.msk [tilespmem:v50+s11+$0x0], $0xffff  }
0x4d3: {  	v31 =	vor.u32 v5, v3;
	v41 =	vld.idx.msk [tilespmem:v57+s11+$0x0], $0xffff  }
0x4d4: {  	v17 =	vor.u32 v40, v8;
	v54 =	vor.u32 v14, v0;
	v14 =	vld [tilespmem:$0x1F640]  }
0x4d5: {  	[tilespmem:v16+s14+$0x0] =	vst.idx.msk $0xffff, v15;
	v16 =	vld [tilespmem:$0x1FB10];
	_ =	sdelay $0x1  }
0x4d6: {  	[tilespmem:v30+s14+$0x0] =	vst.idx.msk $0xffff, v13  }
0x4d7: {  	v50 =	vld.idx.msk [tilespmem:v31+s11+$0x0], $0xffff  }
0x4d8: {  	v15 =	vld.idx.msk [tilespmem:v17+s11+$0x0], $0xffff;
	[tilespmem:v44+s14+$0x0] =	vst.idx.msk $0xffff, v23;
	v56 =	vor.u32 v14, v6  }
0x4d9: {  	[tilespmem:v53+s14+$0x0] =	vst.idx.msk $0xffff, v41;
	v41 =	vor.u32 v16, v1;
	v16 =	vld [tilespmem:$0x1F970]  }
0x4da: {  	v13 =	vld [tilespmem:$0x1FA30]  }
0x4db: {  	v14 =	vld [tilespmem:$0x1F6B0]  }
0x4dc: {  	v30 =	vld.idx.msk [tilespmem:v54+s11+$0x0], $0xffff  }
0x4dd: {  	v54 =	vld.idx.msk [tilespmem:v56+s11+$0x0], $0xffff  }
0x4de: {  	p1 =	sne.s32 s25, $0x70;
	v56 =	vor.u32 v16, v4;
	v16 =	vld [tilespmem:$0x1F6C0]  }
.Ltmp1:
0x4df: {  	_ = 	snop;
	(pc) =	sbr.rel @p1 .LBB2_5-.Ltmp1, $4  }
0x4e0: {  	_ = 	snop  }
0x4e1: {  	v17 =	vlaneseq.u32  }
0x4e2: {  	v55 =	vor.u32 v62, v7;
	v57 =	vor.u32 v43, v8;
	v44 =	vor.u32 s25, v17  }
0x4e3: {  	s25 =	sadd.s32 $0x10, s25;
	v13 =	vor.u32 v13, v2;
	v14 =	vor.u32 v14, v3;
	v31 =	vor.u32 v16, v0  }
0x4e4: {  	v25 =	vshll.u32 v44, $0x6  }
0x4e5: {  	v16 =	vor.u32 v17, v25;
	_ =	sdelay $0x3  }
0x4e6: {  	v24 =	vand.u32 $0x78, v44  }
0x4e7: {  	v23 =	vld.idx.msk [tilespmem:v16+s11+$0x0], $0xffff;
	v16 =	vor.u32 v38, v24  }
0x4e8: {  	v17 =	vor.u32 v39, v25;
	_ =	sdelay $0x3  }
0x4e9: {  	[tilespmem:v16+s14+$0x0] =	vst.idx.msk $0xffff, v23  }
0x4ea: {  	v16 =	vor.u32 v42, v24;
	v23 =	vld.idx.msk [tilespmem:v17+s11+$0x0], $0xffff  }
0x4eb: {  	v17 =	vor.u32 v58, v25;
	_ =	sdelay $0x3  }
0x4ec: {  	[tilespmem:v16+s14+$0x0] =	vst.idx.msk $0xffff, v23  }
0x4ed: {  	v16 =	vor.u32 v48, v24;
	v23 =	vld.idx.msk [tilespmem:v17+s11+$0x0], $0xffff  }
0x4ee: {  	v17 =	vld [tilespmem:$0x1F750];
	_ =	sdelay $0x3  }
0x4ef: {  	[tilespmem:v16+s14+$0x0] =	vst.idx.msk $0xffff, v23  }
0x4f0: {  	v17 =	vor.u32 v17, v25;
	v16 =	vld [tilespmem:$0x1F760];
	_ =	sdelay $0x4  }
0x4f1: {  	v23 =	vld.idx.msk [tilespmem:v17+s11+$0x0], $0xffff;
	v16 =	vor.u32 v16, v24  }
0x4f2: {  	v17 =	vld [tilespmem:$0x1F770];
	_ =	sdelay $0x3  }
0x4f3: {  	[tilespmem:v16+s14+$0x0] =	vst.idx.msk $0xffff, v23  }
0x4f4: {  	v17 =	vor.u32 v17, v25;
	v16 =	vld [tilespmem:$0x1F780];
	_ =	sdelay $0x4  }
0x4f5: {  	v23 =	vld.idx.msk [tilespmem:v17+s11+$0x0], $0xffff;
	v16 =	vor.u32 v16, v24  }
0x4f6: {  	v17 =	vld [tilespmem:$0x1F790];
	_ =	sdelay $0x3  }
0x4f7: {  	[tilespmem:v16+s14+$0x0] =	vst.idx.msk $0xffff, v23  }
0x4f8: {  	v17 =	vor.u32 v17, v25;
	v16 =	vld [tilespmem:$0x1F7A0];
	_ =	sdelay $0x4  }
0x4f9: {  	v23 =	vld.idx.msk [tilespmem:v17+s11+$0x0], $0xffff;
	v16 =	vor.u32 v16, v24  }
0x4fa: {  	v10 =	vld [tilespmem:$0x1F7B0];
	_ =	sdelay $0x3  }
0x4fb: {  	[tilespmem:v16+s14+$0x0] =	vst.idx.msk $0xffff, v23  }
0x4fc: {  	v17 =	vor.u32 v10, v25;
	v38 =	vld [tilespmem:$0x1F7C0];
	_ =	sdelay $0x4  }
0x4fd: {  	v18 =	vld.idx.msk [tilespmem:v17+s11+$0x0], $0xffff;
	v16 =	vor.u32 v38, v24  }
0x4fe: {  	v39 =	vld [tilespmem:$0x1F7D0];
	_ =	sdelay $0x3  }
0x4ff: {  	[tilespmem:v16+s14+$0x0] =	vst.idx.msk $0xffff, v18  }
0x500: {  	v17 =	vor.u32 v39, v25;
	v42 =	vld [tilespmem:$0x1F7E0]  }
0x501: {  	v5 =	vld [tilespmem:$0x1F7F0];
	_ =	sdelay $0x3  }
0x502: {  	v18 =	vld.idx.msk [tilespmem:v17+s11+$0x0], $0xffff;
	v16 =	vor.u32 v42, v24  }
0x503: {  	v17 =	vor.u32 v5, v25;
	_ =	sdelay $0x3  }
0x504: {  	[tilespmem:v16+s14+$0x0] =	vst.idx.msk $0xffff, v18  }
0x505: {  	v16 =	vor.u32 v49, v24;
	v5 =	vld.idx.msk [tilespmem:v17+s11+$0x0], $0xffff  }
0x506: {  	v17 =	vor.u32 v47, v25;
	_ =	sdelay $0x3  }
0x507: {  	[tilespmem:v16+s14+$0x0] =	vst.idx.msk $0xffff, v5  }
0x508: {  	v16 =	vor.u32 v59, v24;
	v5 =	vld.idx.msk [tilespmem:v17+s11+$0x0], $0xffff  }
0x509: {  	v17 =	vor.u32 v60, v25;
	_ =	sdelay $0x3  }
0x50a: {  	[tilespmem:v16+s14+$0x0] =	vst.idx.msk $0xffff, v5  }
0x50b: {  	v16 =	vor.u32 v61, v24;
	v5 =	vld.idx.msk [tilespmem:v17+s11+$0x0], $0xffff  }
0x50c: {  	v17 =	vor.u32 v63, v25;
	_ =	sdelay $0x3  }
0x50d: {  	[tilespmem:v16+s14+$0x0] =	vst.idx.msk $0xffff, v5  }
0x50e: {  	v16 =	vor.u32 v45, v24;
	v5 =	vld.idx.msk [tilespmem:v17+s11+$0x0], $0xffff  }
0x50f: {  	v17 =	vor.u32 v40, v25;
	_ =	sdelay $0x3  }
0x510: {  	[tilespmem:v16+s14+$0x0] =	vst.idx.msk $0xffff, v5  }
0x511: {  	[tilespmem:v55+s14+$0x0] =	vst.idx.msk $0xffff, v15;
	v16 =	vor.u32 v62, v24;
	v5 =	vld.idx.msk [tilespmem:v17+s11+$0x0], $0xffff  }
0x512: {  	v15 =	vld.idx.msk [tilespmem:v57+s11+$0x0], $0xffff;
	v45 =	vor.u32 v21, v7;
	v17 =	vor.u32 v43, v25  }
0x513: {  	v47 =	vor.u32 v19, v8;
	_ =	sdelay $0x2  }
0x514: {  	v44 =	vmov v21;
	[tilespmem:v16+s14+$0x0] =	vst.idx.msk $0xffff, v5  }
0x515: {  	[tilespmem:v45+s14+$0x0] =	vst.idx.msk $0xffff, v15;
	v16 =	vld.idx.msk [tilespmem:v17+s11+$0x0], $0xffff;
	v17 =	vor.u32 v44, v24  }
0x516: {  	v19 =	vor.u32 v19, v25;
	v15 =	vor.u32 v22, v7;
	v5 =	vld.idx.msk [tilespmem:v47+s11+$0x0], $0xffff;
	_ =	sdelay $0x3  }
0x517: {  	[tilespmem:v17+s14+$0x0] =	vst.idx.msk $0xffff, v16  }
0x518: {  	[tilespmem:v15+s14+$0x0] =	vst.idx.msk $0xffff, v5;
	v17 =	vld.idx.msk [tilespmem:v19+s11+$0x0], $0xffff  }
0x519: {  	v49 =	vor.u32 v22, v24;
	v16 =	vor.u32 v20, v8;
	v18 =	vld [tilespmem:$0x1F800];
	_ =	sdelay $0x2  }
0x51a: {  	v48 =	vmov v20  }
0x51b: {  	v19 =	vor.u32 v48, v25  }
0x51c: {  	v5 =	vld.idx.msk [tilespmem:v16+s11+$0x0], $0xffff;
	v15 =	vor.u32 v18, v7;
	[tilespmem:v49+s14+$0x0] =	vst.idx.msk $0xffff, v17  }
0x51d: {  	v53 =	vld [tilespmem:$0x1FD80];
	_ =	sdelay $0x2  }
0x51e: {  	v55 =	vor.u32 v18, v24;
	v17 =	vld.idx.msk [tilespmem:v19+s11+$0x0], $0xffff  }
0x51f: {  	[tilespmem:v15+s14+$0x0] =	vst.idx.msk $0xffff, v5  }
0x520: {  	v16 =	vor.u32 v53, v8;
	v59 =	vld [tilespmem:$0x1F810];
	_ =	sdelay $0x2  }
0x521: {  	[tilespmem:v55+s14+$0x0] =	vst.idx.msk $0xffff, v17  }
0x522: {  	v57 =	vld [tilespmem:$0x1FDB0]  }
0x523: {  	v19 =	vor.u32 v53, v25;
	v5 =	vld.idx.msk [tilespmem:v16+s11+$0x0], $0xffff;
	v15 =	vor.u32 v59, v7;
	_ =	sdelay $0x4  }
0x524: {  	v17 =	vld.idx.msk [tilespmem:v19+s11+$0x0], $0xffff;
	v58 =	vor.u32 v59, v24;
	v16 =	vor.u32 v57, v8;
	[tilespmem:v15+s14+$0x0] =	vst.idx.msk $0xffff, v5  }
0x525: {  	v49 =	vld [tilespmem:$0x1F820];
	_ =	sdelay $0x1  }
0x526: {  	v19 =	vor.u32 v57, v25;
	_ =	sdelay $0x1  }
0x527: {  	v5 =	vld.idx.msk [tilespmem:v16+s11+$0x0], $0xffff;
	[tilespmem:v58+s14+$0x0] =	vst.idx.msk $0xffff, v17  }
0x528: {  	v18 =	vld [tilespmem:$0x1F480];
	v15 =	vor.u32 v49, v7;
	_ =	sdelay $0x1  }
0x529: {  	v17 =	vld.idx.msk [tilespmem:v19+s11+$0x0], $0xffff;
	v60 =	vor.u32 v49, v24;
	_ =	sdelay $0x2  }
0x52a: {  	v16 =	vor.u32 v18, v8;
	[tilespmem:v15+s14+$0x0] =	vst.idx.msk $0xffff, v5  }
0x52b: {  	v19 =	vor.u32 v18, v25;
	v61 =	vld [tilespmem:$0x1F870]  }
0x52c: {  	[tilespmem:v60+s14+$0x0] =	vst.idx.msk $0xffff, v17  }
0x52d: {  	v20 =	vld [tilespmem:$0x1F4D0];
	_ =	sdelay $0x1  }
0x52e: {  	v5 =	vld.idx.msk [tilespmem:v16+s11+$0x0], $0xffff  }
0x52f: {  	v17 =	vld.idx.msk [tilespmem:v19+s11+$0x0], $0xffff;
	v15 =	vor.u32 v61, v7  }
0x530: {  	v62 =	vld [tilespmem:$0x1F8E0]  }
0x531: {  	v10 =	vld [tilespmem:$0x1F8F0];
	v18 =	vor.u32 v61, v24;
	v16 =	vor.u32 v20, v8  }
0x532: {  	v34 =	vld [tilespmem:$0x1F900];
	v19 =	vor.u32 v20, v25  }
0x533: {  	v37 =	vld [tilespmem:$0x1F930]  }
0x534: {  	[tilespmem:v15+s14+$0x0] =	vst.idx.msk $0xffff, v5  }
0x535: {  	v61 =	vld [tilespmem:$0x1F8C0]  }
0x536: {  	v5 =	vld.idx.msk [tilespmem:v16+s11+$0x0], $0xffff;
	[tilespmem:v18+s14+$0x0] =	vst.idx.msk $0xffff, v17  }
0x537: {  	v17 =	vld.idx.msk [tilespmem:v19+s11+$0x0], $0xffff  }
0x538: {  	v20 =	vsel vm0, v10, v62;
	v21 =	vsel vm0, v37, v34;
	v38 =	vld [tilespmem:$0x1FD50]  }
0x539: {  	v22 =	vcombine.low v21, v20;
	v39 =	vld [tilespmem:$0x1FD60]  }
0x53a: {  	v40 =	vld [tilespmem:$0x1FD40];
	v15 =	vor.u32 v61, v7  }
0x53b: {  	v63 =	vmov v24;
	v16 =	vor.u32 v22, v8;
	v18 =	vor.u32 v61, v24;
	v24 =	vld [tilespmem:$0x1FD70];
	_ =	sdelay $0x1  }
0x53c: {  	v19 =	vor.u32 v22, v25  }
0x53d: {  	[tilespmem:$0x1F0D0] =	vst v22  }
0x53e: {  	[tilespmem:v15+s14+$0x0] =	vst.idx.msk $0xffff, v5  }
0x53f: {  	v22 =	vsel vm0, v39, v38;
	v23 =	vsel vm0, v40, v24;
	[tilespmem:v18+s14+$0x0] =	vst.idx.msk $0xffff, v17;
	v5 =	vld.idx.msk [tilespmem:v16+s11+$0x0], $0xffff  }
0x540: {  	v24 =	vcombine.low v23, v22;
	v43 =	vld [tilespmem:$0x1F940]  }
0x541: {  	v17 =	vld.idx.msk [tilespmem:v19+s11+$0x0], $0xffff  }
0x542: {  	v16 =	vor.u32 v24, v8;
	[tilespmem:$0x1F0E0] =	vst v24;
	v19 =	vor.u32 v24, v25;
	v24 =	vld [tilespmem:$0x1F840]  }
0x543: {  	v42 =	vmov v25;
	v25 =	vld [tilespmem:$0x1F850];
	_ =	sdelay $0x3  }
0x544: {  	v26 =	vld [tilespmem:$0x1F860];
	v15 =	vor.u32 v43, v7  }
0x545: {  	v18 =	vor.u32 v43, v63;
	v24 =	vsel vm0, v25, v24;
	v25 =	vld [tilespmem:$0x1F830];
	_ =	sdelay $0x3  }
0x546: {  	[tilespmem:v15+s14+$0x0] =	vst.idx.msk $0xffff, v5  }
0x547: {  	[tilespmem:v18+s14+$0x0] =	vst.idx.msk $0xffff, v17;
	v5 =	vld.idx.msk [tilespmem:v16+s11+$0x0], $0xffff;
	v25 =	vsel vm0, v25, v26  }
0x548: {  	v16 =	vld.idx.msk [tilespmem:v19+s11+$0x0], $0xffff;
	v26 =	vcombine.low v25, v24  }
0x549: {  	v27 =	vld [tilespmem:$0x1F8A0]  }
0x54a: {  	v17 =	vor.u32 v26, v8;
	[tilespmem:$0x1F0F0] =	vst v26;
	v19 =	vor.u32 v26, v42;
	v26 =	vld [tilespmem:$0x1F890];
	_ =	sdelay $0x2  }
0x54b: {  	v15 =	vor.u32 v32, v7  }
0x54c: {  	v18 =	vor.u32 v32, v63;
	v28 =	vld [tilespmem:$0x1F8B0]  }
0x54d: {  	v26 =	vsel vm0, v27, v26;
	v27 =	vld [tilespmem:$0x1F880];
	_ =	sdelay $0x2  }
0x54e: {  	[tilespmem:v15+s14+$0x0] =	vst.idx.msk $0xffff, v5  }
0x54f: {  	[tilespmem:v18+s14+$0x0] =	vst.idx.msk $0xffff, v16;
	v15 =	vor.u32 v9, v7;
	v5 =	vld.idx.msk [tilespmem:v17+s11+$0x0], $0xffff  }
0x550: {  	v18 =	vor.u32 v9, v63;
	v16 =	vld.idx.msk [tilespmem:v19+s11+$0x0], $0xffff;
	v27 =	vsel vm0, v27, v28  }
0x551: {  	v28 =	vcombine.low v27, v26;
	_ =	sdelay $0x1  }
0x552: {  	[tilespmem:$0x1F100] =	vst v28  }
0x553: {  	[tilespmem:v15+s14+$0x0] =	vst.idx.msk $0xffff, v5  }
0x554: {  	v17 =	vor.u32 v28, v8;
	[tilespmem:v18+s14+$0x0] =	vst.idx.msk $0xffff, v16  }
0x555: {  	v19 =	vor.u32 v28, v42;
	v44 =	vld [tilespmem:$0x1FDD0];
	_ =	sdelay $0x3  }
0x556: {  	v5 =	vld.idx.msk [tilespmem:v17+s11+$0x0], $0xffff  }
0x557: {  	v16 =	vld.idx.msk [tilespmem:v19+s11+$0x0], $0xffff;
	v15 =	vor.u32 v44, v7  }
0x558: {  	v19 =	vld [tilespmem:$0x1F5A0];
	v18 =	vor.u32 v44, v63;
	_ =	sdelay $0x3  }
0x559: {  	[tilespmem:v15+s14+$0x0] =	vst.idx.msk $0xffff, v5  }
0x55a: {  	v17 =	vor.u32 v19, v8;
	[tilespmem:v18+s14+$0x0] =	vst.idx.msk $0xffff, v16  }
0x55b: {  	v19 =	vor.u32 v19, v42;
	v45 =	vld [tilespmem:$0x1FDE0];
	_ =	sdelay $0x3  }
0x55c: {  	v5 =	vld.idx.msk [tilespmem:v17+s11+$0x0], $0xffff  }
0x55d: {  	v16 =	vld.idx.msk [tilespmem:v19+s11+$0x0], $0xffff;
	v15 =	vor.u32 v45, v7  }
0x55e: {  	v19 =	vld [tilespmem:$0x1F5F0];
	v18 =	vor.u32 v45, v63;
	_ =	sdelay $0x3  }
0x55f: {  	[tilespmem:v15+s14+$0x0] =	vst.idx.msk $0xffff, v5  }
0x560: {  	v17 =	vor.u32 v19, v8;
	[tilespmem:v18+s14+$0x0] =	vst.idx.msk $0xffff, v16  }
0x561: {  	v19 =	vor.u32 v19, v42;
	v47 =	vld [tilespmem:$0x1FEE0];
	_ =	sdelay $0x3  }
0x562: {  	v5 =	vld.idx.msk [tilespmem:v17+s11+$0x0], $0xffff  }
0x563: {  	v16 =	vld.idx.msk [tilespmem:v19+s11+$0x0], $0xffff;
	v15 =	vor.u32 v47, v7  }
0x564: {  	v19 =	vld [tilespmem:$0x1F640];
	v18 =	vor.u32 v47, v63;
	_ =	sdelay $0x3  }
0x565: {  	[tilespmem:v15+s14+$0x0] =	vst.idx.msk $0xffff, v5  }
0x566: {  	v17 =	vor.u32 v19, v8;
	[tilespmem:v18+s14+$0x0] =	vst.idx.msk $0xffff, v16  }
0x567: {  	v53 =	vld [tilespmem:$0x1F970];
	_ =	sdelay $0x3  }
0x568: {  	v5 =	vld.idx.msk [tilespmem:v17+s11+$0x0], $0xffff  }
0x569: {  	v19 =	vor.u32 v19, v42;
	v48 =	vld [tilespmem:$0x1F370];
	v16 =	vor.u32 v53, v7;
	_ =	sdelay $0x3  }
0x56a: {  	[tilespmem:v56+s14+$0x0] =	vst.idx.msk $0xffff, v54  }
0x56b: {  	v17 =	vld.idx.msk [tilespmem:v19+s11+$0x0], $0xffff;
	v15 =	vor.u32 v48, v6;
	[tilespmem:v16+s14+$0x0] =	vst.idx.msk $0xffff, v5  }
0x56c: {  	v18 =	vor.u32 v48, v8;
	v19 =	vor.u32 v53, v63;
	v56 =	vld [tilespmem:$0x1FFD0];
	_ =	sdelay $0x3  }
0x56d: {  	v28 =	vor.u32 v48, v42;
	v55 =	vld.idx.msk [tilespmem:v15+s11+$0x0], $0xffff  }
0x56e: {  	[tilespmem:v19+s14+$0x0] =	vst.idx.msk $0xffff, v17;
	v17 =	vld.idx.msk [tilespmem:v18+s11+$0x0], $0xffff;
	v15 =	vor.u32 v56, v4  }
0x56f: {  	v16 =	vld [tilespmem:$0x1F3B0];
	v18 =	vor.u32 v56, v7  }
0x570: {  	v54 =	vcombine.low v20, v21;
	_ =	sdelay $0x1  }
0x571: {  	v19 =	vld.idx.msk [tilespmem:v28+s11+$0x0], $0xffff;
	[tilespmem:$0x1F110] =	vst v54  }
0x572: {  	[tilespmem:v15+s14+$0x0] =	vst.idx.msk $0xffff, v55  }
0x573: {  	v16 =	vor.u32 v16, v6;
	[tilespmem:v18+s14+$0x0] =	vst.idx.msk $0xffff, v17  }
0x574: {  	v20 =	vor.u32 v54, v8;
	v57 =	vor.u32 v56, v63;
	v60 =	vld [tilespmem:$0x1F990];
	_ =	sdelay $0x3  }
0x575: {  	v28 =	vor.u32 v54, v42;
	v5 =	vld.idx.msk [tilespmem:v16+s11+$0x0], $0xffff  }
0x576: {  	[tilespmem:v57+s14+$0x0] =	vst.idx.msk $0xffff, v19;
	v17 =	vld.idx.msk [tilespmem:v20+s11+$0x0], $0xffff;
	v15 =	vor.u32 v60, v4  }
0x577: {  	v16 =	vld [tilespmem:$0x1F3F0];
	v18 =	vor.u32 v60, v7  }
0x578: {  	v58 =	vcombine.low v22, v23;
	_ =	sdelay $0x1  }
0x579: {  	v19 =	vld.idx.msk [tilespmem:v28+s11+$0x0], $0xffff;
	[tilespmem:$0x1F120] =	vst v58  }
0x57a: {  	[tilespmem:v15+s14+$0x0] =	vst.idx.msk $0xffff, v5  }
0x57b: {  	v16 =	vor.u32 v16, v6;
	[tilespmem:v18+s14+$0x0] =	vst.idx.msk $0xffff, v17  }
0x57c: {  	v62 =	vor.u32 v58, v8;
	v32 =	vor.u32 v60, v63;
	v37 =	vld [tilespmem:$0x1F9A0];
	_ =	sdelay $0x3  }
0x57d: {  	v22 =	vor.u32 v58, v42;
	v5 =	vld.idx.msk [tilespmem:v16+s11+$0x0], $0xffff  }
0x57e: {  	[tilespmem:v32+s14+$0x0] =	vst.idx.msk $0xffff, v19;
	v17 =	vld.idx.msk [tilespmem:v62+s11+$0x0], $0xffff;
	v15 =	vor.u32 v37, v4  }
0x57f: {  	v16 =	vld [tilespmem:$0x1F430];
	v18 =	vor.u32 v37, v7  }
0x580: {  	v34 =	vcombine.low v24, v25;
	_ =	sdelay $0x1  }
0x581: {  	v19 =	vld.idx.msk [tilespmem:v22+s11+$0x0], $0xffff;
	[tilespmem:$0x1F130] =	vst v34  }
0x582: {  	[tilespmem:v15+s14+$0x0] =	vst.idx.msk $0xffff, v5  }
0x583: {  	v16 =	vor.u32 v16, v6;
	[tilespmem:v18+s14+$0x0] =	vst.idx.msk $0xffff, v17  }
0x584: {  	v43 =	vld [tilespmem:$0x1F9B0];
	_ =	sdelay $0x2  }
0x585: {  	v38 =	vor.u32 v34, v8;
	v39 =	vor.u32 v37, v63  }
0x586: {  	v40 =	vor.u32 v34, v42;
	v5 =	vld.idx.msk [tilespmem:v16+s11+$0x0], $0xffff  }
0x587: {  	v16 =	vld [tilespmem:$0x1F440];
	v15 =	vor.u32 v43, v4;
	_ =	sdelay $0x1  }
0x588: {  	v44 =	vcombine.low v26, v27  }
0x589: {  	v17 =	vld.idx.msk [tilespmem:v38+s11+$0x0], $0xffff;
	[tilespmem:v39+s14+$0x0] =	vst.idx.msk $0xffff, v19  }
0x58a: {  	v45 =	vld.idx.msk [tilespmem:v40+s11+$0x0], $0xffff;
	[tilespmem:$0x1F140] =	vst v44  }
0x58b: {  	v16 =	vor.u32 v16, v6;
	v18 =	vor.u32 v43, v7;
	[tilespmem:v15+s14+$0x0] =	vst.idx.msk $0xffff, v5  }
0x58c: {  	v53 =	vld [tilespmem:$0x1F9C0]  }
0x58d: {  	v19 =	vor.u32 v44, v8;
	v47 =	vor.u32 v43, v63;
	_ =	sdelay $0x2  }
0x58e: {  	v5 =	vld.idx.msk [tilespmem:v16+s11+$0x0], $0xffff;
	[tilespmem:v18+s14+$0x0] =	vst.idx.msk $0xffff, v17  }
0x58f: {  	v54 =	vld [tilespmem:$0x1F490];
	v15 =	vor.u32 v53, v4  }
0x590: {  	v48 =	vor.u32 v44, v42;
	v17 =	vld.idx.msk [tilespmem:v19+s11+$0x0], $0xffff;
	[tilespmem:v47+s14+$0x0] =	vst.idx.msk $0xffff, v45;
	v18 =	vor.u32 v53, v7  }
0x591: {  	v9 =	vld [tilespmem:$0x1FB40]  }
0x592: {  	v29 =	vld [tilespmem:$0x1FB50]  }
0x593: {  	v32 =	vld [tilespmem:$0x1FB60]  }
0x594: {  	v34 =	vld [tilespmem:$0x1FB70];
	[tilespmem:v15+s14+$0x0] =	vst.idx.msk $0xffff, v5  }
0x595: {  	v20 =	vld.idx.msk [tilespmem:v48+s11+$0x0], $0xffff;
	v16 =	vor.u32 v54, v6;
	[tilespmem:v18+s14+$0x0] =	vst.idx.msk $0xffff, v17  }
0x596: {  	v55 =	vor.u32 v53, v63;
	v19 =	vor.u32 v54, v8;
	v57 =	vld [tilespmem:$0x1FEF0]  }
0x597: {  	v56 =	vor.u32 v54, v42;
	_ =	sdelay $0x2  }
0x598: {  	v5 =	vld.idx.msk [tilespmem:v16+s11+$0x0], $0xffff  }
0x599: {  	[tilespmem:v55+s14+$0x0] =	vst.idx.msk $0xffff, v20;
	v17 =	vld.idx.msk [tilespmem:v19+s11+$0x0], $0xffff;
	v15 =	vor.u32 v57, v4  }
0x59a: {  	v23 =	vsel vm0, v29, v9;
	v24 =	vsel vm0, v34, v32;
	v19 =	vld.idx.msk [tilespmem:v56+s11+$0x0], $0xffff;
	v18 =	vor.u32 v57, v7  }
0x59b: {  	v25 =	vcombine.low v24, v23;
	v37 =	vld [tilespmem:$0x1FB80]  }
0x59c: {  	v38 =	vld [tilespmem:$0x1FB90]  }
0x59d: {  	[tilespmem:$0x1F150] =	vst v25;
	v43 =	vld [tilespmem:$0x1FBA0]  }
0x59e: {  	v44 =	vld [tilespmem:$0x1FBB0];
	[tilespmem:v15+s14+$0x0] =	vst.idx.msk $0xffff, v5  }
0x59f: {  	v16 =	vor.u32 v25, v6;
	[tilespmem:v18+s14+$0x0] =	vst.idx.msk $0xffff, v17  }
0x5a0: {  	v58 =	vor.u32 v25, v8;
	v60 =	vor.u32 v57, v63;
	v28 =	vld [tilespmem:$0x1F9D0]  }
0x5a1: {  	v62 =	vor.u32 v25, v42;
	_ =	sdelay $0x2  }
0x5a2: {  	v5 =	vld.idx.msk [tilespmem:v16+s11+$0x0], $0xffff  }
0x5a3: {  	[tilespmem:v60+s14+$0x0] =	vst.idx.msk $0xffff, v19;
	v16 =	vld.idx.msk [tilespmem:v58+s11+$0x0], $0xffff;
	v15 =	vor.u32 v28, v4  }
0x5a4: {  	v25 =	vsel vm0, v38, v37;
	v26 =	vsel vm0, v44, v43;
	v19 =	vld.idx.msk [tilespmem:v62+s11+$0x0], $0xffff;
	v18 =	vor.u32 v28, v7  }
0x5a5: {  	v27 =	vcombine.low v26, v25;
	v48 =	vld [tilespmem:$0x1FBC0]  }
0x5a6: {  	v55 =	vld [tilespmem:$0x1FBD0]  }
0x5a7: {  	[tilespmem:$0x1F160] =	vst v27;
	v56 =	vld [tilespmem:$0x1FBE0]  }
0x5a8: {  	v57 =	vld [tilespmem:$0x1FBF0];
	[tilespmem:v15+s14+$0x0] =	vst.idx.msk $0xffff, v5  }
0x5a9: {  	[tilespmem:v18+s14+$0x0] =	vst.idx.msk $0xffff, v16  }
0x5aa: {  	v17 =	vor.u32 v27, v6;
	v60 =	vld [tilespmem:$0x1F9E0];
	_ =	sdelay $0x1  }
0x5ab: {  	v10 =	vor.u32 v27, v8  }
0x5ac: {  	v45 =	vor.u32 v28, v63  }
0x5ad: {  	v47 =	vor.u32 v27, v42  }
0x5ae: {  	v5 =	vld.idx.msk [tilespmem:v17+s11+$0x0], $0xffff;
	v15 =	vor.u32 v60, v4  }
0x5af: {  	v27 =	vsel vm0, v55, v48;
	v28 =	vsel vm0, v57, v56  }
0x5b0: {  	v58 =	vcombine.low v28, v27;
	v16 =	vld.idx.msk [tilespmem:v10+s11+$0x0], $0xffff;
	v18 =	vor.u32 v60, v7  }
0x5b1: {  	[tilespmem:v45+s14+$0x0] =	vst.idx.msk $0xffff, v19  }
0x5b2: {  	v19 =	vld.idx.msk [tilespmem:v47+s11+$0x0], $0xffff;
	[tilespmem:$0x1F170] =	vst v58  }
0x5b3: {  	[tilespmem:v15+s14+$0x0] =	vst.idx.msk $0xffff, v5  }
0x5b4: {  	v53 =	vld [tilespmem:$0x1F6F0]  }
0x5b5: {  	v54 =	vld [tilespmem:$0x1F700];
	[tilespmem:v18+s14+$0x0] =	vst.idx.msk $0xffff, v16  }
0x5b6: {  	v62 =	vor.u32 v58, v8;
	v17 =	vor.u32 v58, v6;
	v45 =	vor.u32 v58, v42;
	v58 =	vld [tilespmem:$0x1F9F0];
	_ =	sdelay $0x2  }
0x5b7: {  	v10 =	vor.u32 v60, v63;
	_ =	sdelay $0x1  }
0x5b8: {  	v5 =	vld.idx.msk [tilespmem:v17+s11+$0x0], $0xffff;
	v15 =	vor.u32 v58, v4  }
0x5b9: {  	v16 =	vld.idx.msk [tilespmem:v62+s11+$0x0], $0xffff;
	v18 =	vor.u32 v58, v7  }
0x5ba: {  	v47 =	vcombine.low v54, v53  }
0x5bb: {  	[tilespmem:v10+s14+$0x0] =	vst.idx.msk $0xffff, v19  }
0x5bc: {  	v19 =	vld.idx.msk [tilespmem:v45+s11+$0x0], $0xffff;
	[tilespmem:$0x1F180] =	vst v47  }
0x5bd: {  	[tilespmem:v15+s14+$0x0] =	vst.idx.msk $0xffff, v5  }
0x5be: {  	[tilespmem:v18+s14+$0x0] =	vst.idx.msk $0xffff, v16  }
0x5bf: {  	v62 =	vor.u32 v58, v63;
	v17 =	vor.u32 v47, v6;
	v58 =	vld [tilespmem:$0x1FA00]  }
0x5c0: {  	v60 =	vor.u32 v47, v8;
	_ =	sdelay $0x2  }
0x5c1: {  	v40 =	vor.u32 v47, v42  }
0x5c2: {  	v5 =	vld.idx.msk [tilespmem:v17+s11+$0x0], $0xffff;
	v15 =	vor.u32 v58, v4  }
0x5c3: {  	v29 =	vsel vm0, v32, v29;
	v45 =	vsel vm0, v9, v34;
	v16 =	vld.idx.msk [tilespmem:v60+s11+$0x0], $0xffff;
	v18 =	vor.u32 v58, v7  }
0x5c4: {  	v32 =	vcombine.low v45, v29  }
0x5c5: {  	[tilespmem:v62+s14+$0x0] =	vst.idx.msk $0xffff, v19  }
0x5c6: {  	v21 =	vld.idx.msk [tilespmem:v40+s11+$0x0], $0xffff;
	[tilespmem:$0x1F190] =	vst v32  }
0x5c7: {  	[tilespmem:v15+s14+$0x0] =	vst.idx.msk $0xffff, v5  }
0x5c8: {  	[tilespmem:v18+s14+$0x0] =	vst.idx.msk $0xffff, v16  }
0x5c9: {  	v17 =	vor.u32 v32, v6;
	v47 =	vld [tilespmem:$0x1FA10]  }
0x5ca: {  	v60 =	vor.u32 v32, v8;
	v62 =	vor.u32 v58, v63;
	_ =	sdelay $0x2  }
0x5cb: {  	v32 =	vor.u32 v32, v42  }
0x5cc: {  	v20 =	vsel vm0, v37, v44;
	v15 =	vld.idx.msk [tilespmem:v17+s11+$0x0], $0xffff;
	v17 =	vor.u32 v47, v4  }
0x5cd: {  	v19 =	vsel vm0, v43, v38;
	[tilespmem:v62+s14+$0x0] =	vst.idx.msk $0xffff, v21;
	v21 =	vld.idx.msk [tilespmem:v60+s11+$0x0], $0xffff;
	v60 =	vor.u32 v47, v7  }
0x5ce: {  	v34 =	vcombine.low v20, v19;
	_ =	sdelay $0x1  }
0x5cf: {  	v40 =	vld.idx.msk [tilespmem:v32+s11+$0x0], $0xffff;
	[tilespmem:$0x1F1A0] =	vst v34  }
0x5d0: {  	[tilespmem:v17+s14+$0x0] =	vst.idx.msk $0xffff, v15  }
0x5d1: {  	[tilespmem:v60+s14+$0x0] =	vst.idx.msk $0xffff, v21  }
0x5d2: {  	v58 =	vor.u32 v34, v6;
	v16 =	vsel vm0, v56, v55;
	v56 =	vld [tilespmem:$0x1FA20]  }
0x5d3: {  	v62 =	vor.u32 v34, v8;
	_ =	sdelay $0x1  }
0x5d4: {  	v32 =	vor.u32 v47, v63  }
0x5d5: {  	v34 =	vor.u32 v34, v42  }
0x5d6: {  	v15 =	vld.idx.msk [tilespmem:v58+s11+$0x0], $0xffff;
	v17 =	vor.u32 v56, v4  }
0x5d7: {  	v18 =	vsel vm0, v48, v57;
	v21 =	vld.idx.msk [tilespmem:v62+s11+$0x0], $0xffff;
	v58 =	vor.u32 v56, v7  }
0x5d8: {  	v55 =	vcombine.low v18, v16  }
0x5d9: {  	[tilespmem:v32+s14+$0x0] =	vst.idx.msk $0xffff, v40  }
0x5da: {  	v40 =	vld.idx.msk [tilespmem:v34+s11+$0x0], $0xffff;
	[tilespmem:$0x1F1B0] =	vst v55  }
0x5db: {  	[tilespmem:v17+s14+$0x0] =	vst.idx.msk $0xffff, v15  }
0x5dc: {  	[tilespmem:v58+s14+$0x0] =	vst.idx.msk $0xffff, v21  }
0x5dd: {  	v57 =	vor.u32 v55, v6;
	v10 =	vld [tilespmem:$0x1FA30]  }
0x5de: {  	v62 =	vor.u32 v56, v63;
	_ =	sdelay $0x3  }
0x5df: {  	v60 =	vor.u32 v55, v8;
	v15 =	vld.idx.msk [tilespmem:v57+s11+$0x0], $0xffff;
	v17 =	vor.u32 v10, v4  }
0x5e0: {  	[tilespmem:v62+s14+$0x0] =	vst.idx.msk $0xffff, v40  }
0x5e1: {  	v32 =	vld [tilespmem:$0x1F6B0];
	_ =	sdelay $0x1  }
0x5e2: {  	v9 =	vor.u32 v55, v42;
	[tilespmem:v13+s14+$0x0] =	vst.idx.msk $0xffff, v50  }
0x5e3: {  	v21 =	vld.idx.msk [tilespmem:v60+s11+$0x0], $0xffff;
	[tilespmem:v17+s14+$0x0] =	vst.idx.msk $0xffff, v15  }
0x5e4: {  	v60 =	vld [tilespmem:$0x1FA40]  }
0x5e5: {  	v37 =	vor.u32 v10, v7;
	v34 =	vor.u32 v32, v6;
	_ =	sdelay $0x1  }
0x5e6: {  	v39 =	vld.idx.msk [tilespmem:v9+s11+$0x0], $0xffff;
	v56 =	vor.u32 v10, v63;
	v55 =	vor.u32 v32, v8  }
0x5e7: {  	v57 =	vor.u32 v32, v42  }
0x5e8: {  	v13 =	vld.idx.msk [tilespmem:v14+s11+$0x0], $0xffff;
	v14 =	vor.u32 v60, v2  }
0x5e9: {  	[tilespmem:v37+s14+$0x0] =	vst.idx.msk $0xffff, v21;
	v17 =	vld.idx.msk [tilespmem:v34+s11+$0x0], $0xffff;
	v9 =	vor.u32 v60, v4  }
0x5ea: {  	v58 =	vcombine.low v23, v24;
	v62 =	vld [tilespmem:$0x1F3A0]  }
0x5eb: {  	[tilespmem:v56+s14+$0x0] =	vst.idx.msk $0xffff, v39;
	v32 =	vld.idx.msk [tilespmem:v55+s11+$0x0], $0xffff  }
0x5ec: {  	v43 =	vld.idx.msk [tilespmem:v57+s11+$0x0], $0xffff;
	[tilespmem:$0x1F1C0] =	vst v58  }
0x5ed: {  	[tilespmem:v14+s14+$0x0] =	vst.idx.msk $0xffff, v13  }
0x5ee: {  	[tilespmem:v9+s14+$0x0] =	vst.idx.msk $0xffff, v17  }
0x5ef: {  	v15 =	vor.u32 v62, v3;
	v39 =	vld [tilespmem:$0x1FA50]  }
0x5f0: {  	v23 =	vor.u32 v58, v6;
	v24 =	vor.u32 v60, v7;
	_ =	sdelay $0x2  }
0x5f1: {  	v37 =	vor.u32 v60, v63  }
0x5f2: {  	v13 =	vld.idx.msk [tilespmem:v15+s11+$0x0], $0xffff;
	v14 =	vor.u32 v39, v2  }
0x5f3: {  	[tilespmem:v24+s14+$0x0] =	vst.idx.msk $0xffff, v32;
	v17 =	vld.idx.msk [tilespmem:v23+s11+$0x0], $0xffff;
	v55 =	vor.u32 v39, v4  }
0x5f4: {  	v40 =	vld [tilespmem:$0x1F3E0]  }
0x5f5: {  	v34 =	vor.u32 v58, v8  }
0x5f6: {  	[tilespmem:v37+s14+$0x0] =	vst.idx.msk $0xffff, v43  }
0x5f7: {  	v38 =	vor.u32 v58, v42;
	[tilespmem:v14+s14+$0x0] =	vst.idx.msk $0xffff, v13  }
0x5f8: {  	v50 =	vcombine.low v25, v26;
	[tilespmem:v55+s14+$0x0] =	vst.idx.msk $0xffff, v17  }
0x5f9: {  	v15 =	vor.u32 v40, v3;
	v62 =	vld [tilespmem:$0x1FA60]  }
0x5fa: {  	v56 =	vor.u32 v50, v6;
	v22 =	vld.idx.msk [tilespmem:v34+s11+$0x0], $0xffff;
	v24 =	vor.u32 v39, v7;
	_ =	sdelay $0x1  }
0x5fb: {  	v26 =	vor.u32 v50, v8;
	v25 =	vld.idx.msk [tilespmem:v38+s11+$0x0], $0xffff;
	v57 =	vor.u32 v39, v63  }
0x5fc: {  	v58 =	vor.u32 v50, v42  }
0x5fd: {  	v13 =	vld.idx.msk [tilespmem:v15+s11+$0x0], $0xffff;
	v14 =	vor.u32 v62, v2  }
0x5fe: {  	[tilespmem:v24+s14+$0x0] =	vst.idx.msk $0xffff, v22;
	v17 =	vld.idx.msk [tilespmem:v56+s11+$0x0], $0xffff;
	v10 =	vor.u32 v62, v4  }
0x5ff: {  	v60 =	vcombine.low v27, v28;
	v15 =	vld [tilespmem:$0x1F420]  }
0x600: {  	[tilespmem:v57+s14+$0x0] =	vst.idx.msk $0xffff, v25;
	v22 =	vld.idx.msk [tilespmem:v26+s11+$0x0], $0xffff  }
0x601: {  	v25 =	vld.idx.msk [tilespmem:v58+s11+$0x0], $0xffff;
	[tilespmem:$0x1F1D0] =	vst v60  }
0x602: {  	[tilespmem:v14+s14+$0x0] =	vst.idx.msk $0xffff, v13  }
0x603: {  	[tilespmem:v10+s14+$0x0] =	vst.idx.msk $0xffff, v17  }
0x604: {  	v15 =	vor.u32 v15, v3;
	v13 =	vcombine.low v33, v35;
	v33 =	vld [tilespmem:$0x1FA80]  }
0x605: {  	v32 =	vor.u32 v60, v6;
	_ =	sdelay $0x1  }
0x606: {  	v24 =	vor.u32 v62, v7  }
0x607: {  	v27 =	vor.u32 v62, v63  }
0x608: {  	v14 =	vld.idx.msk [tilespmem:v15+s11+$0x0], $0xffff;
	v15 =	vor.u32 v33, v2  }
0x609: {  	v17 =	vld.idx.msk [tilespmem:v32+s11+$0x0], $0xffff;
	v34 =	vor.u32 v33, v4;
	_ =	sdelay $0x1  }
0x60a: {  	v26 =	vor.u32 v60, v8;
	[tilespmem:v24+s14+$0x0] =	vst.idx.msk $0xffff, v22  }
0x60b: {  	[tilespmem:v27+s14+$0x0] =	vst.idx.msk $0xffff, v25  }
0x60c: {  	[tilespmem:v15+s14+$0x0] =	vst.idx.msk $0xffff, v14  }
0x60d: {  	v44 =	vcombine.low v53, v54;
	v28 =	vor.u32 v60, v42;
	[tilespmem:v34+s14+$0x0] =	vst.idx.msk $0xffff, v17  }
0x60e: {  	v13 =	vor.u32 v13, v3;
	v37 =	vld [tilespmem:$0x1FA90]  }
0x60f: {  	v35 =	vor.u32 v44, v6;
	v22 =	vld.idx.msk [tilespmem:v26+s11+$0x0], $0xffff;
	v24 =	vor.u32 v33, v7;
	_ =	sdelay $0x2  }
0x610: {  	v25 =	vld.idx.msk [tilespmem:v28+s11+$0x0], $0xffff;
	v27 =	vor.u32 v33, v63  }
0x611: {  	v13 =	vld.idx.msk [tilespmem:v13+s11+$0x0], $0xffff;
	v14 =	vor.u32 v37, v2  }
0x612: {  	[tilespmem:v24+s14+$0x0] =	vst.idx.msk $0xffff, v22;
	v17 =	vld.idx.msk [tilespmem:v35+s11+$0x0], $0xffff;
	v39 =	vor.u32 v37, v4  }
0x613: {  	v38 =	vld [tilespmem:$0x1F470]  }
0x614: {  	v26 =	vor.u32 v44, v8  }
0x615: {  	[tilespmem:v27+s14+$0x0] =	vst.idx.msk $0xffff, v25  }
0x616: {  	[tilespmem:v14+s14+$0x0] =	vst.idx.msk $0xffff, v13  }
0x617: {  	v62 =	vcombine.low v29, v45;
	v28 =	vor.u32 v44, v42;
	[tilespmem:v39+s14+$0x0] =	vst.idx.msk $0xffff, v17  }
0x618: {  	v15 =	vor.u32 v38, v3;
	v43 =	vld [tilespmem:$0x1FAA0]  }
0x619: {  	v40 =	vor.u32 v62, v6;
	v22 =	vld.idx.msk [tilespmem:v26+s11+$0x0], $0xffff;
	v24 =	vor.u32 v37, v7;
	_ =	sdelay $0x2  }
0x61a: {  	v25 =	vld.idx.msk [tilespmem:v28+s11+$0x0], $0xffff;
	v27 =	vor.u32 v37, v63  }
0x61b: {  	v13 =	vld.idx.msk [tilespmem:v15+s11+$0x0], $0xffff;
	v14 =	vor.u32 v43, v2  }
0x61c: {  	v53 =	vcombine.low v19, v20;
	[tilespmem:v24+s14+$0x0] =	vst.idx.msk $0xffff, v22;
	v17 =	vld.idx.msk [tilespmem:v40+s11+$0x0], $0xffff;
	v19 =	vor.u32 v43, v4  }
0x61d: {  	v45 =	vld [tilespmem:$0x1F4C0]  }
0x61e: {  	v26 =	vor.u32 v62, v8  }
0x61f: {  	[tilespmem:v27+s14+$0x0] =	vst.idx.msk $0xffff, v25  }
0x620: {  	[tilespmem:v14+s14+$0x0] =	vst.idx.msk $0xffff, v13  }
0x621: {  	v28 =	vor.u32 v62, v42;
	[tilespmem:v19+s14+$0x0] =	vst.idx.msk $0xffff, v17  }
0x622: {  	v15 =	vor.u32 v45, v3;
	v60 =	vld [tilespmem:$0x1FAB0]  }
0x623: {  	v48 =	vor.u32 v53, v6;
	v47 =	vld.idx.msk [tilespmem:v26+s11+$0x0], $0xffff;
	v54 =	vor.u32 v43, v7;
	_ =	sdelay $0x2  }
0x624: {  	v55 =	vld.idx.msk [tilespmem:v28+s11+$0x0], $0xffff;
	v25 =	vor.u32 v43, v63  }
0x625: {  	v13 =	vld.idx.msk [tilespmem:v15+s11+$0x0], $0xffff;
	v14 =	vor.u32 v60, v2  }
0x626: {  	v58 =	vcombine.low v16, v18;
	[tilespmem:v54+s14+$0x0] =	vst.idx.msk $0xffff, v47;
	v16 =	vld.idx.msk [tilespmem:v48+s11+$0x0], $0xffff;
	v17 =	vor.u32 v60, v4  }
0x627: {  	v15 =	vld [tilespmem:$0x1F510];
	_ =	sdelay $0x1  }
0x628: {  	v24 =	vor.u32 v53, v8;
	[tilespmem:v25+s14+$0x0] =	vst.idx.msk $0xffff, v55  }
0x629: {  	[tilespmem:v14+s14+$0x0] =	vst.idx.msk $0xffff, v13  }
0x62a: {  	v26 =	vor.u32 v53, v42;
	[tilespmem:v17+s14+$0x0] =	vst.idx.msk $0xffff, v16  }
0x62b: {  	v15 =	vor.u32 v15, v3;
	v35 =	vld [tilespmem:$0x1FDF0];
	_ =	sdelay $0x1  }
0x62c: {  	v19 =	vor.u32 v58, v6;
	v18 =	vld.idx.msk [tilespmem:v24+s11+$0x0], $0xffff;
	v5 =	vor.u32 v60, v7;
	_ =	sdelay $0x1  }
0x62d: {  	v32 =	vld.idx.msk [tilespmem:v26+s11+$0x0], $0xffff;
	v34 =	vor.u32 v60, v63  }
0x62e: {  	v13 =	vld.idx.msk [tilespmem:v15+s11+$0x0], $0xffff;
	v14 =	vor.u32 v35, v2;
	_ =	sdelay $0x1  }
0x62f: {  	[tilespmem:v5+s14+$0x0] =	vst.idx.msk $0xffff, v18;
	v15 =	vld.idx.msk [tilespmem:v19+s11+$0x0], $0xffff;
	v17 =	vor.u32 v35, v4  }
0x630: {  	v39 =	vld [tilespmem:$0x1F530]  }
0x631: {  	[tilespmem:v34+s14+$0x0] =	vst.idx.msk $0xffff, v32  }
0x632: {  	[tilespmem:v14+s14+$0x0] =	vst.idx.msk $0xffff, v13  }
0x633: {  	v33 =	vor.u32 v58, v8;
	v32 =	vld [tilespmem:$0x1F6D0]  }
0x634: {  	v24 =	vor.u32 v58, v42;
	v48 =	vld [tilespmem:$0x1F6E0];
	[tilespmem:v17+s14+$0x0] =	vst.idx.msk $0xffff, v15  }
0x635: {  	v16 =	vor.u32 v39, v3;
	v55 =	vld [tilespmem:$0x1FAC0];
	_ =	sdelay $0x1  }
0x636: {  	v19 =	vor.u32 v39, v6  }
0x637: {  	v18 =	vld.idx.msk [tilespmem:v33+s11+$0x0], $0xffff;
	v40 =	vor.u32 v35, v7  }
0x638: {  	v21 =	vld.idx.msk [tilespmem:v24+s11+$0x0], $0xffff;
	v54 =	vor.u32 v35, v63  }
0x639: {  	v13 =	vld.idx.msk [tilespmem:v16+s11+$0x0], $0xffff;
	v14 =	vor.u32 v55, v2;
	_ =	sdelay $0x1  }
0x63a: {  	v15 =	vld.idx.msk [tilespmem:v19+s11+$0x0], $0xffff;
	v17 =	vor.u32 v55, v4  }
0x63b: {  	[tilespmem:v40+s14+$0x0] =	vst.idx.msk $0xffff, v18  }
0x63c: {  	[tilespmem:v54+s14+$0x0] =	vst.idx.msk $0xffff, v21  }
0x63d: {  	[tilespmem:v14+s14+$0x0] =	vst.idx.msk $0xffff, v13  }
0x63e: {  	v43 =	vor.u32 v39, v8;
	v45 =	vcombine.low v48, v32;
	v28 =	vld [tilespmem:$0x1F710]  }
0x63f: {  	v24 =	vor.u32 v39, v42;
	v29 =	vld [tilespmem:$0x1F720];
	[tilespmem:v17+s14+$0x0] =	vst.idx.msk $0xffff, v15  }
0x640: {  	v16 =	vor.u32 v45, v3;
	v5 =	vld [tilespmem:$0x1FAD0];
	_ =	sdelay $0x1  }
0x641: {  	v19 =	vor.u32 v45, v6  }
0x642: {  	v18 =	vld.idx.msk [tilespmem:v43+s11+$0x0], $0xffff;
	v56 =	vor.u32 v55, v7  }
0x643: {  	v21 =	vld.idx.msk [tilespmem:v24+s11+$0x0], $0xffff;
	v60 =	vor.u32 v55, v63  }
0x644: {  	v13 =	vld.idx.msk [tilespmem:v16+s11+$0x0], $0xffff;
	v14 =	vor.u32 v5, v2;
	_ =	sdelay $0x1  }
0x645: {  	v15 =	vld.idx.msk [tilespmem:v19+s11+$0x0], $0xffff;
	v17 =	vor.u32 v5, v4  }
0x646: {  	[tilespmem:v56+s14+$0x0] =	vst.idx.msk $0xffff, v18  }
0x647: {  	[tilespmem:v60+s14+$0x0] =	vst.idx.msk $0xffff, v21  }
0x648: {  	[tilespmem:v14+s14+$0x0] =	vst.idx.msk $0xffff, v13  }
0x649: {  	v57 =	vor.u32 v45, v8;
	v43 =	vcombine.low v29, v28;
	v55 =	vld [tilespmem:$0x1F730]  }
0x64a: {  	v24 =	vor.u32 v45, v42;
	v54 =	vld [tilespmem:$0x1F740];
	[tilespmem:v17+s14+$0x0] =	vst.idx.msk $0xffff, v15  }
0x64b: {  	v16 =	vor.u32 v43, v3;
	v39 =	vld [tilespmem:$0x1FE00]  }
0x64c: {  	v19 =	vor.u32 v43, v6;
	_ =	sdelay $0x1  }
0x64d: {  	v18 =	vld.idx.msk [tilespmem:v57+s11+$0x0], $0xffff;
	v33 =	vor.u32 v5, v7  }
0x64e: {  	v21 =	vld.idx.msk [tilespmem:v24+s11+$0x0], $0xffff;
	v35 =	vor.u32 v5, v63  }
0x64f: {  	v13 =	vld.idx.msk [tilespmem:v16+s11+$0x0], $0xffff;
	v14 =	vor.u32 v39, v2  }
0x650: {  	v15 =	vld.idx.msk [tilespmem:v19+s11+$0x0], $0xffff;
	v17 =	vor.u32 v39, v4;
	_ =	sdelay $0x1  }
0x651: {  	v34 =	vor.u32 v43, v8;
	[tilespmem:v33+s14+$0x0] =	vst.idx.msk $0xffff, v18  }
0x652: {  	[tilespmem:v35+s14+$0x0] =	vst.idx.msk $0xffff, v21  }
0x653: {  	v37 =	vcombine.low v54, v55;
	[tilespmem:v14+s14+$0x0] =	vst.idx.msk $0xffff, v13  }
0x654: {  	v24 =	vor.u32 v43, v42;
	[tilespmem:v17+s14+$0x0] =	vst.idx.msk $0xffff, v15  }
0x655: {  	v16 =	vor.u32 v37, v3;
	v57 =	vld [tilespmem:$0x1FF90]  }
0x656: {  	v18 =	vld.idx.msk [tilespmem:v34+s11+$0x0], $0xffff;
	v40 =	vor.u32 v39, v7;
	v19 =	vor.u32 v37, v6;
	_ =	sdelay $0x2  }
0x657: {  	v21 =	vld.idx.msk [tilespmem:v24+s11+$0x0], $0xffff;
	v56 =	vor.u32 v39, v63  }
0x658: {  	v13 =	vld.idx.msk [tilespmem:v16+s11+$0x0], $0xffff;
	v14 =	vor.u32 v57, v2  }
0x659: {  	[tilespmem:v40+s14+$0x0] =	vst.idx.msk $0xffff, v18;
	v15 =	vld.idx.msk [tilespmem:v19+s11+$0x0], $0xffff;
	v17 =	vor.u32 v57, v4  }
0x65a: {  	v40 =	vld [tilespmem:$0x1F5E0]  }
0x65b: {  	v47 =	vor.u32 v37, v8  }
0x65c: {  	[tilespmem:v56+s14+$0x0] =	vst.idx.msk $0xffff, v21  }
0x65d: {  	[tilespmem:v14+s14+$0x0] =	vst.idx.msk $0xffff, v13  }
0x65e: {  	v24 =	vor.u32 v37, v42;
	[tilespmem:v17+s14+$0x0] =	vst.idx.msk $0xffff, v15  }
0x65f: {  	v16 =	vor.u32 v40, v3;
	v34 =	vld [tilespmem:$0x1FAE0]  }
0x660: {  	v18 =	vld.idx.msk [tilespmem:v47+s11+$0x0], $0xffff;
	v60 =	vor.u32 v57, v7;
	v19 =	vor.u32 v40, v6;
	_ =	sdelay $0x2  }
0x661: {  	v21 =	vld.idx.msk [tilespmem:v24+s11+$0x0], $0xffff;
	v33 =	vor.u32 v57, v63  }
0x662: {  	v13 =	vld.idx.msk [tilespmem:v16+s11+$0x0], $0xffff;
	v14 =	vor.u32 v34, v2  }
0x663: {  	[tilespmem:v60+s14+$0x0] =	vst.idx.msk $0xffff, v18;
	v15 =	vld.idx.msk [tilespmem:v19+s11+$0x0], $0xffff;
	v17 =	vor.u32 v34, v4  }
0x664: {  	v35 =	vld [tilespmem:$0x1F630]  }
0x665: {  	v5 =	vor.u32 v40, v8  }
0x666: {  	v24 =	vor.u32 v40, v42;
	[tilespmem:v33+s14+$0x0] =	vst.idx.msk $0xffff, v21  }
0x667: {  	[tilespmem:v14+s14+$0x0] =	vst.idx.msk $0xffff, v13  }
0x668: {  	[tilespmem:v17+s14+$0x0] =	vst.idx.msk $0xffff, v15  }
0x669: {  	v16 =	vor.u32 v35, v3;
	v47 =	vld [tilespmem:$0x1FB10]  }
0x66a: {  	v18 =	vld.idx.msk [tilespmem:v5+s11+$0x0], $0xffff;
	v38 =	vor.u32 v34, v7  }
0x66b: {  	v21 =	vld.idx.msk [tilespmem:v24+s11+$0x0], $0xffff;
	v40 =	vor.u32 v34, v63;
	_ =	sdelay $0x2  }
0x66c: {  	v13 =	vld.idx.msk [tilespmem:v16+s11+$0x0], $0xffff;
	v14 =	vor.u32 v47, v2  }
0x66d: {  	[tilespmem:v38+s14+$0x0] =	vst.idx.msk $0xffff, v18  }
0x66e: {  	v56 =	vld [tilespmem:$0x1F6C0];
	[tilespmem:v40+s14+$0x0] =	vst.idx.msk $0xffff, v21  }
0x66f: {  	v19 =	vor.u32 v35, v6;
	[tilespmem:v41+s14+$0x0] =	vst.idx.msk $0xffff, v30  }
0x670: {  	v39 =	vor.u32 v35, v8;
	v27 =	vld [tilespmem:$0x1F670]  }
0x671: {  	v24 =	vor.u32 v35, v42;
	v10 =	vld [tilespmem:$0x1F680];
	[tilespmem:v14+s14+$0x0] =	vst.idx.msk $0xffff, v13  }
0x672: {  	v30 =	vld [tilespmem:$0x1FB20];
	_ =	sdelay $0x1  }
0x673: {  	v15 =	vld.idx.msk [tilespmem:v19+s11+$0x0], $0xffff;
	v17 =	vor.u32 v47, v4;
	v16 =	vor.u32 v56, v3  }
0x674: {  	v18 =	vld.idx.msk [tilespmem:v39+s11+$0x0], $0xffff;
	v57 =	vor.u32 v47, v7  }
0x675: {  	v21 =	vld.idx.msk [tilespmem:v24+s11+$0x0], $0xffff;
	v5 =	vor.u32 v47, v63  }
0x676: {  	v13 =	vld.idx.msk [tilespmem:v31+s11+$0x0], $0xffff;
	v14 =	vor.u32 v30, v1;
	_ =	sdelay $0x1  }
0x677: {  	[tilespmem:v17+s14+$0x0] =	vst.idx.msk $0xffff, v15;
	v15 =	vld.idx.msk [tilespmem:v16+s11+$0x0], $0xffff;
	v17 =	vor.u32 v30, v2  }
0x678: {  	[tilespmem:v57+s14+$0x0] =	vst.idx.msk $0xffff, v18  }
0x679: {  	v19 =	vor.u32 v56, v6;
	[tilespmem:v5+s14+$0x0] =	vst.idx.msk $0xffff, v21  }
0x67a: {  	[tilespmem:v14+s14+$0x0] =	vst.idx.msk $0xffff, v13  }
0x67b: {  	v60 =	vor.u32 v56, v8;
	v34 =	vcombine.low v10, v27;
	v41 =	vld [tilespmem:$0x1F650]  }
0x67c: {  	v24 =	vor.u32 v56, v42;
	v13 =	vld [tilespmem:$0x1F660];
	[tilespmem:v17+s14+$0x0] =	vst.idx.msk $0xffff, v15  }
0x67d: {  	v16 =	vor.u32 v34, v0;
	v47 =	vld [tilespmem:$0x1FF00]  }
0x67e: {  	v18 =	vld.idx.msk [tilespmem:v19+s11+$0x0], $0xffff;
	v19 =	vor.u32 v34, v3;
	v31 =	vor.u32 v30, v4;
	_ =	sdelay $0x1  }
0x67f: {  	v38 =	vld.idx.msk [tilespmem:v60+s11+$0x0], $0xffff;
	v40 =	vor.u32 v30, v7  }
0x680: {  	v24 =	vld.idx.msk [tilespmem:v24+s11+$0x0], $0xffff;
	v26 =	vor.u32 v30, v63  }
0x681: {  	v14 =	vld.idx.msk [tilespmem:v16+s11+$0x0], $0xffff;
	v15 =	vor.u32 v47, v1  }
0x682: {  	[tilespmem:v31+s14+$0x0] =	vst.idx.msk $0xffff, v18;
	v16 =	vld.idx.msk [tilespmem:v19+s11+$0x0], $0xffff;
	v18 =	vor.u32 v47, v2;
	_ =	sdelay $0x1  }
0x683: {  	v39 =	vor.u32 v34, v6;
	[tilespmem:v40+s14+$0x0] =	vst.idx.msk $0xffff, v38  }
0x684: {  	[tilespmem:v26+s14+$0x0] =	vst.idx.msk $0xffff, v24  }
0x685: {  	v25 =	vor.u32 v34, v8;
	v33 =	vcombine.low v13, v41;
	[tilespmem:v15+s14+$0x0] =	vst.idx.msk $0xffff, v14  }
0x686: {  	v13 =	vor.u32 v34, v42;
	[tilespmem:v18+s14+$0x0] =	vst.idx.msk $0xffff, v16  }
0x687: {  	v17 =	vor.u32 v33, v0;
	v35 =	vld [tilespmem:$0x1FFA0]  }
0x688: {  	v19 =	vld.idx.msk [tilespmem:v39+s11+$0x0], $0xffff;
	v57 =	vor.u32 v47, v4;
	v56 =	vor.u32 v33, v3;
	_ =	sdelay $0x1  }
0x689: {  	v60 =	vld.idx.msk [tilespmem:v25+s11+$0x0], $0xffff;
	v24 =	vor.u32 v47, v7  }
0x68a: {  	v26 =	vor.u32 v47, v63;
	v13 =	vld.idx.msk [tilespmem:v13+s11+$0x0], $0xffff  }
0x68b: {  	v16 =	vld.idx.msk [tilespmem:v17+s11+$0x0], $0xffff;
	v17 =	vor.u32 v35, v1  }
0x68c: {  	[tilespmem:v57+s14+$0x0] =	vst.idx.msk $0xffff, v19;
	v18 =	vld.idx.msk [tilespmem:v56+s11+$0x0], $0xffff;
	v19 =	vor.u32 v35, v2;
	_ =	sdelay $0x1  }
0x68d: {  	[tilespmem:v24+s14+$0x0] =	vst.idx.msk $0xffff, v60  }
0x68e: {  	v5 =	vor.u32 v33, v6;
	[tilespmem:v26+s14+$0x0] =	vst.idx.msk $0xffff, v13  }
0x68f: {  	v25 =	vor.u32 v33, v8;
	v14 =	vcombine.low v51, v52;
	[tilespmem:v17+s14+$0x0] =	vst.idx.msk $0xffff, v16  }
0x690: {  	v32 =	vcombine.low v32, v48;
	v15 =	vor.u32 v33, v42;
	[tilespmem:v19+s14+$0x0] =	vst.idx.msk $0xffff, v18  }
0x691: {  	v14 =	vor.u32 v14, v0;
	v47 =	vld [tilespmem:$0x1FFB0]  }
0x692: {  	v39 =	vor.u32 v32, v3  }
0x693: {  	v38 =	vld.idx.msk [tilespmem:v5+s11+$0x0], $0xffff;
	v40 =	vor.u32 v35, v4  }
0x694: {  	v13 =	vld.idx.msk [tilespmem:v25+s11+$0x0], $0xffff;
	v24 =	vor.u32 v35, v7  }
0x695: {  	v15 =	vld.idx.msk [tilespmem:v15+s11+$0x0], $0xffff;
	v26 =	vor.u32 v35, v63  }
0x696: {  	v14 =	vld.idx.msk [tilespmem:v14+s11+$0x0], $0xffff;
	v17 =	vor.u32 v47, v1  }
0x697: {  	v18 =	vld.idx.msk [tilespmem:v39+s11+$0x0], $0xffff;
	v19 =	vor.u32 v47, v2  }
0x698: {  	[tilespmem:v40+s14+$0x0] =	vst.idx.msk $0xffff, v38  }
0x699: {  	[tilespmem:v24+s14+$0x0] =	vst.idx.msk $0xffff, v13  }
0x69a: {  	v41 =	vor.u32 v32, v6;
	[tilespmem:v26+s14+$0x0] =	vst.idx.msk $0xffff, v15  }
0x69b: {  	v11 =	vcombine.low v11, v36;
	v25 =	vor.u32 v32, v8;
	[tilespmem:v17+s14+$0x0] =	vst.idx.msk $0xffff, v14  }
0x69c: {  	v16 =	vor.u32 v32, v42;
	[tilespmem:v19+s14+$0x0] =	vst.idx.msk $0xffff, v18  }
0x69d: {  	v11 =	vor.u32 v11, v0;
	v57 =	vld [tilespmem:$0x1FE10];
	_ =	sdelay $0x1  }
0x69e: {  	v31 =	vcombine.low v28, v29;
	v51 =	vld.idx.msk [tilespmem:v41+s11+$0x0], $0xffff;
	v13 =	vor.u32 v47, v4  }
0x69f: {  	v56 =	vld.idx.msk [tilespmem:v25+s11+$0x0], $0xffff;
	v15 =	vor.u32 v47, v7  }
0x6a0: {  	v48 =	vor.u32 v31, v3;
	v16 =	vld.idx.msk [tilespmem:v16+s11+$0x0], $0xffff;
	v25 =	vor.u32 v47, v63  }
0x6a1: {  	v52 =	vor.u32 v31, v6;
	v11 =	vld.idx.msk [tilespmem:v11+s11+$0x0], $0xffff;
	v17 =	vor.u32 v57, v1;
	_ =	sdelay $0x1  }
0x6a2: {  	v24 =	vor.u32 v31, v8;
	[tilespmem:v13+s14+$0x0] =	vst.idx.msk $0xffff, v51  }
0x6a3: {  	v14 =	vor.u32 v31, v42;
	[tilespmem:v15+s14+$0x0] =	vst.idx.msk $0xffff, v56  }
0x6a4: {  	v12 =	vcombine.low v46, v12;
	v18 =	vld.idx.msk [tilespmem:v48+s11+$0x0], $0xffff;
	[tilespmem:v25+s14+$0x0] =	vst.idx.msk $0xffff, v16  }
0x6a5: {  	v60 =	vld.idx.msk [tilespmem:v52+s11+$0x0], $0xffff;
	[tilespmem:v17+s14+$0x0] =	vst.idx.msk $0xffff, v11  }
0x6a6: {  	v12 =	vor.u32 v12, v0;
	v40 =	vld [tilespmem:$0x1FE20]  }
0x6a7: {  	v35 =	vld.idx.msk [tilespmem:v24+s11+$0x0], $0xffff;
	v19 =	vor.u32 v57, v2  }
0x6a8: {  	v30 =	vcombine.low v55, v54;
	v14 =	vld.idx.msk [tilespmem:v14+s11+$0x0], $0xffff;
	v5 =	vor.u32 v57, v4  }
0x6a9: {  	v36 =	vor.u32 v57, v7;
	v38 =	vld [tilespmem:$0x1F5C0]  }
0x6aa: {  	v13 =	vor.u32 v30, v3;
	v24 =	vor.u32 v57, v63;
	v11 =	vld [tilespmem:$0x1F5D0]  }
0x6ab: {  	v15 =	vor.u32 v30, v6;
	v12 =	vld.idx.msk [tilespmem:v12+s11+$0x0], $0xffff;
	v17 =	vor.u32 v40, v1  }
0x6ac: {  	[tilespmem:v19+s14+$0x0] =	vst.idx.msk $0xffff, v18  }
0x6ad: {  	v16 =	vor.u32 v30, v8;
	[tilespmem:v5+s14+$0x0] =	vst.idx.msk $0xffff, v60  }
0x6ae: {  	[tilespmem:v36+s14+$0x0] =	vst.idx.msk $0xffff, v35  }
0x6af: {  	[tilespmem:v24+s14+$0x0] =	vst.idx.msk $0xffff, v14;
	v13 =	vld.idx.msk [tilespmem:v13+s11+$0x0], $0xffff;
	v29 =	vcombine.low v38, v11  }
0x6b0: {  	v39 =	vor.u32 v30, v42;
	v15 =	vld.idx.msk [tilespmem:v15+s11+$0x0], $0xffff;
	[tilespmem:v17+s14+$0x0] =	vst.idx.msk $0xffff, v12  }
0x6b1: {  	v18 =	vor.u32 v29, v0;
	v52 =	vld [tilespmem:$0x1FE30]  }
0x6b2: {  	v16 =	vld.idx.msk [tilespmem:v16+s11+$0x0], $0xffff;
	v19 =	vor.u32 v40, v2  }
0x6b3: {  	v46 =	vor.u32 v40, v4;
	v51 =	vld [tilespmem:$0x1F610]  }
0x6b4: {  	v48 =	vor.u32 v40, v7;
	v12 =	vld [tilespmem:$0x1F620]  }
0x6b5: {  	v11 =	vld.idx.msk [tilespmem:v39+s11+$0x0], $0xffff;
	v24 =	vor.u32 v40, v63;
	v41 =	vor.u32 v29, v3  }
0x6b6: {  	v47 =	vor.u32 v29, v6;
	v17 =	vld.idx.msk [tilespmem:v18+s11+$0x0], $0xffff;
	v18 =	vor.u32 v52, v1  }
0x6b7: {  	[tilespmem:v19+s14+$0x0] =	vst.idx.msk $0xffff, v13  }
0x6b8: {  	v14 =	vor.u32 v29, v8;
	[tilespmem:v46+s14+$0x0] =	vst.idx.msk $0xffff, v15  }
0x6b9: {  	[tilespmem:v48+s14+$0x0] =	vst.idx.msk $0xffff, v16;
	v28 =	vcombine.low v51, v12;
	v12 =	vor.u32 v29, v42  }
0x6ba: {  	[tilespmem:v24+s14+$0x0] =	vst.idx.msk $0xffff, v11;
	v19 =	vld.idx.msk [tilespmem:v41+s11+$0x0], $0xffff  }
0x6bb: {  	v21 =	vld.idx.msk [tilespmem:v47+s11+$0x0], $0xffff;
	[tilespmem:v18+s14+$0x0] =	vst.idx.msk $0xffff, v17  }
0x6bc: {  	v54 =	vor.u32 v52, v2;
	v13 =	vor.u32 v28, v0;
	v5 =	vld [tilespmem:$0x1FE40]  }
0x6bd: {  	v14 =	vld.idx.msk [tilespmem:v14+s11+$0x0], $0xffff;
	v15 =	vor.u32 v28, v3  }
0x6be: {  	v55 =	vor.u32 v52, v4;
	v12 =	vld.idx.msk [tilespmem:v12+s11+$0x0], $0xffff  }
0x6bf: {  	v56 =	vor.u32 v52, v7;
	v60 =	vld [tilespmem:$0x1F690]  }
0x6c0: {  	v24 =	vor.u32 v52, v63;
	v17 =	vld [tilespmem:$0x1F6A0]  }
0x6c1: {  	[tilespmem:v54+s14+$0x0] =	vst.idx.msk $0xffff, v19;
	v13 =	vld.idx.msk [tilespmem:v13+s11+$0x0], $0xffff;
	v18 =	vor.u32 v5, v1  }
0x6c2: {  	v15 =	vld.idx.msk [tilespmem:v15+s11+$0x0], $0xffff;
	v35 =	vor.u32 v5, v2  }
0x6c3: {  	[tilespmem:v55+s14+$0x0] =	vst.idx.msk $0xffff, v21  }
0x6c4: {  	v16 =	vor.u32 v28, v6;
	[tilespmem:v56+s14+$0x0] =	vst.idx.msk $0xffff, v14  }
0x6c5: {  	[tilespmem:v24+s14+$0x0] =	vst.idx.msk $0xffff, v12  }
0x6c6: {  	v57 =	vor.u32 v28, v8;
	v26 =	vcombine.low v60, v17;
	[tilespmem:v18+s14+$0x0] =	vst.idx.msk $0xffff, v13  }
0x6c7: {  	v17 =	vor.u32 v28, v42;
	[tilespmem:v35+s14+$0x0] =	vst.idx.msk $0xffff, v15  }
0x6c8: {  	v19 =	vor.u32 v26, v0;
	v18 =	vld [tilespmem:$0x1FE50]  }
0x6c9: {  	v16 =	vld.idx.msk [tilespmem:v16+s11+$0x0], $0xffff;
	v38 =	vor.u32 v5, v4;
	v36 =	vor.u32 v26, v3;
	_ =	sdelay $0x1  }
0x6ca: {  	v11 =	vld.idx.msk [tilespmem:v57+s11+$0x0], $0xffff;
	v39 =	vor.u32 v5, v7  }
0x6cb: {  	v24 =	vor.u32 v5, v63;
	v17 =	vld.idx.msk [tilespmem:v17+s11+$0x0], $0xffff  }
0x6cc: {  	v41 =	vld.idx.msk [tilespmem:v19+s11+$0x0], $0xffff;
	v13 =	vor.u32 v18, v1  }
0x6cd: {  	[tilespmem:v38+s14+$0x0] =	vst.idx.msk $0xffff, v16;
	v15 =	vld.idx.msk [tilespmem:v36+s11+$0x0], $0xffff;
	v16 =	vor.u32 v18, v2;
	_ =	sdelay $0x1  }
0x6ce: {  	v14 =	vor.u32 v26, v6;
	[tilespmem:v39+s14+$0x0] =	vst.idx.msk $0xffff, v11  }
0x6cf: {  	v12 =	vor.u32 v26, v8;
	[tilespmem:v24+s14+$0x0] =	vst.idx.msk $0xffff, v17  }
0x6d0: {  	v25 =	vcombine.low v27, v10;
	v40 =	vor.u32 v26, v42;
	[tilespmem:v13+s14+$0x0] =	vst.idx.msk $0xffff, v41  }
0x6d1: {  	[tilespmem:v16+s14+$0x0] =	vst.idx.msk $0xffff, v15  }
0x6d2: {  	v46 =	vor.u32 v25, v0;
	v13 =	vld [tilespmem:$0x1FE60]  }
0x6d3: {  	v47 =	vor.u32 v25, v3;
	v48 =	vld.idx.msk [tilespmem:v14+s11+$0x0], $0xffff;
	v14 =	vor.u32 v18, v4  }
0x6d4: {  	v51 =	vor.u32 v25, v6;
	v12 =	vld.idx.msk [tilespmem:v12+s11+$0x0], $0xffff;
	v17 =	vor.u32 v18, v7  }
0x6d5: {  	v52 =	vor.u32 v25, v8;
	v9 =	vld.idx.msk [tilespmem:v40+s11+$0x0], $0xffff;
	v18 =	vor.u32 v18, v63  }
0x6d6: {  	v54 =	vor.u32 v25, v42  }
0x6d7: {  	v0 =	vld.idx.msk [tilespmem:v46+s11+$0x0], $0xffff;
	v55 =	vor.u32 v13, v1  }
0x6d8: {  	[tilespmem:v14+s14+$0x0] =	vst.idx.msk $0xffff, v48;
	v3 =	vld.idx.msk [tilespmem:v47+s11+$0x0], $0xffff;
	v56 =	vor.u32 v13, v2  }
0x6d9: {  	[tilespmem:v17+s14+$0x0] =	vst.idx.msk $0xffff, v12;
	v6 =	vld.idx.msk [tilespmem:v51+s11+$0x0], $0xffff;
	v57 =	vor.u32 v13, v4  }
0x6da: {  	[tilespmem:v18+s14+$0x0] =	vst.idx.msk $0xffff, v9;
	v8 =	vld.idx.msk [tilespmem:v52+s11+$0x0], $0xffff;
	v60 =	vor.u32 v13, v7  }
0x6db: {  	v9 =	vld.idx.msk [tilespmem:v54+s11+$0x0], $0xffff;
	v63 =	vor.u32 v13, v63  }
0x6dc: {  	[tilespmem:v55+s14+$0x0] =	vst.idx.msk $0xffff, v0  }
0x6dd: {  	s25 =	sshll.u32 s23, $0x13;
	[tilespmem:v56+s14+$0x0] =	vst.idx.msk $0xffff, v3  }
0x6de: {  	s25 =	sor.u32 s6, s25;
	[tilespmem:v57+s14+$0x0] =	vst.idx.msk $0xffff, v6  }
0x6df: {  	s25 =	sshrl.u32 s25, $0x3;
	[tilespmem:v60+s14+$0x0] =	vst.idx.msk $0xffff, v8  }
0x6e0: {  	s25 =	sadd.s32 s1, s25;
	[tilespmem:v63+s14+$0x0] =	vst.idx.msk $0xffff, v9  }
0x6e1: {  	[hbm4b:s25+s15] =	stream.strided.scatter [tilespmem:s14], [sflag:$0x3], $0x2000, s16, s15, $0x38;
	[tilespmem:$0x14800] =	vst v63  }
0x6e2: {  	[tilespmem:$0x1F1E0] =	vst v25  }
0x6e3: {  	[tilespmem:$0x1F1F0] =	vst v26  }
0x6e4: {  	[tilespmem:$0x1F200] =	vst v28  }
0x6e5: {  	[tilespmem:$0x1F210] =	vst v29  }
0x6e6: {  	[tilespmem:$0x1F220] =	vst v30  }
0x6e7: {  	[tilespmem:$0x1F230] =	vst v31  }
0x6e8: {  	[tilespmem:$0x1F240] =	vst v32  }
0x6e9: {  	[tilespmem:$0x1F250] =	vst v33  }
0x6ea: {  	v56 =	vld [tilespmem:$0x1F910];
	[tilespmem:$0x1F260] =	vst v34  }
0x6eb: {  	v13 =	vld [tilespmem:$0x1F920];
	[tilespmem:$0x1F270] =	vst v37  }
0x6ec: {  	v60 =	vld [tilespmem:$0x1FFE0];
	[tilespmem:$0x1F280] =	vst v43  }
0x6ed: {  	p1 =	sne.s32 s23, $0x63;
	v14 =	vld [tilespmem:$0x1FFF0];
	[tilespmem:$0x1F290] =	vst v45  }
.Ltmp2:
0x6ee: {  	v12 =	vld [tilespmem:$0x1F800];
	[tilespmem:$0x1F2A0] =	vst v58;
	(pc) =	sbr.rel @p1 .LBB2_8-.Ltmp2, $4  }
0x6ef: {  	v15 =	vld [tilespmem:$0x1F870];
	[tilespmem:$0x1F2B0] =	vst v53  }
0x6f0: {  	v42 =	vld [tilespmem:$0x1F940];
	[tilespmem:$0x1F2C0] =	vst v62  }
0x6f1: {  	v16 =	vld [tilespmem:$0x1FD80];
	[tilespmem:$0x1F2D0] =	vst v50  }
0x6f2: {  	v17 =	vmov v59;
	v27 =	vld [tilespmem:$0x1FDB0];
	[tilespmem:$0x1F2E0] =	vst v44  }
.Ltmp3:
0x6f3: {  	(pc) =	sbr.rel .LBB2_9-.Ltmp3, $4  }
0x6f4: {  	_ = 	snop  }
0x6f5: {  	_ =	swait.ge [sflag:s17], $0x2000  }
0x6f6: {  	[sflag:s17] =	ssyncset.done $0x0  }
0x6f7: {  	[sflag:s17] =	ssyncadd.s32 $0xFFFFE000  }
.LBB2_8:
0x6f8: {  	s25 =	sshll.u32 s23, $0x8  }
0x6f9: {  	s25 =	sand.u32 $0x3FFFFF00, s25  }
.Ltmp4:
0x6fa: {  	s25 =	sadd.s32 $0x6500, s25;
	(pc) =	sbr.rel @p0 .LBB2_10-.Ltmp4, $4  }
0x6fb: {  	[tilespmem:s11], [sflag:$0x1] =	stream.indirect.gather [hbm4b:s4+s9], $0x40, s25, s9, $0xb8;
	[tilespmem:$0x14800] =	vst v63  }
0x6fc: {  	_ =	swait.ge [sflag:s17], $0x2000  }
0x6fd: {  	[sflag:s17] =	ssyncset.done $0x0  }
0x6fe: {  	[sflag:s17] =	ssyncadd.s32 $0xFFFFE000  }
.LBB2_9:
0x6ff: {  	_ =	swait.ge [sflag:s18], $0x2000  }
0x700: {  	[sflag:s18] =	ssyncset.done $0x0  }
0x701: {  	[sflag:s18] =	ssyncadd.s32 $0xFFFFE000  }
.LBB2_10:
0x702: {  	s25 =	simm.s32 $0x0;
	v1 =	vlaneseq.u32  }
0x703: {  	v0 =	vor.u32 s25, v1  }
0x704: {  	v2 =	vshll.u32 v0, $0x6  }
0x705: {  	v34 =	vld [tilespmem:$0x1FFC0];
	v1 =	vor.u32 v1, v2;
	_ =	sdelay $0x3  }
0x706: {  	v50 =	vand.u32 $0x78, v0  }
0x707: {  	v0 =	vld.idx.msk [tilespmem:v1+s12+$0x0], $0xffff;
	v1 =	vor.u32 v34, v50  }
0x708: {  	v51 =	vld [tilespmem:$0x1F8D0];
	_ =	sdelay $0x3  }
0x709: {  	[tilespmem:v1+s19+$0x0] =	vst.idx.msk $0xffff, v0  }
0x70a: {  	v3 =	vor.u32 v51, v2;
	v53 =	vld [tilespmem:$0x1FE70];
	_ =	sdelay $0x4  }
0x70b: {  	v0 =	vld.idx.msk [tilespmem:v3+s12+$0x0], $0xffff;
	v1 =	vor.u32 v53, v50  }
0x70c: {  	v63 =	vld [tilespmem:$0x1FE80];
	_ =	sdelay $0x3  }
0x70d: {  	[tilespmem:v1+s19+$0x0] =	vst.idx.msk $0xffff, v0  }
0x70e: {  	v3 =	vor.u32 v63, v2;
	v45 =	vld [tilespmem:$0x1FAF0];
	_ =	sdelay $0x4  }
0x70f: {  	v0 =	vld.idx.msk [tilespmem:v3+s12+$0x0], $0xffff;
	v1 =	vor.u32 v45, v50  }
0x710: {  	v46 =	vld [tilespmem:$0x1F750];
	_ =	sdelay $0x3  }
0x711: {  	[tilespmem:v1+s19+$0x0] =	vst.idx.msk $0xffff, v0  }
0x712: {  	v3 =	vor.u32 v46, v2;
	v24 =	vld [tilespmem:$0x1F760];
	_ =	sdelay $0x4  }
0x713: {  	v0 =	vld.idx.msk [tilespmem:v3+s12+$0x0], $0xffff;
	v1 =	vor.u32 v24, v50  }
0x714: {  	v40 =	vld [tilespmem:$0x1F770];
	_ =	sdelay $0x3  }
0x715: {  	[tilespmem:v1+s19+$0x0] =	vst.idx.msk $0xffff, v0  }
0x716: {  	v3 =	vor.u32 v40, v2;
	v39 =	vld [tilespmem:$0x1F780];
	_ =	sdelay $0x4  }
0x717: {  	v0 =	vld.idx.msk [tilespmem:v3+s12+$0x0], $0xffff;
	v1 =	vor.u32 v39, v50  }
0x718: {  	v38 =	vld [tilespmem:$0x1F790];
	_ =	sdelay $0x3  }
0x719: {  	[tilespmem:v1+s19+$0x0] =	vst.idx.msk $0xffff, v0  }
0x71a: {  	v3 =	vor.u32 v38, v2;
	v37 =	vld [tilespmem:$0x1F7A0];
	_ =	sdelay $0x4  }
0x71b: {  	v0 =	vld.idx.msk [tilespmem:v3+s12+$0x0], $0xffff;
	v1 =	vor.u32 v37, v50  }
0x71c: {  	v36 =	vld [tilespmem:$0x1F7B0];
	_ =	sdelay $0x3  }
0x71d: {  	[tilespmem:v1+s19+$0x0] =	vst.idx.msk $0xffff, v0  }
0x71e: {  	v3 =	vor.u32 v36, v2;
	v35 =	vld [tilespmem:$0x1F7C0];
	_ =	sdelay $0x4  }
0x71f: {  	v0 =	vld.idx.msk [tilespmem:v3+s12+$0x0], $0xffff;
	v3 =	vor.u32 v35, v50  }
0x720: {  	v33 =	vld [tilespmem:$0x1F7D0];
	_ =	sdelay $0x3  }
0x721: {  	[tilespmem:v3+s19+$0x0] =	vst.idx.msk $0xffff, v0  }
0x722: {  	v4 =	vor.u32 v33, v2;
	v32 =	vld [tilespmem:$0x1F7E0];
	_ =	sdelay $0x4  }
0x723: {  	v3 =	vld.idx.msk [tilespmem:v4+s12+$0x0], $0xffff;
	v4 =	vor.u32 v32, v50  }
0x724: {  	v30 =	vld [tilespmem:$0x1F7F0]  }
0x725: {  	v7 =	vlaneseq.u32;
	s26 =	simm.s32 $0x10  }
0x726: {  	v6 =	vor.u32 s26, v7  }
0x727: {  	v1 =	vshll.u32 v6, $0x6  }
0x728: {  	v7 =	vor.u32 v7, v1;
	[tilespmem:v4+s19+$0x0] =	vst.idx.msk $0xffff, v3  }
0x729: {  	v8 =	vor.u32 v30, v2;
	v21 =	vld [tilespmem:$0x1FB30];
	_ =	sdelay $0x2  }
0x72a: {  	v0 =	vand.u32 $0x78, v6  }
0x72b: {  	v6 =	vld.idx.msk [tilespmem:v7+s12+$0x0], $0xffff;
	v7 =	vor.u32 v34, v0  }
0x72c: {  	v3 =	vld.idx.msk [tilespmem:v8+s12+$0x0], $0xffff;
	v4 =	vor.u32 v21, v50  }
0x72d: {  	v19 =	vld [tilespmem:$0x1F980];
	_ =	sdelay $0x2  }
0x72e: {  	[tilespmem:v7+s19+$0x0] =	vst.idx.msk $0xffff, v6  }
0x72f: {  	v9 =	vor.u32 v51, v1;
	[tilespmem:v4+s19+$0x0] =	vst.idx.msk $0xffff, v3  }
0x730: {  	v8 =	vor.u32 v19, v2;
	v54 =	vld [tilespmem:$0x1F950];
	_ =	sdelay $0x3  }
0x731: {  	v7 =	vor.u32 v53, v0;
	v6 =	vld.idx.msk [tilespmem:v9+s12+$0x0], $0xffff  }
0x732: {  	v3 =	vld.idx.msk [tilespmem:v8+s12+$0x0], $0xffff;
	v4 =	vor.u32 v54, v50  }
0x733: {  	v52 =	vld [tilespmem:$0x1F960];
	_ =	sdelay $0x2  }
0x734: {  	[tilespmem:v7+s19+$0x0] =	vst.idx.msk $0xffff, v6  }
0x735: {  	v9 =	vor.u32 v63, v1;
	[tilespmem:v4+s19+$0x0] =	vst.idx.msk $0xffff, v3  }
0x736: {  	v8 =	vor.u32 v52, v2;
	v44 =	vld [tilespmem:$0x1FE90];
	_ =	sdelay $0x3  }
0x737: {  	v7 =	vor.u32 v45, v0;
	v6 =	vld.idx.msk [tilespmem:v9+s12+$0x0], $0xffff  }
0x738: {  	v3 =	vld.idx.msk [tilespmem:v8+s12+$0x0], $0xffff;
	v4 =	vor.u32 v44, v50  }
0x739: {  	v20 =	vld [tilespmem:$0x1FEA0];
	_ =	sdelay $0x2  }
0x73a: {  	[tilespmem:v7+s19+$0x0] =	vst.idx.msk $0xffff, v6  }
0x73b: {  	v9 =	vor.u32 v46, v1;
	[tilespmem:v4+s19+$0x0] =	vst.idx.msk $0xffff, v3  }
0x73c: {  	v8 =	vor.u32 v20, v2;
	v41 =	vld [tilespmem:$0x1FEB0];
	_ =	sdelay $0x3  }
0x73d: {  	v7 =	vor.u32 v24, v0;
	v6 =	vld.idx.msk [tilespmem:v9+s12+$0x0], $0xffff  }
0x73e: {  	v3 =	vld.idx.msk [tilespmem:v8+s12+$0x0], $0xffff;
	v4 =	vor.u32 v41, v50  }
0x73f: {  	v25 =	vld [tilespmem:$0x1FB00];
	_ =	sdelay $0x2  }
0x740: {  	[tilespmem:v7+s19+$0x0] =	vst.idx.msk $0xffff, v6  }
0x741: {  	v9 =	vor.u32 v40, v1;
	[tilespmem:v4+s19+$0x0] =	vst.idx.msk $0xffff, v3  }
0x742: {  	v8 =	vor.u32 v25, v2;
	v47 =	vld [tilespmem:$0x1FEC0]  }
0x743: {  	v43 =	vld [tilespmem:$0x1FA70];
	_ =	sdelay $0x2  }
0x744: {  	v7 =	vor.u32 v39, v0;
	v6 =	vld.idx.msk [tilespmem:v9+s12+$0x0], $0xffff  }
0x745: {  	v9 =	vor.u32 v38, v1;
	v3 =	vld.idx.msk [tilespmem:v8+s12+$0x0], $0xffff;
	v4 =	vor.u32 v47, v50  }
0x746: {  	v8 =	vor.u32 v43, v2;
	_ =	sdelay $0x2  }
0x747: {  	[tilespmem:v7+s19+$0x0] =	vst.idx.msk $0xffff, v6  }
0x748: {  	v7 =	vor.u32 v37, v0;
	v6 =	vld.idx.msk [tilespmem:v9+s12+$0x0], $0xffff;
	[tilespmem:v4+s19+$0x0] =	vst.idx.msk $0xffff, v3  }
0x749: {  	v9 =	vor.u32 v36, v1;
	v4 =	vor.u32 v56, v50;
	v3 =	vld.idx.msk [tilespmem:v8+s12+$0x0], $0xffff  }
0x74a: {  	v8 =	vor.u32 v13, v2;
	_ =	sdelay $0x2  }
0x74b: {  	[tilespmem:v7+s19+$0x0] =	vst.idx.msk $0xffff, v6  }
0x74c: {  	v7 =	vor.u32 v35, v0;
	v6 =	vld.idx.msk [tilespmem:v9+s12+$0x0], $0xffff;
	[tilespmem:v4+s19+$0x0] =	vst.idx.msk $0xffff, v3  }
0x74d: {  	v9 =	vor.u32 v33, v1;
	v4 =	vor.u32 v60, v50;
	v3 =	vld.idx.msk [tilespmem:v8+s12+$0x0], $0xffff  }
0x74e: {  	v8 =	vor.u32 v14, v2;
	_ =	sdelay $0x2  }
0x74f: {  	[tilespmem:v7+s19+$0x0] =	vst.idx.msk $0xffff, v6  }
0x750: {  	v7 =	vor.u32 v32, v0;
	v6 =	vld.idx.msk [tilespmem:v9+s12+$0x0], $0xffff;
	[tilespmem:v4+s19+$0x0] =	vst.idx.msk $0xffff, v3  }
0x751: {  	v9 =	vor.u32 v30, v1;
	v4 =	vor.u32 v12, v50;
	v3 =	vld.idx.msk [tilespmem:v8+s12+$0x0], $0xffff  }
0x752: {  	v8 =	vor.u32 v16, v2;
	_ =	sdelay $0x2  }
0x753: {  	[tilespmem:v7+s19+$0x0] =	vst.idx.msk $0xffff, v6  }
0x754: {  	v7 =	vor.u32 v21, v0;
	v6 =	vld.idx.msk [tilespmem:v9+s12+$0x0], $0xffff;
	[tilespmem:v4+s19+$0x0] =	vst.idx.msk $0xffff, v3  }
0x755: {  	s28 =	simm.s32 $0x20;
	v28 =	vlaneseq.u32;
	v9 =	vor.u32 v19, v1;
	v3 =	vld.idx.msk [tilespmem:v8+s12+$0x0], $0xffff;
	v8 =	vor.u32 v17, v50  }
0x756: {  	v10 =	vor.u32 s28, v28  }
0x757: {  	v11 =	vor.u32 v27, v2;
	v4 =	vshll.u32 v10, $0x6  }
0x758: {  	v62 =	vmov v12;
	v12 =	vor.u32 v28, v4  }
0x759: {  	[tilespmem:v7+s19+$0x0] =	vst.idx.msk $0xffff, v6  }
0x75a: {  	v6 =	vld.idx.msk [tilespmem:v9+s12+$0x0], $0xffff;
	[tilespmem:v8+s19+$0x0] =	vst.idx.msk $0xffff, v3  }
0x75b: {  	v7 =	vor.u32 v54, v0;
	v31 =	vld [tilespmem:$0x1F480]  }
0x75c: {  	v3 =	vand.u32 $0x78, v10;
	v8 =	vld.idx.msk [tilespmem:v11+s12+$0x0], $0xffff;
	v11 =	vor.u32 v49, v50  }
0x75d: {  	v58 =	vmov v13;
	v9 =	vor.u32 v52, v1;
	v12 =	vld.idx.msk [tilespmem:v12+s12+$0x0], $0xffff;
	v13 =	vor.u32 v34, v3;
	_ =	sdelay $0x1  }
0x75e: {  	v59 =	vmov v14;
	v14 =	vor.u32 v51, v4  }
0x75f: {  	[tilespmem:v7+s19+$0x0] =	vst.idx.msk $0xffff, v6;
	v10 =	vor.u32 v31, v2  }
0x760: {  	[tilespmem:v11+s19+$0x0] =	vst.idx.msk $0xffff, v8  }
0x761: {  	v6 =	vld.idx.msk [tilespmem:v9+s12+$0x0], $0xffff;
	[tilespmem:v13+s19+$0x0] =	vst.idx.msk $0xffff, v12  }
0x762: {  	v7 =	vor.u32 v44, v0;
	v18 =	vld [tilespmem:$0x1F4D0]  }
0x763: {  	v13 =	vor.u32 v53, v3;
	v12 =	vld.idx.msk [tilespmem:v14+s12+$0x0], $0xffff  }
0x764: {  	v8 =	vor.u32 v15, v50;
	v10 =	vld.idx.msk [tilespmem:v10+s12+$0x0], $0xffff;
	_ =	sdelay $0x2  }
0x765: {  	[tilespmem:v7+s19+$0x0] =	vst.idx.msk $0xffff, v6  }
0x766: {  	v9 =	vor.u32 v20, v1;
	[tilespmem:v13+s19+$0x0] =	vst.idx.msk $0xffff, v12  }
0x767: {  	v11 =	vor.u32 v18, v2;
	[tilespmem:v8+s19+$0x0] =	vst.idx.msk $0xffff, v10  }
0x768: {  	v55 =	vmov v27;
	v27 =	vmov v20;
	v14 =	vor.u32 v63, v4;
	v20 =	vld [tilespmem:$0x1F0D0];
	_ =	sdelay $0x2  }
0x769: {  	v7 =	vor.u32 v41, v0;
	v6 =	vld.idx.msk [tilespmem:v9+s12+$0x0], $0xffff  }
0x76a: {  	v9 =	vor.u32 v25, v1;
	v10 =	vor.u32 v61, v50;
	v8 =	vld.idx.msk [tilespmem:v11+s12+$0x0], $0xffff  }
0x76b: {  	v13 =	vor.u32 v45, v3;
	v12 =	vld.idx.msk [tilespmem:v14+s12+$0x0], $0xffff;
	v11 =	vor.u32 v20, v2;
	_ =	sdelay $0x2  }
0x76c: {  	[tilespmem:v7+s19+$0x0] =	vst.idx.msk $0xffff, v6  }
0x76d: {  	v7 =	vor.u32 v47, v0;
	v6 =	vld.idx.msk [tilespmem:v9+s12+$0x0], $0xffff;
	[tilespmem:v10+s19+$0x0] =	vst.idx.msk $0xffff, v8  }
0x76e: {  	v14 =	vor.u32 v46, v4;
	v10 =	vor.u32 v42, v50;
	v8 =	vld.idx.msk [tilespmem:v11+s12+$0x0], $0xffff;
	[tilespmem:v13+s19+$0x0] =	vst.idx.msk $0xffff, v12  }
0x76f: {  	v48 =	vmov v42;
	v42 =	vld [tilespmem:$0x1F0E0];
	_ =	sdelay $0x2  }
0x770: {  	[tilespmem:v7+s19+$0x0] =	vst.idx.msk $0xffff, v6  }
0x771: {  	v9 =	vor.u32 v43, v1;
	v12 =	vld.idx.msk [tilespmem:v14+s12+$0x0], $0xffff;
	[tilespmem:v10+s19+$0x0] =	vst.idx.msk $0xffff, v8  }
0x772: {  	v13 =	vor.u32 v24, v3;
	v11 =	vor.u32 v42, v2;
	v26 =	vld [tilespmem:$0x1FED0];
	_ =	sdelay $0x3  }
0x773: {  	v7 =	vor.u32 v56, v0;
	v6 =	vld.idx.msk [tilespmem:v9+s12+$0x0], $0xffff  }
0x774: {  	v14 =	vor.u32 v40, v4;
	[tilespmem:v13+s19+$0x0] =	vst.idx.msk $0xffff, v12;
	v8 =	vld.idx.msk [tilespmem:v11+s12+$0x0], $0xffff;
	v10 =	vor.u32 v26, v50  }
0x775: {  	v23 =	vld [tilespmem:$0x1F0F0];
	_ =	sdelay $0x2  }
0x776: {  	[tilespmem:v7+s19+$0x0] =	vst.idx.msk $0xffff, v6  }
0x777: {  	v9 =	vor.u32 v58, v1;
	v12 =	vld.idx.msk [tilespmem:v14+s12+$0x0], $0xffff;
	[tilespmem:v10+s19+$0x0] =	vst.idx.msk $0xffff, v8  }
0x778: {  	v13 =	vor.u32 v39, v3;
	v11 =	vor.u32 v23, v2;
	v5 =	vld [tilespmem:$0x1FDC0];
	_ =	sdelay $0x3  }
0x779: {  	v14 =	vor.u32 v38, v4;
	v7 =	vor.u32 v60, v0;
	v6 =	vld.idx.msk [tilespmem:v9+s12+$0x0], $0xffff  }
0x77a: {  	v8 =	vld.idx.msk [tilespmem:v11+s12+$0x0], $0xffff;
	[tilespmem:v13+s19+$0x0] =	vst.idx.msk $0xffff, v12;
	v10 =	vor.u32 v5, v50  }
0x77b: {  	v5 =	vld [tilespmem:$0x1F100];
	_ =	sdelay $0x2  }
0x77c: {  	v9 =	vor.u32 v59, v1;
	v13 =	vor.u32 v37, v3;
	v12 =	vld.idx.msk [tilespmem:v14+s12+$0x0], $0xffff;
	[tilespmem:v7+s19+$0x0] =	vst.idx.msk $0xffff, v6  }
0x77d: {  	v14 =	vor.u32 v36, v4;
	[tilespmem:v10+s19+$0x0] =	vst.idx.msk $0xffff, v8  }
0x77e: {  	v11 =	vor.u32 v5, v2;
	v5 =	vld [tilespmem:$0x1FDD0];
	_ =	sdelay $0x2  }
0x77f: {  	v6 =	vld.idx.msk [tilespmem:v9+s12+$0x0], $0xffff;
	[tilespmem:v13+s19+$0x0] =	vst.idx.msk $0xffff, v12  }
0x780: {  	v7 =	vor.u32 v62, v0;
	v12 =	vld.idx.msk [tilespmem:v14+s12+$0x0], $0xffff  }
0x781: {  	v8 =	vld.idx.msk [tilespmem:v11+s12+$0x0], $0xffff;
	v10 =	vor.u32 v5, v50  }
0x782: {  	v13 =	vor.u32 v35, v3;
	v5 =	vld [tilespmem:$0x1F5A0];
	_ =	sdelay $0x2  }
0x783: {  	[tilespmem:v7+s19+$0x0] =	vst.idx.msk $0xffff, v6  }
0x784: {  	[tilespmem:v10+s19+$0x0] =	vst.idx.msk $0xffff, v8  }
0x785: {  	v11 =	vor.u32 v5, v2;
	v22 =	vld [tilespmem:$0x1FDE0];
	[tilespmem:v13+s19+$0x0] =	vst.idx.msk $0xffff, v12  }
0x786: {  	v9 =	vor.u32 v16, v1;
	v57 =	vld [tilespmem:$0x1F5F0]  }
0x787: {  	v14 =	vor.u32 v33, v4;
	_ =	sdelay $0x2  }
0x788: {  	v8 =	vld.idx.msk [tilespmem:v11+s12+$0x0], $0xffff;
	v10 =	vor.u32 v22, v50  }
0x789: {  	v7 =	vor.u32 v17, v0;
	v6 =	vld.idx.msk [tilespmem:v9+s12+$0x0], $0xffff;
	v11 =	vor.u32 v57, v2  }
0x78a: {  	v13 =	vor.u32 v32, v3;
	v12 =	vld.idx.msk [tilespmem:v14+s12+$0x0], $0xffff;
	_ =	sdelay $0x2  }
0x78b: {  	[tilespmem:v10+s19+$0x0] =	vst.idx.msk $0xffff, v8  }
0x78c: {  	[tilespmem:v7+s19+$0x0] =	vst.idx.msk $0xffff, v6;
	v8 =	vld.idx.msk [tilespmem:v11+s12+$0x0], $0xffff  }
0x78d: {  	v10 =	vld [tilespmem:$0x1FEE0];
	[tilespmem:v13+s19+$0x0] =	vst.idx.msk $0xffff, v12  }
0x78e: {  	v9 =	vor.u32 v55, v1;
	v11 =	vld [tilespmem:$0x1F640];
	_ =	sdelay $0x3  }
0x78f: {  	v14 =	vor.u32 v30, v4;
	v10 =	vor.u32 v10, v50  }
0x790: {  	v7 =	vor.u32 v49, v0;
	v6 =	vld.idx.msk [tilespmem:v9+s12+$0x0], $0xffff;
	v11 =	vor.u32 v11, v2;
	_ =	sdelay $0x3  }
0x791: {  	v12 =	vld.idx.msk [tilespmem:v14+s12+$0x0], $0xffff;
	[tilespmem:v10+s19+$0x0] =	vst.idx.msk $0xffff, v8  }
0x792: {  	v9 =	vor.u32 v31, v1;
	[tilespmem:v7+s19+$0x0] =	vst.idx.msk $0xffff, v6;
	v10 =	vld.idx.msk [tilespmem:v11+s12+$0x0], $0xffff  }
0x793: {  	v13 =	vor.u32 v21, v3;
	v11 =	vld [tilespmem:$0x1F970];
	_ =	sdelay $0x3  }
0x794: {  	v6 =	vor.u32 v15, v0;
	v9 =	vld.idx.msk [tilespmem:v9+s12+$0x0], $0xffff  }
0x795: {  	v14 =	vor.u32 v19, v4;
	[tilespmem:v13+s19+$0x0] =	vst.idx.msk $0xffff, v12;
	v11 =	vor.u32 v11, v50  }
0x796: {  	v12 =	vld [tilespmem:$0x1F370]  }
0x797: {  	s29 =	simm.s32 $0x30;
	v19 =	vlaneseq.u32  }
0x798: {  	v15 =	vor.u32 s29, v19  }
0x799: {  	v16 =	vor.u32 v18, v1;
	v7 =	vshll.u32 v15, $0x6;
	[tilespmem:v6+s19+$0x0] =	vst.idx.msk $0xffff, v9  }
0x79a: {  	v8 =	vor.u32 v19, v7;
	v13 =	vld.idx.msk [tilespmem:v14+s12+$0x0], $0xffff;
	[tilespmem:v11+s19+$0x0] =	vst.idx.msk $0xffff, v10  }
0x79b: {  	v14 =	vor.u32 v54, v3;
	v12 =	vor.u32 v12, v2;
	v29 =	vld [tilespmem:$0x1FFD0];
	_ =	sdelay $0x2  }
0x79c: {  	v6 =	vand.u32 $0x78, v15;
	v15 =	vor.u32 v61, v0;
	v9 =	vld.idx.msk [tilespmem:v16+s12+$0x0], $0xffff  }
0x79d: {  	v17 =	vor.u32 v52, v4;
	v55 =	vmovc v32;
	v32 =	vmov v18;
	v18 =	vor.u32 v34, v6;
	v8 =	vld.idx.msk [tilespmem:v8+s12+$0x0], $0xffff  }
0x79e: {  	v16 =	vor.u32 v20, v1;
	v11 =	vld.idx.msk [tilespmem:v12+s12+$0x0], $0xffff;
	[tilespmem:v14+s19+$0x0] =	vst.idx.msk $0xffff, v13;
	v12 =	vor.u32 v29, v50  }
0x79f: {  	v20 =	vld [tilespmem:$0x1F110];
	_ =	sdelay $0x1  }
0x7a0: {  	[tilespmem:v15+s19+$0x0] =	vst.idx.msk $0xffff, v9  }
0x7a1: {  	v10 =	vor.u32 v51, v7;
	v14 =	vld.idx.msk [tilespmem:v17+s12+$0x0], $0xffff;
	v17 =	vor.u32 v44, v3;
	[tilespmem:v18+s19+$0x0] =	vst.idx.msk $0xffff, v8  }
0x7a2: {  	v8 =	vld.idx.msk [tilespmem:v16+s12+$0x0], $0xffff;
	[tilespmem:v12+s19+$0x0] =	vst.idx.msk $0xffff, v11  }
0x7a3: {  	v16 =	vor.u32 v42, v1;
	v13 =	vor.u32 v20, v2;
	v42 =	vld [tilespmem:$0x1F990];
	_ =	sdelay $0x1  }
0x7a4: {  	v28 =	vmov v48  }
0x7a5: {  	v9 =	vor.u32 v28, v0;
	v10 =	vld.idx.msk [tilespmem:v10+s12+$0x0], $0xffff;
	[tilespmem:v17+s19+$0x0] =	vst.idx.msk $0xffff, v14  }
0x7a6: {  	v19 =	vor.u32 v27, v4;
	v15 =	vor.u32 v53, v6;
	v11 =	vor.u32 v63, v7;
	v63 =	vld [tilespmem:$0x1F120]  }
0x7a7: {  	v12 =	vld.idx.msk [tilespmem:v13+s12+$0x0], $0xffff;
	v13 =	vor.u32 v42, v50;
	_ =	sdelay $0x2  }
0x7a8: {  	[tilespmem:v9+s19+$0x0] =	vst.idx.msk $0xffff, v8  }
0x7a9: {  	v18 =	vor.u32 v41, v3;
	v17 =	vld.idx.msk [tilespmem:v19+s12+$0x0], $0xffff;
	[tilespmem:v15+s19+$0x0] =	vst.idx.msk $0xffff, v10;
	v14 =	vor.u32 v63, v2  }
0x7aa: {  	[tilespmem:v13+s19+$0x0] =	vst.idx.msk $0xffff, v12  }
0x7ab: {  	v28 =	vld [tilespmem:$0x1F9A0]  }
0x7ac: {  	v9 =	vor.u32 v26, v0;
	v8 =	vld.idx.msk [tilespmem:v16+s12+$0x0], $0xffff  }
0x7ad: {  	v19 =	vor.u32 v25, v4;
	v10 =	vld.idx.msk [tilespmem:v11+s12+$0x0], $0xffff;
	v11 =	vor.u32 v45, v6  }
0x7ae: {  	v13 =	vld.idx.msk [tilespmem:v14+s12+$0x0], $0xffff;
	[tilespmem:v18+s19+$0x0] =	vst.idx.msk $0xffff, v17  }
0x7af: {  	v30 =	vld [tilespmem:$0x1F130]  }
0x7b0: {  	v47 =	vmov v24;
	v24 =	vld [tilespmem:$0x1FEC0];
	v14 =	vor.u32 v28, v50  }
0x7b1: {  	[tilespmem:v9+s19+$0x0] =	vst.idx.msk $0xffff, v8  }
0x7b2: {  	v17 =	vld.idx.msk [tilespmem:v19+s12+$0x0], $0xffff;
	[tilespmem:v11+s19+$0x0] =	vst.idx.msk $0xffff, v10  }
0x7b3: {  	v15 =	vor.u32 v23, v1;
	v19 =	vor.u32 v43, v4;
	v43 =	vld [tilespmem:$0x1FDC0]  }
0x7b4: {  	v12 =	vor.u32 v46, v7  }
0x7b5: {  	v34 =	vld [tilespmem:$0x1F100];
	v16 =	vor.u32 v30, v2;
	v18 =	vor.u32 v24, v3;
	[tilespmem:v14+s19+$0x0] =	vst.idx.msk $0xffff, v13  }
0x7b6: {  	v31 =	vld [tilespmem:$0x1F9B0];
	_ =	sdelay $0x1  }
0x7b7: {  	v8 =	vld.idx.msk [tilespmem:v15+s12+$0x0], $0xffff;
	v9 =	vor.u32 v43, v0  }
0x7b8: {  	v11 =	vor.u32 v47, v6;
	v10 =	vld.idx.msk [tilespmem:v12+s12+$0x0], $0xffff  }
0x7b9: {  	v14 =	vld.idx.msk [tilespmem:v16+s12+$0x0], $0xffff;
	[tilespmem:v18+s19+$0x0] =	vst.idx.msk $0xffff, v17  }
0x7ba: {  	v48 =	vmov v52;
	v52 =	vld [tilespmem:$0x1F140];
	v15 =	vor.u32 v31, v50;
	_ =	sdelay $0x1  }
0x7bb: {  	[tilespmem:v9+s19+$0x0] =	vst.idx.msk $0xffff, v8  }
0x7bc: {  	v12 =	vor.u32 v34, v1;
	[tilespmem:v11+s19+$0x0] =	vst.idx.msk $0xffff, v10  }
0x7bd: {  	v13 =	vor.u32 v40, v7;
	v27 =	vld [tilespmem:$0x1FDD0]  }
0x7be: {  	v18 =	vor.u32 v56, v3;
	v17 =	vld.idx.msk [tilespmem:v19+s12+$0x0], $0xffff;
	v16 =	vor.u32 v52, v2;
	[tilespmem:v15+s19+$0x0] =	vst.idx.msk $0xffff, v14  }
0x7bf: {  	v45 =	vld [tilespmem:$0x1F9C0];
	_ =	sdelay $0x1  }
0x7c0: {  	v8 =	vld.idx.msk [tilespmem:v12+s12+$0x0], $0xffff  }
0x7c1: {  	v10 =	vld.idx.msk [tilespmem:v13+s12+$0x0], $0xffff;
	v9 =	vor.u32 v27, v0  }
0x7c2: {  	v11 =	vor.u32 v39, v6;
	v14 =	vld.idx.msk [tilespmem:v16+s12+$0x0], $0xffff;
	[tilespmem:v18+s19+$0x0] =	vst.idx.msk $0xffff, v17  }
0x7c3: {  	v19 =	vor.u32 v58, v4;
	v40 =	vld [tilespmem:$0x1F490];
	v15 =	vor.u32 v45, v50;
	_ =	sdelay $0x1  }
0x7c4: {  	v12 =	vor.u32 v5, v1  }
0x7c5: {  	v13 =	vor.u32 v38, v7;
	[tilespmem:v9+s19+$0x0] =	vst.idx.msk $0xffff, v8  }
0x7c6: {  	[tilespmem:v11+s19+$0x0] =	vst.idx.msk $0xffff, v10  }
0x7c7: {  	v18 =	vor.u32 v60, v3;
	v17 =	vld.idx.msk [tilespmem:v19+s12+$0x0], $0xffff;
	v16 =	vor.u32 v40, v2;
	[tilespmem:v15+s19+$0x0] =	vst.idx.msk $0xffff, v14  }
0x7c8: {  	v5 =	vld [tilespmem:$0x1FEF0]  }
0x7c9: {  	v9 =	vor.u32 v22, v0;
	v8 =	vld.idx.msk [tilespmem:v12+s12+$0x0], $0xffff  }
0x7ca: {  	v11 =	vor.u32 v37, v6;
	v10 =	vld.idx.msk [tilespmem:v13+s12+$0x0], $0xffff;
	_ =	sdelay $0x1  }
0x7cb: {  	v19 =	vor.u32 v59, v4;
	v14 =	vld.idx.msk [tilespmem:v16+s12+$0x0], $0xffff;
	[tilespmem:v18+s19+$0x0] =	vst.idx.msk $0xffff, v17  }
0x7cc: {  	v13 =	vor.u32 v36, v7;
	v36 =	vld [tilespmem:$0x1F150];
	v15 =	vor.u32 v5, v50  }
0x7cd: {  	v37 =	vld [tilespmem:$0x1FD80];
	[tilespmem:v9+s19+$0x0] =	vst.idx.msk $0xffff, v8  }
0x7ce: {  	[tilespmem:v11+s19+$0x0] =	vst.idx.msk $0xffff, v10  }
0x7cf: {  	v53 =	vmov v41;
	v12 =	vor.u32 v57, v1;
	v41 =	vld [tilespmem:$0x1FEE0]  }
0x7d0: {  	v17 =	vld.idx.msk [tilespmem:v19+s12+$0x0], $0xffff  }
0x7d1: {  	v18 =	vor.u32 v62, v3;
	v62 =	vld [tilespmem:$0x1F640];
	v16 =	vor.u32 v36, v2;
	[tilespmem:v15+s19+$0x0] =	vst.idx.msk $0xffff, v14  }
0x7d2: {  	v61 =	vld [tilespmem:$0x1F9D0];
	_ =	sdelay $0x1  }
0x7d3: {  	v8 =	vld.idx.msk [tilespmem:v12+s12+$0x0], $0xffff;
	v9 =	vor.u32 v41, v0  }
0x7d4: {  	v11 =	vor.u32 v35, v6;
	v10 =	vld.idx.msk [tilespmem:v13+s12+$0x0], $0xffff;
	v19 =	vor.u32 v37, v4  }
0x7d5: {  	v14 =	vld.idx.msk [tilespmem:v16+s12+$0x0], $0xffff;
	[tilespmem:v18+s19+$0x0] =	vst.idx.msk $0xffff, v17  }
0x7d6: {  	v57 =	vld [tilespmem:$0x1F160];
	v15 =	vor.u32 v61, v50  }
0x7d7: {  	v46 =	vmov v56;
	v56 =	vmov v58;
	v58 =	vmov v59;
	v59 =	vld [tilespmem:$0x1F810]  }
0x7d8: {  	v25 =	vld [tilespmem:$0x1FDB0];
	[tilespmem:v9+s19+$0x0] =	vst.idx.msk $0xffff, v8  }
0x7d9: {  	v17 =	vld.idx.msk [tilespmem:v19+s12+$0x0], $0xffff;
	[tilespmem:v11+s19+$0x0] =	vst.idx.msk $0xffff, v10  }
0x7da: {  	v12 =	vor.u32 v62, v1;
	v38 =	vld [tilespmem:$0x1F970]  }
0x7db: {  	v13 =	vor.u32 v33, v7;
	v33 =	vld [tilespmem:$0x1F370];
	[tilespmem:v15+s19+$0x0] =	vst.idx.msk $0xffff, v14  }
0x7dc: {  	v16 =	vor.u32 v57, v2;
	v18 =	vor.u32 v59, v3;
	v47 =	vld [tilespmem:$0x1F9E0]  }
0x7dd: {  	v5 =	vld [tilespmem:$0x1F7F0];
	_ =	sdelay $0x1  }
0x7de: {  	v8 =	vld.idx.msk [tilespmem:v12+s12+$0x0], $0xffff;
	v9 =	vor.u32 v38, v0  }
0x7df: {  	v11 =	vor.u32 v55, v6;
	v10 =	vld.idx.msk [tilespmem:v13+s12+$0x0], $0xffff  }
0x7e0: {  	v19 =	vor.u32 v25, v4;
	v14 =	vld.idx.msk [tilespmem:v16+s12+$0x0], $0xffff;
	[tilespmem:v18+s19+$0x0] =	vst.idx.msk $0xffff, v17;
	v15 =	vor.u32 v47, v50  }
0x7e1: {  	v13 =	vor.u32 v5, v7;
	v5 =	vld [tilespmem:$0x1F480];
	_ =	sdelay $0x1  }
0x7e2: {  	v39 =	vld [tilespmem:$0x1F170];
	[tilespmem:v9+s19+$0x0] =	vst.idx.msk $0xffff, v8  }
0x7e3: {  	[tilespmem:v11+s19+$0x0] =	vst.idx.msk $0xffff, v10  }
0x7e4: {  	v18 =	vor.u32 v49, v3;
	v17 =	vld.idx.msk [tilespmem:v19+s12+$0x0], $0xffff;
	[tilespmem:v15+s19+$0x0] =	vst.idx.msk $0xffff, v14  }
0x7e5: {  	v19 =	vor.u32 v5, v4;
	v5 =	vld [tilespmem:$0x1F980];
	_ =	sdelay $0x1  }
0x7e6: {  	v12 =	vor.u32 v33, v1;
	_ =	sdelay $0x1  }
0x7e7: {  	v16 =	vor.u32 v39, v2;
	v55 =	vld [tilespmem:$0x1F9F0];
	[tilespmem:v18+s19+$0x0] =	vst.idx.msk $0xffff, v17  }
0x7e8: {  	v14 =	vor.u32 v5, v7;
	v5 =	vld [tilespmem:$0x1F870];
	_ =	sdelay $0x1  }
0x7e9: {  	v10 =	vor.u32 v29, v0;
	v8 =	vld.idx.msk [tilespmem:v12+s12+$0x0], $0xffff  }
0x7ea: {  	v12 =	vor.u32 v21, v6;
	v11 =	vld.idx.msk [tilespmem:v13+s12+$0x0], $0xffff  }
0x7eb: {  	v15 =	vld.idx.msk [tilespmem:v16+s12+$0x0], $0xffff;
	v16 =	vor.u32 v55, v50  }
0x7ec: {  	v19 =	vld.idx.msk [tilespmem:v19+s12+$0x0], $0xffff;
	v17 =	vor.u32 v5, v3;
	_ =	sdelay $0x1  }
0x7ed: {  	v49 =	vld [tilespmem:$0x1F180];
	[tilespmem:v10+s19+$0x0] =	vst.idx.msk $0xffff, v8  }
0x7ee: {  	s30 =	simm.s32 $0x40;
	[tilespmem:v12+s19+$0x0] =	vst.idx.msk $0xffff, v11;
	v5 =	vlaneseq.u32  }
0x7ef: {  	v13 =	vor.u32 v20, v1;
	[tilespmem:v16+s19+$0x0] =	vst.idx.msk $0xffff, v15;
	v20 =	vor.u32 s30, v5  }
0x7f0: {  	v12 =	vor.u32 v42, v0;
	v42 =	vld [tilespmem:$0x1FA00];
	v9 =	vshll.u32 v20, $0x6;
	[tilespmem:v17+s19+$0x0] =	vst.idx.msk $0xffff, v19  }
0x7f1: {  	v10 =	vor.u32 v5, v9;
	v5 =	vld [tilespmem:$0x1F8C0];
	_ =	sdelay $0x2  }
0x7f2: {  	v18 =	vor.u32 v49, v2  }
0x7f3: {  	v21 =	vor.u32 v32, v4  }
0x7f4: {  	v8 =	vand.u32 $0x78, v20;
	v20 =	vor.u32 v5, v3;
	v5 =	vld [tilespmem:$0x1F0D0]  }
0x7f5: {  	v11 =	vld.idx.msk [tilespmem:v13+s12+$0x0], $0xffff  }
0x7f6: {  	v13 =	vld.idx.msk [tilespmem:v14+s12+$0x0], $0xffff  }
0x7f7: {  	v16 =	vld.idx.msk [tilespmem:v18+s12+$0x0], $0xffff  }
0x7f8: {  	v14 =	vor.u32 v54, v6;
	v19 =	vld.idx.msk [tilespmem:v21+s12+$0x0], $0xffff  }
0x7f9: {  	v18 =	vor.u32 v42, v50;
	v21 =	vor.u32 v5, v4;
	v5 =	vld [tilespmem:$0x1FFC0];
	_ =	sdelay $0x2  }
0x7fa: {  	v15 =	vor.u32 v48, v7;
	v48 =	vld [tilespmem:$0x1F190];
	[tilespmem:v12+s19+$0x0] =	vst.idx.msk $0xffff, v11  }
0x7fb: {  	[tilespmem:v14+s19+$0x0] =	vst.idx.msk $0xffff, v13  }
0x7fc: {  	v10 =	vld.idx.msk [tilespmem:v10+s12+$0x0], $0xffff;
	[tilespmem:v18+s19+$0x0] =	vst.idx.msk $0xffff, v16;
	v23 =	vor.u32 v5, v8  }
0x7fd: {  	v5 =	vld [tilespmem:$0x1FEA0];
	_ =	sdelay $0x2  }
0x7fe: {  	v13 =	vor.u32 v28, v0;
	v28 =	vld [tilespmem:$0x1FA10];
	[tilespmem:v20+s19+$0x0] =	vst.idx.msk $0xffff, v19  }
0x7ff: {  	v22 =	vor.u32 v63, v1;
	v35 =	vld [tilespmem:$0x1F1A0];
	[tilespmem:v23+s19+$0x0] =	vst.idx.msk $0xffff, v10  }
0x800: {  	v16 =	vor.u32 v5, v7;
	v5 =	vld [tilespmem:$0x1F940];
	_ =	sdelay $0x1  }
0x801: {  	v17 =	vor.u32 v48, v2;
	_ =	sdelay $0x1  }
0x802: {  	v12 =	vld.idx.msk [tilespmem:v22+s12+$0x0], $0xffff  }
0x803: {  	v20 =	vor.u32 v5, v3;
	v5 =	vld [tilespmem:$0x1FE70]  }
0x804: {  	v14 =	vld.idx.msk [tilespmem:v15+s12+$0x0], $0xffff  }
0x805: {  	v17 =	vld.idx.msk [tilespmem:v17+s12+$0x0], $0xffff  }
0x806: {  	v15 =	vor.u32 v44, v6;
	v10 =	vld.idx.msk [tilespmem:v21+s12+$0x0], $0xffff  }
0x807: {  	v11 =	vor.u32 v51, v9;
	v18 =	vor.u32 v28, v50;
	v44 =	vld [tilespmem:$0x1F0E0];
	[tilespmem:v13+s19+$0x0] =	vst.idx.msk $0xffff, v12  }
0x808: {  	v21 =	vor.u32 v5, v8;
	v5 =	vld [tilespmem:$0x1FE80];
	_ =	sdelay $0x1  }
0x809: {  	v22 =	vor.u32 v30, v1  }
0x80a: {  	[tilespmem:v15+s19+$0x0] =	vst.idx.msk $0xffff, v14  }
0x80b: {  	v11 =	vld.idx.msk [tilespmem:v11+s12+$0x0], $0xffff;
	[tilespmem:v18+s19+$0x0] =	vst.idx.msk $0xffff, v17  }
0x80c: {  	v12 =	vor.u32 v5, v9;
	v5 =	vld [tilespmem:$0x1FB00];
	_ =	sdelay $0x1  }
0x80d: {  	v13 =	vld.idx.msk [tilespmem:v22+s12+$0x0], $0xffff  }
0x80e: {  	v19 =	vor.u32 v35, v2;
	v54 =	vld [tilespmem:$0x1FA20];
	[tilespmem:v20+s19+$0x0] =	vst.idx.msk $0xffff, v10  }
0x80f: {  	v14 =	vor.u32 v31, v0;
	v29 =	vld [tilespmem:$0x1F1B0];
	[tilespmem:v21+s19+$0x0] =	vst.idx.msk $0xffff, v11  }
0x810: {  	v17 =	vor.u32 v5, v7;
	v5 =	vld [tilespmem:$0x1FAF0];
	_ =	sdelay $0x1  }
0x811: {  	v15 =	vld.idx.msk [tilespmem:v16+s12+$0x0], $0xffff  }
0x812: {  	v23 =	vor.u32 v44, v4;
	v16 =	vor.u32 v53, v6;
	v18 =	vld.idx.msk [tilespmem:v19+s12+$0x0], $0xffff  }
0x813: {  	v19 =	vor.u32 v54, v50;
	v63 =	vld [tilespmem:$0x1F0F0];
	[tilespmem:v14+s19+$0x0] =	vst.idx.msk $0xffff, v13  }
0x814: {  	v21 =	vor.u32 v5, v8;
	v5 =	vld [tilespmem:$0x1F750];
	_ =	sdelay $0x2  }
0x815: {  	v22 =	vor.u32 v52, v1;
	v11 =	vld.idx.msk [tilespmem:v23+s12+$0x0], $0xffff;
	[tilespmem:v16+s19+$0x0] =	vst.idx.msk $0xffff, v15  }
0x816: {  	v20 =	vor.u32 v26, v3;
	v12 =	vld.idx.msk [tilespmem:v12+s12+$0x0], $0xffff;
	[tilespmem:v19+s19+$0x0] =	vst.idx.msk $0xffff, v18  }
0x817: {  	v13 =	vor.u32 v5, v9;
	v5 =	vld [tilespmem:$0x1FA70];
	_ =	sdelay $0x2  }
0x818: {  	v10 =	vor.u32 v29, v2;
	v14 =	vld.idx.msk [tilespmem:v22+s12+$0x0], $0xffff  }
0x819: {  	v22 =	vor.u32 v40, v1;
	v23 =	vor.u32 v63, v4;
	v40 =	vld [tilespmem:$0x1FA30];
	[tilespmem:v20+s19+$0x0] =	vst.idx.msk $0xffff, v11  }
0x81a: {  	v15 =	vor.u32 v45, v0;
	v18 =	vor.u32 v5, v7;
	v5 =	vld [tilespmem:$0x1F6B0];
	[tilespmem:v21+s19+$0x0] =	vst.idx.msk $0xffff, v12  }
0x81b: {  	v21 =	vld [tilespmem:$0x1F760]  }
0x81c: {  	v16 =	vld.idx.msk [tilespmem:v17+s12+$0x0], $0xffff;
	v17 =	vor.u32 v24, v6  }
0x81d: {  	v10 =	vld.idx.msk [tilespmem:v10+s12+$0x0], $0xffff  }
0x81e: {  	v19 =	vor.u32 v40, v50;
	v12 =	vld.idx.msk [tilespmem:v23+s12+$0x0], $0xffff  }
0x81f: {  	v20 =	vor.u32 v43, v3;
	v13 =	vld.idx.msk [tilespmem:v13+s12+$0x0], $0xffff;
	[tilespmem:v15+s19+$0x0] =	vst.idx.msk $0xffff, v14  }
0x820: {  	v14 =	vld [tilespmem:$0x1F770];
	v21 =	vor.u32 v21, v8  }
0x821: {  	[tilespmem:v17+s19+$0x0] =	vst.idx.msk $0xffff, v16  }
0x822: {  	v53 =	vld [tilespmem:$0x1FEF0]  }
0x823: {  	v15 =	vld.idx.msk [tilespmem:v22+s12+$0x0], $0xffff;
	[tilespmem:v19+s19+$0x0] =	vst.idx.msk $0xffff, v10;
	v11 =	vor.u32 v5, v2  }
0x824: {  	v23 =	vor.u32 v34, v4;
	v10 =	vor.u32 v56, v7;
	v56 =	vld [tilespmem:$0x1FA40];
	[tilespmem:v20+s19+$0x0] =	vst.idx.msk $0xffff, v12  }
0x825: {  	v22 =	vor.u32 v36, v1;
	v36 =	vld [tilespmem:$0x1F1C0];
	v14 =	vor.u32 v14, v9;
	[tilespmem:v21+s19+$0x0] =	vst.idx.msk $0xffff, v13  }
0x826: {  	v21 =	vld [tilespmem:$0x1F780]  }
0x827: {  	v17 =	vld.idx.msk [tilespmem:v18+s12+$0x0], $0xffff;
	v16 =	vor.u32 v53, v0  }
0x828: {  	v18 =	vor.u32 v46, v6;
	v11 =	vld.idx.msk [tilespmem:v11+s12+$0x0], $0xffff  }
0x829: {  	v19 =	vor.u32 v56, v50;
	v13 =	vld.idx.msk [tilespmem:v23+s12+$0x0], $0xffff  }
0x82a: {  	v20 =	vor.u32 v27, v3;
	v14 =	vld.idx.msk [tilespmem:v14+s12+$0x0], $0xffff  }
0x82b: {  	v23 =	vld [tilespmem:$0x1F5A0];
	v21 =	vor.u32 v21, v8  }
0x82c: {  	[tilespmem:v16+s19+$0x0] =	vst.idx.msk $0xffff, v15  }
0x82d: {  	v15 =	vld [tilespmem:$0x1F790];
	[tilespmem:v18+s19+$0x0] =	vst.idx.msk $0xffff, v17  }
0x82e: {  	v16 =	vld.idx.msk [tilespmem:v22+s12+$0x0], $0xffff;
	[tilespmem:v19+s19+$0x0] =	vst.idx.msk $0xffff, v11  }
0x82f: {  	v12 =	vor.u32 v36, v2;
	v22 =	vor.u32 v57, v1;
	v57 =	vld [tilespmem:$0x1FA50];
	[tilespmem:v20+s19+$0x0] =	vst.idx.msk $0xffff, v13  }
0x830: {  	v23 =	vor.u32 v23, v4;
	v30 =	vld [tilespmem:$0x1F2D0];
	[tilespmem:v21+s19+$0x0] =	vst.idx.msk $0xffff, v14  }
0x831: {  	v20 =	vld [tilespmem:$0x1FDE0]  }
0x832: {  	v17 =	vor.u32 v61, v0;
	v15 =	vor.u32 v15, v9;
	v21 =	vld [tilespmem:$0x1F7A0]  }
0x833: {  	v18 =	vor.u32 v60, v6;
	v10 =	vld.idx.msk [tilespmem:v10+s12+$0x0], $0xffff  }
0x834: {  	v12 =	vld.idx.msk [tilespmem:v12+s12+$0x0], $0xffff;
	v19 =	vor.u32 v57, v50  }
0x835: {  	v14 =	vld.idx.msk [tilespmem:v23+s12+$0x0], $0xffff  }
0x836: {  	v23 =	vld [tilespmem:$0x1F5F0];
	v20 =	vor.u32 v20, v3  }
0x837: {  	[tilespmem:v17+s19+$0x0] =	vst.idx.msk $0xffff, v16;
	v15 =	vld.idx.msk [tilespmem:v15+s12+$0x0], $0xffff;
	v21 =	vor.u32 v21, v8  }
0x838: {  	v16 =	vld [tilespmem:$0x1F7B0];
	[tilespmem:v18+s19+$0x0] =	vst.idx.msk $0xffff, v10  }
0x839: {  	v11 =	vor.u32 v58, v7;
	v18 =	vld [tilespmem:$0x1F800];
	[tilespmem:v19+s19+$0x0] =	vst.idx.msk $0xffff, v12  }
0x83a: {  	v13 =	vor.u32 v30, v2;
	v43 =	vld [tilespmem:$0x1FA60]  }
0x83b: {  	v10 =	vld.idx.msk [tilespmem:v22+s12+$0x0], $0xffff;
	[tilespmem:v20+s19+$0x0] =	vst.idx.msk $0xffff, v14  }
0x83c: {  	v58 =	vmov v37;
	v12 =	vor.u32 v37, v7;
	v23 =	vor.u32 v23, v4;
	v37 =	vld [tilespmem:$0x1F1D0];
	[tilespmem:v21+s19+$0x0] =	vst.idx.msk $0xffff, v15  }
0x83d: {  	v17 =	vor.u32 v47, v0;
	v16 =	vor.u32 v16, v9;
	v21 =	vld [tilespmem:$0x1F7C0]  }
0x83e: {  	v11 =	vld.idx.msk [tilespmem:v11+s12+$0x0], $0xffff;
	v18 =	vor.u32 v18, v6  }
0x83f: {  	v13 =	vld.idx.msk [tilespmem:v13+s12+$0x0], $0xffff;
	v19 =	vor.u32 v43, v50;
	_ =	sdelay $0x1  }
0x840: {  	v22 =	vor.u32 v39, v1;
	v20 =	vor.u32 v41, v3;
	v15 =	vld.idx.msk [tilespmem:v23+s12+$0x0], $0xffff  }
0x841: {  	v16 =	vld.idx.msk [tilespmem:v16+s12+$0x0], $0xffff;
	[tilespmem:v17+s19+$0x0] =	vst.idx.msk $0xffff, v10;
	v21 =	vor.u32 v21, v8  }
0x842: {  	v10 =	vld [tilespmem:$0x1F7D0];
	[tilespmem:v18+s19+$0x0] =	vst.idx.msk $0xffff, v11  }
0x843: {  	[tilespmem:v19+s19+$0x0] =	vst.idx.msk $0xffff, v13  }
0x844: {  	v32 =	vld [tilespmem:$0x1FA80];
	v14 =	vor.u32 v37, v2  }
0x845: {  	v11 =	vld.idx.msk [tilespmem:v22+s12+$0x0], $0xffff;
	[tilespmem:v20+s19+$0x0] =	vst.idx.msk $0xffff, v15  }
0x846: {  	v23 =	vor.u32 v62, v4;
	v18 =	vor.u32 v59, v6;
	v59 =	vld [tilespmem:$0x1F2E0];
	[tilespmem:v21+s19+$0x0] =	vst.idx.msk $0xffff, v16  }
0x847: {  	v17 =	vor.u32 v55, v0;
	v10 =	vor.u32 v10, v9;
	v21 =	vld [tilespmem:$0x1F7E0]  }
0x848: {  	v12 =	vld.idx.msk [tilespmem:v12+s12+$0x0], $0xffff  }
0x849: {  	v19 =	vor.u32 v32, v50;
	v14 =	vld.idx.msk [tilespmem:v14+s12+$0x0], $0xffff;
	_ =	sdelay $0x1  }
0x84a: {  	v20 =	vor.u32 v38, v3;
	v16 =	vld.idx.msk [tilespmem:v23+s12+$0x0], $0xffff  }
0x84b: {  	v10 =	vld.idx.msk [tilespmem:v10+s12+$0x0], $0xffff;
	[tilespmem:v17+s19+$0x0] =	vst.idx.msk $0xffff, v11;
	v21 =	vor.u32 v21, v8  }
0x84c: {  	v11 =	vld [tilespmem:$0x1F7F0];
	[tilespmem:v18+s19+$0x0] =	vst.idx.msk $0xffff, v12  }
0x84d: {  	v18 =	vld [tilespmem:$0x1F820];
	[tilespmem:v19+s19+$0x0] =	vst.idx.msk $0xffff, v14  }
0x84e: {  	v14 =	vld [tilespmem:$0x1F480]  }
0x84f: {  	v23 =	vor.u32 v33, v4;
	v33 =	vld [tilespmem:$0x1FA90];
	[tilespmem:v20+s19+$0x0] =	vst.idx.msk $0xffff, v16  }
0x850: {  	v31 =	vld [tilespmem:$0x1F2C0];
	[tilespmem:v21+s19+$0x0] =	vst.idx.msk $0xffff, v10  }
0x851: {  	v10 =	vld [tilespmem:$0x1FFD0];
	_ =	sdelay $0x2  }
0x852: {  	v22 =	vor.u32 v49, v1;
	_ =	sdelay $0x1  }
0x853: {  	v21 =	vor.u32 v10, v3;
	v10 =	vld [tilespmem:$0x1FB30];
	_ =	sdelay $0x2  }
0x854: {  	v13 =	vor.u32 v25, v7;
	v12 =	vld.idx.msk [tilespmem:v22+s12+$0x0], $0xffff  }
0x855: {  	v15 =	vor.u32 v59, v2;
	v17 =	vor.u32 v42, v0;
	v20 =	vld.idx.msk [tilespmem:v23+s12+$0x0], $0xffff  }
0x856: {  	v23 =	vor.u32 v10, v8;
	v10 =	vld [tilespmem:$0x1F110];
	_ =	sdelay $0x2  }
0x857: {  	v13 =	vld.idx.msk [tilespmem:v13+s12+$0x0], $0xffff;
	v11 =	vor.u32 v11, v9  }
0x858: {  	v15 =	vld.idx.msk [tilespmem:v15+s12+$0x0], $0xffff;
	v18 =	vor.u32 v18, v6;
	[tilespmem:v17+s19+$0x0] =	vst.idx.msk $0xffff, v12  }
0x859: {  	v19 =	vor.u32 v33, v50;
	v24 =	vor.u32 v10, v4;
	v10 =	vld [tilespmem:$0x1F980];
	_ =	sdelay $0x2  }
0x85a: {  	v11 =	vld.idx.msk [tilespmem:v11+s12+$0x0], $0xffff  }
0x85b: {  	[tilespmem:v18+s19+$0x0] =	vst.idx.msk $0xffff, v13  }
0x85c: {  	v17 =	vor.u32 v10, v9;
	v10 =	vld [tilespmem:$0x1F870];
	[tilespmem:v19+s19+$0x0] =	vst.idx.msk $0xffff, v15  }
0x85d: {  	v15 =	vld [tilespmem:$0x1F4D0]  }
0x85e: {  	v22 =	vor.u32 v48, v1;
	v60 =	vld [tilespmem:$0x1FAA0];
	[tilespmem:v21+s19+$0x0] =	vst.idx.msk $0xffff, v20  }
0x85f: {  	v34 =	vld [tilespmem:$0x1F2B0];
	[tilespmem:v23+s19+$0x0] =	vst.idx.msk $0xffff, v11  }
0x860: {  	v11 =	vld [tilespmem:$0x1F950]  }
0x861: {  	v14 =	vor.u32 v14, v7  }
0x862: {  	s31 =	simm.s32 $0x50;
	v27 =	vlaneseq.u32;
	v16 =	vor.u32 v31, v2  }
0x863: {  	v26 =	vor.u32 s31, v27;
	v13 =	vld.idx.msk [tilespmem:v22+s12+$0x0], $0xffff  }
0x864: {  	v18 =	vor.u32 v28, v0;
	v42 =	vld [tilespmem:$0x1F990];
	v25 =	vor.u32 v10, v6;
	v10 =	vshll.u32 v26, $0x6  }
0x865: {  	v20 =	vor.u32 v27, v10;
	v27 =	vor.u32 v11, v8;
	v11 =	vld [tilespmem:$0x1F120]  }
0x866: {  	v22 =	vor.u32 v35, v1;
	v14 =	vld.idx.msk [tilespmem:v14+s12+$0x0], $0xffff  }
0x867: {  	v16 =	vld.idx.msk [tilespmem:v16+s12+$0x0], $0xffff  }
0x868: {  	v23 =	vld.idx.msk [tilespmem:v24+s12+$0x0], $0xffff;
	v19 =	vor.u32 v60, v50  }
0x869: {  	v17 =	vld.idx.msk [tilespmem:v17+s12+$0x0], $0xffff;
	[tilespmem:v18+s19+$0x0] =	vst.idx.msk $0xffff, v13  }
0x86a: {  	v24 =	vor.u32 v42, v3;
	v28 =	vor.u32 v11, v4;
	v11 =	vld [tilespmem:$0x1F960]  }
0x86b: {  	[tilespmem:v25+s19+$0x0] =	vst.idx.msk $0xffff, v14;
	v14 =	vld.idx.msk [tilespmem:v22+s12+$0x0], $0xffff  }
0x86c: {  	v15 =	vor.u32 v15, v7;
	v25 =	vld [tilespmem:$0x1F8C0]  }
0x86d: {  	v21 =	vor.u32 v34, v2;
	[tilespmem:v19+s19+$0x0] =	vst.idx.msk $0xffff, v16;
	v16 =	vld.idx.msk [tilespmem:v20+s12+$0x0], $0xffff  }
0x86e: {  	v19 =	vld [tilespmem:$0x1F0D0]  }
0x86f: {  	v20 =	vld [tilespmem:$0x1FFC0];
	[tilespmem:v24+s19+$0x0] =	vst.idx.msk $0xffff, v23  }
0x870: {  	v24 =	vld [tilespmem:$0x1FAB0]  }
0x871: {  	v15 =	vld.idx.msk [tilespmem:v15+s12+$0x0], $0xffff  }
0x872: {  	v18 =	vor.u32 v54, v0;
	v21 =	vld.idx.msk [tilespmem:v21+s12+$0x0], $0xffff;
	[tilespmem:v27+s19+$0x0] =	vst.idx.msk $0xffff, v17  }
0x873: {  	v27 =	vld [tilespmem:$0x1F2A0];
	v13 =	vor.u32 v11, v9;
	v11 =	vand.u32 $0x78, v26;
	v25 =	vor.u32 v25, v6  }
0x874: {  	v22 =	vor.u32 v29, v1;
	v29 =	vld [tilespmem:$0x1F130];
	v20 =	vor.u32 v20, v11  }
0x875: {  	v26 =	vld [tilespmem:$0x1F9A0];
	v24 =	vor.u32 v24, v50  }
0x876: {  	v17 =	vld.idx.msk [tilespmem:v28+s12+$0x0], $0xffff  }
0x877: {  	v28 =	vld [tilespmem:$0x1FE90];
	[tilespmem:v18+s19+$0x0] =	vst.idx.msk $0xffff, v14  }
0x878: {  	v14 =	vld [tilespmem:$0x1FEA0];
	[tilespmem:v25+s19+$0x0] =	vst.idx.msk $0xffff, v15  }
0x879: {  	[tilespmem:v20+s19+$0x0] =	vst.idx.msk $0xffff, v16  }
0x87a: {  	v26 =	vor.u32 v26, v3;
	v54 =	vld [tilespmem:$0x1F940];
	[tilespmem:v24+s19+$0x0] =	vst.idx.msk $0xffff, v21  }
0x87b: {  	v20 =	vor.u32 v5, v1;
	v5 =	vld [tilespmem:$0x1FE70];
	_ =	sdelay $0x3  }
0x87c: {  	v13 =	vld.idx.msk [tilespmem:v13+s12+$0x0], $0xffff;
	v28 =	vor.u32 v28, v8;
	[tilespmem:v26+s19+$0x0] =	vst.idx.msk $0xffff, v17  }
0x87d: {  	v21 =	vor.u32 v5, v11;
	v5 =	vld [tilespmem:$0x1FE80];
	_ =	sdelay $0x3  }
0x87e: {  	v25 =	vld [tilespmem:$0x1FDF0];
	[tilespmem:v28+s19+$0x0] =	vst.idx.msk $0xffff, v13  }
0x87f: {  	v24 =	vor.u32 v5, v10;
	v5 =	vld [tilespmem:$0x1F9B0];
	_ =	sdelay $0x3  }
0x880: {  	v27 =	vor.u32 v27, v2  }
0x881: {  	v26 =	vor.u32 v5, v3;
	v5 =	vld [tilespmem:$0x1F530];
	_ =	sdelay $0x2  }
0x882: {  	v19 =	vor.u32 v19, v7;
	v15 =	vld.idx.msk [tilespmem:v22+s12+$0x0], $0xffff  }
0x883: {  	v23 =	vor.u32 v51, v10;
	v18 =	vor.u32 v40, v0;
	v17 =	vld.idx.msk [tilespmem:v27+s12+$0x0], $0xffff  }
0x884: {  	v27 =	vor.u32 v5, v2;
	v5 =	vld [tilespmem:$0x1FEB0];
	_ =	sdelay $0x2  }
0x885: {  	v16 =	vld.idx.msk [tilespmem:v19+s12+$0x0], $0xffff;
	v19 =	vor.u32 v54, v6  }
0x886: {  	v22 =	vld.idx.msk [tilespmem:v23+s12+$0x0], $0xffff;
	[tilespmem:v18+s19+$0x0] =	vst.idx.msk $0xffff, v15  }
0x887: {  	v28 =	vor.u32 v5, v8;
	v5 =	vld [tilespmem:$0x1FB00];
	_ =	sdelay $0x2  }
0x888: {  	v29 =	vor.u32 v29, v4;
	[tilespmem:v19+s19+$0x0] =	vst.idx.msk $0xffff, v16  }
0x889: {  	v25 =	vor.u32 v25, v50;
	[tilespmem:v21+s19+$0x0] =	vst.idx.msk $0xffff, v22  }
0x88a: {  	v15 =	vor.u32 v5, v9;
	v5 =	vld [tilespmem:$0x1FED0];
	_ =	sdelay $0x2  }
0x88b: {  	v13 =	vld.idx.msk [tilespmem:v29+s12+$0x0], $0xffff  }
0x88c: {  	v14 =	vor.u32 v14, v9;
	v16 =	vld.idx.msk [tilespmem:v20+s12+$0x0], $0xffff;
	[tilespmem:v25+s19+$0x0] =	vst.idx.msk $0xffff, v17  }
0x88d: {  	v20 =	vor.u32 v5, v6;
	v5 =	vld [tilespmem:$0x1FAF0];
	_ =	sdelay $0x3  }
0x88e: {  	v14 =	vld.idx.msk [tilespmem:v14+s12+$0x0], $0xffff;
	[tilespmem:v26+s19+$0x0] =	vst.idx.msk $0xffff, v13  }
0x88f: {  	v17 =	vor.u32 v5, v11;
	v5 =	vld [tilespmem:$0x1F750];
	_ =	sdelay $0x2  }
0x890: {  	v22 =	vld.idx.msk [tilespmem:v24+s12+$0x0], $0xffff  }
0x891: {  	v25 =	vld [tilespmem:$0x1FAC0];
	[tilespmem:v28+s19+$0x0] =	vst.idx.msk $0xffff, v14  }
0x892: {  	v38 =	vmov v5;
	v24 =	vor.u32 v5, v10;
	v5 =	vld [tilespmem:$0x1F290];
	_ =	sdelay $0x3  }
0x893: {  	v13 =	vld.idx.msk [tilespmem:v27+s12+$0x0], $0xffff  }
0x894: {  	v27 =	vor.u32 v5, v2;
	v5 =	vld [tilespmem:$0x1FEC0];
	_ =	sdelay $0x2  }
0x895: {  	v23 =	vor.u32 v44, v7  }
0x896: {  	v29 =	vor.u32 v52, v4;
	v18 =	vor.u32 v56, v0  }
0x897: {  	v28 =	vor.u32 v5, v8;
	v5 =	vld [tilespmem:$0x1F490];
	_ =	sdelay $0x2  }
0x898: {  	v19 =	vld.idx.msk [tilespmem:v23+s12+$0x0], $0xffff  }
0x899: {  	v14 =	vld.idx.msk [tilespmem:v29+s12+$0x0], $0xffff;
	[tilespmem:v18+s19+$0x0] =	vst.idx.msk $0xffff, v16  }
0x89a: {  	v29 =	vor.u32 v5, v4;
	v5 =	vld [tilespmem:$0x1FA70];
	_ =	sdelay $0x2  }
0x89b: {  	[tilespmem:v20+s19+$0x0] =	vst.idx.msk $0xffff, v19  }
0x89c: {  	v25 =	vor.u32 v25, v50;
	[tilespmem:v17+s19+$0x0] =	vst.idx.msk $0xffff, v22  }
0x89d: {  	v16 =	vor.u32 v5, v9;
	v5 =	vld [tilespmem:$0x1FDC0];
	_ =	sdelay $0x3  }
0x89e: {  	[tilespmem:v25+s19+$0x0] =	vst.idx.msk $0xffff, v13  }
0x89f: {  	v20 =	vor.u32 v5, v6;
	v5 =	vld [tilespmem:$0x1F760];
	_ =	sdelay $0x3  }
0x8a0: {  	v23 =	vor.u32 v63, v7;
	v26 =	vor.u32 v45, v3  }
0x8a1: {  	v44 =	vmov v5;
	v13 =	vor.u32 v5, v11;
	v5 =	vld [tilespmem:$0x1F100];
	_ =	sdelay $0x2  }
0x8a2: {  	v15 =	vld.idx.msk [tilespmem:v15+s12+$0x0], $0xffff  }
0x8a3: {  	v17 =	vld.idx.msk [tilespmem:v23+s12+$0x0], $0xffff;
	[tilespmem:v26+s19+$0x0] =	vst.idx.msk $0xffff, v14  }
0x8a4: {  	v23 =	vor.u32 v5, v7;
	v5 =	vld [tilespmem:$0x1F770];
	_ =	sdelay $0x1  }
0x8a5: {  	v21 =	vor.u32 v36, v1  }
0x8a6: {  	v22 =	vld.idx.msk [tilespmem:v24+s12+$0x0], $0xffff  }
0x8a7: {  	v25 =	vld [tilespmem:$0x1FAD0];
	[tilespmem:v28+s19+$0x0] =	vst.idx.msk $0xffff, v15  }
0x8a8: {  	v45 =	vmov v5;
	v24 =	vor.u32 v5, v10;
	v5 =	vld [tilespmem:$0x1F280];
	_ =	sdelay $0x1  }
0x8a9: {  	v18 =	vld.idx.msk [tilespmem:v21+s12+$0x0], $0xffff;
	v19 =	vor.u32 v57, v0;
	_ =	sdelay $0x1  }
0x8aa: {  	v14 =	vld.idx.msk [tilespmem:v27+s12+$0x0], $0xffff  }
0x8ab: {  	v27 =	vor.u32 v5, v2;
	v5 =	vld [tilespmem:$0x1F150];
	_ =	sdelay $0x1  }
0x8ac: {  	v36 =	vld [tilespmem:$0x1F910];
	[tilespmem:v19+s19+$0x0] =	vst.idx.msk $0xffff, v18  }
0x8ad: {  	v48 =	vld [tilespmem:$0x1F920];
	[tilespmem:v20+s19+$0x0] =	vst.idx.msk $0xffff, v17  }
0x8ae: {  	v15 =	vld.idx.msk [tilespmem:v29+s12+$0x0], $0xffff;
	v25 =	vor.u32 v25, v50;
	[tilespmem:v13+s19+$0x0] =	vst.idx.msk $0xffff, v22  }
0x8af: {  	v29 =	vor.u32 v5, v4;
	v5 =	vld [tilespmem:$0x1FDD0];
	_ =	sdelay $0x1  }
0x8b0: {  	v21 =	vor.u32 v30, v1;
	_ =	sdelay $0x1  }
0x8b1: {  	[tilespmem:v25+s19+$0x0] =	vst.idx.msk $0xffff, v14  }
0x8b2: {  	v20 =	vor.u32 v5, v6;
	v5 =	vld [tilespmem:$0x1F780]  }
0x8b3: {  	v26 =	vor.u32 v53, v3;
	v16 =	vld.idx.msk [tilespmem:v16+s12+$0x0], $0xffff  }
0x8b4: {  	v17 =	vld.idx.msk [tilespmem:v21+s12+$0x0], $0xffff  }
0x8b5: {  	v13 =	vld.idx.msk [tilespmem:v23+s12+$0x0], $0xffff  }
0x8b6: {  	v28 =	vor.u32 v36, v8;
	v22 =	vld.idx.msk [tilespmem:v24+s12+$0x0], $0xffff  }
0x8b7: {  	v63 =	vmov v5;
	v14 =	vor.u32 v5, v11;
	v5 =	vld [tilespmem:$0x1F5A0]  }
0x8b8: {  	v18 =	vor.u32 v48, v9;
	[tilespmem:v26+s19+$0x0] =	vst.idx.msk $0xffff, v15;
	v15 =	vld.idx.msk [tilespmem:v27+s12+$0x0], $0xffff  }
0x8b9: {  	v25 =	vld [tilespmem:$0x1FE00]  }
0x8ba: {  	v19 =	vor.u32 v43, v0;
	v24 =	vld [tilespmem:$0x1F790]  }
0x8bb: {  	[tilespmem:v28+s19+$0x0] =	vst.idx.msk $0xffff, v16;
	v16 =	vld.idx.msk [tilespmem:v29+s12+$0x0], $0xffff  }
0x8bc: {  	v21 =	vor.u32 v37, v1;
	v27 =	vld [tilespmem:$0x1F270]  }
0x8bd: {  	v18 =	vld.idx.msk [tilespmem:v18+s12+$0x0], $0xffff  }
0x8be: {  	v26 =	vor.u32 v61, v3;
	v61 =	vld [tilespmem:$0x1FFE0];
	v23 =	vor.u32 v5, v7;
	v25 =	vor.u32 v25, v50  }
0x8bf: {  	v29 =	vld [tilespmem:$0x1F160];
	[tilespmem:v19+s19+$0x0] =	vst.idx.msk $0xffff, v17  }
0x8c0: {  	v43 =	vld [tilespmem:$0x1FFF0];
	[tilespmem:v20+s19+$0x0] =	vst.idx.msk $0xffff, v13  }
0x8c1: {  	v13 =	vld.idx.msk [tilespmem:v21+s12+$0x0], $0xffff;
	[tilespmem:v14+s19+$0x0] =	vst.idx.msk $0xffff, v22  }
0x8c2: {  	v5 =	vmov v24;
	v24 =	vor.u32 v24, v10;
	v20 =	vld [tilespmem:$0x1FDE0]  }
0x8c3: {  	v27 =	vor.u32 v27, v2;
	v14 =	vld.idx.msk [tilespmem:v23+s12+$0x0], $0xffff;
	[tilespmem:v25+s19+$0x0] =	vst.idx.msk $0xffff, v15  }
0x8c4: {  	v28 =	vor.u32 v61, v8;
	v15 =	vld [tilespmem:$0x1F7A0]  }
0x8c5: {  	v29 =	vor.u32 v29, v4;
	v23 =	vld [tilespmem:$0x1F5F0];
	[tilespmem:v26+s19+$0x0] =	vst.idx.msk $0xffff, v16  }
0x8c6: {  	v25 =	vld [tilespmem:$0x1FF90]  }
0x8c7: {  	v17 =	vor.u32 v43, v9;
	v22 =	vld.idx.msk [tilespmem:v24+s12+$0x0], $0xffff  }
0x8c8: {  	v19 =	vor.u32 v32, v0;
	v16 =	vld.idx.msk [tilespmem:v27+s12+$0x0], $0xffff  }
0x8c9: {  	v21 =	vor.u32 v59, v1;
	v20 =	vor.u32 v20, v6;
	v24 =	vld [tilespmem:$0x1F7B0];
	[tilespmem:v28+s19+$0x0] =	vst.idx.msk $0xffff, v18  }
0x8ca: {  	v18 =	vld.idx.msk [tilespmem:v29+s12+$0x0], $0xffff;
	v53 =	vmov v15;
	v15 =	vor.u32 v15, v11;
	v23 =	vor.u32 v23, v7  }
0x8cb: {  	v27 =	vld [tilespmem:$0x1F5E0];
	v25 =	vor.u32 v25, v50  }
0x8cc: {  	v17 =	vld.idx.msk [tilespmem:v17+s12+$0x0], $0xffff  }
0x8cd: {  	v26 =	vor.u32 v47, v3;
	v59 =	vld [tilespmem:$0x1F800];
	[tilespmem:v19+s19+$0x0] =	vst.idx.msk $0xffff, v13  }
0x8ce: {  	[tilespmem:v20+s19+$0x0] =	vst.idx.msk $0xffff, v14;
	v14 =	vld.idx.msk [tilespmem:v21+s12+$0x0], $0xffff  }
0x8cf: {  	v62 =	vmov v24;
	v24 =	vor.u32 v24, v10;
	[tilespmem:v15+s19+$0x0] =	vst.idx.msk $0xffff, v22;
	v15 =	vld.idx.msk [tilespmem:v23+s12+$0x0], $0xffff  }
0x8d0: {  	v27 =	vor.u32 v27, v2;
	v20 =	vld [tilespmem:$0x1FEE0];
	[tilespmem:v25+s19+$0x0] =	vst.idx.msk $0xffff, v16  }
0x8d1: {  	v16 =	vld [tilespmem:$0x1F7C0]  }
0x8d2: {  	v29 =	vor.u32 v39, v4;
	v28 =	vor.u32 v59, v8;
	v23 =	vld [tilespmem:$0x1F640];
	[tilespmem:v26+s19+$0x0] =	vst.idx.msk $0xffff, v18  }
0x8d3: {  	v25 =	vld [tilespmem:$0x1FAE0]  }
0x8d4: {  	v22 =	vld.idx.msk [tilespmem:v24+s12+$0x0], $0xffff  }
0x8d5: {  	v19 =	vor.u32 v33, v0;
	v18 =	vld.idx.msk [tilespmem:v27+s12+$0x0], $0xffff  }
0x8d6: {  	v13 =	vor.u32 v58, v9;
	v24 =	vld [tilespmem:$0x1F7D0];
	v58 =	vmov v20;
	v20 =	vor.u32 v20, v6  }
0x8d7: {  	[tilespmem:v28+s19+$0x0] =	vst.idx.msk $0xffff, v17;
	v17 =	vld.idx.msk [tilespmem:v29+s12+$0x0], $0xffff;
	v59 =	vmov v16;
	v16 =	vor.u32 v16, v11  }
0x8d8: {  	v27 =	vld [tilespmem:$0x1F630];
	v25 =	vor.u32 v25, v50  }
0x8d9: {  	v33 =	vld [tilespmem:$0x1F810]  }
0x8da: {  	v26 =	vor.u32 v55, v3;
	v29 =	vld [tilespmem:$0x1F180];
	[tilespmem:v19+s19+$0x0] =	vst.idx.msk $0xffff, v14  }
0x8db: {  	v21 =	vor.u32 v31, v1;
	v31 =	vld [tilespmem:$0x1FDB0];
	[tilespmem:v20+s19+$0x0] =	vst.idx.msk $0xffff, v15  }
0x8dc: {  	v13 =	vld.idx.msk [tilespmem:v13+s12+$0x0], $0xffff;
	[tilespmem:v16+s19+$0x0] =	vst.idx.msk $0xffff, v22  }
0x8dd: {  	v20 =	vld [tilespmem:$0x1F970];
	[tilespmem:v25+s19+$0x0] =	vst.idx.msk $0xffff, v18  }
0x8de: {  	v18 =	vld [tilespmem:$0x1F7E0]  }
0x8df: {  	v39 =	vmov v24;
	v24 =	vor.u32 v24, v10;
	v22 =	vld [tilespmem:$0x1F370];
	[tilespmem:v26+s19+$0x0] =	vst.idx.msk $0xffff, v17  }
0x8e0: {  	v28 =	vor.u32 v33, v8;
	v17 =	vld [tilespmem:$0x1F7F0];
	_ =	sdelay $0x3  }
0x8e1: {  	v19 =	vor.u32 v60, v0;
	v37 =	vld.idx.msk [tilespmem:v24+s12+$0x0], $0xffff  }
0x8e2: {  	v29 =	vor.u32 v29, v4;
	v60 =	vmov v17;
	v24 =	vor.u32 v17, v10;
	v17 =	vld [tilespmem:$0x1FB10];
	[tilespmem:v28+s19+$0x0] =	vst.idx.msk $0xffff, v13  }
0x8e3: {  	v13 =	vld [tilespmem:$0x1FA00];
	_ =	sdelay $0x3  }
0x8e4: {  	v28 =	vld.idx.msk [tilespmem:v29+s12+$0x0], $0xffff  }
0x8e5: {  	v14 =	vor.u32 v31, v9;
	v29 =	vor.u32 v13, v3;
	v13 =	vld [tilespmem:$0x1F6C0];
	_ =	sdelay $0x2  }
0x8e6: {  	v47 =	vmov v23;
	v23 =	vor.u32 v23, v7  }
0x8e7: {  	v27 =	vor.u32 v27, v2  }
0x8e8: {  	v56 =	vor.u32 v13, v2;
	v13 =	vld.idx.msk [tilespmem:v14+s12+$0x0], $0xffff;
	_ =	sdelay $0x1  }
0x8e9: {  	v15 =	vld.idx.msk [tilespmem:v21+s12+$0x0], $0xffff  }
0x8ea: {  	v16 =	vld.idx.msk [tilespmem:v23+s12+$0x0], $0xffff  }
0x8eb: {  	v27 =	vld.idx.msk [tilespmem:v27+s12+$0x0], $0xffff  }
0x8ec: {  	v52 =	vmov v20;
	v20 =	vor.u32 v20, v6;
	[tilespmem:$0x1F0C0] =	vst v13;
	v13 =	vld [tilespmem:$0x1F190]  }
0x8ed: {  	v42 =	vmov v18;
	v18 =	vor.u32 v18, v11  }
0x8ee: {  	v25 =	vor.u32 v17, v50;
	_ =	sdelay $0x1  }
0x8ef: {  	v30 =	vld [tilespmem:$0x1F820];
	[tilespmem:v19+s19+$0x0] =	vst.idx.msk $0xffff, v15  }
0x8f0: {  	v40 =	vmov v22;
	v23 =	vor.u32 v22, v7;
	v22 =	vor.u32 v13, v4;
	v13 =	vld [tilespmem:$0x1F480];
	[tilespmem:v20+s19+$0x0] =	vst.idx.msk $0xffff, v16  }
0x8f1: {  	v21 =	vor.u32 v34, v1;
	v16 =	vld [tilespmem:$0x1F870];
	[tilespmem:v18+s19+$0x0] =	vst.idx.msk $0xffff, v37  }
0x8f2: {  	[tilespmem:v25+s19+$0x0] =	vst.idx.msk $0xffff, v27  }
0x8f3: {  	v18 =	vld [tilespmem:$0x1FFD0];
	_ =	sdelay $0x2  }
0x8f4: {  	v34 =	vmov v43;
	v19 =	vld.idx.msk [tilespmem:v21+s12+$0x0], $0xffff  }
0x8f5: {  	v20 =	vor.u32 v16, v8;
	v21 =	vor.u32 v16, v11;
	v43 =	vmov v16;
	v16 =	vld [tilespmem:$0x1FB30];
	[tilespmem:v29+s19+$0x0] =	vst.idx.msk $0xffff, v28  }
0x8f6: {  	v37 =	vmov v18;
	v27 =	vor.u32 v18, v6;
	v18 =	vld [tilespmem:$0x1F110];
	_ =	sdelay $0x4  }
0x8f7: {  	v32 =	vmov v18;
	v28 =	vor.u32 v18, v7;
	v18 =	vld [tilespmem:$0x1F980];
	_ =	sdelay $0x3  }
0x8f8: {  	v55 =	vor.u32 v16, v11;
	v16 =	vld.idx.msk [tilespmem:v56+s12+$0x0], $0xffff  }
0x8f9: {  	v17 =	vor.u32 v30, v8;
	v56 =	vor.u32 v18, v10;
	v18 =	vld [tilespmem:$0x1F0C0];
	_ =	sdelay $0x4  }
0x8fa: {  	[tilespmem:v17+s19+$0x0] =	vst.idx.msk $0xffff, v18  }
0x8fb: {  	v17 =	vld [tilespmem:$0x1FB20];
	_ =	sdelay $0x4  }
0x8fc: {  	v18 =	vor.u32 v17, v50;
	v17 =	vld [tilespmem:$0x1FA10];
	_ =	sdelay $0x4  }
0x8fd: {  	v46 =	vor.u32 v13, v9;
	v25 =	vor.u32 v17, v3;
	v17 =	vld [tilespmem:$0x1F260];
	_ =	sdelay $0x1  }
0x8fe: {  	v26 =	vld.idx.msk [tilespmem:v23+s12+$0x0], $0xffff  }
0x8ff: {  	v12 =	vor.u32 v35, v4;
	v54 =	vld.idx.msk [tilespmem:v24+s12+$0x0], $0xffff  }
0x900: {  	v33 =	vmov v35;
	v14 =	vor.u32 v35, v7;
	v15 =	vor.u32 v35, v10;
	v24 =	vld.idx.msk [tilespmem:v22+s12+$0x0], $0xffff  }
0x901: {  	s25 =	simm.s32 $0x60;
	v49 =	vmovc v13;
	v13 =	vor.u32 v35, v9;
	v35 =	vmov v36;
	v29 =	vld.idx.msk [tilespmem:v46+s12+$0x0], $0xffff;
	v17 =	vor.u32 v17, v2  }
.LBB2_11:
0x902: {  	_ = 	snop  }
0x903: {  	v23 =	vmov v50;
	v50 =	vmov v0;
	[tilespmem:v27+s19+$0x0] =	vst.idx.msk $0xffff, v26  }
0x904: {  	v0 =	vmovc v3;
	v3 =	vmovc v6;
	v6 =	vmov v8;
	v8 =	vmov v11;
	v11 =	vmov v20;
	[tilespmem:v55+s19+$0x0] =	vst.idx.msk $0xffff, v54  }
0x905: {  	v26 =	vld.idx.msk [tilespmem:v28+s12+$0x0], $0xffff  }
0x906: {  	v27 =	vld.idx.msk [tilespmem:v56+s12+$0x0], $0xffff;
	[tilespmem:v18+s19+$0x0] =	vst.idx.msk $0xffff, v16  }
0x907: {  	[tilespmem:v25+s19+$0x0] =	vst.idx.msk $0xffff, v24  }
0x908: {  	v17 =	vld.idx.msk [tilespmem:v17+s12+$0x0], $0xffff  }
0x909: {  	[tilespmem:v11+s19+$0x0] =	vst.idx.msk $0xffff, v29;
	v11 =	vld [tilespmem:$0x1FF00];
	_ =	sdelay $0x4  }
0x90a: {  	v29 =	vor.u32 v11, v23;
	v11 =	vld [tilespmem:$0x1FA20];
	_ =	sdelay $0x1  }
0x90b: {  	v30 =	vmov v13;
	v13 =	vmov v15;
	v15 =	vld [tilespmem:$0x1F4D0]  }
0x90c: {  	v36 =	vlaneseq.u32;
	v28 =	vld [tilespmem:$0x1F990]  }
0x90d: {  	v57 =	vor.u32 s25, v36;
	v16 =	vld [tilespmem:$0x1F950]  }
0x90e: {  	v22 =	vshll.u32 v57, $0x6;
	v54 =	vor.u32 v11, v0;
	v11 =	vld [tilespmem:$0x1F1B0]  }
0x90f: {  	v20 =	vmov v21;
	v18 =	vld [tilespmem:$0x1F120];
	v21 =	vor.u32 v36, v22  }
0x910: {  	v24 =	vld [tilespmem:$0x1F960];
	v31 =	vor.u32 v15, v9  }
0x911: {  	v25 =	vld.idx.msk [tilespmem:v12+s12+$0x0], $0xffff;
	v28 =	vor.u32 v28, v3  }
0x912: {  	v12 =	vld [tilespmem:$0x1F8C0]  }
0x913: {  	v55 =	vor.u32 v11, v4;
	v11 =	vld [tilespmem:$0x1F250]  }
0x914: {  	v16 =	vor.u32 v16, v8;
	v36 =	vld.idx.msk [tilespmem:v21+s12+$0x0], $0xffff  }
0x915: {  	v18 =	vor.u32 v18, v7;
	v31 =	vld.idx.msk [tilespmem:v31+s12+$0x0], $0xffff  }
0x916: {  	[tilespmem:v28+s19+$0x0] =	vst.idx.msk $0xffff, v26;
	v28 =	vld [tilespmem:$0x1F2A0]  }
0x917: {  	v24 =	vor.u32 v24, v10;
	v26 =	vor.u32 v51, v22;
	v51 =	vld [tilespmem:$0x1F240]  }
0x918: {  	v56 =	vor.u32 v11, v2;
	v11 =	vand.u32 $0x78, v57;
	v57 =	vor.u32 v12, v6;
	v12 =	vld [tilespmem:$0x1F0D0]  }
0x919: {  	[tilespmem:v16+s19+$0x0] =	vst.idx.msk $0xffff, v27;
	v27 =	vld [tilespmem:$0x1F9A0]  }
0x91a: {  	v16 =	vld.idx.msk [tilespmem:v18+s12+$0x0], $0xffff  }
0x91b: {  	v18 =	vld [tilespmem:$0x1FAB0]  }
0x91c: {  	v24 =	vld.idx.msk [tilespmem:v24+s12+$0x0], $0xffff  }
0x91d: {  	v41 =	vor.u32 v12, v9;
	v12 =	vmov v14;
	v14 =	vld [tilespmem:$0x1FFC0]  }
0x91e: {  	[tilespmem:v29+s19+$0x0] =	vst.idx.msk $0xffff, v17;
	v17 =	vld [tilespmem:$0x1FE90]  }
0x91f: {  	v29 =	vld [tilespmem:$0x1F130];
	[tilespmem:v54+s19+$0x0] =	vst.idx.msk $0xffff, v25  }
0x920: {  	v25 =	vld.idx.msk [tilespmem:v56+s12+$0x0], $0xffff  }
0x921: {  	[tilespmem:v57+s19+$0x0] =	vst.idx.msk $0xffff, v31;
	v57 =	vld [tilespmem:$0x1FFA0]  }
0x922: {  	v56 =	vld [tilespmem:$0x1F6B0];
	v46 =	vor.u32 v14, v11  }
0x923: {  	v31 =	vld.idx.msk [tilespmem:v55+s12+$0x0], $0xffff  }
0x924: {  	v55 =	vld [tilespmem:$0x1F940]  }
0x925: {  	v18 =	vor.u32 v18, v50;
	v14 =	vmov v30;
	v30 =	vld [tilespmem:$0x1FEA0]  }
0x926: {  	v54 =	vor.u32 v57, v23;
	v57 =	vld [tilespmem:$0x1F140]  }
0x927: {  	v27 =	vor.u32 v27, v3;
	[tilespmem:v46+s19+$0x0] =	vst.idx.msk $0xffff, v36;
	v46 =	vld [tilespmem:$0x1FA30]  }
0x928: {  	v28 =	vor.u32 v28, v1;
	v36 =	vld.idx.msk [tilespmem:v41+s12+$0x0], $0xffff  }
0x929: {  	v17 =	vor.u32 v17, v8;
	v26 =	vld.idx.msk [tilespmem:v26+s12+$0x0], $0xffff  }
0x92a: {  	v29 =	vor.u32 v29, v7;
	[tilespmem:v18+s19+$0x0] =	vst.idx.msk $0xffff, v19;
	v18 =	vld [tilespmem:$0x1FE70]  }
0x92b: {  	v19 =	vld [tilespmem:$0x1F0E0]  }
0x92c: {  	[tilespmem:v27+s19+$0x0] =	vst.idx.msk $0xffff, v16;
	v27 =	vld [tilespmem:$0x1FE80]  }
0x92d: {  	v30 =	vor.u32 v30, v10;
	v16 =	vld.idx.msk [tilespmem:v28+s12+$0x0], $0xffff  }
0x92e: {  	[tilespmem:v17+s19+$0x0] =	vst.idx.msk $0xffff, v24;
	v24 =	vld [tilespmem:$0x1FDF0]  }
0x92f: {  	v17 =	vld.idx.msk [tilespmem:v29+s12+$0x0], $0xffff  }
0x930: {  	v29 =	vld [tilespmem:$0x1F9B0]  }
0x931: {  	v41 =	vor.u32 v46, v0;
	v46 =	vor.u32 v51, v2;
	v51 =	vld [tilespmem:$0x1FB00]  }
0x932: {  	v28 =	vld.idx.msk [tilespmem:v30+s12+$0x0], $0xffff  }
0x933: {  	v55 =	vor.u32 v55, v6;
	v30 =	vld [tilespmem:$0x1F530]  }
0x934: {  	v56 =	vor.u32 v56, v4;
	[tilespmem:v54+s19+$0x0] =	vst.idx.msk $0xffff, v25;
	v25 =	vld [tilespmem:$0x1FEB0]  }
0x935: {  	v54 =	vor.u32 v57, v7;
	v57 =	vld [tilespmem:$0x1F1C0];
	v18 =	vor.u32 v18, v11  }
0x936: {  	[tilespmem:v41+s19+$0x0] =	vst.idx.msk $0xffff, v31;
	v41 =	vor.u32 v51, v10;
	v51 =	vld [tilespmem:$0x1F490]  }
0x937: {  	v19 =	vor.u32 v19, v9;
	v31 =	vld.idx.msk [tilespmem:v46+s12+$0x0], $0xffff  }
0x938: {  	[tilespmem:v55+s19+$0x0] =	vst.idx.msk $0xffff, v36;
	v55 =	vld [tilespmem:$0x1FFB0]  }
0x939: {  	v27 =	vor.u32 v27, v22;
	v36 =	vld.idx.msk [tilespmem:v56+s12+$0x0], $0xffff  }
0x93a: {  	v24 =	vor.u32 v24, v50;
	[tilespmem:v18+s19+$0x0] =	vst.idx.msk $0xffff, v26;
	v26 =	vld [tilespmem:$0x1F230]  }
0x93b: {  	v29 =	vor.u32 v29, v3;
	v56 =	vld [tilespmem:$0x1FED0]  }
0x93c: {  	v30 =	vor.u32 v30, v1;
	v25 =	vor.u32 v25, v8;
	v18 =	vld.idx.msk [tilespmem:v19+s12+$0x0], $0xffff  }
0x93d: {  	v19 =	vld [tilespmem:$0x1FA40]  }
0x93e: {  	v27 =	vld.idx.msk [tilespmem:v27+s12+$0x0], $0xffff  }
0x93f: {  	[tilespmem:v24+s19+$0x0] =	vst.idx.msk $0xffff, v16;
	v16 =	vld [tilespmem:$0x1FAF0]  }
0x940: {  	v24 =	vld [tilespmem:$0x1F0F0];
	[tilespmem:v29+s19+$0x0] =	vst.idx.msk $0xffff, v17  }
0x941: {  	v17 =	vld.idx.msk [tilespmem:v30+s12+$0x0], $0xffff;
	[tilespmem:v25+s19+$0x0] =	vst.idx.msk $0xffff, v28  }
0x942: {  	v46 =	vor.u32 v55, v23;
	v25 =	vld.idx.msk [tilespmem:v54+s12+$0x0], $0xffff  }
0x943: {  	v54 =	vld [tilespmem:$0x1F9C0]  }
0x944: {  	v55 =	vor.u32 v56, v6;
	v56 =	vor.u32 v57, v4;
	v57 =	vld [tilespmem:$0x1F290];
	v19 =	vor.u32 v19, v0  }
0x945: {  	v28 =	vld [tilespmem:$0x1FAC0];
	v26 =	vor.u32 v26, v2  }
0x946: {  	v30 =	vld.idx.msk [tilespmem:v41+s12+$0x0], $0xffff  }
0x947: {  	[tilespmem:v46+s19+$0x0] =	vst.idx.msk $0xffff, v31;
	v31 =	vld [tilespmem:$0x1FEC0]  }
0x948: {  	v16 =	vor.u32 v16, v11;
	v46 =	vor.u32 v51, v7;
	v51 =	vld [tilespmem:$0x1F150]  }
0x949: {  	v41 =	vor.u32 v54, v3;
	v54 =	vor.u32 v57, v1;
	v57 =	vld [tilespmem:$0x1F2D0];
	[tilespmem:v19+s19+$0x0] =	vst.idx.msk $0xffff, v36  }
0x94a: {  	v19 =	vld.idx.msk [tilespmem:v26+s12+$0x0], $0xffff  }
0x94b: {  	v24 =	vor.u32 v24, v9;
	v26 =	vld [tilespmem:$0x1FA70]  }
0x94c: {  	[tilespmem:v55+s19+$0x0] =	vst.idx.msk $0xffff, v18;
	v55 =	vld [tilespmem:$0x1FE10]  }
0x94d: {  	v29 =	vor.u32 v38, v22;
	v28 =	vor.u32 v28, v50;
	v18 =	vld.idx.msk [tilespmem:v56+s12+$0x0], $0xffff  }
0x94e: {  	[tilespmem:v16+s19+$0x0] =	vst.idx.msk $0xffff, v27;
	v27 =	vld [tilespmem:$0x1F220]  }
0x94f: {  	v56 =	vld [tilespmem:$0x1FDC0]  }
0x950: {  	v16 =	vld.idx.msk [tilespmem:v24+s12+$0x0], $0xffff  }
0x951: {  	v24 =	vld [tilespmem:$0x1FA50]  }
0x952: {  	v31 =	vor.u32 v31, v8;
	v29 =	vld.idx.msk [tilespmem:v29+s12+$0x0], $0xffff;
	[tilespmem:v28+s19+$0x0] =	vst.idx.msk $0xffff, v17  }
0x953: {  	v28 =	vld [tilespmem:$0x1F100];
	[tilespmem:v41+s19+$0x0] =	vst.idx.msk $0xffff, v25  }
0x954: {  	v25 =	vld.idx.msk [tilespmem:v54+s12+$0x0], $0xffff;
	v26 =	vor.u32 v26, v10  }
0x955: {  	v54 =	vld [tilespmem:$0x1FEF0];
	v36 =	vor.u32 v55, v23  }
0x956: {  	v55 =	vor.u32 v56, v6;
	v56 =	vor.u32 v57, v4;
	v57 =	vld [tilespmem:$0x1F280];
	v24 =	vor.u32 v24, v0  }
0x957: {  	v27 =	vor.u32 v27, v2;
	[tilespmem:v31+s19+$0x0] =	vst.idx.msk $0xffff, v30;
	v31 =	vld [tilespmem:$0x1FAD0]  }
0x958: {  	v30 =	vld.idx.msk [tilespmem:v46+s12+$0x0], $0xffff  }
0x959: {  	v26 =	vld.idx.msk [tilespmem:v26+s12+$0x0], $0xffff  }
0x95a: {  	v17 =	vor.u32 v44, v11;
	[tilespmem:v36+s19+$0x0] =	vst.idx.msk $0xffff, v19;
	v36 =	vor.u32 v51, v7;
	v51 =	vld [tilespmem:$0x1F200]  }
0x95b: {  	v46 =	vor.u32 v54, v3;
	v54 =	vor.u32 v57, v1;
	v57 =	vld [tilespmem:$0x1F1D0];
	[tilespmem:v24+s19+$0x0] =	vst.idx.msk $0xffff, v18  }
0x95c: {  	v28 =	vor.u32 v28, v9;
	v18 =	vld.idx.msk [tilespmem:v27+s12+$0x0], $0xffff  }
0x95d: {  	[tilespmem:v55+s19+$0x0] =	vst.idx.msk $0xffff, v16;
	v27 =	vld [tilespmem:$0x1FE20]  }
0x95e: {  	v41 =	vor.u32 v45, v22;
	v31 =	vor.u32 v31, v50;
	v16 =	vld.idx.msk [tilespmem:v56+s12+$0x0], $0xffff  }
0x95f: {  	[tilespmem:v17+s19+$0x0] =	vst.idx.msk $0xffff, v29;
	v29 =	vld [tilespmem:$0x1F210]  }
0x960: {  	v56 =	vld [tilespmem:$0x1FDD0]  }
0x961: {  	v17 =	vld.idx.msk [tilespmem:v28+s12+$0x0], $0xffff  }
0x962: {  	v28 =	vld [tilespmem:$0x1FA60]  }
0x963: {  	v19 =	vor.u32 v35, v8;
	v41 =	vld.idx.msk [tilespmem:v41+s12+$0x0], $0xffff;
	[tilespmem:v31+s19+$0x0] =	vst.idx.msk $0xffff, v25  }
0x964: {  	v31 =	vld [tilespmem:$0x1F5A0];
	[tilespmem:v46+s19+$0x0] =	vst.idx.msk $0xffff, v30  }
0x965: {  	v24 =	vor.u32 v48, v10;
	v30 =	vld.idx.msk [tilespmem:v54+s12+$0x0], $0xffff  }
0x966: {  	v27 =	vor.u32 v27, v23;
	v54 =	vld [tilespmem:$0x1F9D0]  }
0x967: {  	v55 =	vor.u32 v56, v6;
	v56 =	vor.u32 v57, v4;
	v57 =	vld [tilespmem:$0x1F270];
	v28 =	vor.u32 v28, v0  }
0x968: {  	v29 =	vor.u32 v29, v2;
	[tilespmem:v19+s19+$0x0] =	vst.idx.msk $0xffff, v26;
	v26 =	vld [tilespmem:$0x1FE00]  }
0x969: {  	v19 =	vld.idx.msk [tilespmem:v36+s12+$0x0], $0xffff  }
0x96a: {  	v24 =	vld.idx.msk [tilespmem:v24+s12+$0x0], $0xffff  }
0x96b: {  	[tilespmem:v27+s19+$0x0] =	vst.idx.msk $0xffff, v18;
	v27 =	vld [tilespmem:$0x1F160]  }
0x96c: {  	v36 =	vor.u32 v54, v3;
	v54 =	vor.u32 v57, v1;
	v57 =	vld [tilespmem:$0x1F5E0];
	[tilespmem:v28+s19+$0x0] =	vst.idx.msk $0xffff, v16  }
0x96d: {  	v25 =	vor.u32 v63, v11;
	v16 =	vld.idx.msk [tilespmem:v29+s12+$0x0], $0xffff  }
0x96e: {  	v31 =	vor.u32 v31, v9;
	v29 =	vld [tilespmem:$0x1FE30]  }
0x96f: {  	[tilespmem:v55+s19+$0x0] =	vst.idx.msk $0xffff, v17;
	v55 =	vld [tilespmem:$0x1FDE0]  }
0x970: {  	v46 =	vor.u32 v5, v22;
	v26 =	vor.u32 v26, v50;
	v17 =	vld.idx.msk [tilespmem:v56+s12+$0x0], $0xffff  }
0x971: {  	v56 =	vld [tilespmem:$0x1F2E0]  }
0x972: {  	[tilespmem:v25+s19+$0x0] =	vst.idx.msk $0xffff, v41;
	v41 =	vor.u32 v51, v2;
	v51 =	vld [tilespmem:$0x1FE40]  }
0x973: {  	v18 =	vor.u32 v61, v8;
	v25 =	vld.idx.msk [tilespmem:v31+s12+$0x0], $0xffff  }
0x974: {  	v31 =	vld [tilespmem:$0x1FA80]  }
0x975: {  	v27 =	vor.u32 v27, v7;
	v46 =	vld.idx.msk [tilespmem:v46+s12+$0x0], $0xffff;
	[tilespmem:v26+s19+$0x0] =	vst.idx.msk $0xffff, v30  }
0x976: {  	v28 =	vor.u32 v34, v10;
	v30 =	vld [tilespmem:$0x1F5F0];
	[tilespmem:v36+s19+$0x0] =	vst.idx.msk $0xffff, v19  }
0x977: {  	v19 =	vld.idx.msk [tilespmem:v54+s12+$0x0], $0xffff  }
0x978: {  	v29 =	vor.u32 v29, v23;
	[tilespmem:v18+s19+$0x0] =	vst.idx.msk $0xffff, v24;
	v24 =	vld [tilespmem:$0x1FF90]  }
0x979: {  	v54 =	vor.u32 v57, v1;
	v57 =	vld [tilespmem:$0x1F630]  }
0x97a: {  	v31 =	vor.u32 v31, v0;
	v18 =	vld.idx.msk [tilespmem:v27+s12+$0x0], $0xffff  }
0x97b: {  	v27 =	vld.idx.msk [tilespmem:v28+s12+$0x0], $0xffff  }
0x97c: {  	v55 =	vor.u32 v55, v6;
	v28 =	vld [tilespmem:$0x1F9E0]  }
0x97d: {  	[tilespmem:v29+s19+$0x0] =	vst.idx.msk $0xffff, v16;
	v16 =	vld [tilespmem:$0x1F800]  }
0x97e: {  	v26 =	vor.u32 v53, v11;
	v56 =	vor.u32 v56, v4;
	v29 =	vld [tilespmem:$0x1F170]  }
0x97f: {  	v30 =	vor.u32 v30, v9;
	[tilespmem:v31+s19+$0x0] =	vst.idx.msk $0xffff, v17;
	v31 =	vld [tilespmem:$0x1FD80]  }
0x980: {  	v17 =	vld.idx.msk [tilespmem:v41+s12+$0x0], $0xffff  }
0x981: {  	v36 =	vor.u32 v62, v22;
	v24 =	vor.u32 v24, v50;
	[tilespmem:v55+s19+$0x0] =	vst.idx.msk $0xffff, v25;
	v55 =	vld [tilespmem:$0x1F1F0]  }
0x982: {  	v28 =	vor.u32 v28, v3;
	v41 =	vor.u32 v51, v23;
	v51 =	vld [tilespmem:$0x1F180]  }
0x983: {  	v25 =	vld.idx.msk [tilespmem:v56+s12+$0x0], $0xffff;
	[tilespmem:v26+s19+$0x0] =	vst.idx.msk $0xffff, v46  }
0x984: {  	v26 =	vld.idx.msk [tilespmem:v30+s12+$0x0], $0xffff  }
0x985: {  	v16 =	vor.u32 v16, v8;
	v30 =	vld [tilespmem:$0x1FA90]  }
0x986: {  	v29 =	vor.u32 v29, v7;
	v36 =	vld.idx.msk [tilespmem:v36+s12+$0x0], $0xffff;
	[tilespmem:v24+s19+$0x0] =	vst.idx.msk $0xffff, v19  }
0x987: {  	v56 =	vld [tilespmem:$0x1F2C0];
	v31 =	vor.u32 v31, v10;
	[tilespmem:v28+s19+$0x0] =	vst.idx.msk $0xffff, v18  }
0x988: {  	v18 =	vld.idx.msk [tilespmem:v54+s12+$0x0], $0xffff  }
0x989: {  	v54 =	vor.u32 v57, v1;
	v57 =	vld [tilespmem:$0x1F2B0]  }
0x98a: {  	v30 =	vor.u32 v30, v0;
	[tilespmem:v16+s19+$0x0] =	vst.idx.msk $0xffff, v27;
	v27 =	vld [tilespmem:$0x1FAE0]  }
0x98b: {  	v46 =	vor.u32 v55, v2;
	v16 =	vld.idx.msk [tilespmem:v29+s12+$0x0], $0xffff  }
0x98c: {  	v55 =	vor.u32 v58, v6;
	v29 =	vld.idx.msk [tilespmem:v31+s12+$0x0], $0xffff  }
0x98d: {  	v56 =	vor.u32 v56, v4;
	v31 =	vld [tilespmem:$0x1F9F0]  }
0x98e: {  	v19 =	vor.u32 v59, v11;
	[tilespmem:v41+s19+$0x0] =	vst.idx.msk $0xffff, v17;
	v17 =	vld [tilespmem:$0x1F810]  }
0x98f: {  	v24 =	vor.u32 v47, v9;
	[tilespmem:v30+s19+$0x0] =	vst.idx.msk $0xffff, v25;
	v30 =	vld [tilespmem:$0x1FDB0]  }
0x990: {  	v25 =	vld.idx.msk [tilespmem:v46+s12+$0x0], $0xffff  }
0x991: {  	[tilespmem:v55+s19+$0x0] =	vst.idx.msk $0xffff, v26;
	v55 =	vld [tilespmem:$0x1FE50]  }
0x992: {  	v28 =	vor.u32 v39, v22;
	v26 =	vld.idx.msk [tilespmem:v56+s12+$0x0], $0xffff  }
0x993: {  	v27 =	vor.u32 v27, v50;
	[tilespmem:v19+s19+$0x0] =	vst.idx.msk $0xffff, v36;
	v56 =	vld [tilespmem:$0x1F1E0]  }
0x994: {  	v31 =	vor.u32 v31, v3;
	v19 =	vld.idx.msk [tilespmem:v24+s12+$0x0], $0xffff  }
0x995: {  	v24 =	vld [tilespmem:$0x1FAA0]  }
0x996: {  	v17 =	vor.u32 v17, v8  }
0x997: {  	v41 =	vor.u32 v51, v7;
	v28 =	vld.idx.msk [tilespmem:v28+s12+$0x0], $0xffff  }
0x998: {  	[tilespmem:v27+s19+$0x0] =	vst.idx.msk $0xffff, v18;
	v46 =	vor.u32 v55, v23;
	v55 =	vor.u32 v57, v4;
	v57 =	vld [tilespmem:$0x1F190]  }
0x999: {  	v30 =	vor.u32 v30, v10;
	v2 =	vor.u32 v56, v2;
	[tilespmem:v31+s19+$0x0] =	vst.idx.msk $0xffff, v16;
	v56 =	vld [tilespmem:$0x1F6C0]  }
0x99a: {  	v24 =	vor.u32 v24, v0;
	v16 =	vld.idx.msk [tilespmem:v54+s12+$0x0], $0xffff  }
0x99b: {  	[tilespmem:v17+s19+$0x0] =	vst.idx.msk $0xffff, v29;
	v29 =	vld [tilespmem:$0x1FB10]  }
0x99c: {  	v36 =	vor.u32 v52, v6;
	v54 =	vld [tilespmem:$0x1FA00]  }
0x99d: {  	v17 =	vld.idx.msk [tilespmem:v41+s12+$0x0], $0xffff  }
0x99e: {  	v18 =	vor.u32 v42, v11;
	v30 =	vld.idx.msk [tilespmem:v30+s12+$0x0], $0xffff;
	[tilespmem:v46+s19+$0x0] =	vst.idx.msk $0xffff, v25  }
0x99f: {  	v27 =	vor.u32 v40, v9;
	v25 =	vld [tilespmem:$0x1F820];
	[tilespmem:v24+s19+$0x0] =	vst.idx.msk $0xffff, v26  }
0x9a0: {  	v31 =	vor.u32 v60, v22;
	v46 =	vor.u32 v57, v7;
	v57 =	vld.idx.msk [tilespmem:v2+s12+$0x0], $0xffff  }
0x9a1: {  	v29 =	vor.u32 v29, v50;
	[tilespmem:v36+s19+$0x0] =	vst.idx.msk $0xffff, v19;
	v36 =	vld [tilespmem:$0x1FB30]  }
0x9a2: {  	v41 =	vor.u32 v54, v3;
	v2 =	vld [tilespmem:$0x1FE60]  }
0x9a3: {  	v19 =	vld.idx.msk [tilespmem:v55+s12+$0x0], $0xffff;
	[tilespmem:v18+s19+$0x0] =	vst.idx.msk $0xffff, v28  }
0x9a4: {  	v56 =	vor.u32 v56, v1;
	v26 =	vld.idx.msk [tilespmem:v27+s12+$0x0], $0xffff  }
0x9a5: {  	v25 =	vor.u32 v25, v8;
	v54 =	vld.idx.msk [tilespmem:v31+s12+$0x0], $0xffff  }
0x9a6: {  	v31 =	vld [tilespmem:$0x1FB20];
	[tilespmem:v29+s19+$0x0] =	vst.idx.msk $0xffff, v16  }
0x9a7: {  	[tilespmem:v41+s19+$0x0] =	vst.idx.msk $0xffff, v17;
	v41 =	vld [tilespmem:$0x1F980]  }
0x9a8: {  	v17 =	vld [tilespmem:$0x1F260]  }
0x9a9: {  	v51 =	vor.u32 v49, v10;
	v16 =	vld.idx.msk [tilespmem:v56+s12+$0x0], $0xffff  }
0x9aa: {  	p0 =	sne.s32 s25, $0x70;
	v23 =	vor.u32 v2, v23;
	[tilespmem:v25+s19+$0x0] =	vst.idx.msk $0xffff, v30;
	v30 =	vld [tilespmem:$0x1FA10]  }
.Ltmp5:
0x9ab: {  	v15 =	vor.u32 v33, v22;
	(pc) =	sbr.rel @p0 .LBB2_11-.Ltmp5, $4  }
0x9ac: {  	v21 =	vor.u32 v43, v11;
	v27 =	vor.u32 v37, v6;
	v2 =	vmovc v1;
	v1 =	vmov v4;
	v24 =	vld.idx.msk [tilespmem:v46+s12+$0x0], $0xffff  }
0x9ad: {  	v4 =	vmovc v7;
	v7 =	vmovc v9;
	v9 =	vmov v10;
	v10 =	vmov v22;
	v55 =	vor.u32 v36, v11;
	v46 =	vld [tilespmem:$0x1FFC0]  }
0x9ae: {  	v28 =	vor.u32 v32, v7;
	v18 =	vor.u32 v31, v50;
	v29 =	vld.idx.msk [tilespmem:v51+s12+$0x0], $0xffff;
	v56 =	vor.u32 v41, v10  }
0x9af: {  	s25 =	sadd.s32 $0x10, s25;
	v51 =	vld [tilespmem:$0x1F8D0];
	v17 =	vor.u32 v17, v2;
	[tilespmem:v23+s19+$0x0] =	vst.idx.msk $0xffff, v57;
	v25 =	vor.u32 v30, v3  }
0x9b0: {  	_ =	sdelay $0x3  }
0x9b1: {  	[tilespmem:v55+s19+$0x0] =	vst.idx.msk $0xffff, v54  }
0x9b2: {  	v5 =	vld [tilespmem:$0x1F950];
	_ =	sdelay $0x4  }
0x9b3: {  	v43 =	vld.idx.msk [tilespmem:v56+s12+$0x0], $0xffff;
	v22 =	vor.u32 v5, v11  }
0x9b4: {  	v5 =	vld [tilespmem:$0x1F960];
	_ =	sdelay $0x3  }
0x9b5: {  	[tilespmem:v22+s19+$0x0] =	vst.idx.msk $0xffff, v43  }
0x9b6: {  	v23 =	vor.u32 v5, v10;
	v56 =	vld [tilespmem:$0x1FE90];
	_ =	sdelay $0x4  }
0x9b7: {  	v5 =	vld.idx.msk [tilespmem:v23+s12+$0x0], $0xffff;
	v53 =	vor.u32 v56, v11  }
0x9b8: {  	v54 =	vld [tilespmem:$0x1FEA0];
	_ =	sdelay $0x3  }
0x9b9: {  	[tilespmem:v53+s19+$0x0] =	vst.idx.msk $0xffff, v5  }
0x9ba: {  	v23 =	vor.u32 v54, v10;
	v22 =	vld [tilespmem:$0x1FEB0];
	_ =	sdelay $0x4  }
0x9bb: {  	v5 =	vld.idx.msk [tilespmem:v23+s12+$0x0], $0xffff;
	v22 =	vor.u32 v22, v11  }
0x9bc: {  	v55 =	vld [tilespmem:$0x1FB00];
	_ =	sdelay $0x3  }
0x9bd: {  	[tilespmem:v22+s19+$0x0] =	vst.idx.msk $0xffff, v5  }
0x9be: {  	v23 =	vor.u32 v55, v10;
	v22 =	vld [tilespmem:$0x1FEC0]  }
0x9bf: {  	v33 =	vld [tilespmem:$0x1FA70];
	_ =	sdelay $0x3  }
0x9c0: {  	v5 =	vld.idx.msk [tilespmem:v23+s12+$0x0], $0xffff;
	v22 =	vor.u32 v22, v11  }
0x9c1: {  	v57 =	vor.u32 v33, v10;
	_ =	sdelay $0x3  }
0x9c2: {  	[tilespmem:v22+s19+$0x0] =	vst.idx.msk $0xffff, v5  }
0x9c3: {  	v59 =	vor.u32 v35, v11;
	v5 =	vld.idx.msk [tilespmem:v57+s12+$0x0], $0xffff  }
0x9c4: {  	v60 =	vor.u32 v48, v10;
	_ =	sdelay $0x3  }
0x9c5: {  	[tilespmem:v59+s19+$0x0] =	vst.idx.msk $0xffff, v5  }
0x9c6: {  	v59 =	vmov v61;
	v61 =	vor.u32 v61, v11;
	v5 =	vld.idx.msk [tilespmem:v60+s12+$0x0], $0xffff;
	_ =	sdelay $0x4  }
0x9c7: {  	[tilespmem:v61+s19+$0x0] =	vst.idx.msk $0xffff, v5  }
0x9c8: {  	v62 =	vor.u32 v34, v10;
	v22 =	vld [tilespmem:$0x1F800];
	_ =	sdelay $0x4  }
0x9c9: {  	v5 =	vld.idx.msk [tilespmem:v62+s12+$0x0], $0xffff;
	v22 =	vor.u32 v22, v11  }
0x9ca: {  	v63 =	vld [tilespmem:$0x1FD80];
	_ =	sdelay $0x3  }
0x9cb: {  	[tilespmem:v22+s19+$0x0] =	vst.idx.msk $0xffff, v5  }
0x9cc: {  	v23 =	vor.u32 v63, v10;
	v22 =	vld [tilespmem:$0x1F810];
	_ =	sdelay $0x4  }
0x9cd: {  	v5 =	vld.idx.msk [tilespmem:v23+s12+$0x0], $0xffff;
	v22 =	vor.u32 v22, v11  }
0x9ce: {  	v33 =	vld [tilespmem:$0x1FDB0];
	_ =	sdelay $0x3  }
0x9cf: {  	[tilespmem:v22+s19+$0x0] =	vst.idx.msk $0xffff, v5  }
0x9d0: {  	v23 =	vor.u32 v33, v10;
	v22 =	vld [tilespmem:$0x1F820];
	_ =	sdelay $0x4  }
0x9d1: {  	v5 =	vld.idx.msk [tilespmem:v23+s12+$0x0], $0xffff;
	v22 =	vor.u32 v22, v11  }
0x9d2: {  	v35 =	vmov v34;
	v34 =	vor.u32 v49, v10;
	_ =	sdelay $0x3  }
0x9d3: {  	[tilespmem:v22+s19+$0x0] =	vst.idx.msk $0xffff, v5  }
0x9d4: {  	v5 =	vld.idx.msk [tilespmem:v34+s12+$0x0], $0xffff  }
0x9d5: {  	v38 =	vld [tilespmem:$0x1F4D0];
	_ =	sdelay $0x2  }
0x9d6: {  	[tilespmem:v20+s19+$0x0] =	vst.idx.msk $0xffff, v29  }
0x9d7: {  	[tilespmem:v21+s19+$0x0] =	vst.idx.msk $0xffff, v5  }
0x9d8: {  	v39 =	vor.u32 v38, v9;
	v29 =	vld [tilespmem:$0x1F8C0]  }
0x9d9: {  	v23 =	vor.u32 v38, v10;
	_ =	sdelay $0x2  }
0x9da: {  	v43 =	vld [tilespmem:$0x1F0D0]  }
0x9db: {  	v5 =	vld.idx.msk [tilespmem:v39+s12+$0x0], $0xffff;
	v42 =	vor.u32 v29, v8  }
0x9dc: {  	v21 =	vld.idx.msk [tilespmem:v23+s12+$0x0], $0xffff;
	v45 =	vor.u32 v29, v11;
	_ =	sdelay $0x3  }
0x9dd: {  	v44 =	vor.u32 v43, v9;
	[tilespmem:v42+s19+$0x0] =	vst.idx.msk $0xffff, v5  }
0x9de: {  	v29 =	vor.u32 v43, v10;
	[tilespmem:v45+s19+$0x0] =	vst.idx.msk $0xffff, v21  }
0x9df: {  	v23 =	vld [tilespmem:$0x1F940];
	_ =	sdelay $0x2  }
0x9e0: {  	v5 =	vld.idx.msk [tilespmem:v44+s12+$0x0], $0xffff  }
0x9e1: {  	v21 =	vld.idx.msk [tilespmem:v29+s12+$0x0], $0xffff  }
0x9e2: {  	v29 =	vld [tilespmem:$0x1F0E0];
	v49 =	vor.u32 v23, v8  }
0x9e3: {  	v23 =	vor.u32 v23, v11;
	_ =	sdelay $0x3  }
0x9e4: {  	v53 =	vor.u32 v29, v9;
	v29 =	vor.u32 v29, v10;
	[tilespmem:v49+s19+$0x0] =	vst.idx.msk $0xffff, v5  }
0x9e5: {  	[tilespmem:v23+s19+$0x0] =	vst.idx.msk $0xffff, v21  }
0x9e6: {  	v34 =	vld [tilespmem:$0x1FED0];
	_ =	sdelay $0x2  }
0x9e7: {  	v21 =	vld.idx.msk [tilespmem:v29+s12+$0x0], $0xffff  }
0x9e8: {  	v29 =	vld [tilespmem:$0x1F0F0]  }
0x9e9: {  	v5 =	vld.idx.msk [tilespmem:v53+s12+$0x0], $0xffff;
	v54 =	vor.u32 v34, v8  }
0x9ea: {  	v57 =	vor.u32 v34, v11;
	_ =	sdelay $0x2  }
0x9eb: {  	v55 =	vor.u32 v29, v9;
	v29 =	vor.u32 v29, v10  }
0x9ec: {  	[tilespmem:v54+s19+$0x0] =	vst.idx.msk $0xffff, v5  }
0x9ed: {  	[tilespmem:v57+s19+$0x0] =	vst.idx.msk $0xffff, v21  }
0x9ee: {  	v42 =	vld [tilespmem:$0x1FDC0];
	_ =	sdelay $0x1  }
0x9ef: {  	v21 =	vld.idx.msk [tilespmem:v29+s12+$0x0], $0xffff  }
0x9f0: {  	v29 =	vld [tilespmem:$0x1F100];
	_ =	sdelay $0x1  }
0x9f1: {  	v5 =	vld.idx.msk [tilespmem:v55+s12+$0x0], $0xffff;
	v60 =	vor.u32 v42, v8  }
0x9f2: {  	v62 =	vor.u32 v42, v11;
	_ =	sdelay $0x1  }
0x9f3: {  	v61 =	vor.u32 v29, v9;
	v29 =	vor.u32 v29, v10;
	_ =	sdelay $0x1  }
0x9f4: {  	[tilespmem:v60+s19+$0x0] =	vst.idx.msk $0xffff, v5  }
0x9f5: {  	[tilespmem:v62+s19+$0x0] =	vst.idx.msk $0xffff, v21  }
0x9f6: {  	v60 =	vld [tilespmem:$0x1FDD0]  }
0x9f7: {  	v21 =	vld.idx.msk [tilespmem:v29+s12+$0x0], $0xffff  }
0x9f8: {  	v29 =	vld [tilespmem:$0x1F5A0];
	_ =	sdelay $0x3  }
0x9f9: {  	v5 =	vld.idx.msk [tilespmem:v61+s12+$0x0], $0xffff;
	v63 =	vor.u32 v60, v8  }
0x9fa: {  	v33 =	vor.u32 v29, v9;
	v38 =	vor.u32 v60, v11;
	_ =	sdelay $0x1  }
0x9fb: {  	v29 =	vor.u32 v29, v10;
	_ =	sdelay $0x1  }
0x9fc: {  	[tilespmem:v63+s19+$0x0] =	vst.idx.msk $0xffff, v5  }
0x9fd: {  	[tilespmem:v38+s19+$0x0] =	vst.idx.msk $0xffff, v21;
	v5 =	vld.idx.msk [tilespmem:v33+s12+$0x0], $0xffff  }
0x9fe: {  	v33 =	vld [tilespmem:$0x1FDE0]  }
0x9ff: {  	v21 =	vld.idx.msk [tilespmem:v29+s12+$0x0], $0xffff  }
0xa00: {  	v29 =	vld [tilespmem:$0x1F5F0];
	_ =	sdelay $0x3  }
0xa01: {  	v39 =	vor.u32 v33, v8  }
0xa02: {  	v43 =	vor.u32 v29, v9;
	v44 =	vor.u32 v33, v11  }
0xa03: {  	v29 =	vor.u32 v29, v10;
	_ =	sdelay $0x2  }
0xa04: {  	[tilespmem:v39+s19+$0x0] =	vst.idx.msk $0xffff, v5  }
0xa05: {  	v45 =	vor.u32 v58, v8;
	[tilespmem:v44+s19+$0x0] =	vst.idx.msk $0xffff, v21;
	v5 =	vld.idx.msk [tilespmem:v43+s12+$0x0], $0xffff  }
0xa06: {  	v49 =	vor.u32 v47, v9;
	v53 =	vor.u32 v58, v11;
	v21 =	vld.idx.msk [tilespmem:v29+s12+$0x0], $0xffff  }
0xa07: {  	v29 =	vor.u32 v47, v10;
	_ =	sdelay $0x2  }
0xa08: {  	[tilespmem:v45+s19+$0x0] =	vst.idx.msk $0xffff, v5  }
0xa09: {  	v54 =	vor.u32 v52, v8;
	[tilespmem:v53+s19+$0x0] =	vst.idx.msk $0xffff, v21;
	v5 =	vld.idx.msk [tilespmem:v49+s12+$0x0], $0xffff  }
0xa0a: {  	v57 =	vor.u32 v40, v9;
	v55 =	vmov v58;
	v58 =	vor.u32 v52, v11;
	v21 =	vld.idx.msk [tilespmem:v29+s12+$0x0], $0xffff;
	_ =	sdelay $0x2  }
0xa0b: {  	[tilespmem:v27+s19+$0x0] =	vst.idx.msk $0xffff, v26  }
0xa0c: {  	v26 =	vld.idx.msk [tilespmem:v28+s12+$0x0], $0xffff;
	[tilespmem:v54+s19+$0x0] =	vst.idx.msk $0xffff, v5  }
0xa0d: {  	v29 =	vor.u32 v40, v10;
	[tilespmem:v58+s19+$0x0] =	vst.idx.msk $0xffff, v21;
	v5 =	vld.idx.msk [tilespmem:v57+s12+$0x0], $0xffff  }
0xa0e: {  	v61 =	vor.u32 v37, v8;
	v28 =	vld [tilespmem:$0x1F990];
	_ =	sdelay $0x3  }
0xa0f: {  	v38 =	vor.u32 v37, v11;
	v63 =	vld.idx.msk [tilespmem:v29+s12+$0x0], $0xffff  }
0xa10: {  	v62 =	vor.u32 v32, v9;
	v27 =	vor.u32 v28, v6;
	[tilespmem:v61+s19+$0x0] =	vst.idx.msk $0xffff, v5  }
0xa11: {  	v39 =	vld [tilespmem:$0x1F120];
	_ =	sdelay $0x2  }
0xa12: {  	[tilespmem:v38+s19+$0x0] =	vst.idx.msk $0xffff, v63  }
0xa13: {  	v29 =	vor.u32 v32, v10;
	v20 =	vld.idx.msk [tilespmem:v62+s12+$0x0], $0xffff;
	[tilespmem:v27+s19+$0x0] =	vst.idx.msk $0xffff, v26  }
0xa14: {  	v40 =	vor.u32 v28, v8;
	v5 =	vor.u32 v39, v7;
	v38 =	vld [tilespmem:$0x1F9A0];
	_ =	sdelay $0x3  }
0xa15: {  	v28 =	vor.u32 v28, v11;
	v23 =	vld.idx.msk [tilespmem:v29+s12+$0x0], $0xffff  }
0xa16: {  	v43 =	vor.u32 v39, v9;
	[tilespmem:v40+s19+$0x0] =	vst.idx.msk $0xffff, v20;
	v5 =	vld.idx.msk [tilespmem:v5+s12+$0x0], $0xffff;
	v26 =	vor.u32 v38, v6  }
0xa17: {  	v44 =	vld [tilespmem:$0x1F130];
	_ =	sdelay $0x2  }
0xa18: {  	[tilespmem:v28+s19+$0x0] =	vst.idx.msk $0xffff, v23  }
0xa19: {  	v29 =	vor.u32 v39, v10;
	v21 =	vld.idx.msk [tilespmem:v43+s12+$0x0], $0xffff;
	[tilespmem:v26+s19+$0x0] =	vst.idx.msk $0xffff, v5  }
0xa1a: {  	v47 =	vor.u32 v38, v8;
	v45 =	vor.u32 v44, v7;
	v52 =	vld [tilespmem:$0x1F9B0];
	_ =	sdelay $0x3  }
0xa1b: {  	v27 =	vld.idx.msk [tilespmem:v29+s12+$0x0], $0xffff;
	v28 =	vor.u32 v38, v11  }
0xa1c: {  	v49 =	vor.u32 v44, v9;
	v5 =	vld.idx.msk [tilespmem:v45+s12+$0x0], $0xffff;
	[tilespmem:v47+s19+$0x0] =	vst.idx.msk $0xffff, v21;
	v53 =	vor.u32 v52, v6  }
0xa1d: {  	v54 =	vld [tilespmem:$0x1F140];
	_ =	sdelay $0x2  }
0xa1e: {  	[tilespmem:v28+s19+$0x0] =	vst.idx.msk $0xffff, v27  }
0xa1f: {  	v29 =	vor.u32 v44, v10;
	v22 =	vld.idx.msk [tilespmem:v49+s12+$0x0], $0xffff;
	[tilespmem:v53+s19+$0x0] =	vst.idx.msk $0xffff, v5  }
0xa20: {  	v58 =	vor.u32 v52, v8;
	v57 =	vor.u32 v54, v7;
	v61 =	vld [tilespmem:$0x1F9C0];
	_ =	sdelay $0x3  }
0xa21: {  	v27 =	vld.idx.msk [tilespmem:v29+s12+$0x0], $0xffff;
	v28 =	vor.u32 v52, v11  }
0xa22: {  	v26 =	vor.u32 v54, v9;
	v5 =	vld.idx.msk [tilespmem:v57+s12+$0x0], $0xffff;
	[tilespmem:v58+s19+$0x0] =	vst.idx.msk $0xffff, v22;
	v62 =	vor.u32 v61, v6  }
0xa23: {  	v63 =	vld [tilespmem:$0x1F490];
	_ =	sdelay $0x2  }
0xa24: {  	[tilespmem:v28+s19+$0x0] =	vst.idx.msk $0xffff, v27  }
0xa25: {  	v29 =	vor.u32 v54, v10;
	v22 =	vld.idx.msk [tilespmem:v26+s12+$0x0], $0xffff;
	[tilespmem:v62+s19+$0x0] =	vst.idx.msk $0xffff, v5  }
0xa26: {  	v40 =	vor.u32 v61, v8;
	v39 =	vor.u32 v63, v7;
	v43 =	vld [tilespmem:$0x1FEF0];
	_ =	sdelay $0x3  }
0xa27: {  	v27 =	vld.idx.msk [tilespmem:v29+s12+$0x0], $0xffff;
	v28 =	vor.u32 v61, v11  }
0xa28: {  	v26 =	vor.u32 v63, v9;
	v5 =	vld.idx.msk [tilespmem:v39+s12+$0x0], $0xffff;
	[tilespmem:v40+s19+$0x0] =	vst.idx.msk $0xffff, v22;
	v44 =	vor.u32 v43, v6  }
0xa29: {  	v45 =	vld [tilespmem:$0x1F150];
	_ =	sdelay $0x2  }
0xa2a: {  	[tilespmem:v28+s19+$0x0] =	vst.idx.msk $0xffff, v27  }
0xa2b: {  	v29 =	vor.u32 v63, v10;
	v22 =	vld.idx.msk [tilespmem:v26+s12+$0x0], $0xffff;
	[tilespmem:v44+s19+$0x0] =	vst.idx.msk $0xffff, v5  }
0xa2c: {  	v49 =	vor.u32 v43, v8;
	v47 =	vor.u32 v45, v7;
	v52 =	vld [tilespmem:$0x1F9D0];
	_ =	sdelay $0x3  }
0xa2d: {  	v27 =	vld.idx.msk [tilespmem:v29+s12+$0x0], $0xffff;
	v28 =	vor.u32 v43, v11  }
0xa2e: {  	v26 =	vor.u32 v45, v9;
	v5 =	vld.idx.msk [tilespmem:v47+s12+$0x0], $0xffff;
	[tilespmem:v49+s19+$0x0] =	vst.idx.msk $0xffff, v22;
	v53 =	vor.u32 v52, v6  }
0xa2f: {  	v54 =	vld [tilespmem:$0x1F160];
	_ =	sdelay $0x2  }
0xa30: {  	[tilespmem:v28+s19+$0x0] =	vst.idx.msk $0xffff, v27  }
0xa31: {  	v29 =	vor.u32 v45, v10;
	v22 =	vld.idx.msk [tilespmem:v26+s12+$0x0], $0xffff;
	[tilespmem:v53+s19+$0x0] =	vst.idx.msk $0xffff, v5  }
0xa32: {  	v58 =	vor.u32 v52, v8;
	v57 =	vor.u32 v54, v7;
	v61 =	vld [tilespmem:$0x1F9E0];
	_ =	sdelay $0x3  }
0xa33: {  	v27 =	vld.idx.msk [tilespmem:v29+s12+$0x0], $0xffff;
	v28 =	vor.u32 v52, v11  }
0xa34: {  	v26 =	vor.u32 v54, v9;
	v5 =	vld.idx.msk [tilespmem:v57+s12+$0x0], $0xffff;
	[tilespmem:v58+s19+$0x0] =	vst.idx.msk $0xffff, v22;
	v62 =	vor.u32 v61, v6  }
0xa35: {  	v63 =	vld [tilespmem:$0x1F170];
	_ =	sdelay $0x2  }
0xa36: {  	[tilespmem:v28+s19+$0x0] =	vst.idx.msk $0xffff, v27  }
0xa37: {  	v29 =	vor.u32 v54, v10;
	v22 =	vld.idx.msk [tilespmem:v26+s12+$0x0], $0xffff;
	[tilespmem:v62+s19+$0x0] =	vst.idx.msk $0xffff, v5  }
0xa38: {  	v39 =	vor.u32 v61, v8;
	v37 =	vor.u32 v63, v7;
	v40 =	vld [tilespmem:$0x1F9F0];
	_ =	sdelay $0x1  }
0xa39: {  	v26 =	vor.u32 v63, v9;
	_ =	sdelay $0x1  }
0xa3a: {  	v27 =	vld.idx.msk [tilespmem:v29+s12+$0x0], $0xffff;
	v28 =	vor.u32 v61, v11  }
0xa3b: {  	v5 =	vld.idx.msk [tilespmem:v37+s12+$0x0], $0xffff;
	[tilespmem:v39+s19+$0x0] =	vst.idx.msk $0xffff, v22;
	v43 =	vor.u32 v40, v6  }
0xa3c: {  	v44 =	vld [tilespmem:$0x1F180]  }
0xa3d: {  	v29 =	vor.u32 v63, v10;
	v22 =	vld.idx.msk [tilespmem:v26+s12+$0x0], $0xffff;
	v47 =	vor.u32 v40, v8;
	_ =	sdelay $0x1  }
0xa3e: {  	[tilespmem:v28+s19+$0x0] =	vst.idx.msk $0xffff, v27  }
0xa3f: {  	[tilespmem:v43+s19+$0x0] =	vst.idx.msk $0xffff, v5  }
0xa40: {  	v45 =	vor.u32 v44, v7;
	v43 =	vld [tilespmem:$0x1FA00]  }
0xa41: {  	v27 =	vld.idx.msk [tilespmem:v29+s12+$0x0], $0xffff;
	v28 =	vor.u32 v40, v11;
	v26 =	vor.u32 v44, v9;
	[tilespmem:v47+s19+$0x0] =	vst.idx.msk $0xffff, v22  }
0xa42: {  	v29 =	vor.u32 v44, v10;
	v52 =	vld [tilespmem:$0x1F190];
	_ =	sdelay $0x2  }
0xa43: {  	v5 =	vld.idx.msk [tilespmem:v45+s12+$0x0], $0xffff;
	v49 =	vor.u32 v43, v6  }
0xa44: {  	v22 =	vld.idx.msk [tilespmem:v26+s12+$0x0], $0xffff;
	[tilespmem:v28+s19+$0x0] =	vst.idx.msk $0xffff, v27;
	v54 =	vor.u32 v43, v8  }
0xa45: {  	v27 =	vld.idx.msk [tilespmem:v29+s12+$0x0], $0xffff;
	v28 =	vor.u32 v43, v11;
	v53 =	vor.u32 v52, v7;
	_ =	sdelay $0x1  }
0xa46: {  	[tilespmem:v25+s19+$0x0] =	vst.idx.msk $0xffff, v24  }
0xa47: {  	[tilespmem:v49+s19+$0x0] =	vst.idx.msk $0xffff, v5  }
0xa48: {  	v26 =	vor.u32 v52, v9;
	[tilespmem:v54+s19+$0x0] =	vst.idx.msk $0xffff, v22  }
0xa49: {  	v57 =	vor.u32 v30, v6;
	v29 =	vor.u32 v52, v10;
	[tilespmem:v28+s19+$0x0] =	vst.idx.msk $0xffff, v27;
	v5 =	vld.idx.msk [tilespmem:v53+s12+$0x0], $0xffff  }
0xa4a: {  	v25 =	vld [tilespmem:$0x1FA20];
	_ =	sdelay $0x1  }
0xa4b: {  	v12 =	vld.idx.msk [tilespmem:v12+s12+$0x0], $0xffff  }
0xa4c: {  	v61 =	vor.u32 v30, v8;
	v58 =	vld.idx.msk [tilespmem:v26+s12+$0x0], $0xffff  }
0xa4d: {  	v62 =	vld.idx.msk [tilespmem:v29+s12+$0x0], $0xffff;
	v26 =	vor.u32 v30, v11;
	[tilespmem:v57+s19+$0x0] =	vst.idx.msk $0xffff, v5  }
0xa4e: {  	v24 =	vor.u32 v25, v3;
	v27 =	vld [tilespmem:$0x1F1B0];
	_ =	sdelay $0x2  }
0xa4f: {  	[tilespmem:v61+s19+$0x0] =	vst.idx.msk $0xffff, v58  }
0xa50: {  	v63 =	vor.u32 v25, v6;
	v14 =	vld.idx.msk [tilespmem:v14+s12+$0x0], $0xffff;
	[tilespmem:v26+s19+$0x0] =	vst.idx.msk $0xffff, v62  }
0xa51: {  	[tilespmem:v24+s19+$0x0] =	vst.idx.msk $0xffff, v12;
	v5 =	vor.u32 v27, v4  }
0xa52: {  	v32 =	vor.u32 v27, v7;
	v38 =	vor.u32 v27, v9;
	v26 =	vor.u32 v27, v10;
	v27 =	vld [tilespmem:$0x1FA30];
	_ =	sdelay $0x1  }
0xa53: {  	v13 =	vld.idx.msk [tilespmem:v13+s12+$0x0], $0xffff  }
0xa54: {  	v37 =	vor.u32 v25, v8;
	v15 =	vld.idx.msk [tilespmem:v15+s12+$0x0], $0xffff;
	[tilespmem:v63+s19+$0x0] =	vst.idx.msk $0xffff, v14  }
0xa55: {  	v25 =	vor.u32 v25, v11;
	v28 =	vld [tilespmem:$0x1F6B0]  }
0xa56: {  	v5 =	vld.idx.msk [tilespmem:v5+s12+$0x0], $0xffff;
	v12 =	vor.u32 v27, v3;
	_ =	sdelay $0x2  }
0xa57: {  	[tilespmem:v37+s19+$0x0] =	vst.idx.msk $0xffff, v13  }
0xa58: {  	[tilespmem:v25+s19+$0x0] =	vst.idx.msk $0xffff, v15  }
0xa59: {  	v20 =	vld.idx.msk [tilespmem:v32+s12+$0x0], $0xffff;
	v39 =	vor.u32 v27, v6;
	v14 =	vor.u32 v28, v4;
	[tilespmem:v12+s19+$0x0] =	vst.idx.msk $0xffff, v5  }
0xa5a: {  	v40 =	vor.u32 v27, v8;
	v25 =	vor.u32 v27, v11;
	v27 =	vld [tilespmem:$0x1FA40];
	_ =	sdelay $0x1  }
0xa5b: {  	v22 =	vld.idx.msk [tilespmem:v38+s12+$0x0], $0xffff  }
0xa5c: {  	v24 =	vld.idx.msk [tilespmem:v26+s12+$0x0], $0xffff  }
0xa5d: {  	v13 =	vor.u32 v28, v7;
	v5 =	vld.idx.msk [tilespmem:v14+s12+$0x0], $0xffff;
	[tilespmem:v39+s19+$0x0] =	vst.idx.msk $0xffff, v20  }
0xa5e: {  	v15 =	vor.u32 v28, v9;
	v26 =	vor.u32 v28, v10;
	v28 =	vld [tilespmem:$0x1F1C0];
	v12 =	vor.u32 v27, v3;
	_ =	sdelay $0x2  }
0xa5f: {  	[tilespmem:v40+s19+$0x0] =	vst.idx.msk $0xffff, v22  }
0xa60: {  	[tilespmem:v25+s19+$0x0] =	vst.idx.msk $0xffff, v24  }
0xa61: {  	v13 =	vld.idx.msk [tilespmem:v13+s12+$0x0], $0xffff;
	v43 =	vor.u32 v27, v6;
	v14 =	vor.u32 v28, v4;
	[tilespmem:v12+s19+$0x0] =	vst.idx.msk $0xffff, v5  }
0xa62: {  	v45 =	vor.u32 v27, v8;
	v25 =	vor.u32 v27, v11;
	v27 =	vld [tilespmem:$0x1FA50];
	_ =	sdelay $0x1  }
0xa63: {  	v15 =	vld.idx.msk [tilespmem:v15+s12+$0x0], $0xffff  }
0xa64: {  	v24 =	vld.idx.msk [tilespmem:v26+s12+$0x0], $0xffff  }
0xa65: {  	v44 =	vor.u32 v28, v7;
	v5 =	vld.idx.msk [tilespmem:v14+s12+$0x0], $0xffff;
	[tilespmem:v43+s19+$0x0] =	vst.idx.msk $0xffff, v13  }
0xa66: {  	v47 =	vor.u32 v28, v9;
	v26 =	vor.u32 v28, v10;
	v28 =	vld [tilespmem:$0x1F2D0];
	v12 =	vor.u32 v27, v3;
	_ =	sdelay $0x2  }
0xa67: {  	[tilespmem:v45+s19+$0x0] =	vst.idx.msk $0xffff, v15  }
0xa68: {  	[tilespmem:v25+s19+$0x0] =	vst.idx.msk $0xffff, v24  }
0xa69: {  	v14 =	vld.idx.msk [tilespmem:v44+s12+$0x0], $0xffff;
	v49 =	vor.u32 v27, v6;
	v13 =	vor.u32 v28, v4;
	[tilespmem:v12+s19+$0x0] =	vst.idx.msk $0xffff, v5  }
0xa6a: {  	v53 =	vor.u32 v27, v8;
	v25 =	vor.u32 v27, v11;
	v27 =	vld [tilespmem:$0x1FA60];
	_ =	sdelay $0x1  }
0xa6b: {  	v52 =	vld.idx.msk [tilespmem:v47+s12+$0x0], $0xffff  }
0xa6c: {  	v24 =	vld.idx.msk [tilespmem:v26+s12+$0x0], $0xffff  }
0xa6d: {  	v15 =	vor.u32 v28, v7;
	v5 =	vld.idx.msk [tilespmem:v13+s12+$0x0], $0xffff;
	[tilespmem:v49+s19+$0x0] =	vst.idx.msk $0xffff, v14  }
0xa6e: {  	v54 =	vor.u32 v28, v9;
	v26 =	vor.u32 v28, v10;
	v28 =	vld [tilespmem:$0x1F1D0];
	v12 =	vor.u32 v27, v3;
	_ =	sdelay $0x2  }
0xa6f: {  	[tilespmem:v53+s19+$0x0] =	vst.idx.msk $0xffff, v52  }
0xa70: {  	[tilespmem:v25+s19+$0x0] =	vst.idx.msk $0xffff, v24  }
0xa71: {  	v14 =	vld.idx.msk [tilespmem:v15+s12+$0x0], $0xffff;
	v15 =	vor.u32 v27, v6;
	v13 =	vor.u32 v28, v4;
	[tilespmem:v12+s19+$0x0] =	vst.idx.msk $0xffff, v5  }
0xa72: {  	v58 =	vor.u32 v27, v8;
	v25 =	vor.u32 v27, v11;
	v27 =	vld [tilespmem:$0x1FA80];
	_ =	sdelay $0x1  }
0xa73: {  	v21 =	vld.idx.msk [tilespmem:v54+s12+$0x0], $0xffff  }
0xa74: {  	v24 =	vld.idx.msk [tilespmem:v26+s12+$0x0], $0xffff  }
0xa75: {  	v57 =	vor.u32 v28, v7;
	v5 =	vld.idx.msk [tilespmem:v13+s12+$0x0], $0xffff;
	[tilespmem:v15+s19+$0x0] =	vst.idx.msk $0xffff, v14  }
0xa76: {  	v61 =	vor.u32 v28, v9;
	v26 =	vor.u32 v28, v10;
	v28 =	vld [tilespmem:$0x1F2E0];
	v12 =	vor.u32 v27, v3;
	_ =	sdelay $0x2  }
0xa77: {  	[tilespmem:v58+s19+$0x0] =	vst.idx.msk $0xffff, v21  }
0xa78: {  	[tilespmem:v25+s19+$0x0] =	vst.idx.msk $0xffff, v24  }
0xa79: {  	v14 =	vld.idx.msk [tilespmem:v57+s12+$0x0], $0xffff;
	v15 =	vor.u32 v27, v6;
	v13 =	vor.u32 v28, v4;
	[tilespmem:v12+s19+$0x0] =	vst.idx.msk $0xffff, v5  }
0xa7a: {  	v63 =	vor.u32 v27, v8;
	v25 =	vor.u32 v27, v11;
	v27 =	vld [tilespmem:$0x1FA90]  }
0xa7b: {  	v62 =	vor.u32 v28, v7  }
0xa7c: {  	v21 =	vld.idx.msk [tilespmem:v61+s12+$0x0], $0xffff  }
0xa7d: {  	v24 =	vld.idx.msk [tilespmem:v26+s12+$0x0], $0xffff  }
0xa7e: {  	v32 =	vor.u32 v28, v9;
	v5 =	vld.idx.msk [tilespmem:v13+s12+$0x0], $0xffff;
	[tilespmem:v15+s19+$0x0] =	vst.idx.msk $0xffff, v14  }
0xa7f: {  	v26 =	vor.u32 v28, v10;
	v28 =	vld [tilespmem:$0x1F2C0];
	v12 =	vor.u32 v27, v3  }
0xa80: {  	v14 =	vld.idx.msk [tilespmem:v62+s12+$0x0], $0xffff;
	v15 =	vor.u32 v27, v6;
	_ =	sdelay $0x1  }
0xa81: {  	[tilespmem:v63+s19+$0x0] =	vst.idx.msk $0xffff, v21  }
0xa82: {  	[tilespmem:v25+s19+$0x0] =	vst.idx.msk $0xffff, v24;
	v21 =	vld.idx.msk [tilespmem:v32+s12+$0x0], $0xffff  }
0xa83: {  	v24 =	vld.idx.msk [tilespmem:v26+s12+$0x0], $0xffff;
	v38 =	vor.u32 v27, v8;
	[tilespmem:v12+s19+$0x0] =	vst.idx.msk $0xffff, v5  }
0xa84: {  	v25 =	vor.u32 v27, v11;
	v13 =	vor.u32 v28, v4;
	v27 =	vld [tilespmem:$0x1FAA0];
	[tilespmem:v15+s19+$0x0] =	vst.idx.msk $0xffff, v14  }
0xa85: {  	v37 =	vor.u32 v28, v7;
	v39 =	vor.u32 v28, v9;
	v26 =	vor.u32 v28, v10;
	v28 =	vld [tilespmem:$0x1F2B0];
	_ =	sdelay $0x3  }
0xa86: {  	v5 =	vld.idx.msk [tilespmem:v13+s12+$0x0], $0xffff;
	[tilespmem:v25+s19+$0x0] =	vst.idx.msk $0xffff, v24  }
0xa87: {  	[tilespmem:v38+s19+$0x0] =	vst.idx.msk $0xffff, v21;
	v24 =	vld.idx.msk [tilespmem:v26+s12+$0x0], $0xffff;
	v12 =	vor.u32 v27, v3;
	v13 =	vor.u32 v28, v4  }
0xa88: {  	v40 =	vor.u32 v28, v7;
	v44 =	vor.u32 v28, v9;
	v26 =	vor.u32 v28, v10;
	v28 =	vld [tilespmem:$0x1FAB0];
	_ =	sdelay $0x1  }
0xa89: {  	v14 =	vld.idx.msk [tilespmem:v37+s12+$0x0], $0xffff;
	v15 =	vor.u32 v27, v6  }
0xa8a: {  	v21 =	vld.idx.msk [tilespmem:v39+s12+$0x0], $0xffff;
	v43 =	vor.u32 v27, v8  }
0xa8b: {  	v25 =	vor.u32 v27, v11;
	[tilespmem:v12+s19+$0x0] =	vst.idx.msk $0xffff, v5  }
0xa8c: {  	v27 =	vor.u32 v28, v0;
	v29 =	vld [tilespmem:$0x1F2A0];
	_ =	sdelay $0x1  }
0xa8d: {  	[tilespmem:v15+s19+$0x0] =	vst.idx.msk $0xffff, v14  }
0xa8e: {  	[tilespmem:v43+s19+$0x0] =	vst.idx.msk $0xffff, v21  }
0xa8f: {  	v12 =	vld.idx.msk [tilespmem:v13+s12+$0x0], $0xffff;
	v13 =	vor.u32 v28, v3;
	[tilespmem:v25+s19+$0x0] =	vst.idx.msk $0xffff, v24  }
0xa90: {  	v5 =	vor.u32 v29, v1;
	v14 =	vor.u32 v29, v4;
	[tilespmem:v27+s19+$0x0] =	vst.idx.msk $0xffff, v19  }
0xa91: {  	v47 =	vor.u32 v29, v7;
	v24 =	vor.u32 v29, v9;
	v52 =	vor.u32 v29, v10;
	v29 =	vld [tilespmem:$0x1FDF0]  }
0xa92: {  	v15 =	vld.idx.msk [tilespmem:v40+s12+$0x0], $0xffff  }
0xa93: {  	v45 =	vor.u32 v28, v6;
	v22 =	vld.idx.msk [tilespmem:v44+s12+$0x0], $0xffff  }
0xa94: {  	v49 =	vor.u32 v28, v8;
	v25 =	vld.idx.msk [tilespmem:v26+s12+$0x0], $0xffff;
	[tilespmem:v13+s19+$0x0] =	vst.idx.msk $0xffff, v12  }
0xa95: {  	v26 =	vor.u32 v28, v11;
	v28 =	vld [tilespmem:$0x1F530]  }
0xa96: {  	v5 =	vld.idx.msk [tilespmem:v5+s12+$0x0], $0xffff;
	v27 =	vor.u32 v29, v0;
	_ =	sdelay $0x1  }
0xa97: {  	[tilespmem:v45+s19+$0x0] =	vst.idx.msk $0xffff, v15  }
0xa98: {  	[tilespmem:v49+s19+$0x0] =	vst.idx.msk $0xffff, v22  }
0xa99: {  	[tilespmem:v26+s19+$0x0] =	vst.idx.msk $0xffff, v25;
	v13 =	vld.idx.msk [tilespmem:v14+s12+$0x0], $0xffff;
	v14 =	vor.u32 v29, v3  }
0xa9a: {  	v12 =	vor.u32 v28, v1;
	v15 =	vor.u32 v28, v4;
	[tilespmem:v27+s19+$0x0] =	vst.idx.msk $0xffff, v5  }
0xa9b: {  	v54 =	vor.u32 v28, v7;
	v25 =	vor.u32 v28, v9;
	v5 =	vor.u32 v28, v10;
	v28 =	vld [tilespmem:$0x1FAC0]  }
0xa9c: {  	v20 =	vld.idx.msk [tilespmem:v47+s12+$0x0], $0xffff  }
0xa9d: {  	v23 =	vld.idx.msk [tilespmem:v24+s12+$0x0], $0xffff;
	v53 =	vor.u32 v29, v6  }
0xa9e: {  	v19 =	vld.idx.msk [tilespmem:v52+s12+$0x0], $0xffff;
	v24 =	vor.u32 v29, v8  }
0xa9f: {  	v26 =	vor.u32 v29, v11;
	v12 =	vld.idx.msk [tilespmem:v12+s12+$0x0], $0xffff;
	[tilespmem:v14+s19+$0x0] =	vst.idx.msk $0xffff, v13  }
0xaa0: {  	v57 =	vld [tilespmem:$0x1F290];
	v27 =	vor.u32 v28, v0;
	_ =	sdelay $0x1  }
0xaa1: {  	[tilespmem:v53+s19+$0x0] =	vst.idx.msk $0xffff, v20  }
0xaa2: {  	[tilespmem:v24+s19+$0x0] =	vst.idx.msk $0xffff, v23  }
0xaa3: {  	v14 =	vld.idx.msk [tilespmem:v15+s12+$0x0], $0xffff;
	[tilespmem:v26+s19+$0x0] =	vst.idx.msk $0xffff, v19  }
0xaa4: {  	v24 =	vld.idx.msk [tilespmem:v25+s12+$0x0], $0xffff;
	v15 =	vor.u32 v28, v3;
	v13 =	vor.u32 v57, v1;
	[tilespmem:v27+s19+$0x0] =	vst.idx.msk $0xffff, v12  }
0xaa5: {  	v61 =	vor.u32 v28, v6;
	v25 =	vor.u32 v28, v8;
	v26 =	vor.u32 v28, v11;
	v28 =	vld [tilespmem:$0x1FAD0];
	_ =	sdelay $0x1  }
0xaa6: {  	v21 =	vld.idx.msk [tilespmem:v54+s12+$0x0], $0xffff  }
0xaa7: {  	v5 =	vld.idx.msk [tilespmem:v5+s12+$0x0], $0xffff  }
0xaa8: {  	v13 =	vld.idx.msk [tilespmem:v13+s12+$0x0], $0xffff;
	[tilespmem:v15+s19+$0x0] =	vst.idx.msk $0xffff, v14  }
0xaa9: {  	v58 =	vor.u32 v57, v4;
	v32 =	vld [tilespmem:$0x1F280];
	v27 =	vor.u32 v28, v0;
	_ =	sdelay $0x1  }
0xaaa: {  	v62 =	vor.u32 v57, v7;
	[tilespmem:v61+s19+$0x0] =	vst.idx.msk $0xffff, v21  }
0xaab: {  	v63 =	vor.u32 v57, v9;
	[tilespmem:v25+s19+$0x0] =	vst.idx.msk $0xffff, v24  }
0xaac: {  	v12 =	vor.u32 v57, v10;
	[tilespmem:v26+s19+$0x0] =	vst.idx.msk $0xffff, v5  }
0xaad: {  	v15 =	vld.idx.msk [tilespmem:v58+s12+$0x0], $0xffff;
	v40 =	vor.u32 v28, v3;
	v14 =	vor.u32 v32, v1;
	[tilespmem:v27+s19+$0x0] =	vst.idx.msk $0xffff, v13  }
0xaae: {  	v53 =	vld [tilespmem:$0x1FE00]  }
0xaaf: {  	v22 =	vld.idx.msk [tilespmem:v62+s12+$0x0], $0xffff  }
0xab0: {  	v19 =	vld.idx.msk [tilespmem:v63+s12+$0x0], $0xffff;
	v44 =	vor.u32 v28, v6  }
0xab1: {  	v12 =	vld.idx.msk [tilespmem:v12+s12+$0x0], $0xffff;
	v25 =	vor.u32 v28, v8  }
0xab2: {  	v26 =	vor.u32 v28, v11;
	v14 =	vld.idx.msk [tilespmem:v14+s12+$0x0], $0xffff;
	[tilespmem:v40+s19+$0x0] =	vst.idx.msk $0xffff, v15  }
0xab3: {  	v43 =	vor.u32 v32, v4;
	v28 =	vld [tilespmem:$0x1F270];
	v27 =	vor.u32 v53, v0;
	_ =	sdelay $0x1  }
0xab4: {  	v24 =	vor.u32 v32, v7;
	[tilespmem:v44+s19+$0x0] =	vst.idx.msk $0xffff, v22  }
0xab5: {  	v5 =	vor.u32 v32, v9;
	[tilespmem:v25+s19+$0x0] =	vst.idx.msk $0xffff, v19  }
0xab6: {  	v13 =	vor.u32 v32, v10;
	[tilespmem:v26+s19+$0x0] =	vst.idx.msk $0xffff, v12  }
0xab7: {  	v20 =	vld.idx.msk [tilespmem:v43+s12+$0x0], $0xffff;
	v45 =	vor.u32 v53, v3;
	v15 =	vor.u32 v28, v1;
	[tilespmem:v27+s19+$0x0] =	vst.idx.msk $0xffff, v14  }
0xab8: {  	v57 =	vld [tilespmem:$0x1FF90]  }
0xab9: {  	v23 =	vld.idx.msk [tilespmem:v24+s12+$0x0], $0xffff  }
0xaba: {  	v5 =	vld.idx.msk [tilespmem:v5+s12+$0x0], $0xffff;
	v24 =	vor.u32 v53, v6  }
0xabb: {  	v13 =	vld.idx.msk [tilespmem:v13+s12+$0x0], $0xffff;
	v25 =	vor.u32 v53, v8;
	v26 =	vor.u32 v53, v11  }
0xabc: {  	v47 =	vor.u32 v28, v4;
	v49 =	vor.u32 v28, v7;
	v15 =	vld.idx.msk [tilespmem:v15+s12+$0x0], $0xffff;
	[tilespmem:v45+s19+$0x0] =	vst.idx.msk $0xffff, v20  }
0xabd: {  	v12 =	vor.u32 v28, v9;
	v14 =	vor.u32 v28, v10;
	v28 =	vld [tilespmem:$0x1F5E0];
	v27 =	vor.u32 v57, v0;
	_ =	sdelay $0x1  }
0xabe: {  	[tilespmem:v24+s19+$0x0] =	vst.idx.msk $0xffff, v23  }
0xabf: {  	[tilespmem:v25+s19+$0x0] =	vst.idx.msk $0xffff, v5  }
0xac0: {  	[tilespmem:v26+s19+$0x0] =	vst.idx.msk $0xffff, v13;
	v53 =	vor.u32 v57, v3  }
0xac1: {  	v21 =	vld.idx.msk [tilespmem:v47+s12+$0x0], $0xffff;
	v52 =	vor.u32 v28, v1;
	v54 =	vor.u32 v28, v4;
	[tilespmem:v27+s19+$0x0] =	vst.idx.msk $0xffff, v15  }
0xac2: {  	v5 =	vor.u32 v28, v7;
	v13 =	vor.u32 v28, v9;
	v15 =	vor.u32 v28, v10;
	v28 =	vld [tilespmem:$0x1FAE0]  }
0xac3: {  	v19 =	vld.idx.msk [tilespmem:v49+s12+$0x0], $0xffff  }
0xac4: {  	v12 =	vld.idx.msk [tilespmem:v12+s12+$0x0], $0xffff;
	v24 =	vor.u32 v57, v6  }
0xac5: {  	v14 =	vld.idx.msk [tilespmem:v14+s12+$0x0], $0xffff;
	v25 =	vor.u32 v57, v8  }
0xac6: {  	v26 =	vor.u32 v57, v11;
	v20 =	vld.idx.msk [tilespmem:v52+s12+$0x0], $0xffff;
	[tilespmem:v53+s19+$0x0] =	vst.idx.msk $0xffff, v21  }
0xac7: {  	v57 =	vld [tilespmem:$0x1F630];
	v27 =	vor.u32 v28, v0  }
0xac8: {  	v22 =	vld.idx.msk [tilespmem:v54+s12+$0x0], $0xffff;
	v61 =	vor.u32 v28, v3  }
0xac9: {  	[tilespmem:v24+s19+$0x0] =	vst.idx.msk $0xffff, v19  }
0xaca: {  	[tilespmem:v25+s19+$0x0] =	vst.idx.msk $0xffff, v12  }
0xacb: {  	[tilespmem:v26+s19+$0x0] =	vst.idx.msk $0xffff, v14  }
0xacc: {  	v5 =	vld.idx.msk [tilespmem:v5+s12+$0x0], $0xffff;
	v24 =	vor.u32 v28, v6;
	v25 =	vor.u32 v28, v8;
	[tilespmem:v27+s19+$0x0] =	vst.idx.msk $0xffff, v20  }
0xacd: {  	v26 =	vor.u32 v28, v11;
	v58 =	vor.u32 v57, v1;
	v28 =	vld [tilespmem:$0x1FB10];
	[tilespmem:v61+s19+$0x0] =	vst.idx.msk $0xffff, v22  }
0xace: {  	v62 =	vor.u32 v57, v4;
	v32 =	vld [tilespmem:$0x1F6C0]  }
0xacf: {  	v13 =	vld.idx.msk [tilespmem:v13+s12+$0x0], $0xffff;
	v12 =	vor.u32 v57, v7  }
0xad0: {  	v15 =	vld.idx.msk [tilespmem:v15+s12+$0x0], $0xffff;
	v14 =	vor.u32 v57, v9  }
0xad1: {  	v63 =	vor.u32 v57, v10  }
0xad2: {  	v21 =	vld.idx.msk [tilespmem:v58+s12+$0x0], $0xffff;
	v27 =	vor.u32 v28, v0  }
0xad3: {  	v19 =	vld.idx.msk [tilespmem:v62+s12+$0x0], $0xffff;
	[tilespmem:v24+s19+$0x0] =	vst.idx.msk $0xffff, v5;
	v40 =	vor.u32 v28, v3;
	v39 =	vor.u32 v32, v1  }
0xad4: {  	[tilespmem:v25+s19+$0x0] =	vst.idx.msk $0xffff, v13;
	v12 =	vld.idx.msk [tilespmem:v12+s12+$0x0], $0xffff;
	v24 =	vor.u32 v28, v6  }
0xad5: {  	[tilespmem:v26+s19+$0x0] =	vst.idx.msk $0xffff, v15;
	v14 =	vld.idx.msk [tilespmem:v14+s12+$0x0], $0xffff;
	v25 =	vor.u32 v28, v8  }
0xad6: {  	v20 =	vld.idx.msk [tilespmem:v63+s12+$0x0], $0xffff;
	v26 =	vor.u32 v28, v11  }
0xad7: {  	[tilespmem:v27+s19+$0x0] =	vst.idx.msk $0xffff, v21  }
0xad8: {  	v45 =	vor.u32 v31, v0;
	[tilespmem:v40+s19+$0x0] =	vst.idx.msk $0xffff, v19;
	v44 =	vld.idx.msk [tilespmem:v39+s12+$0x0], $0xffff  }
0xad9: {  	[tilespmem:v24+s19+$0x0] =	vst.idx.msk $0xffff, v12  }
0xada: {  	v5 =	vor.u32 v32, v4;
	v27 =	vld [tilespmem:$0x1F260];
	[tilespmem:v25+s19+$0x0] =	vst.idx.msk $0xffff, v14  }
0xadb: {  	v13 =	vor.u32 v32, v7;
	[tilespmem:v26+s19+$0x0] =	vst.idx.msk $0xffff, v20  }
0xadc: {  	v15 =	vor.u32 v32, v9;
	[tilespmem:v18+s19+$0x0] =	vst.idx.msk $0xffff, v16  }
0xadd: {  	v43 =	vor.u32 v32, v10;
	[tilespmem:v45+s19+$0x0] =	vst.idx.msk $0xffff, v44  }
0xade: {  	v26 =	vld [tilespmem:$0x1FF00]  }
0xadf: {  	v47 =	vor.u32 v31, v3;
	v5 =	vld.idx.msk [tilespmem:v5+s12+$0x0], $0xffff;
	v12 =	vor.u32 v27, v1  }
0xae0: {  	v24 =	vor.u32 v31, v6;
	v13 =	vld.idx.msk [tilespmem:v13+s12+$0x0], $0xffff  }
0xae1: {  	v25 =	vor.u32 v31, v8;
	v15 =	vld.idx.msk [tilespmem:v15+s12+$0x0], $0xffff  }
0xae2: {  	v54 =	vor.u32 v31, v11;
	v53 =	vld.idx.msk [tilespmem:v43+s12+$0x0], $0xffff  }
0xae3: {  	v17 =	vld.idx.msk [tilespmem:v17+s12+$0x0], $0xffff;
	v57 =	vor.u32 v26, v50  }
0xae4: {  	[tilespmem:v47+s19+$0x0] =	vst.idx.msk $0xffff, v5;
	v12 =	vld.idx.msk [tilespmem:v12+s12+$0x0], $0xffff;
	v61 =	vor.u32 v26, v0  }
0xae5: {  	v28 =	vld [tilespmem:$0x1F250];
	[tilespmem:v24+s19+$0x0] =	vst.idx.msk $0xffff, v13  }
0xae6: {  	v14 =	vor.u32 v27, v4;
	[tilespmem:v25+s19+$0x0] =	vst.idx.msk $0xffff, v15  }
0xae7: {  	v49 =	vor.u32 v27, v7;
	[tilespmem:v54+s19+$0x0] =	vst.idx.msk $0xffff, v53  }
0xae8: {  	v52 =	vor.u32 v27, v9;
	[tilespmem:v57+s19+$0x0] =	vst.idx.msk $0xffff, v17  }
0xae9: {  	v58 =	vor.u32 v27, v10;
	[tilespmem:v61+s19+$0x0] =	vst.idx.msk $0xffff, v12  }
0xaea: {  	v5 =	vor.u32 v28, v2;
	v27 =	vld [tilespmem:$0x1FFA0]  }
0xaeb: {  	v14 =	vld.idx.msk [tilespmem:v14+s12+$0x0], $0xffff;
	v24 =	vor.u32 v26, v3;
	v13 =	vor.u32 v28, v1  }
0xaec: {  	v20 =	vld.idx.msk [tilespmem:v49+s12+$0x0], $0xffff;
	v25 =	vor.u32 v26, v6  }
0xaed: {  	v16 =	vld.idx.msk [tilespmem:v52+s12+$0x0], $0xffff;
	v63 =	vor.u32 v26, v8  }
0xaee: {  	v37 =	vld.idx.msk [tilespmem:v58+s12+$0x0], $0xffff;
	v38 =	vor.u32 v26, v11  }
0xaef: {  	v15 =	vor.u32 v28, v4;
	v5 =	vld.idx.msk [tilespmem:v5+s12+$0x0], $0xffff;
	v12 =	vor.u32 v27, v50  }
0xaf0: {  	v62 =	vor.u32 v28, v7;
	[tilespmem:v24+s19+$0x0] =	vst.idx.msk $0xffff, v14;
	v13 =	vld.idx.msk [tilespmem:v13+s12+$0x0], $0xffff;
	v24 =	vor.u32 v27, v0  }
0xaf1: {  	v32 =	vor.u32 v28, v9;
	v39 =	vor.u32 v28, v10;
	v28 =	vld [tilespmem:$0x1F240];
	[tilespmem:v25+s19+$0x0] =	vst.idx.msk $0xffff, v20  }
0xaf2: {  	[tilespmem:v63+s19+$0x0] =	vst.idx.msk $0xffff, v16  }
0xaf3: {  	[tilespmem:v38+s19+$0x0] =	vst.idx.msk $0xffff, v37  }
0xaf4: {  	[tilespmem:v12+s19+$0x0] =	vst.idx.msk $0xffff, v5  }
0xaf5: {  	[tilespmem:v24+s19+$0x0] =	vst.idx.msk $0xffff, v13  }
0xaf6: {  	v14 =	vor.u32 v28, v2;
	v52 =	vld [tilespmem:$0x1FFB0]  }
0xaf7: {  	v15 =	vld.idx.msk [tilespmem:v15+s12+$0x0], $0xffff;
	v25 =	vor.u32 v27, v3;
	v40 =	vor.u32 v28, v1  }
0xaf8: {  	v18 =	vld.idx.msk [tilespmem:v62+s12+$0x0], $0xffff;
	v44 =	vor.u32 v27, v6  }
0xaf9: {  	v17 =	vld.idx.msk [tilespmem:v32+s12+$0x0], $0xffff;
	v47 =	vor.u32 v27, v8  }
0xafa: {  	v49 =	vor.u32 v27, v11;
	v12 =	vld.idx.msk [tilespmem:v39+s12+$0x0], $0xffff  }
0xafb: {  	v43 =	vor.u32 v28, v4;
	v13 =	vld.idx.msk [tilespmem:v14+s12+$0x0], $0xffff;
	v14 =	vor.u32 v52, v50  }
0xafc: {  	v45 =	vor.u32 v28, v7;
	[tilespmem:v25+s19+$0x0] =	vst.idx.msk $0xffff, v15;
	v20 =	vld.idx.msk [tilespmem:v40+s12+$0x0], $0xffff;
	v25 =	vor.u32 v52, v0  }
0xafd: {  	v5 =	vor.u32 v28, v9;
	v24 =	vor.u32 v28, v10;
	v28 =	vld [tilespmem:$0x1F230];
	[tilespmem:v44+s19+$0x0] =	vst.idx.msk $0xffff, v18  }
0xafe: {  	[tilespmem:v47+s19+$0x0] =	vst.idx.msk $0xffff, v17  }
0xaff: {  	[tilespmem:v49+s19+$0x0] =	vst.idx.msk $0xffff, v12  }
0xb00: {  	[tilespmem:v14+s19+$0x0] =	vst.idx.msk $0xffff, v13  }
0xb01: {  	[tilespmem:v25+s19+$0x0] =	vst.idx.msk $0xffff, v20  }
0xb02: {  	v15 =	vor.u32 v28, v2;
	v38 =	vld [tilespmem:$0x1FE10]  }
0xb03: {  	v16 =	vld.idx.msk [tilespmem:v43+s12+$0x0], $0xffff;
	v54 =	vor.u32 v52, v3;
	v53 =	vor.u32 v28, v1  }
0xb04: {  	v19 =	vld.idx.msk [tilespmem:v45+s12+$0x0], $0xffff;
	v58 =	vor.u32 v52, v6  }
0xb05: {  	v5 =	vld.idx.msk [tilespmem:v5+s12+$0x0], $0xffff;
	v37 =	vor.u32 v52, v8  }
0xb06: {  	v14 =	vld.idx.msk [tilespmem:v24+s12+$0x0], $0xffff;
	v24 =	vor.u32 v52, v11  }
0xb07: {  	v15 =	vld.idx.msk [tilespmem:v15+s12+$0x0], $0xffff;
	v39 =	vor.u32 v38, v50  }
0xb08: {  	[tilespmem:v54+s19+$0x0] =	vst.idx.msk $0xffff, v16;
	v18 =	vld.idx.msk [tilespmem:v53+s12+$0x0], $0xffff;
	v43 =	vor.u32 v38, v0  }
0xb09: {  	v31 =	vld [tilespmem:$0x1F220];
	[tilespmem:v58+s19+$0x0] =	vst.idx.msk $0xffff, v19  }
0xb0a: {  	v57 =	vor.u32 v28, v4;
	[tilespmem:v37+s19+$0x0] =	vst.idx.msk $0xffff, v5  }
0xb0b: {  	v12 =	vor.u32 v28, v7;
	[tilespmem:v24+s19+$0x0] =	vst.idx.msk $0xffff, v14  }
0xb0c: {  	v13 =	vor.u32 v28, v9;
	[tilespmem:v39+s19+$0x0] =	vst.idx.msk $0xffff, v15  }
0xb0d: {  	v25 =	vor.u32 v28, v10;
	[tilespmem:v43+s19+$0x0] =	vst.idx.msk $0xffff, v18  }
0xb0e: {  	v40 =	vor.u32 v31, v2;
	v18 =	vld [tilespmem:$0x1FE20]  }
0xb0f: {  	v17 =	vld.idx.msk [tilespmem:v57+s12+$0x0], $0xffff;
	v45 =	vor.u32 v38, v3;
	v44 =	vor.u32 v31, v1  }
0xb10: {  	v12 =	vld.idx.msk [tilespmem:v12+s12+$0x0], $0xffff;
	v47 =	vor.u32 v38, v6  }
0xb11: {  	v13 =	vld.idx.msk [tilespmem:v13+s12+$0x0], $0xffff;
	v24 =	vor.u32 v38, v8  }
0xb12: {  	v49 =	vld.idx.msk [tilespmem:v25+s12+$0x0], $0xffff;
	v25 =	vor.u32 v38, v11  }
0xb13: {  	v16 =	vld.idx.msk [tilespmem:v40+s12+$0x0], $0xffff;
	v28 =	vor.u32 v18, v50  }
0xb14: {  	[tilespmem:v45+s19+$0x0] =	vst.idx.msk $0xffff, v17;
	v19 =	vld.idx.msk [tilespmem:v44+s12+$0x0], $0xffff;
	v54 =	vor.u32 v18, v0  }
0xb15: {  	v39 =	vld [tilespmem:$0x1F210];
	[tilespmem:v47+s19+$0x0] =	vst.idx.msk $0xffff, v12  }
0xb16: {  	v5 =	vor.u32 v31, v4;
	[tilespmem:v24+s19+$0x0] =	vst.idx.msk $0xffff, v13  }
0xb17: {  	v14 =	vor.u32 v31, v7;
	[tilespmem:v25+s19+$0x0] =	vst.idx.msk $0xffff, v49  }
0xb18: {  	v15 =	vor.u32 v31, v9;
	[tilespmem:v28+s19+$0x0] =	vst.idx.msk $0xffff, v16  }
0xb19: {  	v52 =	vor.u32 v31, v10;
	[tilespmem:v54+s19+$0x0] =	vst.idx.msk $0xffff, v19  }
0xb1a: {  	v53 =	vor.u32 v39, v2;
	v63 =	vld [tilespmem:$0x1FE30]  }
0xb1b: {  	v5 =	vld.idx.msk [tilespmem:v5+s12+$0x0], $0xffff;
	v57 =	vor.u32 v18, v3;
	v12 =	vor.u32 v39, v1  }
0xb1c: {  	v14 =	vld.idx.msk [tilespmem:v14+s12+$0x0], $0xffff;
	v24 =	vor.u32 v18, v6  }
0xb1d: {  	v15 =	vld.idx.msk [tilespmem:v15+s12+$0x0], $0xffff;
	v25 =	vor.u32 v18, v8  }
0xb1e: {  	v62 =	vor.u32 v18, v11;
	v28 =	vld.idx.msk [tilespmem:v52+s12+$0x0], $0xffff  }
0xb1f: {  	v31 =	vld.idx.msk [tilespmem:v53+s12+$0x0], $0xffff;
	v44 =	vor.u32 v63, v50  }
0xb20: {  	v58 =	vor.u32 v39, v7;
	[tilespmem:v57+s19+$0x0] =	vst.idx.msk $0xffff, v5;
	v12 =	vld.idx.msk [tilespmem:v12+s12+$0x0], $0xffff;
	v49 =	vor.u32 v63, v0  }
0xb21: {  	v47 =	vld [tilespmem:$0x1F200];
	[tilespmem:v24+s19+$0x0] =	vst.idx.msk $0xffff, v14  }
0xb22: {  	v13 =	vor.u32 v39, v4;
	[tilespmem:v25+s19+$0x0] =	vst.idx.msk $0xffff, v15  }
0xb23: {  	[tilespmem:v62+s19+$0x0] =	vst.idx.msk $0xffff, v28  }
0xb24: {  	v61 =	vor.u32 v39, v9;
	[tilespmem:v44+s19+$0x0] =	vst.idx.msk $0xffff, v31  }
0xb25: {  	v45 =	vor.u32 v39, v10;
	v20 =	vld.idx.msk [tilespmem:v58+s12+$0x0], $0xffff;
	[tilespmem:v49+s19+$0x0] =	vst.idx.msk $0xffff, v12  }
0xb26: {  	v5 =	vor.u32 v47, v2;
	v58 =	vld [tilespmem:$0x1FE40]  }
0xb27: {  	v13 =	vld.idx.msk [tilespmem:v13+s12+$0x0], $0xffff;
	v24 =	vor.u32 v63, v3;
	v14 =	vor.u32 v47, v1  }
0xb28: {  	v25 =	vor.u32 v63, v6  }
0xb29: {  	v52 =	vld.idx.msk [tilespmem:v61+s12+$0x0], $0xffff;
	v53 =	vor.u32 v63, v8  }
0xb2a: {  	v54 =	vld.idx.msk [tilespmem:v45+s12+$0x0], $0xffff;
	v57 =	vor.u32 v63, v11  }
0xb2b: {  	v5 =	vld.idx.msk [tilespmem:v5+s12+$0x0], $0xffff;
	v12 =	vor.u32 v58, v50  }
0xb2c: {  	v15 =	vor.u32 v47, v4;
	[tilespmem:v24+s19+$0x0] =	vst.idx.msk $0xffff, v13;
	v14 =	vld.idx.msk [tilespmem:v14+s12+$0x0], $0xffff;
	v24 =	vor.u32 v58, v0  }
0xb2d: {  	v62 =	vld [tilespmem:$0x1F1F0];
	[tilespmem:v25+s19+$0x0] =	vst.idx.msk $0xffff, v20  }
0xb2e: {  	[tilespmem:v53+s19+$0x0] =	vst.idx.msk $0xffff, v52  }
0xb2f: {  	v28 =	vor.u32 v47, v7;
	[tilespmem:v57+s19+$0x0] =	vst.idx.msk $0xffff, v54  }
0xb30: {  	v31 =	vor.u32 v47, v9;
	[tilespmem:v12+s19+$0x0] =	vst.idx.msk $0xffff, v5  }
0xb31: {  	v45 =	vor.u32 v47, v10;
	v49 =	vld.idx.msk [tilespmem:v15+s12+$0x0], $0xffff;
	[tilespmem:v24+s19+$0x0] =	vst.idx.msk $0xffff, v14  }
0xb32: {  	v13 =	vor.u32 v62, v2;
	v15 =	vld [tilespmem:$0x1FE50]  }
0xb33: {  	v25 =	vor.u32 v58, v3;
	v47 =	vor.u32 v62, v1  }
0xb34: {  	v28 =	vld.idx.msk [tilespmem:v28+s12+$0x0], $0xffff;
	v53 =	vor.u32 v58, v6  }
0xb35: {  	v31 =	vld.idx.msk [tilespmem:v31+s12+$0x0], $0xffff;
	v57 =	vor.u32 v58, v8  }
0xb36: {  	v58 =	vor.u32 v58, v11;
	v12 =	vld.idx.msk [tilespmem:v45+s12+$0x0], $0xffff  }
0xb37: {  	v13 =	vld.idx.msk [tilespmem:v13+s12+$0x0], $0xffff;
	v14 =	vor.u32 v15, v50  }
0xb38: {  	[tilespmem:v25+s19+$0x0] =	vst.idx.msk $0xffff, v49;
	v38 =	vld.idx.msk [tilespmem:v47+s12+$0x0], $0xffff;
	v45 =	vor.u32 v15, v0  }
0xb39: {  	v32 =	vld [tilespmem:$0x1F1E0];
	[tilespmem:v53+s19+$0x0] =	vst.idx.msk $0xffff, v28  }
0xb3a: {  	v52 =	vor.u32 v62, v4;
	[tilespmem:v57+s19+$0x0] =	vst.idx.msk $0xffff, v31  }
0xb3b: {  	v54 =	vor.u32 v62, v7;
	[tilespmem:v58+s19+$0x0] =	vst.idx.msk $0xffff, v12  }
0xb3c: {  	v5 =	vor.u32 v62, v9;
	[tilespmem:v14+s19+$0x0] =	vst.idx.msk $0xffff, v13  }
0xb3d: {  	v24 =	vor.u32 v62, v10;
	[tilespmem:v45+s19+$0x0] =	vst.idx.msk $0xffff, v38  }
0xb3e: {  	v37 =	vor.u32 v32, v2;
	v23 =	vld [tilespmem:$0x1FE60]  }
0xb3f: {  	v25 =	vld.idx.msk [tilespmem:v52+s12+$0x0], $0xffff;
	v49 =	vor.u32 v15, v3;
	v47 =	vor.u32 v32, v1  }
0xb40: {  	v52 =	vld.idx.msk [tilespmem:v54+s12+$0x0], $0xffff;
	v53 =	vor.u32 v15, v6;
	v4 =	vor.u32 v32, v4  }
0xb41: {  	v5 =	vld.idx.msk [tilespmem:v5+s12+$0x0], $0xffff;
	v12 =	vor.u32 v15, v8;
	v7 =	vor.u32 v32, v7  }
0xb42: {  	v54 =	vor.u32 v32, v9;
	v13 =	vld.idx.msk [tilespmem:v24+s12+$0x0], $0xffff;
	v14 =	vor.u32 v15, v11  }
0xb43: {  	v57 =	vor.u32 v32, v10;
	v2 =	vld.idx.msk [tilespmem:v37+s12+$0x0], $0xffff;
	v58 =	vor.u32 v23, v50  }
0xb44: {  	[tilespmem:v49+s19+$0x0] =	vst.idx.msk $0xffff, v25;
	v1 =	vld.idx.msk [tilespmem:v47+s12+$0x0], $0xffff;
	v61 =	vor.u32 v23, v0  }
0xb45: {  	[tilespmem:v53+s19+$0x0] =	vst.idx.msk $0xffff, v52;
	v4 =	vld.idx.msk [tilespmem:v4+s12+$0x0], $0xffff;
	v3 =	vor.u32 v23, v3  }
0xb46: {  	[tilespmem:v12+s19+$0x0] =	vst.idx.msk $0xffff, v5;
	v5 =	vld.idx.msk [tilespmem:v7+s12+$0x0], $0xffff;
	v6 =	vor.u32 v23, v6  }
0xb47: {  	v7 =	vld.idx.msk [tilespmem:v54+s12+$0x0], $0xffff;
	[tilespmem:v14+s19+$0x0] =	vst.idx.msk $0xffff, v13;
	v8 =	vor.u32 v23, v8  }
0xb48: {  	v62 =	vld.idx.msk [tilespmem:v57+s12+$0x0], $0xffff;
	v63 =	vor.u32 v23, v11;
	[tilespmem:v58+s19+$0x0] =	vst.idx.msk $0xffff, v2  }
0xb49: {  	[tilespmem:v61+s19+$0x0] =	vst.idx.msk $0xffff, v1  }
0xb4a: {  	[tilespmem:v3+s19+$0x0] =	vst.idx.msk $0xffff, v4  }
0xb4b: {  	[tilespmem:v6+s19+$0x0] =	vst.idx.msk $0xffff, v5  }
0xb4c: {  	[tilespmem:v8+s19+$0x0] =	vst.idx.msk $0xffff, v7  }
0xb4d: {  	[tilespmem:v63+s19+$0x0] =	vst.idx.msk $0xffff, v62  }
0xb4e: {  	v62 =	vld [tilespmem:$0x1FE70]  }
0xb4f: {  	v13 =	vld [tilespmem:$0x1FE80]  }
0xb50: {  	v12 =	vld [tilespmem:$0x1FAF0]  }
0xb51: {  	v6 =	vld [tilespmem:$0x1F950]  }
0xb52: {  	s23 =	sadd.s32 $0x1, s23;
	v7 =	vld [tilespmem:$0x1F960]  }
0xb53: {  	p0 =	sne.s32 s23, $0x64;
	v25 =	vld [tilespmem:$0x1FEA0]  }
.Ltmp6:
0xb54: {  	s24 =	sshll.u32 s24, $0x12;
	v28 =	vld [tilespmem:$0x1FEB0];
	(pc) =	sbr.rel @p0 .LBB2_4-.Ltmp6, $4  }
0xb55: {  	s24 =	sor.u32 s6, s24;
	v32 =	vld [tilespmem:$0x1FB00]  }
0xb56: {  	s24 =	sshrl.u32 s24, $0x3;
	v5 =	vld [tilespmem:$0x1FEC0]  }
0xb57: {  	s24 =	sadd.s32 s1, s24;
	v24 =	vld [tilespmem:$0x1FA70]  }
0xb58: {  	v39 =	vmov v34;
	v34 =	vmov v42;
	v31 =	vmov v60;
	[hbm4b:s24+s15] =	stream.strided.scatter [tilespmem:s19], [sflag:$0x4], $0x2000, s16, s15, $0x38;
	v63 =	vld [tilespmem:$0x1F910]  }
0xb59: {  	_ =	swait.ge [sflag:s20], $0x2000  }
0xb5a: {  	[sflag:s20] =	ssyncset.done $0x0  }
0xb5b: {  	[sflag:s20] =	ssyncadd.s32 $0xFFFFE000  }
0xb5c: {  	_ =	swait.ge [sflag:s18], $0x2000  }
0xb5d: {  	v4 =	vld [tilespmem:$0x1FF10]  }
0xb5e: {  	s21 =	sadd.s32 $0x1, s21;
	v50 =	vmov v5;
	v5 =	vld [tilespmem:$0x1FF20]  }
0xb5f: {  	v3 =	vmov v6;
	p0 =	sne.s32 s21, s7;
	v6 =	vld [tilespmem:$0x1FF30]  }
.Ltmp7:
0xb60: {  	v38 =	vmov v7;
	v7 =	vld [tilespmem:$0x1FF40];
	(pc) =	sbr.rel @p0 .LBB2_1-.Ltmp7, $4  }
0xb61: {  	v8 =	vld [tilespmem:$0x1FF50]  }
0xb62: {  	v9 =	vld [tilespmem:$0x1FF60]  }
0xb63: {  	[sflag:s18] =	ssyncset.done $0x0;
	v10 =	vld [tilespmem:$0x1FF70]  }
0xb64: {  	v49 =	vmov v55;
	v60 =	vmov v48;
	v11 =	vld [tilespmem:$0x1FF80];
	[sflag:s18] =	ssyncadd.s32 $0xFFFFE000  }
0xb65: {  	_ =	sfence.sel $0x180000  }
0xb66: {  	[bflag:$0x0] =	sbarrier.arrive $0xFFFF  }
0xb67: {  	p0 =	sne.s32 s0, $0x0;
	_ =	strace $0x90000047  }
0xb68: {  	s0 =	sadd.s32 @!p0 $0x100000, s3;
	[bflag:$0x2] =	sbarrier.arrive $0xFFFF  }
0xb69: {  	[sflag:s0] =	ssyncadd.tile.s32 @!p0 $0x1;
	_ =	shalt  }
.Lfunc_end2:
_tile_overlayer_lowered:
.L_overlay_start_2:
0xb6a: {  	(tag) =	ssettag $0x2  }
0xb6b: {  	s0 =	rddreg [dreg:$0x0];
	s2 =	stileid.u32  }
0xb6c: {  	s1 =	rddreg [dreg:$0x1];
	p0 =	sne.s32 s2, $0x0  }
0xb6d: {  	s3 =	rddreg [dreg:$0x2];
	[bflag:$0x3] =	sbarrier.arrive $0xFFFF;
	s2 =	simm.s32 @!p0 $0x1C05  }
0xb6e: {  	[timem:s3], [sflag:s2] =	dma.local @!p0 [hbm:s0], s1  }
0xb6f: {  	s0 =	simm.s32 @!p0 $0x5  }
0xb70: {  	_ =	swait.ge @!p0 [sflag:s0], s1  }
0xb71: {  	s1 =	ssub.s32 @!p0 $0x0, s1;
	[sflag:s0] =	ssyncset.done @!p0 $0x0  }
0xb72: {  	[sflag:s0] =	ssyncadd.s32 @!p0 s1  }
0xb73: {  	[bflag:$0x3] =	sbarrier.arrive $0xFFFF  }
0xb74: {  	_ =	shalt  }

</sc_bundles>
